<compile_context>
chip_gen: v7x
topology: tpu7x:2x2x1
jax: 0.10.2.dev20260603
libtpu: 0.0.44.dev20260713+nightly
codegen_flags: <defaults>
</compile_context>

<pallas_src>
import functools

import jax
import jax.numpy as jnp
from jax import lax
from jax.experimental import pallas as pl
from jax.experimental.pallas import tpu as pltpu
from jax.experimental.pallas import tpu_sc as plsc

_N = 10000
_E = 320000
_D = 128
_H = 8
_C = 16
_LN_EPS = 1e-3

_NC = 2
_NS = 16
_NW = _NC * _NS
_ROWW = _D + _C
_B = 40
_NCHUNK = _E // _B
_CPT = _NCHUNK // _NW
_SB = 50
_NSB = _CPT // _SB
_ROWS_PER_TILE = 624
_ZCH = 24
_TAIL0 = _NS * _ROWS_PER_TILE
_TAILN = _N - _TAIL0



def _proj_body(x_ref, wq_ref, wkm_ref, bq_ref, bkm_ref, q_ref, km_ref):
    xb = x_ref[...]
    q_ref[...] = jnp.dot(xb, wq_ref[...],
                         preferred_element_type=jnp.float32) + bq_ref[...]
    km_ref[...] = jnp.dot(xb, wkm_ref[...],
                          preferred_element_type=jnp.float32) + bkm_ref[...]


_ROWB = 400

_proj_call = pl.pallas_call(
    _proj_body,
    grid=(_N // _ROWB,),
    in_specs=[
        pl.BlockSpec((_ROWB, _D), lambda i: (i, 0)),
        pl.BlockSpec((_D, _D), lambda i: (0, 0)),
        pl.BlockSpec((_D, 2 * _D), lambda i: (0, 0)),
        pl.BlockSpec((1, _D), lambda i: (0, 0)),
        pl.BlockSpec((1, 2 * _D), lambda i: (0, 0)),
    ],
    out_specs=[
        pl.BlockSpec((_ROWB, _D), lambda i: (i, 0)),
        pl.BlockSpec((_ROWB, 2 * _D), lambda i: (i, 0)),
    ],
    out_shape=[
        jax.ShapeDtypeStruct((_N, _D), jnp.float32),
        jax.ShapeDtypeStruct((_N, 2 * _D), jnp.float32),
    ],
)



_mesh = plsc.VectorSubcoreMesh(core_axis_name="c", subcore_axis_name="s",
                               num_cores=_NC, num_subcores=_NS)


@functools.partial(
    pl.kernel,
    out_type=jax.ShapeDtypeStruct((_NC * _N, _ROWW), jnp.float32),
    mesh=_mesh,
    compiler_params=pltpu.CompilerParams(use_tc_tiling_on_sc=False,
                                         needs_layout_passes=False),
    scratch_types=[
        pltpu.VMEM_SHARED((_N, _ROWW), jnp.float32),
        pltpu.VMEM((_SB, _B), jnp.int32),
        pltpu.VMEM((_SB, _B), jnp.int32),
        pltpu.VMEM((_B, 2 * _D), jnp.float32),
        pltpu.VMEM((_B, _D), jnp.float32),
        pltpu.VMEM((_B, 2 * _D), jnp.float32),
        pltpu.VMEM((_B, _D), jnp.float32),
        pltpu.VMEM((_B, _ROWW), jnp.float32),
        pltpu.SemaphoreType.DMA,
        pltpu.SemaphoreType.DMA,
        pltpu.SemaphoreType.DMA,
        pltpu.SemaphoreType.DMA,
    ],
)
def _edge_kernel(km_hbm, q_hbm, src_hbm, dst_hbm, out_hbm,
                 u_sh, sidx, didx, kmv0, qv0, kmv1, qv1, ov,
                 sk0, sq0, sk1, sq1):
    cid = lax.axis_index("c")
    sid = lax.axis_index("s")
    wid = sid * _NC + cid

    zeros16 = jnp.zeros((_C,), jnp.float32)

    def _zrow(r, carry):
        for j in range(_ROWW // _C):
            ov[r, pl.ds(j * _C, _C)] = zeros16
        return carry
    lax.fori_loop(0, _B, _zrow, 0)

    zbase = sid * _ROWS_PER_TILE
    for t in range(_ROWS_PER_TILE // _ZCH):
        pltpu.sync_copy(ov.at[pl.ds(0, _ZCH)],
                        u_sh.at[pl.ds(zbase + t * _ZCH, _ZCH)])

    @pl.when(sid == 0)
    def _ztail():
        pltpu.sync_copy(ov.at[pl.ds(0, _TAILN)],
                        u_sh.at[pl.ds(_TAIL0, _TAILN)])
    plsc.subcore_barrier()

    lane = lax.iota(jnp.int32, _C)

    def _start(r, km, qg, sk, sq):
        pltpu.async_copy(km_hbm.at[sidx.at[r]], km, sk)
        pltpu.async_copy(q_hbm.at[didx.at[r]], qg, sq)

    def _finish(r, km, qg, sk, sq):
        pltpu.make_async_copy(km_hbm.at[sidx.at[r]], km, sk).wait()
        pltpu.make_async_copy(q_hbm.at[didx.at[r]], qg, sq).wait()

        @plsc.parallel_loop(0, _B, unroll=2)
        def _edge(b):
            den = zeros16
            for h in range(_H):
                kv = km[b, pl.ds(h * _C, _C)]
                qh = qg[b, pl.ds(h * _C, _C)]
                logit = jnp.sum(kv * qh)
                ex = jnp.exp(jnp.full((_C,), logit, jnp.float32))
                mv = km[b, pl.ds(_D + h * _C, _C)]
                ov[b, pl.ds(h * _C, _C)] = ex * mv
                den = jnp.where(lane == h, ex, den)
            ov[b, pl.ds(_D, _C)] = den

        pltpu.sync_copy(ov, u_sh.at[didx.at[r]], add=True)

    cbase = wid * _CPT

    def _superblock(s, carry):
        pltpu.sync_copy(src_hbm.at[pl.ds(cbase + s * _SB, _SB)], sidx)
        pltpu.sync_copy(dst_hbm.at[pl.ds(cbase + s * _SB, _SB)], didx)
        _start(0, kmv0, qv0, sk0, sq0)

        def _pair(j, pcarry):
            _start(2 * j + 1, kmv1, qv1, sk1, sq1)
            _finish(2 * j, kmv0, qv0, sk0, sq0)

            @pl.when(j < _SB // 2 - 1)
            def _():
                _start(2 * j + 2, kmv0, qv0, sk0, sq0)
            _finish(2 * j + 1, kmv1, qv1, sk1, sq1)
            return pcarry
        lax.fori_loop(0, _SB // 2, _pair, 0)
        return carry
    lax.fori_loop(0, _NSB, _superblock, 0)

    plsc.subcore_barrier()
    pltpu.sync_copy(
        u_sh.at[pl.ds(zbase, _ROWS_PER_TILE)],
        out_hbm.at[pl.ds(cid * _N + zbase, _ROWS_PER_TILE)])

    @pl.when(sid == 0)
    def _ctail():
        pltpu.sync_copy(
            u_sh.at[pl.ds(_TAIL0, _TAILN)],
            out_hbm.at[pl.ds(cid * _N + _TAIL0, _TAILN)])



def _final_body(u_ref, x_ref, wa_ref, ba_ref, sw_ref, g_ref, b_ref, o_ref):
    s = u_ref[0] + u_ref[1]
    num = s[:, :_D]
    den = s[:, _D:_ROWW]
    recip = 1.0 / (den + 1e-12)
    ii = lax.broadcasted_iota(jnp.int32, (_C, _D), 0)
    jj = lax.broadcasted_iota(jnp.int32, (_C, _D), 1)
    expand = (jj // _C == ii).astype(jnp.float32)
    pooled = num * jnp.dot(recip, expand, preferred_element_type=jnp.float32)
    agg = jnp.dot(jax.nn.gelu(pooled), wa_ref[...],
                  preferred_element_type=jnp.float32) + ba_ref[...]
    alpha = jax.nn.sigmoid(sw_ref[0, 0])
    out = alpha * agg + (1.0 - alpha) * x_ref[...]
    mu = jnp.mean(out, axis=-1, keepdims=True)
    var = jnp.mean((out - mu) ** 2, axis=-1, keepdims=True)
    o_ref[...] = ((out - mu) * lax.rsqrt(var + _LN_EPS) * g_ref[...]
                  + b_ref[...])


_final_call = pl.pallas_call(
    _final_body,
    grid=(_N // _ROWB,),
    in_specs=[
        pl.BlockSpec((_NC, _ROWB, _ROWW), lambda i: (0, i, 0)),
        pl.BlockSpec((_ROWB, _D), lambda i: (i, 0)),
        pl.BlockSpec((_D, _D), lambda i: (0, 0)),
        pl.BlockSpec((1, _D), lambda i: (0, 0)),
        pl.BlockSpec(memory_space=pltpu.SMEM),
        pl.BlockSpec((1, _D), lambda i: (0, 0)),
        pl.BlockSpec((1, _D), lambda i: (0, 0)),
    ],
    out_specs=pl.BlockSpec((_ROWB, _D), lambda i: (i, 0)),
    out_shape=jax.ShapeDtypeStruct((_N, _D), jnp.float32),
)



def kernel(x, Wq, bq, Wk, bk, Wm, bm, A_att, A_msg, prior, Wa, ba,
           skip_w, ln_gamma, ln_beta, edge_index):
    scale = prior[:, None, None] / jnp.sqrt(jnp.float32(_C))
    bd_att = jax.scipy.linalg.block_diag(*(A_att * scale))
    bd_msg = jax.scipy.linalg.block_diag(*A_msg)
    w_ka = Wk @ bd_att
    w_ma = Wm @ bd_msg
    b_ka = bk @ bd_att
    b_ma = bm @ bd_msg
    w_km = jnp.concatenate([w_ka, w_ma], axis=1)
    b_km = jnp.concatenate([b_ka, b_ma])[None, :]

    q, km = _proj_call(x, Wq, w_km, bq[None, :], b_km)

    src = edge_index[0].astype(jnp.int32).reshape(_NCHUNK, _B)
    dst = edge_index[1].astype(jnp.int32).reshape(_NCHUNK, _B)

    u2 = _edge_kernel(km, q, src, dst)
    u = u2.reshape(_NC, _N, _ROWW)

    out = _final_call(u, x, Wa, ba[None, :],
                      jnp.reshape(skip_w, (1, 1)),
                      ln_gamma[None, :], ln_beta[None, :])
    return out

# --- scband reference (transcript-rebuilt; emitter-appended) ---
"""Pipeline reference for scband-hgtgraph-update-850403525188 (READ-ONLY COPY).

The authoritative reference and input builder live on the scoring server;
editing this copy changes nothing except your own understanding.
"""

import jax, jax.numpy as jnp
import numpy as np

N = 10000
E = 320000
D = 128
H = 8
C = 16
LN_EPS = 1e-3  # keras LayerNormalization default epsilon


def setup_inputs(seed: int = 0) -> dict:
    key = jax.random.key(seed)
    ks = jax.random.split(key, 17)
    x = jax.random.normal(ks[0], (N, D), dtype=jnp.float32)
    edge_index = jax.random.randint(ks[1], (2, E), 0, N, dtype=jnp.int64)
    s = 0.05
    Wq = jax.random.normal(ks[2], (D, D), dtype=jnp.float32) * s
    bq = jnp.zeros((D,), dtype=jnp.float32)
    Wk = jax.random.normal(ks[3], (D, D), dtype=jnp.float32) * s
    bk = jnp.zeros((D,), dtype=jnp.float32)
    Wm = jax.random.normal(ks[4], (D, D), dtype=jnp.float32) * s
    bm = jnp.zeros((D,), dtype=jnp.float32)
    A_att = jax.random.normal(ks[5], (H, C, C), dtype=jnp.float32) * s
    A_msg = jax.random.normal(ks[6], (H, C, C), dtype=jnp.float32) * s
    prior = jnp.ones((H,), dtype=jnp.float32)
    Wa = jax.random.normal(ks[7], (D, D), dtype=jnp.float32) * s
    ba = jnp.zeros((D,), dtype=jnp.float32)
    skip_w = jnp.ones((), dtype=jnp.float32)
    ln_gamma = jnp.ones((D,), dtype=jnp.float32)
    ln_beta = jnp.zeros((D,), dtype=jnp.float32)
    return {"x": x, "Wq": Wq, "bq": bq, "Wk": Wk, "bk": bk, "Wm": Wm, "bm": bm,
            "A_att": A_att, "A_msg": A_msg, "prior": prior, "Wa": Wa, "ba": ba,
            "skip_w": skip_w, "ln_gamma": ln_gamma, "ln_beta": ln_beta,
            "edge_index": edge_index}


def _segment_softmax(logits, seg, num_segments):
    m = jax.ops.segment_max(logits, seg, num_segments=num_segments)
    m = jax.lax.stop_gradient(m)
    ex = jnp.exp(logits - m[seg])
    denom = jax.ops.segment_sum(ex, seg, num_segments=num_segments)
    return ex / (denom[seg] + 1e-12)


def reference(x, Wq, bq, Wk, bk, Wm, bm, A_att, A_msg, prior, Wa, ba,
              skip_w, ln_gamma, ln_beta, edge_index):
    src = edge_index[0]
    dst = edge_index[1]
    # per-node-set projections, split into heads
    q = (x @ Wq + bq).reshape(N, H, C)
    k = (x @ Wk + bk).reshape(N, H, C)
    msg = (x @ Wm + bm).reshape(N, H, C)
    # gather to edges
    k_e = k[src]
    m_e = msg[src]
    q_e = q[dst]
    # per-edge-type attention projection (EinsumDense '...jk,jkl->...jl')
    k_att = jnp.einsum('ehc,hcd->ehd', k_e, A_att)
    logits = jnp.sum(k_att * q_e, axis=-1) * prior[None, :] / jnp.sqrt(jnp.float32(C))
    coef = _segment_softmax(logits, dst, N)  # [E, H]
    # per-edge-type message projection
    m_proj = jnp.einsum('ehc,hcd->ehd', m_e, A_msg)
    weighted = coef[..., None] * m_proj
    pooled = jax.ops.segment_sum(weighted, dst, num_segments=N).reshape(N, H * C)
    # aggregation projection with activation, weighted skip, layer norm
    agg = jax.nn.gelu(pooled) @ Wa + ba
    alpha = jax.nn.sigmoid(skip_w)
    out = alpha * agg + (1.0 - alpha) * x
    mu = jnp.mean(out, axis=-1, keepdims=True)
    var = jnp.var(out, axis=-1, keepdims=True)
    out = (out - mu) / jnp.sqrt(var + LN_EPS) * ln_gamma + ln_beta
    return out

if __name__ == "__main__":
    import jax
    _d = setup_inputs()
    print(jax.jit(kernel)(*tuple(_d.values())))

</pallas_src>

<mosaic_0001>
#map = affine_map<(d0, d1) -> (0, 0)>
module attributes {stable_mosaic.version = 14 : i64} {
  func.func @_edge_kernel(%arg0: i32, %arg1: i32, %arg2: memref<10000x256xf32, #tpu.memory_space<hbm>>, %arg3: memref<10000x128xf32, #tpu.memory_space<hbm>>, %arg4: memref<8000x40xi32, #tpu.memory_space<hbm>>, %arg5: memref<8000x40xi32, #tpu.memory_space<hbm>>, %arg6: memref<20000x144xf32, #tpu.memory_space<hbm>>, %arg7: memref<10000x144xf32, #tpu.memory_space<vmem_shared>>, %arg8: memref<50x40xi32, #tpu.memory_space<vmem>>, %arg9: memref<50x40xi32, #tpu.memory_space<vmem>>, %arg10: memref<40x256xf32, #tpu.memory_space<vmem>>, %arg11: memref<40x128xf32, #tpu.memory_space<vmem>>, %arg12: memref<40x256xf32, #tpu.memory_space<vmem>>, %arg13: memref<40x128xf32, #tpu.memory_space<vmem>>, %arg14: memref<40x144xf32, #tpu.memory_space<vmem>>, %arg15: memref<!tpu.dma_semaphore, #tpu.memory_space<semaphore_mem>>, %arg16: memref<!tpu.dma_semaphore, #tpu.memory_space<semaphore_mem>>, %arg17: memref<!tpu.dma_semaphore, #tpu.memory_space<semaphore_mem>>, %arg18: memref<!tpu.dma_semaphore, #tpu.memory_space<semaphore_mem>>) attributes {dimension_semantics = [#tpu.dimension_semantics<core_parallel>, #tpu.dimension_semantics<subcore_parallel>], iteration_bounds = array<i64: 2, 16>, scalar_prefetch = 0 : i64, scratch_operands = 12 : i64, tpu.core_type = #tpu.core_type<sc_vector_subcore>, window_params = [{transform_indices = #map}, {transform_indices = #map}, {transform_indices = #map}, {transform_indices = #map}, {transform_indices = #map}]} {
    %mul3A = arith.constant 2 : i32
    %mul3A_0 = arith.muli %arg1, %mul3A : i32
    %add3A = arith.addi %mul3A_0, %arg0 : i32
    %broadcast_in_dim3A = arith.constant 0.000000e+00 : f32
    %broadcast_in_dim3A_1 = vector.broadcast %broadcast_in_dim3A : f32 to vector<16xf32>
    %scan3A = arith.constant 0 : i32
    %scan3A_2 = arith.constant 0 : i32
    %scan3A_3 = arith.constant 40 : i32
    %scan3A_4 = arith.addi %scan3A_2, %scan3A_3 : i32
    %scan3A_5 = arith.constant 1 : i32
    scf.for %scan3A_80 = %scan3A_2 to %scan3A_4 step %scan3A_5  : i32 {
      %swap3A = arith.index_cast %scan3A_80 : i32 to index
      %swap3A_81 = arith.constant 0 : index
      %swap3A_82 = tpu.vector_load %arg14[%swap3A, %swap3A_81] {strides = array<i32>} : memref<40x144xf32, #tpu.memory_space<vmem>>, vector<16xf32>,
      tpu.vector_store %arg14[%swap3A, %swap3A_81], %broadcast_in_dim3A_1 {strides = array<i32>} : memref<40x144xf32, #tpu.memory_space<vmem>>, vector<16xf32>,
      %swap3A_83 = arith.index_cast %scan3A_80 : i32 to index
      %swap3A_84 = arith.constant 16 : index
      %swap3A_85 = tpu.vector_load %arg14[%swap3A_83, %swap3A_84] {strides = array<i32>} : memref<40x144xf32, #tpu.memory_space<vmem>>, vector<16xf32>,
      tpu.vector_store %arg14[%swap3A_83, %swap3A_84], %broadcast_in_dim3A_1 {strides = array<i32>} : memref<40x144xf32, #tpu.memory_space<vmem>>, vector<16xf32>,
      %swap3A_86 = arith.index_cast %scan3A_80 : i32 to index
      %swap3A_87 = arith.constant 32 : index
      %swap3A_88 = tpu.vector_load %arg14[%swap3A_86, %swap3A_87] {strides = array<i32>} : memref<40x144xf32, #tpu.memory_space<vmem>>, vector<16xf32>,
      tpu.vector_store %arg14[%swap3A_86, %swap3A_87], %broadcast_in_dim3A_1 {strides = array<i32>} : memref<40x144xf32, #tpu.memory_space<vmem>>, vector<16xf32>,
      %swap3A_89 = arith.index_cast %scan3A_80 : i32 to index
      %swap3A_90 = arith.constant 48 : index
      %swap3A_91 = tpu.vector_load %arg14[%swap3A_89, %swap3A_90] {strides = array<i32>} : memref<40x144xf32, #tpu.memory_space<vmem>>, vector<16xf32>,
      tpu.vector_store %arg14[%swap3A_89, %swap3A_90], %broadcast_in_dim3A_1 {strides = array<i32>} : memref<40x144xf32, #tpu.memory_space<vmem>>, vector<16xf32>,
      %swap3A_92 = arith.index_cast %scan3A_80 : i32 to index
      %swap3A_93 = arith.constant 64 : index
      %swap3A_94 = tpu.vector_load %arg14[%swap3A_92, %swap3A_93] {strides = array<i32>} : memref<40x144xf32, #tpu.memory_space<vmem>>, vector<16xf32>,
      tpu.vector_store %arg14[%swap3A_92, %swap3A_93], %broadcast_in_dim3A_1 {strides = array<i32>} : memref<40x144xf32, #tpu.memory_space<vmem>>, vector<16xf32>,
      %swap3A_95 = arith.index_cast %scan3A_80 : i32 to index
      %swap3A_96 = arith.constant 80 : index
      %swap3A_97 = tpu.vector_load %arg14[%swap3A_95, %swap3A_96] {strides = array<i32>} : memref<40x144xf32, #tpu.memory_space<vmem>>, vector<16xf32>,
      tpu.vector_store %arg14[%swap3A_95, %swap3A_96], %broadcast_in_dim3A_1 {strides = array<i32>} : memref<40x144xf32, #tpu.memory_space<vmem>>, vector<16xf32>,
      %swap3A_98 = arith.index_cast %scan3A_80 : i32 to index
      %swap3A_99 = arith.constant 96 : index
      %swap3A_100 = tpu.vector_load %arg14[%swap3A_98, %swap3A_99] {strides = array<i32>} : memref<40x144xf32, #tpu.memory_space<vmem>>, vector<16xf32>,
      tpu.vector_store %arg14[%swap3A_98, %swap3A_99], %broadcast_in_dim3A_1 {strides = array<i32>} : memref<40x144xf32, #tpu.memory_space<vmem>>, vector<16xf32>,
      %swap3A_101 = arith.index_cast %scan3A_80 : i32 to index
      %swap3A_102 = arith.constant 112 : index
      %swap3A_103 = tpu.vector_load %arg14[%swap3A_101, %swap3A_102] {strides = array<i32>} : memref<40x144xf32, #tpu.memory_space<vmem>>, vector<16xf32>,
      tpu.vector_store %arg14[%swap3A_101, %swap3A_102], %broadcast_in_dim3A_1 {strides = array<i32>} : memref<40x144xf32, #tpu.memory_space<vmem>>, vector<16xf32>,
      %swap3A_104 = arith.index_cast %scan3A_80 : i32 to index
      %swap3A_105 = arith.constant 128 : index
      %swap3A_106 = tpu.vector_load %arg14[%swap3A_104, %swap3A_105] {strides = array<i32>} : memref<40x144xf32, #tpu.memory_space<vmem>>, vector<16xf32>,
      tpu.vector_store %arg14[%swap3A_104, %swap3A_105], %broadcast_in_dim3A_1 {strides = array<i32>} : memref<40x144xf32, #tpu.memory_space<vmem>>, vector<16xf32>,
    }
    %scan3A_6 = arith.constant 40 : i32
    %mul3A_7 = arith.constant 624 : i32
    %mul3A_8 = arith.muli %arg1, %mul3A_7 : i32
    %add3A_9 = arith.constant 0 : i32
    %add3A_10 = arith.addi %mul3A_8, %add3A_9 : i32
    "tpu.region"() ({
      %run_scoped3A = tpu.sem_alloc : memref<!tpu.dma_semaphore, #tpu.memory_space<semaphore_mem>>
      %dma_start3A = arith.constant 0 : i32
      %dma_start3A_80 = arith.constant 0 : i32
      %dma_start3A_81 = tpu.memref_slice %arg14[%dma_start3A, %dma_start3A_80] : memref<40x144xf32, #tpu.memory_space<vmem>> -> memref<24x144xf32, #tpu.memory_space<vmem>>
      %dma_start3A_82 = arith.constant 0 : i32
      %dma_start3A_83 = tpu.memref_slice %arg7[%add3A_10, %dma_start3A_82] : memref<10000x144xf32, #tpu.memory_space<vmem_shared>> -> memref<24x144xf32, #tpu.memory_space<vmem_shared>>
      %dma_start3A_84 = arith.constant 0 : i32
      %dma_start3A_85 = tpu.memref_slice %arg7[%add3A_10, %dma_start3A_84] : memref<10000x144xf32, #tpu.memory_space<vmem_shared>> -> memref<24x144xf32, #tpu.memory_space<vmem_shared>>
      %dma_start3A_86 = arith.constant 0 : i32
      %dma_start3A_87 = arith.constant 0 : i32
      %dma_start3A_88 = tpu.memref_slice %arg14[%dma_start3A_86, %dma_start3A_87] : memref<40x144xf32, #tpu.memory_space<vmem>> -> memref<24x144xf32, #tpu.memory_space<vmem>>
      tpu.enqueue_dma source(%dma_start3A_88 : memref<24x144xf32, #tpu.memory_space<vmem>>) target(%dma_start3A_85 : memref<24x144xf32, #tpu.memory_space<vmem_shared>>) target_semaphore(%run_scoped3A : memref<!tpu.dma_semaphore, #tpu.memory_space<semaphore_mem>>)
      %dma_wait3A = arith.constant 0 : i32
      %dma_wait3A_89 = arith.constant 0 : i32
      %dma_wait3A_90 = tpu.memref_slice %arg14[%dma_wait3A, %dma_wait3A_89] : memref<40x144xf32, #tpu.memory_space<vmem>> -> memref<24x144xf32, #tpu.memory_space<vmem>>
      %dma_wait3A_91 = arith.constant 0 : i32
      %dma_wait3A_92 = tpu.memref_slice %arg7[%add3A_10, %dma_wait3A_91] : memref<10000x144xf32, #tpu.memory_space<vmem_shared>> -> memref<24x144xf32, #tpu.memory_space<vmem_shared>>
      %dma_wait3A_93 = arith.constant 0 : i32
      %dma_wait3A_94 = tpu.memref_slice %arg7[%add3A_10, %dma_wait3A_93] : memref<10000x144xf32, #tpu.memory_space<vmem_shared>> -> memref<24x144xf32, #tpu.memory_space<vmem_shared>>
      %dma_wait3A_95 = arith.constant 0 : i32
      %dma_wait3A_96 = arith.constant 0 : i32
      %dma_wait3A_97 = tpu.memref_slice %arg14[%dma_wait3A_95, %dma_wait3A_96] : memref<40x144xf32, #tpu.memory_space<vmem>> -> memref<24x144xf32, #tpu.memory_space<vmem>>
      tpu.wait_dma2 semaphore(%run_scoped3A : memref<!tpu.dma_semaphore, #tpu.memory_space<semaphore_mem>>) src(%dma_wait3A_97 : memref<24x144xf32, #tpu.memory_space<vmem>>) dst(%dma_wait3A_94 : memref<24x144xf32, #tpu.memory_space<vmem_shared>>)
      tpu.yield
    }) : () -> ()
    %add3A_11 = arith.constant 24 : i32
    %add3A_12 = arith.addi %mul3A_8, %add3A_11 : i32
    "tpu.region"() ({
      %run_scoped3A = tpu.sem_alloc : memref<!tpu.dma_semaphore, #tpu.memory_space<semaphore_mem>>
      %dma_start3A = arith.constant 0 : i32
      %dma_start3A_80 = arith.constant 0 : i32
      %dma_start3A_81 = tpu.memref_slice %arg14[%dma_start3A, %dma_start3A_80] : memref<40x144xf32, #tpu.memory_space<vmem>> -> memref<24x144xf32, #tpu.memory_space<vmem>>
      %dma_start3A_82 = arith.constant 0 : i32
      %dma_start3A_83 = tpu.memref_slice %arg7[%add3A_12, %dma_start3A_82] : memref<10000x144xf32, #tpu.memory_space<vmem_shared>> -> memref<24x144xf32, #tpu.memory_space<vmem_shared>>
      %dma_start3A_84 = arith.constant 0 : i32
      %dma_start3A_85 = tpu.memref_slice %arg7[%add3A_12, %dma_start3A_84] : memref<10000x144xf32, #tpu.memory_space<vmem_shared>> -> memref<24x144xf32, #tpu.memory_space<vmem_shared>>
      %dma_start3A_86 = arith.constant 0 : i32
      %dma_start3A_87 = arith.constant 0 : i32
      %dma_start3A_88 = tpu.memref_slice %arg14[%dma_start3A_86, %dma_start3A_87] : memref<40x144xf32, #tpu.memory_space<vmem>> -> memref<24x144xf32, #tpu.memory_space<vmem>>
      tpu.enqueue_dma source(%dma_start3A_88 : memref<24x144xf32, #tpu.memory_space<vmem>>) target(%dma_start3A_85 : memref<24x144xf32, #tpu.memory_space<vmem_shared>>) target_semaphore(%run_scoped3A : memref<!tpu.dma_semaphore, #tpu.memory_space<semaphore_mem>>)
      %dma_wait3A = arith.constant 0 : i32
      %dma_wait3A_89 = arith.constant 0 : i32
      %dma_wait3A_90 = tpu.memref_slice %arg14[%dma_wait3A, %dma_wait3A_89] : memref<40x144xf32, #tpu.memory_space<vmem>> -> memref<24x144xf32, #tpu.memory_space<vmem>>
      %dma_wait3A_91 = arith.constant 0 : i32
      %dma_wait3A_92 = tpu.memref_slice %arg7[%add3A_12, %dma_wait3A_91] : memref<10000x144xf32, #tpu.memory_space<vmem_shared>> -> memref<24x144xf32, #tpu.memory_space<vmem_shared>>
      %dma_wait3A_93 = arith.constant 0 : i32
      %dma_wait3A_94 = tpu.memref_slice %arg7[%add3A_12, %dma_wait3A_93] : memref<10000x144xf32, #tpu.memory_space<vmem_shared>> -> memref<24x144xf32, #tpu.memory_space<vmem_shared>>
      %dma_wait3A_95 = arith.constant 0 : i32
      %dma_wait3A_96 = arith.constant 0 : i32
      %dma_wait3A_97 = tpu.memref_slice %arg14[%dma_wait3A_95, %dma_wait3A_96] : memref<40x144xf32, #tpu.memory_space<vmem>> -> memref<24x144xf32, #tpu.memory_space<vmem>>
      tpu.wait_dma2 semaphore(%run_scoped3A : memref<!tpu.dma_semaphore, #tpu.memory_space<semaphore_mem>>) src(%dma_wait3A_97 : memref<24x144xf32, #tpu.memory_space<vmem>>) dst(%dma_wait3A_94 : memref<24x144xf32, #tpu.memory_space<vmem_shared>>)
      tpu.yield
    }) : () -> ()
    %add3A_13 = arith.constant 48 : i32
    %add3A_14 = arith.addi %mul3A_8, %add3A_13 : i32
    "tpu.region"() ({
      %run_scoped3A = tpu.sem_alloc : memref<!tpu.dma_semaphore, #tpu.memory_space<semaphore_mem>>
      %dma_start3A = arith.constant 0 : i32
      %dma_start3A_80 = arith.constant 0 : i32
      %dma_start3A_81 = tpu.memref_slice %arg14[%dma_start3A, %dma_start3A_80] : memref<40x144xf32, #tpu.memory_space<vmem>> -> memref<24x144xf32, #tpu.memory_space<vmem>>
      %dma_start3A_82 = arith.constant 0 : i32
      %dma_start3A_83 = tpu.memref_slice %arg7[%add3A_14, %dma_start3A_82] : memref<10000x144xf32, #tpu.memory_space<vmem_shared>> -> memref<24x144xf32, #tpu.memory_space<vmem_shared>>
      %dma_start3A_84 = arith.constant 0 : i32
      %dma_start3A_85 = tpu.memref_slice %arg7[%add3A_14, %dma_start3A_84] : memref<10000x144xf32, #tpu.memory_space<vmem_shared>> -> memref<24x144xf32, #tpu.memory_space<vmem_shared>>
      %dma_start3A_86 = arith.constant 0 : i32
      %dma_start3A_87 = arith.constant 0 : i32
      %dma_start3A_88 = tpu.memref_slice %arg14[%dma_start3A_86, %dma_start3A_87] : memref<40x144xf32, #tpu.memory_space<vmem>> -> memref<24x144xf32, #tpu.memory_space<vmem>>
      tpu.enqueue_dma source(%dma_start3A_88 : memref<24x144xf32, #tpu.memory_space<vmem>>) target(%dma_start3A_85 : memref<24x144xf32, #tpu.memory_space<vmem_shared>>) target_semaphore(%run_scoped3A : memref<!tpu.dma_semaphore, #tpu.memory_space<semaphore_mem>>)
      %dma_wait3A = arith.constant 0 : i32
      %dma_wait3A_89 = arith.constant 0 : i32
      %dma_wait3A_90 = tpu.memref_slice %arg14[%dma_wait3A, %dma_wait3A_89] : memref<40x144xf32, #tpu.memory_space<vmem>> -> memref<24x144xf32, #tpu.memory_space<vmem>>
      %dma_wait3A_91 = arith.constant 0 : i32
      %dma_wait3A_92 = tpu.memref_slice %arg7[%add3A_14, %dma_wait3A_91] : memref<10000x144xf32, #tpu.memory_space<vmem_shared>> -> memref<24x144xf32, #tpu.memory_space<vmem_shared>>
      %dma_wait3A_93 = arith.constant 0 : i32
      %dma_wait3A_94 = tpu.memref_slice %arg7[%add3A_14, %dma_wait3A_93] : memref<10000x144xf32, #tpu.memory_space<vmem_shared>> -> memref<24x144xf32, #tpu.memory_space<vmem_shared>>
      %dma_wait3A_95 = arith.constant 0 : i32
      %dma_wait3A_96 = arith.constant 0 : i32
      %dma_wait3A_97 = tpu.memref_slice %arg14[%dma_wait3A_95, %dma_wait3A_96] : memref<40x144xf32, #tpu.memory_space<vmem>> -> memref<24x144xf32, #tpu.memory_space<vmem>>
      tpu.wait_dma2 semaphore(%run_scoped3A : memref<!tpu.dma_semaphore, #tpu.memory_space<semaphore_mem>>) src(%dma_wait3A_97 : memref<24x144xf32, #tpu.memory_space<vmem>>) dst(%dma_wait3A_94 : memref<24x144xf32, #tpu.memory_space<vmem_shared>>)
      tpu.yield
    }) : () -> ()
    %add3A_15 = arith.constant 72 : i32
    %add3A_16 = arith.addi %mul3A_8, %add3A_15 : i32
    "tpu.region"() ({
      %run_scoped3A = tpu.sem_alloc : memref<!tpu.dma_semaphore, #tpu.memory_space<semaphore_mem>>
      %dma_start3A = arith.constant 0 : i32
      %dma_start3A_80 = arith.constant 0 : i32
      %dma_start3A_81 = tpu.memref_slice %arg14[%dma_start3A, %dma_start3A_80] : memref<40x144xf32, #tpu.memory_space<vmem>> -> memref<24x144xf32, #tpu.memory_space<vmem>>
      %dma_start3A_82 = arith.constant 0 : i32
      %dma_start3A_83 = tpu.memref_slice %arg7[%add3A_16, %dma_start3A_82] : memref<10000x144xf32, #tpu.memory_space<vmem_shared>> -> memref<24x144xf32, #tpu.memory_space<vmem_shared>>
      %dma_start3A_84 = arith.constant 0 : i32
      %dma_start3A_85 = tpu.memref_slice %arg7[%add3A_16, %dma_start3A_84] : memref<10000x144xf32, #tpu.memory_space<vmem_shared>> -> memref<24x144xf32, #tpu.memory_space<vmem_shared>>
      %dma_start3A_86 = arith.constant 0 : i32
      %dma_start3A_87 = arith.constant 0 : i32
      %dma_start3A_88 = tpu.memref_slice %arg14[%dma_start3A_86, %dma_start3A_87] : memref<40x144xf32, #tpu.memory_space<vmem>> -> memref<24x144xf32, #tpu.memory_space<vmem>>
      tpu.enqueue_dma source(%dma_start3A_88 : memref<24x144xf32, #tpu.memory_space<vmem>>) target(%dma_start3A_85 : memref<24x144xf32, #tpu.memory_space<vmem_shared>>) target_semaphore(%run_scoped3A : memref<!tpu.dma_semaphore, #tpu.memory_space<semaphore_mem>>)
      %dma_wait3A = arith.constant 0 : i32
      %dma_wait3A_89 = arith.constant 0 : i32
      %dma_wait3A_90 = tpu.memref_slice %arg14[%dma_wait3A, %dma_wait3A_89] : memref<40x144xf32, #tpu.memory_space<vmem>> -> memref<24x144xf32, #tpu.memory_space<vmem>>
      %dma_wait3A_91 = arith.constant 0 : i32
      %dma_wait3A_92 = tpu.memref_slice %arg7[%add3A_16, %dma_wait3A_91] : memref<10000x144xf32, #tpu.memory_space<vmem_shared>> -> memref<24x144xf32, #tpu.memory_space<vmem_shared>>
      %dma_wait3A_93 = arith.constant 0 : i32
      %dma_wait3A_94 = tpu.memref_slice %arg7[%add3A_16, %dma_wait3A_93] : memref<10000x144xf32, #tpu.memory_space<vmem_shared>> -> memref<24x144xf32, #tpu.memory_space<vmem_shared>>
      %dma_wait3A_95 = arith.constant 0 : i32
      %dma_wait3A_96 = arith.constant 0 : i32
      %dma_wait3A_97 = tpu.memref_slice %arg14[%dma_wait3A_95, %dma_wait3A_96] : memref<40x144xf32, #tpu.memory_space<vmem>> -> memref<24x144xf32, #tpu.memory_space<vmem>>
      tpu.wait_dma2 semaphore(%run_scoped3A : memref<!tpu.dma_semaphore, #tpu.memory_space<semaphore_mem>>) src(%dma_wait3A_97 : memref<24x144xf32, #tpu.memory_space<vmem>>) dst(%dma_wait3A_94 : memref<24x144xf32, #tpu.memory_space<vmem_shared>>)
      tpu.yield
    }) : () -> ()
    %add3A_17 = arith.constant 96 : i32
    %add3A_18 = arith.addi %mul3A_8, %add3A_17 : i32
    "tpu.region"() ({
      %run_scoped3A = tpu.sem_alloc : memref<!tpu.dma_semaphore, #tpu.memory_space<semaphore_mem>>
      %dma_start3A = arith.constant 0 : i32
      %dma_start3A_80 = arith.constant 0 : i32
      %dma_start3A_81 = tpu.memref_slice %arg14[%dma_start3A, %dma_start3A_80] : memref<40x144xf32, #tpu.memory_space<vmem>> -> memref<24x144xf32, #tpu.memory_space<vmem>>
      %dma_start3A_82 = arith.constant 0 : i32
      %dma_start3A_83 = tpu.memref_slice %arg7[%add3A_18, %dma_start3A_82] : memref<10000x144xf32, #tpu.memory_space<vmem_shared>> -> memref<24x144xf32, #tpu.memory_space<vmem_shared>>
      %dma_start3A_84 = arith.constant 0 : i32
      %dma_start3A_85 = tpu.memref_slice %arg7[%add3A_18, %dma_start3A_84] : memref<10000x144xf32, #tpu.memory_space<vmem_shared>> -> memref<24x144xf32, #tpu.memory_space<vmem_shared>>
      %dma_start3A_86 = arith.constant 0 : i32
      %dma_start3A_87 = arith.constant 0 : i32
      %dma_start3A_88 = tpu.memref_slice %arg14[%dma_start3A_86, %dma_start3A_87] : memref<40x144xf32, #tpu.memory_space<vmem>> -> memref<24x144xf32, #tpu.memory_space<vmem>>
      tpu.enqueue_dma source(%dma_start3A_88 : memref<24x144xf32, #tpu.memory_space<vmem>>) target(%dma_start3A_85 : memref<24x144xf32, #tpu.memory_space<vmem_shared>>) target_semaphore(%run_scoped3A : memref<!tpu.dma_semaphore, #tpu.memory_space<semaphore_mem>>)
      %dma_wait3A = arith.constant 0 : i32
      %dma_wait3A_89 = arith.constant 0 : i32
      %dma_wait3A_90 = tpu.memref_slice %arg14[%dma_wait3A, %dma_wait3A_89] : memref<40x144xf32, #tpu.memory_space<vmem>> -> memref<24x144xf32, #tpu.memory_space<vmem>>
      %dma_wait3A_91 = arith.constant 0 : i32
      %dma_wait3A_92 = tpu.memref_slice %arg7[%add3A_18, %dma_wait3A_91] : memref<10000x144xf32, #tpu.memory_space<vmem_shared>> -> memref<24x144xf32, #tpu.memory_space<vmem_shared>>
      %dma_wait3A_93 = arith.constant 0 : i32
      %dma_wait3A_94 = tpu.memref_slice %arg7[%add3A_18, %dma_wait3A_93] : memref<10000x144xf32, #tpu.memory_space<vmem_shared>> -> memref<24x144xf32, #tpu.memory_space<vmem_shared>>
      %dma_wait3A_95 = arith.constant 0 : i32
      %dma_wait3A_96 = arith.constant 0 : i32
      %dma_wait3A_97 = tpu.memref_slice %arg14[%dma_wait3A_95, %dma_wait3A_96] : memref<40x144xf32, #tpu.memory_space<vmem>> -> memref<24x144xf32, #tpu.memory_space<vmem>>
      tpu.wait_dma2 semaphore(%run_scoped3A : memref<!tpu.dma_semaphore, #tpu.memory_space<semaphore_mem>>) src(%dma_wait3A_97 : memref<24x144xf32, #tpu.memory_space<vmem>>) dst(%dma_wait3A_94 : memref<24x144xf32, #tpu.memory_space<vmem_shared>>)
      tpu.yield
    }) : () -> ()
    %add3A_19 = arith.constant 120 : i32
    %add3A_20 = arith.addi %mul3A_8, %add3A_19 : i32
    "tpu.region"() ({
      %run_scoped3A = tpu.sem_alloc : memref<!tpu.dma_semaphore, #tpu.memory_space<semaphore_mem>>
      %dma_start3A = arith.constant 0 : i32
      %dma_start3A_80 = arith.constant 0 : i32
      %dma_start3A_81 = tpu.memref_slice %arg14[%dma_start3A, %dma_start3A_80] : memref<40x144xf32, #tpu.memory_space<vmem>> -> memref<24x144xf32, #tpu.memory_space<vmem>>
      %dma_start3A_82 = arith.constant 0 : i32
      %dma_start3A_83 = tpu.memref_slice %arg7[%add3A_20, %dma_start3A_82] : memref<10000x144xf32, #tpu.memory_space<vmem_shared>> -> memref<24x144xf32, #tpu.memory_space<vmem_shared>>
      %dma_start3A_84 = arith.constant 0 : i32
      %dma_start3A_85 = tpu.memref_slice %arg7[%add3A_20, %dma_start3A_84] : memref<10000x144xf32, #tpu.memory_space<vmem_shared>> -> memref<24x144xf32, #tpu.memory_space<vmem_shared>>
      %dma_start3A_86 = arith.constant 0 : i32
      %dma_start3A_87 = arith.constant 0 : i32
      %dma_start3A_88 = tpu.memref_slice %arg14[%dma_start3A_86, %dma_start3A_87] : memref<40x144xf32, #tpu.memory_space<vmem>> -> memref<24x144xf32, #tpu.memory_space<vmem>>
      tpu.enqueue_dma source(%dma_start3A_88 : memref<24x144xf32, #tpu.memory_space<vmem>>) target(%dma_start3A_85 : memref<24x144xf32, #tpu.memory_space<vmem_shared>>) target_semaphore(%run_scoped3A : memref<!tpu.dma_semaphore, #tpu.memory_space<semaphore_mem>>)
      %dma_wait3A = arith.constant 0 : i32
      %dma_wait3A_89 = arith.constant 0 : i32
      %dma_wait3A_90 = tpu.memref_slice %arg14[%dma_wait3A, %dma_wait3A_89] : memref<40x144xf32, #tpu.memory_space<vmem>> -> memref<24x144xf32, #tpu.memory_space<vmem>>
      %dma_wait3A_91 = arith.constant 0 : i32
      %dma_wait3A_92 = tpu.memref_slice %arg7[%add3A_20, %dma_wait3A_91] : memref<10000x144xf32, #tpu.memory_space<vmem_shared>> -> memref<24x144xf32, #tpu.memory_space<vmem_shared>>
      %dma_wait3A_93 = arith.constant 0 : i32
      %dma_wait3A_94 = tpu.memref_slice %arg7[%add3A_20, %dma_wait3A_93] : memref<10000x144xf32, #tpu.memory_space<vmem_shared>> -> memref<24x144xf32, #tpu.memory_space<vmem_shared>>
      %dma_wait3A_95 = arith.constant 0 : i32
      %dma_wait3A_96 = arith.constant 0 : i32
      %dma_wait3A_97 = tpu.memref_slice %arg14[%dma_wait3A_95, %dma_wait3A_96] : memref<40x144xf32, #tpu.memory_space<vmem>> -> memref<24x144xf32, #tpu.memory_space<vmem>>
      tpu.wait_dma2 semaphore(%run_scoped3A : memref<!tpu.dma_semaphore, #tpu.memory_space<semaphore_mem>>) src(%dma_wait3A_97 : memref<24x144xf32, #tpu.memory_space<vmem>>) dst(%dma_wait3A_94 : memref<24x144xf32, #tpu.memory_space<vmem_shared>>)
      tpu.yield
    }) : () -> ()
    %add3A_21 = arith.constant 144 : i32
    %add3A_22 = arith.addi %mul3A_8, %add3A_21 : i32
    "tpu.region"() ({
      %run_scoped3A = tpu.sem_alloc : memref<!tpu.dma_semaphore, #tpu.memory_space<semaphore_mem>>
      %dma_start3A = arith.constant 0 : i32
      %dma_start3A_80 = arith.constant 0 : i32
      %dma_start3A_81 = tpu.memref_slice %arg14[%dma_start3A, %dma_start3A_80] : memref<40x144xf32, #tpu.memory_space<vmem>> -> memref<24x144xf32, #tpu.memory_space<vmem>>
      %dma_start3A_82 = arith.constant 0 : i32
      %dma_start3A_83 = tpu.memref_slice %arg7[%add3A_22, %dma_start3A_82] : memref<10000x144xf32, #tpu.memory_space<vmem_shared>> -> memref<24x144xf32, #tpu.memory_space<vmem_shared>>
      %dma_start3A_84 = arith.constant 0 : i32
      %dma_start3A_85 = tpu.memref_slice %arg7[%add3A_22, %dma_start3A_84] : memref<10000x144xf32, #tpu.memory_space<vmem_shared>> -> memref<24x144xf32, #tpu.memory_space<vmem_shared>>
      %dma_start3A_86 = arith.constant 0 : i32
      %dma_start3A_87 = arith.constant 0 : i32
      %dma_start3A_88 = tpu.memref_slice %arg14[%dma_start3A_86, %dma_start3A_87] : memref<40x144xf32, #tpu.memory_space<vmem>> -> memref<24x144xf32, #tpu.memory_space<vmem>>
      tpu.enqueue_dma source(%dma_start3A_88 : memref<24x144xf32, #tpu.memory_space<vmem>>) target(%dma_start3A_85 : memref<24x144xf32, #tpu.memory_space<vmem_shared>>) target_semaphore(%run_scoped3A : memref<!tpu.dma_semaphore, #tpu.memory_space<semaphore_mem>>)
      %dma_wait3A = arith.constant 0 : i32
      %dma_wait3A_89 = arith.constant 0 : i32
      %dma_wait3A_90 = tpu.memref_slice %arg14[%dma_wait3A, %dma_wait3A_89] : memref<40x144xf32, #tpu.memory_space<vmem>> -> memref<24x144xf32, #tpu.memory_space<vmem>>
      %dma_wait3A_91 = arith.constant 0 : i32
      %dma_wait3A_92 = tpu.memref_slice %arg7[%add3A_22, %dma_wait3A_91] : memref<10000x144xf32, #tpu.memory_space<vmem_shared>> -> memref<24x144xf32, #tpu.memory_space<vmem_shared>>
      %dma_wait3A_93 = arith.constant 0 : i32
      %dma_wait3A_94 = tpu.memref_slice %arg7[%add3A_22, %dma_wait3A_93] : memref<10000x144xf32, #tpu.memory_space<vmem_shared>> -> memref<24x144xf32, #tpu.memory_space<vmem_shared>>
      %dma_wait3A_95 = arith.constant 0 : i32
      %dma_wait3A_96 = arith.constant 0 : i32
      %dma_wait3A_97 = tpu.memref_slice %arg14[%dma_wait3A_95, %dma_wait3A_96] : memref<40x144xf32, #tpu.memory_space<vmem>> -> memref<24x144xf32, #tpu.memory_space<vmem>>
      tpu.wait_dma2 semaphore(%run_scoped3A : memref<!tpu.dma_semaphore, #tpu.memory_space<semaphore_mem>>) src(%dma_wait3A_97 : memref<24x144xf32, #tpu.memory_space<vmem>>) dst(%dma_wait3A_94 : memref<24x144xf32, #tpu.memory_space<vmem_shared>>)
      tpu.yield
    }) : () -> ()
    %add3A_23 = arith.constant 168 : i32
    %add3A_24 = arith.addi %mul3A_8, %add3A_23 : i32
    "tpu.region"() ({
      %run_scoped3A = tpu.sem_alloc : memref<!tpu.dma_semaphore, #tpu.memory_space<semaphore_mem>>
      %dma_start3A = arith.constant 0 : i32
      %dma_start3A_80 = arith.constant 0 : i32
      %dma_start3A_81 = tpu.memref_slice %arg14[%dma_start3A, %dma_start3A_80] : memref<40x144xf32, #tpu.memory_space<vmem>> -> memref<24x144xf32, #tpu.memory_space<vmem>>
      %dma_start3A_82 = arith.constant 0 : i32
      %dma_start3A_83 = tpu.memref_slice %arg7[%add3A_24, %dma_start3A_82] : memref<10000x144xf32, #tpu.memory_space<vmem_shared>> -> memref<24x144xf32, #tpu.memory_space<vmem_shared>>
      %dma_start3A_84 = arith.constant 0 : i32
      %dma_start3A_85 = tpu.memref_slice %arg7[%add3A_24, %dma_start3A_84] : memref<10000x144xf32, #tpu.memory_space<vmem_shared>> -> memref<24x144xf32, #tpu.memory_space<vmem_shared>>
      %dma_start3A_86 = arith.constant 0 : i32
      %dma_start3A_87 = arith.constant 0 : i32
      %dma_start3A_88 = tpu.memref_slice %arg14[%dma_start3A_86, %dma_start3A_87] : memref<40x144xf32, #tpu.memory_space<vmem>> -> memref<24x144xf32, #tpu.memory_space<vmem>>
      tpu.enqueue_dma source(%dma_start3A_88 : memref<24x144xf32, #tpu.memory_space<vmem>>) target(%dma_start3A_85 : memref<24x144xf32, #tpu.memory_space<vmem_shared>>) target_semaphore(%run_scoped3A : memref<!tpu.dma_semaphore, #tpu.memory_space<semaphore_mem>>)
      %dma_wait3A = arith.constant 0 : i32
      %dma_wait3A_89 = arith.constant 0 : i32
      %dma_wait3A_90 = tpu.memref_slice %arg14[%dma_wait3A, %dma_wait3A_89] : memref<40x144xf32, #tpu.memory_space<vmem>> -> memref<24x144xf32, #tpu.memory_space<vmem>>
      %dma_wait3A_91 = arith.constant 0 : i32
      %dma_wait3A_92 = tpu.memref_slice %arg7[%add3A_24, %dma_wait3A_91] : memref<10000x144xf32, #tpu.memory_space<vmem_shared>> -> memref<24x144xf32, #tpu.memory_space<vmem_shared>>
      %dma_wait3A_93 = arith.constant 0 : i32
      %dma_wait3A_94 = tpu.memref_slice %arg7[%add3A_24, %dma_wait3A_93] : memref<10000x144xf32, #tpu.memory_space<vmem_shared>> -> memref<24x144xf32, #tpu.memory_space<vmem_shared>>
      %dma_wait3A_95 = arith.constant 0 : i32
      %dma_wait3A_96 = arith.constant 0 : i32
      %dma_wait3A_97 = tpu.memref_slice %arg14[%dma_wait3A_95, %dma_wait3A_96] : memref<40x144xf32, #tpu.memory_space<vmem>> -> memref<24x144xf32, #tpu.memory_space<vmem>>
      tpu.wait_dma2 semaphore(%run_scoped3A : memref<!tpu.dma_semaphore, #tpu.memory_space<semaphore_mem>>) src(%dma_wait3A_97 : memref<24x144xf32, #tpu.memory_space<vmem>>) dst(%dma_wait3A_94 : memref<24x144xf32, #tpu.memory_space<vmem_shared>>)
      tpu.yield
    }) : () -> ()
    %add3A_25 = arith.constant 192 : i32
    %add3A_26 = arith.addi %mul3A_8, %add3A_25 : i32
    "tpu.region"() ({
      %run_scoped3A = tpu.sem_alloc : memref<!tpu.dma_semaphore, #tpu.memory_space<semaphore_mem>>
      %dma_start3A = arith.constant 0 : i32
      %dma_start3A_80 = arith.constant 0 : i32
      %dma_start3A_81 = tpu.memref_slice %arg14[%dma_start3A, %dma_start3A_80] : memref<40x144xf32, #tpu.memory_space<vmem>> -> memref<24x144xf32, #tpu.memory_space<vmem>>
      %dma_start3A_82 = arith.constant 0 : i32
      %dma_start3A_83 = tpu.memref_slice %arg7[%add3A_26, %dma_start3A_82] : memref<10000x144xf32, #tpu.memory_space<vmem_shared>> -> memref<24x144xf32, #tpu.memory_space<vmem_shared>>
      %dma_start3A_84 = arith.constant 0 : i32
      %dma_start3A_85 = tpu.memref_slice %arg7[%add3A_26, %dma_start3A_84] : memref<10000x144xf32, #tpu.memory_space<vmem_shared>> -> memref<24x144xf32, #tpu.memory_space<vmem_shared>>
      %dma_start3A_86 = arith.constant 0 : i32
      %dma_start3A_87 = arith.constant 0 : i32
      %dma_start3A_88 = tpu.memref_slice %arg14[%dma_start3A_86, %dma_start3A_87] : memref<40x144xf32, #tpu.memory_space<vmem>> -> memref<24x144xf32, #tpu.memory_space<vmem>>
      tpu.enqueue_dma source(%dma_start3A_88 : memref<24x144xf32, #tpu.memory_space<vmem>>) target(%dma_start3A_85 : memref<24x144xf32, #tpu.memory_space<vmem_shared>>) target_semaphore(%run_scoped3A : memref<!tpu.dma_semaphore, #tpu.memory_space<semaphore_mem>>)
      %dma_wait3A = arith.constant 0 : i32
      %dma_wait3A_89 = arith.constant 0 : i32
      %dma_wait3A_90 = tpu.memref_slice %arg14[%dma_wait3A, %dma_wait3A_89] : memref<40x144xf32, #tpu.memory_space<vmem>> -> memref<24x144xf32, #tpu.memory_space<vmem>>
      %dma_wait3A_91 = arith.constant 0 : i32
      %dma_wait3A_92 = tpu.memref_slice %arg7[%add3A_26, %dma_wait3A_91] : memref<10000x144xf32, #tpu.memory_space<vmem_shared>> -> memref<24x144xf32, #tpu.memory_space<vmem_shared>>
      %dma_wait3A_93 = arith.constant 0 : i32
      %dma_wait3A_94 = tpu.memref_slice %arg7[%add3A_26, %dma_wait3A_93] : memref<10000x144xf32, #tpu.memory_space<vmem_shared>> -> memref<24x144xf32, #tpu.memory_space<vmem_shared>>
      %dma_wait3A_95 = arith.constant 0 : i32
      %dma_wait3A_96 = arith.constant 0 : i32
      %dma_wait3A_97 = tpu.memref_slice %arg14[%dma_wait3A_95, %dma_wait3A_96] : memref<40x144xf32, #tpu.memory_space<vmem>> -> memref<24x144xf32, #tpu.memory_space<vmem>>
      tpu.wait_dma2 semaphore(%run_scoped3A : memref<!tpu.dma_semaphore, #tpu.memory_space<semaphore_mem>>) src(%dma_wait3A_97 : memref<24x144xf32, #tpu.memory_space<vmem>>) dst(%dma_wait3A_94 : memref<24x144xf32, #tpu.memory_space<vmem_shared>>)
      tpu.yield
    }) : () -> ()
    %add3A_27 = arith.constant 216 : i32
    %add3A_28 = arith.addi %mul3A_8, %add3A_27 : i32
    "tpu.region"() ({
      %run_scoped3A = tpu.sem_alloc : memref<!tpu.dma_semaphore, #tpu.memory_space<semaphore_mem>>
      %dma_start3A = arith.constant 0 : i32
      %dma_start3A_80 = arith.constant 0 : i32
      %dma_start3A_81 = tpu.memref_slice %arg14[%dma_start3A, %dma_start3A_80] : memref<40x144xf32, #tpu.memory_space<vmem>> -> memref<24x144xf32, #tpu.memory_space<vmem>>
      %dma_start3A_82 = arith.constant 0 : i32
      %dma_start3A_83 = tpu.memref_slice %arg7[%add3A_28, %dma_start3A_82] : memref<10000x144xf32, #tpu.memory_space<vmem_shared>> -> memref<24x144xf32, #tpu.memory_space<vmem_shared>>
      %dma_start3A_84 = arith.constant 0 : i32
      %dma_start3A_85 = tpu.memref_slice %arg7[%add3A_28, %dma_start3A_84] : memref<10000x144xf32, #tpu.memory_space<vmem_shared>> -> memref<24x144xf32, #tpu.memory_space<vmem_shared>>
      %dma_start3A_86 = arith.constant 0 : i32
      %dma_start3A_87 = arith.constant 0 : i32
      %dma_start3A_88 = tpu.memref_slice %arg14[%dma_start3A_86, %dma_start3A_87] : memref<40x144xf32, #tpu.memory_space<vmem>> -> memref<24x144xf32, #tpu.memory_space<vmem>>
      tpu.enqueue_dma source(%dma_start3A_88 : memref<24x144xf32, #tpu.memory_space<vmem>>) target(%dma_start3A_85 : memref<24x144xf32, #tpu.memory_space<vmem_shared>>) target_semaphore(%run_scoped3A : memref<!tpu.dma_semaphore, #tpu.memory_space<semaphore_mem>>)
      %dma_wait3A = arith.constant 0 : i32
      %dma_wait3A_89 = arith.constant 0 : i32
      %dma_wait3A_90 = tpu.memref_slice %arg14[%dma_wait3A, %dma_wait3A_89] : memref<40x144xf32, #tpu.memory_space<vmem>> -> memref<24x144xf32, #tpu.memory_space<vmem>>
      %dma_wait3A_91 = arith.constant 0 : i32
      %dma_wait3A_92 = tpu.memref_slice %arg7[%add3A_28, %dma_wait3A_91] : memref<10000x144xf32, #tpu.memory_space<vmem_shared>> -> memref<24x144xf32, #tpu.memory_space<vmem_shared>>
      %dma_wait3A_93 = arith.constant 0 : i32
      %dma_wait3A_94 = tpu.memref_slice %arg7[%add3A_28, %dma_wait3A_93] : memref<10000x144xf32, #tpu.memory_space<vmem_shared>> -> memref<24x144xf32, #tpu.memory_space<vmem_shared>>
      %dma_wait3A_95 = arith.constant 0 : i32
      %dma_wait3A_96 = arith.constant 0 : i32
      %dma_wait3A_97 = tpu.memref_slice %arg14[%dma_wait3A_95, %dma_wait3A_96] : memref<40x144xf32, #tpu.memory_space<vmem>> -> memref<24x144xf32, #tpu.memory_space<vmem>>
      tpu.wait_dma2 semaphore(%run_scoped3A : memref<!tpu.dma_semaphore, #tpu.memory_space<semaphore_mem>>) src(%dma_wait3A_97 : memref<24x144xf32, #tpu.memory_space<vmem>>) dst(%dma_wait3A_94 : memref<24x144xf32, #tpu.memory_space<vmem_shared>>)
      tpu.yield
    }) : () -> ()
    %add3A_29 = arith.constant 240 : i32
    %add3A_30 = arith.addi %mul3A_8, %add3A_29 : i32
    "tpu.region"() ({
      %run_scoped3A = tpu.sem_alloc : memref<!tpu.dma_semaphore, #tpu.memory_space<semaphore_mem>>
      %dma_start3A = arith.constant 0 : i32
      %dma_start3A_80 = arith.constant 0 : i32
      %dma_start3A_81 = tpu.memref_slice %arg14[%dma_start3A, %dma_start3A_80] : memref<40x144xf32, #tpu.memory_space<vmem>> -> memref<24x144xf32, #tpu.memory_space<vmem>>
      %dma_start3A_82 = arith.constant 0 : i32
      %dma_start3A_83 = tpu.memref_slice %arg7[%add3A_30, %dma_start3A_82] : memref<10000x144xf32, #tpu.memory_space<vmem_shared>> -> memref<24x144xf32, #tpu.memory_space<vmem_shared>>
      %dma_start3A_84 = arith.constant 0 : i32
      %dma_start3A_85 = tpu.memref_slice %arg7[%add3A_30, %dma_start3A_84] : memref<10000x144xf32, #tpu.memory_space<vmem_shared>> -> memref<24x144xf32, #tpu.memory_space<vmem_shared>>
      %dma_start3A_86 = arith.constant 0 : i32
      %dma_start3A_87 = arith.constant 0 : i32
      %dma_start3A_88 = tpu.memref_slice %arg14[%dma_start3A_86, %dma_start3A_87] : memref<40x144xf32, #tpu.memory_space<vmem>> -> memref<24x144xf32, #tpu.memory_space<vmem>>
      tpu.enqueue_dma source(%dma_start3A_88 : memref<24x144xf32, #tpu.memory_space<vmem>>) target(%dma_start3A_85 : memref<24x144xf32, #tpu.memory_space<vmem_shared>>) target_semaphore(%run_scoped3A : memref<!tpu.dma_semaphore, #tpu.memory_space<semaphore_mem>>)
      %dma_wait3A = arith.constant 0 : i32
      %dma_wait3A_89 = arith.constant 0 : i32
      %dma_wait3A_90 = tpu.memref_slice %arg14[%dma_wait3A, %dma_wait3A_89] : memref<40x144xf32, #tpu.memory_space<vmem>> -> memref<24x144xf32, #tpu.memory_space<vmem>>
      %dma_wait3A_91 = arith.constant 0 : i32
      %dma_wait3A_92 = tpu.memref_slice %arg7[%add3A_30, %dma_wait3A_91] : memref<10000x144xf32, #tpu.memory_space<vmem_shared>> -> memref<24x144xf32, #tpu.memory_space<vmem_shared>>
      %dma_wait3A_93 = arith.constant 0 : i32
      %dma_wait3A_94 = tpu.memref_slice %arg7[%add3A_30, %dma_wait3A_93] : memref<10000x144xf32, #tpu.memory_space<vmem_shared>> -> memref<24x144xf32, #tpu.memory_space<vmem_shared>>
      %dma_wait3A_95 = arith.constant 0 : i32
      %dma_wait3A_96 = arith.constant 0 : i32
      %dma_wait3A_97 = tpu.memref_slice %arg14[%dma_wait3A_95, %dma_wait3A_96] : memref<40x144xf32, #tpu.memory_space<vmem>> -> memref<24x144xf32, #tpu.memory_space<vmem>>
      tpu.wait_dma2 semaphore(%run_scoped3A : memref<!tpu.dma_semaphore, #tpu.memory_space<semaphore_mem>>) src(%dma_wait3A_97 : memref<24x144xf32, #tpu.memory_space<vmem>>) dst(%dma_wait3A_94 : memref<24x144xf32, #tpu.memory_space<vmem_shared>>)
      tpu.yield
    }) : () -> ()
    %add3A_31 = arith.constant 264 : i32
    %add3A_32 = arith.addi %mul3A_8, %add3A_31 : i32
    "tpu.region"() ({
      %run_scoped3A = tpu.sem_alloc : memref<!tpu.dma_semaphore, #tpu.memory_space<semaphore_mem>>
      %dma_start3A = arith.constant 0 : i32
      %dma_start3A_80 = arith.constant 0 : i32
      %dma_start3A_81 = tpu.memref_slice %arg14[%dma_start3A, %dma_start3A_80] : memref<40x144xf32, #tpu.memory_space<vmem>> -> memref<24x144xf32, #tpu.memory_space<vmem>>
      %dma_start3A_82 = arith.constant 0 : i32
      %dma_start3A_83 = tpu.memref_slice %arg7[%add3A_32, %dma_start3A_82] : memref<10000x144xf32, #tpu.memory_space<vmem_shared>> -> memref<24x144xf32, #tpu.memory_space<vmem_shared>>
      %dma_start3A_84 = arith.constant 0 : i32
      %dma_start3A_85 = tpu.memref_slice %arg7[%add3A_32, %dma_start3A_84] : memref<10000x144xf32, #tpu.memory_space<vmem_shared>> -> memref<24x144xf32, #tpu.memory_space<vmem_shared>>
      %dma_start3A_86 = arith.constant 0 : i32
      %dma_start3A_87 = arith.constant 0 : i32
      %dma_start3A_88 = tpu.memref_slice %arg14[%dma_start3A_86, %dma_start3A_87] : memref<40x144xf32, #tpu.memory_space<vmem>> -> memref<24x144xf32, #tpu.memory_space<vmem>>
      tpu.enqueue_dma source(%dma_start3A_88 : memref<24x144xf32, #tpu.memory_space<vmem>>) target(%dma_start3A_85 : memref<24x144xf32, #tpu.memory_space<vmem_shared>>) target_semaphore(%run_scoped3A : memref<!tpu.dma_semaphore, #tpu.memory_space<semaphore_mem>>)
      %dma_wait3A = arith.constant 0 : i32
      %dma_wait3A_89 = arith.constant 0 : i32
      %dma_wait3A_90 = tpu.memref_slice %arg14[%dma_wait3A, %dma_wait3A_89] : memref<40x144xf32, #tpu.memory_space<vmem>> -> memref<24x144xf32, #tpu.memory_space<vmem>>
      %dma_wait3A_91 = arith.constant 0 : i32
      %dma_wait3A_92 = tpu.memref_slice %arg7[%add3A_32, %dma_wait3A_91] : memref<10000x144xf32, #tpu.memory_space<vmem_shared>> -> memref<24x144xf32, #tpu.memory_space<vmem_shared>>
      %dma_wait3A_93 = arith.constant 0 : i32
      %dma_wait3A_94 = tpu.memref_slice %arg7[%add3A_32, %dma_wait3A_93] : memref<10000x144xf32, #tpu.memory_space<vmem_shared>> -> memref<24x144xf32, #tpu.memory_space<vmem_shared>>
      %dma_wait3A_95 = arith.constant 0 : i32
      %dma_wait3A_96 = arith.constant 0 : i32
      %dma_wait3A_97 = tpu.memref_slice %arg14[%dma_wait3A_95, %dma_wait3A_96] : memref<40x144xf32, #tpu.memory_space<vmem>> -> memref<24x144xf32, #tpu.memory_space<vmem>>
      tpu.wait_dma2 semaphore(%run_scoped3A : memref<!tpu.dma_semaphore, #tpu.memory_space<semaphore_mem>>) src(%dma_wait3A_97 : memref<24x144xf32, #tpu.memory_space<vmem>>) dst(%dma_wait3A_94 : memref<24x144xf32, #tpu.memory_space<vmem_shared>>)
      tpu.yield
    }) : () -> ()
    %add3A_33 = arith.constant 288 : i32
    %add3A_34 = arith.addi %mul3A_8, %add3A_33 : i32
    "tpu.region"() ({
      %run_scoped3A = tpu.sem_alloc : memref<!tpu.dma_semaphore, #tpu.memory_space<semaphore_mem>>
      %dma_start3A = arith.constant 0 : i32
      %dma_start3A_80 = arith.constant 0 : i32
      %dma_start3A_81 = tpu.memref_slice %arg14[%dma_start3A, %dma_start3A_80] : memref<40x144xf32, #tpu.memory_space<vmem>> -> memref<24x144xf32, #tpu.memory_space<vmem>>
      %dma_start3A_82 = arith.constant 0 : i32
      %dma_start3A_83 = tpu.memref_slice %arg7[%add3A_34, %dma_start3A_82] : memref<10000x144xf32, #tpu.memory_space<vmem_shared>> -> memref<24x144xf32, #tpu.memory_space<vmem_shared>>
      %dma_start3A_84 = arith.constant 0 : i32
      %dma_start3A_85 = tpu.memref_slice %arg7[%add3A_34, %dma_start3A_84] : memref<10000x144xf32, #tpu.memory_space<vmem_shared>> -> memref<24x144xf32, #tpu.memory_space<vmem_shared>>
      %dma_start3A_86 = arith.constant 0 : i32
      %dma_start3A_87 = arith.constant 0 : i32
      %dma_start3A_88 = tpu.memref_slice %arg14[%dma_start3A_86, %dma_start3A_87] : memref<40x144xf32, #tpu.memory_space<vmem>> -> memref<24x144xf32, #tpu.memory_space<vmem>>
      tpu.enqueue_dma source(%dma_start3A_88 : memref<24x144xf32, #tpu.memory_space<vmem>>) target(%dma_start3A_85 : memref<24x144xf32, #tpu.memory_space<vmem_shared>>) target_semaphore(%run_scoped3A : memref<!tpu.dma_semaphore, #tpu.memory_space<semaphore_mem>>)
      %dma_wait3A = arith.constant 0 : i32
      %dma_wait3A_89 = arith.constant 0 : i32
      %dma_wait3A_90 = tpu.memref_slice %arg14[%dma_wait3A, %dma_wait3A_89] : memref<40x144xf32, #tpu.memory_space<vmem>> -> memref<24x144xf32, #tpu.memory_space<vmem>>
      %dma_wait3A_91 = arith.constant 0 : i32
      %dma_wait3A_92 = tpu.memref_slice %arg7[%add3A_34, %dma_wait3A_91] : memref<10000x144xf32, #tpu.memory_space<vmem_shared>> -> memref<24x144xf32, #tpu.memory_space<vmem_shared>>
      %dma_wait3A_93 = arith.constant 0 : i32
      %dma_wait3A_94 = tpu.memref_slice %arg7[%add3A_34, %dma_wait3A_93] : memref<10000x144xf32, #tpu.memory_space<vmem_shared>> -> memref<24x144xf32, #tpu.memory_space<vmem_shared>>
      %dma_wait3A_95 = arith.constant 0 : i32
      %dma_wait3A_96 = arith.constant 0 : i32
      %dma_wait3A_97 = tpu.memref_slice %arg14[%dma_wait3A_95, %dma_wait3A_96] : memref<40x144xf32, #tpu.memory_space<vmem>> -> memref<24x144xf32, #tpu.memory_space<vmem>>
      tpu.wait_dma2 semaphore(%run_scoped3A : memref<!tpu.dma_semaphore, #tpu.memory_space<semaphore_mem>>) src(%dma_wait3A_97 : memref<24x144xf32, #tpu.memory_space<vmem>>) dst(%dma_wait3A_94 : memref<24x144xf32, #tpu.memory_space<vmem_shared>>)
      tpu.yield
    }) : () -> ()
    %add3A_35 = arith.constant 312 : i32
    %add3A_36 = arith.addi %mul3A_8, %add3A_35 : i32
    "tpu.region"() ({
      %run_scoped3A = tpu.sem_alloc : memref<!tpu.dma_semaphore, #tpu.memory_space<semaphore_mem>>
      %dma_start3A = arith.constant 0 : i32
      %dma_start3A_80 = arith.constant 0 : i32
      %dma_start3A_81 = tpu.memref_slice %arg14[%dma_start3A, %dma_start3A_80] : memref<40x144xf32, #tpu.memory_space<vmem>> -> memref<24x144xf32, #tpu.memory_space<vmem>>
      %dma_start3A_82 = arith.constant 0 : i32
      %dma_start3A_83 = tpu.memref_slice %arg7[%add3A_36, %dma_start3A_82] : memref<10000x144xf32, #tpu.memory_space<vmem_shared>> -> memref<24x144xf32, #tpu.memory_space<vmem_shared>>
      %dma_start3A_84 = arith.constant 0 : i32
      %dma_start3A_85 = tpu.memref_slice %arg7[%add3A_36, %dma_start3A_84] : memref<10000x144xf32, #tpu.memory_space<vmem_shared>> -> memref<24x144xf32, #tpu.memory_space<vmem_shared>>
      %dma_start3A_86 = arith.constant 0 : i32
      %dma_start3A_87 = arith.constant 0 : i32
      %dma_start3A_88 = tpu.memref_slice %arg14[%dma_start3A_86, %dma_start3A_87] : memref<40x144xf32, #tpu.memory_space<vmem>> -> memref<24x144xf32, #tpu.memory_space<vmem>>
      tpu.enqueue_dma source(%dma_start3A_88 : memref<24x144xf32, #tpu.memory_space<vmem>>) target(%dma_start3A_85 : memref<24x144xf32, #tpu.memory_space<vmem_shared>>) target_semaphore(%run_scoped3A : memref<!tpu.dma_semaphore, #tpu.memory_space<semaphore_mem>>)
      %dma_wait3A = arith.constant 0 : i32
      %dma_wait3A_89 = arith.constant 0 : i32
      %dma_wait3A_90 = tpu.memref_slice %arg14[%dma_wait3A, %dma_wait3A_89] : memref<40x144xf32, #tpu.memory_space<vmem>> -> memref<24x144xf32, #tpu.memory_space<vmem>>
      %dma_wait3A_91 = arith.constant 0 : i32
      %dma_wait3A_92 = tpu.memref_slice %arg7[%add3A_36, %dma_wait3A_91] : memref<10000x144xf32, #tpu.memory_space<vmem_shared>> -> memref<24x144xf32, #tpu.memory_space<vmem_shared>>
      %dma_wait3A_93 = arith.constant 0 : i32
      %dma_wait3A_94 = tpu.memref_slice %arg7[%add3A_36, %dma_wait3A_93] : memref<10000x144xf32, #tpu.memory_space<vmem_shared>> -> memref<24x144xf32, #tpu.memory_space<vmem_shared>>
      %dma_wait3A_95 = arith.constant 0 : i32
      %dma_wait3A_96 = arith.constant 0 : i32
      %dma_wait3A_97 = tpu.memref_slice %arg14[%dma_wait3A_95, %dma_wait3A_96] : memref<40x144xf32, #tpu.memory_space<vmem>> -> memref<24x144xf32, #tpu.memory_space<vmem>>
      tpu.wait_dma2 semaphore(%run_scoped3A : memref<!tpu.dma_semaphore, #tpu.memory_space<semaphore_mem>>) src(%dma_wait3A_97 : memref<24x144xf32, #tpu.memory_space<vmem>>) dst(%dma_wait3A_94 : memref<24x144xf32, #tpu.memory_space<vmem_shared>>)
      tpu.yield
    }) : () -> ()
    %add3A_37 = arith.constant 336 : i32
    %add3A_38 = arith.addi %mul3A_8, %add3A_37 : i32
    "tpu.region"() ({
      %run_scoped3A = tpu.sem_alloc : memref<!tpu.dma_semaphore, #tpu.memory_space<semaphore_mem>>
      %dma_start3A = arith.constant 0 : i32
      %dma_start3A_80 = arith.constant 0 : i32
      %dma_start3A_81 = tpu.memref_slice %arg14[%dma_start3A, %dma_start3A_80] : memref<40x144xf32, #tpu.memory_space<vmem>> -> memref<24x144xf32, #tpu.memory_space<vmem>>
      %dma_start3A_82 = arith.constant 0 : i32
      %dma_start3A_83 = tpu.memref_slice %arg7[%add3A_38, %dma_start3A_82] : memref<10000x144xf32, #tpu.memory_space<vmem_shared>> -> memref<24x144xf32, #tpu.memory_space<vmem_shared>>
      %dma_start3A_84 = arith.constant 0 : i32
      %dma_start3A_85 = tpu.memref_slice %arg7[%add3A_38, %dma_start3A_84] : memref<10000x144xf32, #tpu.memory_space<vmem_shared>> -> memref<24x144xf32, #tpu.memory_space<vmem_shared>>
      %dma_start3A_86 = arith.constant 0 : i32
      %dma_start3A_87 = arith.constant 0 : i32
      %dma_start3A_88 = tpu.memref_slice %arg14[%dma_start3A_86, %dma_start3A_87] : memref<40x144xf32, #tpu.memory_space<vmem>> -> memref<24x144xf32, #tpu.memory_space<vmem>>
      tpu.enqueue_dma source(%dma_start3A_88 : memref<24x144xf32, #tpu.memory_space<vmem>>) target(%dma_start3A_85 : memref<24x144xf32, #tpu.memory_space<vmem_shared>>) target_semaphore(%run_scoped3A : memref<!tpu.dma_semaphore, #tpu.memory_space<semaphore_mem>>)
      %dma_wait3A = arith.constant 0 : i32
      %dma_wait3A_89 = arith.constant 0 : i32
      %dma_wait3A_90 = tpu.memref_slice %arg14[%dma_wait3A, %dma_wait3A_89] : memref<40x144xf32, #tpu.memory_space<vmem>> -> memref<24x144xf32, #tpu.memory_space<vmem>>
      %dma_wait3A_91 = arith.constant 0 : i32
      %dma_wait3A_92 = tpu.memref_slice %arg7[%add3A_38, %dma_wait3A_91] : memref<10000x144xf32, #tpu.memory_space<vmem_shared>> -> memref<24x144xf32, #tpu.memory_space<vmem_shared>>
      %dma_wait3A_93 = arith.constant 0 : i32
      %dma_wait3A_94 = tpu.memref_slice %arg7[%add3A_38, %dma_wait3A_93] : memref<10000x144xf32, #tpu.memory_space<vmem_shared>> -> memref<24x144xf32, #tpu.memory_space<vmem_shared>>
      %dma_wait3A_95 = arith.constant 0 : i32
      %dma_wait3A_96 = arith.constant 0 : i32
      %dma_wait3A_97 = tpu.memref_slice %arg14[%dma_wait3A_95, %dma_wait3A_96] : memref<40x144xf32, #tpu.memory_space<vmem>> -> memref<24x144xf32, #tpu.memory_space<vmem>>
      tpu.wait_dma2 semaphore(%run_scoped3A : memref<!tpu.dma_semaphore, #tpu.memory_space<semaphore_mem>>) src(%dma_wait3A_97 : memref<24x144xf32, #tpu.memory_space<vmem>>) dst(%dma_wait3A_94 : memref<24x144xf32, #tpu.memory_space<vmem_shared>>)
      tpu.yield
    }) : () -> ()
    %add3A_39 = arith.constant 360 : i32
    %add3A_40 = arith.addi %mul3A_8, %add3A_39 : i32
    "tpu.region"() ({
      %run_scoped3A = tpu.sem_alloc : memref<!tpu.dma_semaphore, #tpu.memory_space<semaphore_mem>>
      %dma_start3A = arith.constant 0 : i32
      %dma_start3A_80 = arith.constant 0 : i32
      %dma_start3A_81 = tpu.memref_slice %arg14[%dma_start3A, %dma_start3A_80] : memref<40x144xf32, #tpu.memory_space<vmem>> -> memref<24x144xf32, #tpu.memory_space<vmem>>
      %dma_start3A_82 = arith.constant 0 : i32
      %dma_start3A_83 = tpu.memref_slice %arg7[%add3A_40, %dma_start3A_82] : memref<10000x144xf32, #tpu.memory_space<vmem_shared>> -> memref<24x144xf32, #tpu.memory_space<vmem_shared>>
      %dma_start3A_84 = arith.constant 0 : i32
      %dma_start3A_85 = tpu.memref_slice %arg7[%add3A_40, %dma_start3A_84] : memref<10000x144xf32, #tpu.memory_space<vmem_shared>> -> memref<24x144xf32, #tpu.memory_space<vmem_shared>>
      %dma_start3A_86 = arith.constant 0 : i32
      %dma_start3A_87 = arith.constant 0 : i32
      %dma_start3A_88 = tpu.memref_slice %arg14[%dma_start3A_86, %dma_start3A_87] : memref<40x144xf32, #tpu.memory_space<vmem>> -> memref<24x144xf32, #tpu.memory_space<vmem>>
      tpu.enqueue_dma source(%dma_start3A_88 : memref<24x144xf32, #tpu.memory_space<vmem>>) target(%dma_start3A_85 : memref<24x144xf32, #tpu.memory_space<vmem_shared>>) target_semaphore(%run_scoped3A : memref<!tpu.dma_semaphore, #tpu.memory_space<semaphore_mem>>)
      %dma_wait3A = arith.constant 0 : i32
      %dma_wait3A_89 = arith.constant 0 : i32
      %dma_wait3A_90 = tpu.memref_slice %arg14[%dma_wait3A, %dma_wait3A_89] : memref<40x144xf32, #tpu.memory_space<vmem>> -> memref<24x144xf32, #tpu.memory_space<vmem>>
      %dma_wait3A_91 = arith.constant 0 : i32
      %dma_wait3A_92 = tpu.memref_slice %arg7[%add3A_40, %dma_wait3A_91] : memref<10000x144xf32, #tpu.memory_space<vmem_shared>> -> memref<24x144xf32, #tpu.memory_space<vmem_shared>>
      %dma_wait3A_93 = arith.constant 0 : i32
      %dma_wait3A_94 = tpu.memref_slice %arg7[%add3A_40, %dma_wait3A_93] : memref<10000x144xf32, #tpu.memory_space<vmem_shared>> -> memref<24x144xf32, #tpu.memory_space<vmem_shared>>
      %dma_wait3A_95 = arith.constant 0 : i32
      %dma_wait3A_96 = arith.constant 0 : i32
      %dma_wait3A_97 = tpu.memref_slice %arg14[%dma_wait3A_95, %dma_wait3A_96] : memref<40x144xf32, #tpu.memory_space<vmem>> -> memref<24x144xf32, #tpu.memory_space<vmem>>
      tpu.wait_dma2 semaphore(%run_scoped3A : memref<!tpu.dma_semaphore, #tpu.memory_space<semaphore_mem>>) src(%dma_wait3A_97 : memref<24x144xf32, #tpu.memory_space<vmem>>) dst(%dma_wait3A_94 : memref<24x144xf32, #tpu.memory_space<vmem_shared>>)
      tpu.yield
    }) : () -> ()
    %add3A_41 = arith.constant 384 : i32
    %add3A_42 = arith.addi %mul3A_8, %add3A_41 : i32
    "tpu.region"() ({
      %run_scoped3A = tpu.sem_alloc : memref<!tpu.dma_semaphore, #tpu.memory_space<semaphore_mem>>
      %dma_start3A = arith.constant 0 : i32
      %dma_start3A_80 = arith.constant 0 : i32
      %dma_start3A_81 = tpu.memref_slice %arg14[%dma_start3A, %dma_start3A_80] : memref<40x144xf32, #tpu.memory_space<vmem>> -> memref<24x144xf32, #tpu.memory_space<vmem>>
      %dma_start3A_82 = arith.constant 0 : i32
      %dma_start3A_83 = tpu.memref_slice %arg7[%add3A_42, %dma_start3A_82] : memref<10000x144xf32, #tpu.memory_space<vmem_shared>> -> memref<24x144xf32, #tpu.memory_space<vmem_shared>>
      %dma_start3A_84 = arith.constant 0 : i32
      %dma_start3A_85 = tpu.memref_slice %arg7[%add3A_42, %dma_start3A_84] : memref<10000x144xf32, #tpu.memory_space<vmem_shared>> -> memref<24x144xf32, #tpu.memory_space<vmem_shared>>
      %dma_start3A_86 = arith.constant 0 : i32
      %dma_start3A_87 = arith.constant 0 : i32
      %dma_start3A_88 = tpu.memref_slice %arg14[%dma_start3A_86, %dma_start3A_87] : memref<40x144xf32, #tpu.memory_space<vmem>> -> memref<24x144xf32, #tpu.memory_space<vmem>>
      tpu.enqueue_dma source(%dma_start3A_88 : memref<24x144xf32, #tpu.memory_space<vmem>>) target(%dma_start3A_85 : memref<24x144xf32, #tpu.memory_space<vmem_shared>>) target_semaphore(%run_scoped3A : memref<!tpu.dma_semaphore, #tpu.memory_space<semaphore_mem>>)
      %dma_wait3A = arith.constant 0 : i32
      %dma_wait3A_89 = arith.constant 0 : i32
      %dma_wait3A_90 = tpu.memref_slice %arg14[%dma_wait3A, %dma_wait3A_89] : memref<40x144xf32, #tpu.memory_space<vmem>> -> memref<24x144xf32, #tpu.memory_space<vmem>>
      %dma_wait3A_91 = arith.constant 0 : i32
      %dma_wait3A_92 = tpu.memref_slice %arg7[%add3A_42, %dma_wait3A_91] : memref<10000x144xf32, #tpu.memory_space<vmem_shared>> -> memref<24x144xf32, #tpu.memory_space<vmem_shared>>
      %dma_wait3A_93 = arith.constant 0 : i32
      %dma_wait3A_94 = tpu.memref_slice %arg7[%add3A_42, %dma_wait3A_93] : memref<10000x144xf32, #tpu.memory_space<vmem_shared>> -> memref<24x144xf32, #tpu.memory_space<vmem_shared>>
      %dma_wait3A_95 = arith.constant 0 : i32
      %dma_wait3A_96 = arith.constant 0 : i32
      %dma_wait3A_97 = tpu.memref_slice %arg14[%dma_wait3A_95, %dma_wait3A_96] : memref<40x144xf32, #tpu.memory_space<vmem>> -> memref<24x144xf32, #tpu.memory_space<vmem>>
      tpu.wait_dma2 semaphore(%run_scoped3A : memref<!tpu.dma_semaphore, #tpu.memory_space<semaphore_mem>>) src(%dma_wait3A_97 : memref<24x144xf32, #tpu.memory_space<vmem>>) dst(%dma_wait3A_94 : memref<24x144xf32, #tpu.memory_space<vmem_shared>>)
      tpu.yield
    }) : () -> ()
    %add3A_43 = arith.constant 408 : i32
    %add3A_44 = arith.addi %mul3A_8, %add3A_43 : i32
    "tpu.region"() ({
      %run_scoped3A = tpu.sem_alloc : memref<!tpu.dma_semaphore, #tpu.memory_space<semaphore_mem>>
      %dma_start3A = arith.constant 0 : i32
      %dma_start3A_80 = arith.constant 0 : i32
      %dma_start3A_81 = tpu.memref_slice %arg14[%dma_start3A, %dma_start3A_80] : memref<40x144xf32, #tpu.memory_space<vmem>> -> memref<24x144xf32, #tpu.memory_space<vmem>>
      %dma_start3A_82 = arith.constant 0 : i32
      %dma_start3A_83 = tpu.memref_slice %arg7[%add3A_44, %dma_start3A_82] : memref<10000x144xf32, #tpu.memory_space<vmem_shared>> -> memref<24x144xf32, #tpu.memory_space<vmem_shared>>
      %dma_start3A_84 = arith.constant 0 : i32
      %dma_start3A_85 = tpu.memref_slice %arg7[%add3A_44, %dma_start3A_84] : memref<10000x144xf32, #tpu.memory_space<vmem_shared>> -> memref<24x144xf32, #tpu.memory_space<vmem_shared>>
      %dma_start3A_86 = arith.constant 0 : i32
      %dma_start3A_87 = arith.constant 0 : i32
      %dma_start3A_88 = tpu.memref_slice %arg14[%dma_start3A_86, %dma_start3A_87] : memref<40x144xf32, #tpu.memory_space<vmem>> -> memref<24x144xf32, #tpu.memory_space<vmem>>
      tpu.enqueue_dma source(%dma_start3A_88 : memref<24x144xf32, #tpu.memory_space<vmem>>) target(%dma_start3A_85 : memref<24x144xf32, #tpu.memory_space<vmem_shared>>) target_semaphore(%run_scoped3A : memref<!tpu.dma_semaphore, #tpu.memory_space<semaphore_mem>>)
      %dma_wait3A = arith.constant 0 : i32
      %dma_wait3A_89 = arith.constant 0 : i32
      %dma_wait3A_90 = tpu.memref_slice %arg14[%dma_wait3A, %dma_wait3A_89] : memref<40x144xf32, #tpu.memory_space<vmem>> -> memref<24x144xf32, #tpu.memory_space<vmem>>
      %dma_wait3A_91 = arith.constant 0 : i32
      %dma_wait3A_92 = tpu.memref_slice %arg7[%add3A_44, %dma_wait3A_91] : memref<10000x144xf32, #tpu.memory_space<vmem_shared>> -> memref<24x144xf32, #tpu.memory_space<vmem_shared>>
      %dma_wait3A_93 = arith.constant 0 : i32
      %dma_wait3A_94 = tpu.memref_slice %arg7[%add3A_44, %dma_wait3A_93] : memref<10000x144xf32, #tpu.memory_space<vmem_shared>> -> memref<24x144xf32, #tpu.memory_space<vmem_shared>>
      %dma_wait3A_95 = arith.constant 0 : i32
      %dma_wait3A_96 = arith.constant 0 : i32
      %dma_wait3A_97 = tpu.memref_slice %arg14[%dma_wait3A_95, %dma_wait3A_96] : memref<40x144xf32, #tpu.memory_space<vmem>> -> memref<24x144xf32, #tpu.memory_space<vmem>>
      tpu.wait_dma2 semaphore(%run_scoped3A : memref<!tpu.dma_semaphore, #tpu.memory_space<semaphore_mem>>) src(%dma_wait3A_97 : memref<24x144xf32, #tpu.memory_space<vmem>>) dst(%dma_wait3A_94 : memref<24x144xf32, #tpu.memory_space<vmem_shared>>)
      tpu.yield
    }) : () -> ()
    %add3A_45 = arith.constant 432 : i32
    %add3A_46 = arith.addi %mul3A_8, %add3A_45 : i32
    "tpu.region"() ({
      %run_scoped3A = tpu.sem_alloc : memref<!tpu.dma_semaphore, #tpu.memory_space<semaphore_mem>>
      %dma_start3A = arith.constant 0 : i32
      %dma_start3A_80 = arith.constant 0 : i32
      %dma_start3A_81 = tpu.memref_slice %arg14[%dma_start3A, %dma_start3A_80] : memref<40x144xf32, #tpu.memory_space<vmem>> -> memref<24x144xf32, #tpu.memory_space<vmem>>
      %dma_start3A_82 = arith.constant 0 : i32
      %dma_start3A_83 = tpu.memref_slice %arg7[%add3A_46, %dma_start3A_82] : memref<10000x144xf32, #tpu.memory_space<vmem_shared>> -> memref<24x144xf32, #tpu.memory_space<vmem_shared>>
      %dma_start3A_84 = arith.constant 0 : i32
      %dma_start3A_85 = tpu.memref_slice %arg7[%add3A_46, %dma_start3A_84] : memref<10000x144xf32, #tpu.memory_space<vmem_shared>> -> memref<24x144xf32, #tpu.memory_space<vmem_shared>>
      %dma_start3A_86 = arith.constant 0 : i32
      %dma_start3A_87 = arith.constant 0 : i32
      %dma_start3A_88 = tpu.memref_slice %arg14[%dma_start3A_86, %dma_start3A_87] : memref<40x144xf32, #tpu.memory_space<vmem>> -> memref<24x144xf32, #tpu.memory_space<vmem>>
      tpu.enqueue_dma source(%dma_start3A_88 : memref<24x144xf32, #tpu.memory_space<vmem>>) target(%dma_start3A_85 : memref<24x144xf32, #tpu.memory_space<vmem_shared>>) target_semaphore(%run_scoped3A : memref<!tpu.dma_semaphore, #tpu.memory_space<semaphore_mem>>)
      %dma_wait3A = arith.constant 0 : i32
      %dma_wait3A_89 = arith.constant 0 : i32
      %dma_wait3A_90 = tpu.memref_slice %arg14[%dma_wait3A, %dma_wait3A_89] : memref<40x144xf32, #tpu.memory_space<vmem>> -> memref<24x144xf32, #tpu.memory_space<vmem>>
      %dma_wait3A_91 = arith.constant 0 : i32
      %dma_wait3A_92 = tpu.memref_slice %arg7[%add3A_46, %dma_wait3A_91] : memref<10000x144xf32, #tpu.memory_space<vmem_shared>> -> memref<24x144xf32, #tpu.memory_space<vmem_shared>>
      %dma_wait3A_93 = arith.constant 0 : i32
      %dma_wait3A_94 = tpu.memref_slice %arg7[%add3A_46, %dma_wait3A_93] : memref<10000x144xf32, #tpu.memory_space<vmem_shared>> -> memref<24x144xf32, #tpu.memory_space<vmem_shared>>
      %dma_wait3A_95 = arith.constant 0 : i32
      %dma_wait3A_96 = arith.constant 0 : i32
      %dma_wait3A_97 = tpu.memref_slice %arg14[%dma_wait3A_95, %dma_wait3A_96] : memref<40x144xf32, #tpu.memory_space<vmem>> -> memref<24x144xf32, #tpu.memory_space<vmem>>
      tpu.wait_dma2 semaphore(%run_scoped3A : memref<!tpu.dma_semaphore, #tpu.memory_space<semaphore_mem>>) src(%dma_wait3A_97 : memref<24x144xf32, #tpu.memory_space<vmem>>) dst(%dma_wait3A_94 : memref<24x144xf32, #tpu.memory_space<vmem_shared>>)
      tpu.yield
    }) : () -> ()
    %add3A_47 = arith.constant 456 : i32
    %add3A_48 = arith.addi %mul3A_8, %add3A_47 : i32
    "tpu.region"() ({
      %run_scoped3A = tpu.sem_alloc : memref<!tpu.dma_semaphore, #tpu.memory_space<semaphore_mem>>
      %dma_start3A = arith.constant 0 : i32
      %dma_start3A_80 = arith.constant 0 : i32
      %dma_start3A_81 = tpu.memref_slice %arg14[%dma_start3A, %dma_start3A_80] : memref<40x144xf32, #tpu.memory_space<vmem>> -> memref<24x144xf32, #tpu.memory_space<vmem>>
      %dma_start3A_82 = arith.constant 0 : i32
      %dma_start3A_83 = tpu.memref_slice %arg7[%add3A_48, %dma_start3A_82] : memref<10000x144xf32, #tpu.memory_space<vmem_shared>> -> memref<24x144xf32, #tpu.memory_space<vmem_shared>>
      %dma_start3A_84 = arith.constant 0 : i32
      %dma_start3A_85 = tpu.memref_slice %arg7[%add3A_48, %dma_start3A_84] : memref<10000x144xf32, #tpu.memory_space<vmem_shared>> -> memref<24x144xf32, #tpu.memory_space<vmem_shared>>
      %dma_start3A_86 = arith.constant 0 : i32
      %dma_start3A_87 = arith.constant 0 : i32
      %dma_start3A_88 = tpu.memref_slice %arg14[%dma_start3A_86, %dma_start3A_87] : memref<40x144xf32, #tpu.memory_space<vmem>> -> memref<24x144xf32, #tpu.memory_space<vmem>>
      tpu.enqueue_dma source(%dma_start3A_88 : memref<24x144xf32, #tpu.memory_space<vmem>>) target(%dma_start3A_85 : memref<24x144xf32, #tpu.memory_space<vmem_shared>>) target_semaphore(%run_scoped3A : memref<!tpu.dma_semaphore, #tpu.memory_space<semaphore_mem>>)
      %dma_wait3A = arith.constant 0 : i32
      %dma_wait3A_89 = arith.constant 0 : i32
      %dma_wait3A_90 = tpu.memref_slice %arg14[%dma_wait3A, %dma_wait3A_89] : memref<40x144xf32, #tpu.memory_space<vmem>> -> memref<24x144xf32, #tpu.memory_space<vmem>>
      %dma_wait3A_91 = arith.constant 0 : i32
      %dma_wait3A_92 = tpu.memref_slice %arg7[%add3A_48, %dma_wait3A_91] : memref<10000x144xf32, #tpu.memory_space<vmem_shared>> -> memref<24x144xf32, #tpu.memory_space<vmem_shared>>
      %dma_wait3A_93 = arith.constant 0 : i32
      %dma_wait3A_94 = tpu.memref_slice %arg7[%add3A_48, %dma_wait3A_93] : memref<10000x144xf32, #tpu.memory_space<vmem_shared>> -> memref<24x144xf32, #tpu.memory_space<vmem_shared>>
      %dma_wait3A_95 = arith.constant 0 : i32
      %dma_wait3A_96 = arith.constant 0 : i32
      %dma_wait3A_97 = tpu.memref_slice %arg14[%dma_wait3A_95, %dma_wait3A_96] : memref<40x144xf32, #tpu.memory_space<vmem>> -> memref<24x144xf32, #tpu.memory_space<vmem>>
      tpu.wait_dma2 semaphore(%run_scoped3A : memref<!tpu.dma_semaphore, #tpu.memory_space<semaphore_mem>>) src(%dma_wait3A_97 : memref<24x144xf32, #tpu.memory_space<vmem>>) dst(%dma_wait3A_94 : memref<24x144xf32, #tpu.memory_space<vmem_shared>>)
      tpu.yield
    }) : () -> ()
    %add3A_49 = arith.constant 480 : i32
    %add3A_50 = arith.addi %mul3A_8, %add3A_49 : i32
    "tpu.region"() ({
      %run_scoped3A = tpu.sem_alloc : memref<!tpu.dma_semaphore, #tpu.memory_space<semaphore_mem>>
      %dma_start3A = arith.constant 0 : i32
      %dma_start3A_80 = arith.constant 0 : i32
      %dma_start3A_81 = tpu.memref_slice %arg14[%dma_start3A, %dma_start3A_80] : memref<40x144xf32, #tpu.memory_space<vmem>> -> memref<24x144xf32, #tpu.memory_space<vmem>>
      %dma_start3A_82 = arith.constant 0 : i32
      %dma_start3A_83 = tpu.memref_slice %arg7[%add3A_50, %dma_start3A_82] : memref<10000x144xf32, #tpu.memory_space<vmem_shared>> -> memref<24x144xf32, #tpu.memory_space<vmem_shared>>
      %dma_start3A_84 = arith.constant 0 : i32
      %dma_start3A_85 = tpu.memref_slice %arg7[%add3A_50, %dma_start3A_84] : memref<10000x144xf32, #tpu.memory_space<vmem_shared>> -> memref<24x144xf32, #tpu.memory_space<vmem_shared>>
      %dma_start3A_86 = arith.constant 0 : i32
      %dma_start3A_87 = arith.constant 0 : i32
      %dma_start3A_88 = tpu.memref_slice %arg14[%dma_start3A_86, %dma_start3A_87] : memref<40x144xf32, #tpu.memory_space<vmem>> -> memref<24x144xf32, #tpu.memory_space<vmem>>
      tpu.enqueue_dma source(%dma_start3A_88 : memref<24x144xf32, #tpu.memory_space<vmem>>) target(%dma_start3A_85 : memref<24x144xf32, #tpu.memory_space<vmem_shared>>) target_semaphore(%run_scoped3A : memref<!tpu.dma_semaphore, #tpu.memory_space<semaphore_mem>>)
      %dma_wait3A = arith.constant 0 : i32
      %dma_wait3A_89 = arith.constant 0 : i32
      %dma_wait3A_90 = tpu.memref_slice %arg14[%dma_wait3A, %dma_wait3A_89] : memref<40x144xf32, #tpu.memory_space<vmem>> -> memref<24x144xf32, #tpu.memory_space<vmem>>
      %dma_wait3A_91 = arith.constant 0 : i32
      %dma_wait3A_92 = tpu.memref_slice %arg7[%add3A_50, %dma_wait3A_91] : memref<10000x144xf32, #tpu.memory_space<vmem_shared>> -> memref<24x144xf32, #tpu.memory_space<vmem_shared>>
      %dma_wait3A_93 = arith.constant 0 : i32
      %dma_wait3A_94 = tpu.memref_slice %arg7[%add3A_50, %dma_wait3A_93] : memref<10000x144xf32, #tpu.memory_space<vmem_shared>> -> memref<24x144xf32, #tpu.memory_space<vmem_shared>>
      %dma_wait3A_95 = arith.constant 0 : i32
      %dma_wait3A_96 = arith.constant 0 : i32
      %dma_wait3A_97 = tpu.memref_slice %arg14[%dma_wait3A_95, %dma_wait3A_96] : memref<40x144xf32, #tpu.memory_space<vmem>> -> memref<24x144xf32, #tpu.memory_space<vmem>>
      tpu.wait_dma2 semaphore(%run_scoped3A : memref<!tpu.dma_semaphore, #tpu.memory_space<semaphore_mem>>) src(%dma_wait3A_97 : memref<24x144xf32, #tpu.memory_space<vmem>>) dst(%dma_wait3A_94 : memref<24x144xf32, #tpu.memory_space<vmem_shared>>)
      tpu.yield
    }) : () -> ()
    %add3A_51 = arith.constant 504 : i32
    %add3A_52 = arith.addi %mul3A_8, %add3A_51 : i32
    "tpu.region"() ({
      %run_scoped3A = tpu.sem_alloc : memref<!tpu.dma_semaphore, #tpu.memory_space<semaphore_mem>>
      %dma_start3A = arith.constant 0 : i32
      %dma_start3A_80 = arith.constant 0 : i32
      %dma_start3A_81 = tpu.memref_slice %arg14[%dma_start3A, %dma_start3A_80] : memref<40x144xf32, #tpu.memory_space<vmem>> -> memref<24x144xf32, #tpu.memory_space<vmem>>
      %dma_start3A_82 = arith.constant 0 : i32
      %dma_start3A_83 = tpu.memref_slice %arg7[%add3A_52, %dma_start3A_82] : memref<10000x144xf32, #tpu.memory_space<vmem_shared>> -> memref<24x144xf32, #tpu.memory_space<vmem_shared>>
      %dma_start3A_84 = arith.constant 0 : i32
      %dma_start3A_85 = tpu.memref_slice %arg7[%add3A_52, %dma_start3A_84] : memref<10000x144xf32, #tpu.memory_space<vmem_shared>> -> memref<24x144xf32, #tpu.memory_space<vmem_shared>>
      %dma_start3A_86 = arith.constant 0 : i32
      %dma_start3A_87 = arith.constant 0 : i32
      %dma_start3A_88 = tpu.memref_slice %arg14[%dma_start3A_86, %dma_start3A_87] : memref<40x144xf32, #tpu.memory_space<vmem>> -> memref<24x144xf32, #tpu.memory_space<vmem>>
      tpu.enqueue_dma source(%dma_start3A_88 : memref<24x144xf32, #tpu.memory_space<vmem>>) target(%dma_start3A_85 : memref<24x144xf32, #tpu.memory_space<vmem_shared>>) target_semaphore(%run_scoped3A : memref<!tpu.dma_semaphore, #tpu.memory_space<semaphore_mem>>)
      %dma_wait3A = arith.constant 0 : i32
      %dma_wait3A_89 = arith.constant 0 : i32
      %dma_wait3A_90 = tpu.memref_slice %arg14[%dma_wait3A, %dma_wait3A_89] : memref<40x144xf32, #tpu.memory_space<vmem>> -> memref<24x144xf32, #tpu.memory_space<vmem>>
      %dma_wait3A_91 = arith.constant 0 : i32
      %dma_wait3A_92 = tpu.memref_slice %arg7[%add3A_52, %dma_wait3A_91] : memref<10000x144xf32, #tpu.memory_space<vmem_shared>> -> memref<24x144xf32, #tpu.memory_space<vmem_shared>>
      %dma_wait3A_93 = arith.constant 0 : i32
      %dma_wait3A_94 = tpu.memref_slice %arg7[%add3A_52, %dma_wait3A_93] : memref<10000x144xf32, #tpu.memory_space<vmem_shared>> -> memref<24x144xf32, #tpu.memory_space<vmem_shared>>
      %dma_wait3A_95 = arith.constant 0 : i32
      %dma_wait3A_96 = arith.constant 0 : i32
      %dma_wait3A_97 = tpu.memref_slice %arg14[%dma_wait3A_95, %dma_wait3A_96] : memref<40x144xf32, #tpu.memory_space<vmem>> -> memref<24x144xf32, #tpu.memory_space<vmem>>
      tpu.wait_dma2 semaphore(%run_scoped3A : memref<!tpu.dma_semaphore, #tpu.memory_space<semaphore_mem>>) src(%dma_wait3A_97 : memref<24x144xf32, #tpu.memory_space<vmem>>) dst(%dma_wait3A_94 : memref<24x144xf32, #tpu.memory_space<vmem_shared>>)
      tpu.yield
    }) : () -> ()
    %add3A_53 = arith.constant 528 : i32
    %add3A_54 = arith.addi %mul3A_8, %add3A_53 : i32
    "tpu.region"() ({
      %run_scoped3A = tpu.sem_alloc : memref<!tpu.dma_semaphore, #tpu.memory_space<semaphore_mem>>
      %dma_start3A = arith.constant 0 : i32
      %dma_start3A_80 = arith.constant 0 : i32
      %dma_start3A_81 = tpu.memref_slice %arg14[%dma_start3A, %dma_start3A_80] : memref<40x144xf32, #tpu.memory_space<vmem>> -> memref<24x144xf32, #tpu.memory_space<vmem>>
      %dma_start3A_82 = arith.constant 0 : i32
      %dma_start3A_83 = tpu.memref_slice %arg7[%add3A_54, %dma_start3A_82] : memref<10000x144xf32, #tpu.memory_space<vmem_shared>> -> memref<24x144xf32, #tpu.memory_space<vmem_shared>>
      %dma_start3A_84 = arith.constant 0 : i32
      %dma_start3A_85 = tpu.memref_slice %arg7[%add3A_54, %dma_start3A_84] : memref<10000x144xf32, #tpu.memory_space<vmem_shared>> -> memref<24x144xf32, #tpu.memory_space<vmem_shared>>
      %dma_start3A_86 = arith.constant 0 : i32
      %dma_start3A_87 = arith.constant 0 : i32
      %dma_start3A_88 = tpu.memref_slice %arg14[%dma_start3A_86, %dma_start3A_87] : memref<40x144xf32, #tpu.memory_space<vmem>> -> memref<24x144xf32, #tpu.memory_space<vmem>>
      tpu.enqueue_dma source(%dma_start3A_88 : memref<24x144xf32, #tpu.memory_space<vmem>>) target(%dma_start3A_85 : memref<24x144xf32, #tpu.memory_space<vmem_shared>>) target_semaphore(%run_scoped3A : memref<!tpu.dma_semaphore, #tpu.memory_space<semaphore_mem>>)
      %dma_wait3A = arith.constant 0 : i32
      %dma_wait3A_89 = arith.constant 0 : i32
      %dma_wait3A_90 = tpu.memref_slice %arg14[%dma_wait3A, %dma_wait3A_89] : memref<40x144xf32, #tpu.memory_space<vmem>> -> memref<24x144xf32, #tpu.memory_space<vmem>>
      %dma_wait3A_91 = arith.constant 0 : i32
      %dma_wait3A_92 = tpu.memref_slice %arg7[%add3A_54, %dma_wait3A_91] : memref<10000x144xf32, #tpu.memory_space<vmem_shared>> -> memref<24x144xf32, #tpu.memory_space<vmem_shared>>
      %dma_wait3A_93 = arith.constant 0 : i32
      %dma_wait3A_94 = tpu.memref_slice %arg7[%add3A_54, %dma_wait3A_93] : memref<10000x144xf32, #tpu.memory_space<vmem_shared>> -> memref<24x144xf32, #tpu.memory_space<vmem_shared>>
      %dma_wait3A_95 = arith.constant 0 : i32
      %dma_wait3A_96 = arith.constant 0 : i32
      %dma_wait3A_97 = tpu.memref_slice %arg14[%dma_wait3A_95, %dma_wait3A_96] : memref<40x144xf32, #tpu.memory_space<vmem>> -> memref<24x144xf32, #tpu.memory_space<vmem>>
      tpu.wait_dma2 semaphore(%run_scoped3A : memref<!tpu.dma_semaphore, #tpu.memory_space<semaphore_mem>>) src(%dma_wait3A_97 : memref<24x144xf32, #tpu.memory_space<vmem>>) dst(%dma_wait3A_94 : memref<24x144xf32, #tpu.memory_space<vmem_shared>>)
      tpu.yield
    }) : () -> ()
    %add3A_55 = arith.constant 552 : i32
    %add3A_56 = arith.addi %mul3A_8, %add3A_55 : i32
    "tpu.region"() ({
      %run_scoped3A = tpu.sem_alloc : memref<!tpu.dma_semaphore, #tpu.memory_space<semaphore_mem>>
      %dma_start3A = arith.constant 0 : i32
      %dma_start3A_80 = arith.constant 0 : i32
      %dma_start3A_81 = tpu.memref_slice %arg14[%dma_start3A, %dma_start3A_80] : memref<40x144xf32, #tpu.memory_space<vmem>> -> memref<24x144xf32, #tpu.memory_space<vmem>>
      %dma_start3A_82 = arith.constant 0 : i32
      %dma_start3A_83 = tpu.memref_slice %arg7[%add3A_56, %dma_start3A_82] : memref<10000x144xf32, #tpu.memory_space<vmem_shared>> -> memref<24x144xf32, #tpu.memory_space<vmem_shared>>
      %dma_start3A_84 = arith.constant 0 : i32
      %dma_start3A_85 = tpu.memref_slice %arg7[%add3A_56, %dma_start3A_84] : memref<10000x144xf32, #tpu.memory_space<vmem_shared>> -> memref<24x144xf32, #tpu.memory_space<vmem_shared>>
      %dma_start3A_86 = arith.constant 0 : i32
      %dma_start3A_87 = arith.constant 0 : i32
      %dma_start3A_88 = tpu.memref_slice %arg14[%dma_start3A_86, %dma_start3A_87] : memref<40x144xf32, #tpu.memory_space<vmem>> -> memref<24x144xf32, #tpu.memory_space<vmem>>
      tpu.enqueue_dma source(%dma_start3A_88 : memref<24x144xf32, #tpu.memory_space<vmem>>) target(%dma_start3A_85 : memref<24x144xf32, #tpu.memory_space<vmem_shared>>) target_semaphore(%run_scoped3A : memref<!tpu.dma_semaphore, #tpu.memory_space<semaphore_mem>>)
      %dma_wait3A = arith.constant 0 : i32
      %dma_wait3A_89 = arith.constant 0 : i32
      %dma_wait3A_90 = tpu.memref_slice %arg14[%dma_wait3A, %dma_wait3A_89] : memref<40x144xf32, #tpu.memory_space<vmem>> -> memref<24x144xf32, #tpu.memory_space<vmem>>
      %dma_wait3A_91 = arith.constant 0 : i32
      %dma_wait3A_92 = tpu.memref_slice %arg7[%add3A_56, %dma_wait3A_91] : memref<10000x144xf32, #tpu.memory_space<vmem_shared>> -> memref<24x144xf32, #tpu.memory_space<vmem_shared>>
      %dma_wait3A_93 = arith.constant 0 : i32
      %dma_wait3A_94 = tpu.memref_slice %arg7[%add3A_56, %dma_wait3A_93] : memref<10000x144xf32, #tpu.memory_space<vmem_shared>> -> memref<24x144xf32, #tpu.memory_space<vmem_shared>>
      %dma_wait3A_95 = arith.constant 0 : i32
      %dma_wait3A_96 = arith.constant 0 : i32
      %dma_wait3A_97 = tpu.memref_slice %arg14[%dma_wait3A_95, %dma_wait3A_96] : memref<40x144xf32, #tpu.memory_space<vmem>> -> memref<24x144xf32, #tpu.memory_space<vmem>>
      tpu.wait_dma2 semaphore(%run_scoped3A : memref<!tpu.dma_semaphore, #tpu.memory_space<semaphore_mem>>) src(%dma_wait3A_97 : memref<24x144xf32, #tpu.memory_space<vmem>>) dst(%dma_wait3A_94 : memref<24x144xf32, #tpu.memory_space<vmem_shared>>)
      tpu.yield
    }) : () -> ()
    %add3A_57 = arith.constant 576 : i32
    %add3A_58 = arith.addi %mul3A_8, %add3A_57 : i32
    "tpu.region"() ({
      %run_scoped3A = tpu.sem_alloc : memref<!tpu.dma_semaphore, #tpu.memory_space<semaphore_mem>>
      %dma_start3A = arith.constant 0 : i32
      %dma_start3A_80 = arith.constant 0 : i32
      %dma_start3A_81 = tpu.memref_slice %arg14[%dma_start3A, %dma_start3A_80] : memref<40x144xf32, #tpu.memory_space<vmem>> -> memref<24x144xf32, #tpu.memory_space<vmem>>
      %dma_start3A_82 = arith.constant 0 : i32
      %dma_start3A_83 = tpu.memref_slice %arg7[%add3A_58, %dma_start3A_82] : memref<10000x144xf32, #tpu.memory_space<vmem_shared>> -> memref<24x144xf32, #tpu.memory_space<vmem_shared>>
      %dma_start3A_84 = arith.constant 0 : i32
      %dma_start3A_85 = tpu.memref_slice %arg7[%add3A_58, %dma_start3A_84] : memref<10000x144xf32, #tpu.memory_space<vmem_shared>> -> memref<24x144xf32, #tpu.memory_space<vmem_shared>>
      %dma_start3A_86 = arith.constant 0 : i32
      %dma_start3A_87 = arith.constant 0 : i32
      %dma_start3A_88 = tpu.memref_slice %arg14[%dma_start3A_86, %dma_start3A_87] : memref<40x144xf32, #tpu.memory_space<vmem>> -> memref<24x144xf32, #tpu.memory_space<vmem>>
      tpu.enqueue_dma source(%dma_start3A_88 : memref<24x144xf32, #tpu.memory_space<vmem>>) target(%dma_start3A_85 : memref<24x144xf32, #tpu.memory_space<vmem_shared>>) target_semaphore(%run_scoped3A : memref<!tpu.dma_semaphore, #tpu.memory_space<semaphore_mem>>)
      %dma_wait3A = arith.constant 0 : i32
      %dma_wait3A_89 = arith.constant 0 : i32
      %dma_wait3A_90 = tpu.memref_slice %arg14[%dma_wait3A, %dma_wait3A_89] : memref<40x144xf32, #tpu.memory_space<vmem>> -> memref<24x144xf32, #tpu.memory_space<vmem>>
      %dma_wait3A_91 = arith.constant 0 : i32
      %dma_wait3A_92 = tpu.memref_slice %arg7[%add3A_58, %dma_wait3A_91] : memref<10000x144xf32, #tpu.memory_space<vmem_shared>> -> memref<24x144xf32, #tpu.memory_space<vmem_shared>>
      %dma_wait3A_93 = arith.constant 0 : i32
      %dma_wait3A_94 = tpu.memref_slice %arg7[%add3A_58, %dma_wait3A_93] : memref<10000x144xf32, #tpu.memory_space<vmem_shared>> -> memref<24x144xf32, #tpu.memory_space<vmem_shared>>
      %dma_wait3A_95 = arith.constant 0 : i32
      %dma_wait3A_96 = arith.constant 0 : i32
      %dma_wait3A_97 = tpu.memref_slice %arg14[%dma_wait3A_95, %dma_wait3A_96] : memref<40x144xf32, #tpu.memory_space<vmem>> -> memref<24x144xf32, #tpu.memory_space<vmem>>
      tpu.wait_dma2 semaphore(%run_scoped3A : memref<!tpu.dma_semaphore, #tpu.memory_space<semaphore_mem>>) src(%dma_wait3A_97 : memref<24x144xf32, #tpu.memory_space<vmem>>) dst(%dma_wait3A_94 : memref<24x144xf32, #tpu.memory_space<vmem_shared>>)
      tpu.yield
    }) : () -> ()
    %add3A_59 = arith.constant 600 : i32
    %add3A_60 = arith.addi %mul3A_8, %add3A_59 : i32
    "tpu.region"() ({
      %run_scoped3A = tpu.sem_alloc : memref<!tpu.dma_semaphore, #tpu.memory_space<semaphore_mem>>
      %dma_start3A = arith.constant 0 : i32
      %dma_start3A_80 = arith.constant 0 : i32
      %dma_start3A_81 = tpu.memref_slice %arg14[%dma_start3A, %dma_start3A_80] : memref<40x144xf32, #tpu.memory_space<vmem>> -> memref<24x144xf32, #tpu.memory_space<vmem>>
      %dma_start3A_82 = arith.constant 0 : i32
      %dma_start3A_83 = tpu.memref_slice %arg7[%add3A_60, %dma_start3A_82] : memref<10000x144xf32, #tpu.memory_space<vmem_shared>> -> memref<24x144xf32, #tpu.memory_space<vmem_shared>>
      %dma_start3A_84 = arith.constant 0 : i32
      %dma_start3A_85 = tpu.memref_slice %arg7[%add3A_60, %dma_start3A_84] : memref<10000x144xf32, #tpu.memory_space<vmem_shared>> -> memref<24x144xf32, #tpu.memory_space<vmem_shared>>
      %dma_start3A_86 = arith.constant 0 : i32
      %dma_start3A_87 = arith.constant 0 : i32
      %dma_start3A_88 = tpu.memref_slice %arg14[%dma_start3A_86, %dma_start3A_87] : memref<40x144xf32, #tpu.memory_space<vmem>> -> memref<24x144xf32, #tpu.memory_space<vmem>>
      tpu.enqueue_dma source(%dma_start3A_88 : memref<24x144xf32, #tpu.memory_space<vmem>>) target(%dma_start3A_85 : memref<24x144xf32, #tpu.memory_space<vmem_shared>>) target_semaphore(%run_scoped3A : memref<!tpu.dma_semaphore, #tpu.memory_space<semaphore_mem>>)
      %dma_wait3A = arith.constant 0 : i32
      %dma_wait3A_89 = arith.constant 0 : i32
      %dma_wait3A_90 = tpu.memref_slice %arg14[%dma_wait3A, %dma_wait3A_89] : memref<40x144xf32, #tpu.memory_space<vmem>> -> memref<24x144xf32, #tpu.memory_space<vmem>>
      %dma_wait3A_91 = arith.constant 0 : i32
      %dma_wait3A_92 = tpu.memref_slice %arg7[%add3A_60, %dma_wait3A_91] : memref<10000x144xf32, #tpu.memory_space<vmem_shared>> -> memref<24x144xf32, #tpu.memory_space<vmem_shared>>
      %dma_wait3A_93 = arith.constant 0 : i32
      %dma_wait3A_94 = tpu.memref_slice %arg7[%add3A_60, %dma_wait3A_93] : memref<10000x144xf32, #tpu.memory_space<vmem_shared>> -> memref<24x144xf32, #tpu.memory_space<vmem_shared>>
      %dma_wait3A_95 = arith.constant 0 : i32
      %dma_wait3A_96 = arith.constant 0 : i32
      %dma_wait3A_97 = tpu.memref_slice %arg14[%dma_wait3A_95, %dma_wait3A_96] : memref<40x144xf32, #tpu.memory_space<vmem>> -> memref<24x144xf32, #tpu.memory_space<vmem>>
      tpu.wait_dma2 semaphore(%run_scoped3A : memref<!tpu.dma_semaphore, #tpu.memory_space<semaphore_mem>>) src(%dma_wait3A_97 : memref<24x144xf32, #tpu.memory_space<vmem>>) dst(%dma_wait3A_94 : memref<24x144xf32, #tpu.memory_space<vmem_shared>>)
      tpu.yield
    }) : () -> ()
    %eq3A = arith.constant 0 : i32
    %eq3A_61 = arith.cmpi eq, %arg1, %eq3A : i32
    %convert_element_type3A = arith.extui %eq3A_61 : i1 to i32
    %cond3A = arith.constant 0 : i32
    %cond3A_62 = arith.cmpi ne, %convert_element_type3A, %cond3A : i32
    scf.if %cond3A_62 {
      "tpu.region"() ({
        %run_scoped3A = tpu.sem_alloc : memref<!tpu.dma_semaphore, #tpu.memory_space<semaphore_mem>>
        %dma_start3A = arith.constant 0 : i32
        %dma_start3A_80 = arith.constant 0 : i32
        %dma_start3A_81 = tpu.memref_slice %arg14[%dma_start3A, %dma_start3A_80] : memref<40x144xf32, #tpu.memory_space<vmem>> -> memref<16x144xf32, #tpu.memory_space<vmem>>
        %dma_start3A_82 = arith.constant 9984 : i32
        %dma_start3A_83 = arith.constant 0 : i32
        %dma_start3A_84 = tpu.memref_slice %arg7[%dma_start3A_82, %dma_start3A_83] : memref<10000x144xf32, #tpu.memory_space<vmem_shared>> -> memref<16x144xf32, #tpu.memory_space<vmem_shared>>
        %dma_start3A_85 = arith.constant 9984 : i32
        %dma_start3A_86 = arith.constant 0 : i32
        %dma_start3A_87 = tpu.memref_slice %arg7[%dma_start3A_85, %dma_start3A_86] : memref<10000x144xf32, #tpu.memory_space<vmem_shared>> -> memref<16x144xf32, #tpu.memory_space<vmem_shared>>
        %dma_start3A_88 = arith.constant 0 : i32
        %dma_start3A_89 = arith.constant 0 : i32
        %dma_start3A_90 = tpu.memref_slice %arg14[%dma_start3A_88, %dma_start3A_89] : memref<40x144xf32, #tpu.memory_space<vmem>> -> memref<16x144xf32, #tpu.memory_space<vmem>>
        tpu.enqueue_dma source(%dma_start3A_90 : memref<16x144xf32, #tpu.memory_space<vmem>>) target(%dma_start3A_87 : memref<16x144xf32, #tpu.memory_space<vmem_shared>>) target_semaphore(%run_scoped3A : memref<!tpu.dma_semaphore, #tpu.memory_space<semaphore_mem>>)
        %dma_wait3A = arith.constant 0 : i32
        %dma_wait3A_91 = arith.constant 0 : i32
        %dma_wait3A_92 = tpu.memref_slice %arg14[%dma_wait3A, %dma_wait3A_91] : memref<40x144xf32, #tpu.memory_space<vmem>> -> memref<16x144xf32, #tpu.memory_space<vmem>>
        %dma_wait3A_93 = arith.constant 9984 : i32
        %dma_wait3A_94 = arith.constant 0 : i32
        %dma_wait3A_95 = tpu.memref_slice %arg7[%dma_wait3A_93, %dma_wait3A_94] : memref<10000x144xf32, #tpu.memory_space<vmem_shared>> -> memref<16x144xf32, #tpu.memory_space<vmem_shared>>
        %dma_wait3A_96 = arith.constant 9984 : i32
        %dma_wait3A_97 = arith.constant 0 : i32
        %dma_wait3A_98 = tpu.memref_slice %arg7[%dma_wait3A_96, %dma_wait3A_97] : memref<10000x144xf32, #tpu.memory_space<vmem_shared>> -> memref<16x144xf32, #tpu.memory_space<vmem_shared>>
        %dma_wait3A_99 = arith.constant 0 : i32
        %dma_wait3A_100 = arith.constant 0 : i32
        %dma_wait3A_101 = tpu.memref_slice %arg14[%dma_wait3A_99, %dma_wait3A_100] : memref<40x144xf32, #tpu.memory_space<vmem>> -> memref<16x144xf32, #tpu.memory_space<vmem>>
        tpu.wait_dma2 semaphore(%run_scoped3A : memref<!tpu.dma_semaphore, #tpu.memory_space<semaphore_mem>>) src(%dma_wait3A_101 : memref<16x144xf32, #tpu.memory_space<vmem>>) dst(%dma_wait3A_98 : memref<16x144xf32, #tpu.memory_space<vmem_shared>>)
        tpu.yield
      }) : () -> ()
    } else {
    }
    %barrier3A = arith.constant 0 : index
    tpu.barrier barrier_id(%barrier3A)
    %iota3A = tpu.iota {dimensions = array<i32: 0>} : vector<16xi32>
    %mul3A_63 = arith.constant 250 : i32
    %mul3A_64 = arith.muli %add3A, %mul3A_63 : i32
    %scan3A_65 = arith.constant 0 : i32
    %scan3A_66 = arith.constant 0 : i32
    %scan3A_67 = arith.constant 5 : i32
    %scan3A_68 = arith.addi %scan3A_66, %scan3A_67 : i32
    %scan3A_69 = arith.constant 1 : i32
    scf.for %scan3A_80 = %scan3A_66 to %scan3A_68 step %scan3A_69  : i32 {
      %mul3A_81 = arith.constant 50 : i32
      %mul3A_82 = arith.muli %scan3A_80, %mul3A_81 : i32
      %add3A_83 = arith.addi %mul3A_64, %mul3A_82 : i32
      "tpu.region"() ({
        %run_scoped3A = tpu.sem_alloc : memref<!tpu.dma_semaphore, #tpu.memory_space<semaphore_mem>>
        %dma_start3A_106 = arith.constant 0 : i32
        %dma_start3A_107 = tpu.memref_slice %arg4[%add3A_83, %dma_start3A_106] : memref<8000x40xi32, #tpu.memory_space<hbm>> -> memref<50x40xi32, #tpu.memory_space<hbm>>
        %dma_start3A_108 = arith.constant 0 : i32
        %dma_start3A_109 = tpu.memref_slice %arg4[%add3A_83, %dma_start3A_108] : memref<8000x40xi32, #tpu.memory_space<hbm>> -> memref<50x40xi32, #tpu.memory_space<hbm>>
        tpu.enqueue_dma source(%dma_start3A_109 : memref<50x40xi32, #tpu.memory_space<hbm>>) target(%arg8 : memref<50x40xi32, #tpu.memory_space<vmem>>) target_semaphore(%run_scoped3A : memref<!tpu.dma_semaphore, #tpu.memory_space<semaphore_mem>>)
        %dma_wait3A = arith.constant 0 : i32
        %dma_wait3A_110 = tpu.memref_slice %arg4[%add3A_83, %dma_wait3A] : memref<8000x40xi32, #tpu.memory_space<hbm>> -> memref<50x40xi32, #tpu.memory_space<hbm>>
        %dma_wait3A_111 = arith.constant 0 : i32
        %dma_wait3A_112 = tpu.memref_slice %arg4[%add3A_83, %dma_wait3A_111] : memref<8000x40xi32, #tpu.memory_space<hbm>> -> memref<50x40xi32, #tpu.memory_space<hbm>>
        tpu.wait_dma2 semaphore(%run_scoped3A : memref<!tpu.dma_semaphore, #tpu.memory_space<semaphore_mem>>) src(%dma_wait3A_112 : memref<50x40xi32, #tpu.memory_space<hbm>>) dst(%arg8 : memref<50x40xi32, #tpu.memory_space<vmem>>)
        tpu.yield
      }) : () -> ()
      %mul3A_84 = arith.constant 50 : i32
      %mul3A_85 = arith.muli %scan3A_80, %mul3A_84 : i32
      %add3A_86 = arith.addi %mul3A_64, %mul3A_85 : i32
      "tpu.region"() ({
        %run_scoped3A = tpu.sem_alloc : memref<!tpu.dma_semaphore, #tpu.memory_space<semaphore_mem>>
        %dma_start3A_106 = arith.constant 0 : i32
        %dma_start3A_107 = tpu.memref_slice %arg5[%add3A_86, %dma_start3A_106] : memref<8000x40xi32, #tpu.memory_space<hbm>> -> memref<50x40xi32, #tpu.memory_space<hbm>>
        %dma_start3A_108 = arith.constant 0 : i32
        %dma_start3A_109 = tpu.memref_slice %arg5[%add3A_86, %dma_start3A_108] : memref<8000x40xi32, #tpu.memory_space<hbm>> -> memref<50x40xi32, #tpu.memory_space<hbm>>
        tpu.enqueue_dma source(%dma_start3A_109 : memref<50x40xi32, #tpu.memory_space<hbm>>) target(%arg9 : memref<50x40xi32, #tpu.memory_space<vmem>>) target_semaphore(%run_scoped3A : memref<!tpu.dma_semaphore, #tpu.memory_space<semaphore_mem>>)
        %dma_wait3A = arith.constant 0 : i32
        %dma_wait3A_110 = tpu.memref_slice %arg5[%add3A_86, %dma_wait3A] : memref<8000x40xi32, #tpu.memory_space<hbm>> -> memref<50x40xi32, #tpu.memory_space<hbm>>
        %dma_wait3A_111 = arith.constant 0 : i32
        %dma_wait3A_112 = tpu.memref_slice %arg5[%add3A_86, %dma_wait3A_111] : memref<8000x40xi32, #tpu.memory_space<hbm>> -> memref<50x40xi32, #tpu.memory_space<hbm>>
        tpu.wait_dma2 semaphore(%run_scoped3A : memref<!tpu.dma_semaphore, #tpu.memory_space<semaphore_mem>>) src(%dma_wait3A_112 : memref<50x40xi32, #tpu.memory_space<hbm>>) dst(%arg9 : memref<50x40xi32, #tpu.memory_space<vmem>>)
        tpu.yield
      }) : () -> ()
      %dma_start3A = arith.constant 0 : i32
      %dma_start3A_87 = arith.constant 0 : i32
      %dma_start3A_88 = tpu.memref_slice %arg8[%dma_start3A, %dma_start3A_87] : memref<50x40xi32, #tpu.memory_space<vmem>> -> memref<1x40xi32, #tpu.memory_space<vmem>>
      %dma_start3A_89 = tpu.memref_squeeze %dma_start3A_88 : memref<1x40xi32, #tpu.memory_space<vmem>> -> memref<40xi32, #tpu.memory_space<vmem>>
      %dma_start3A_90 = arith.constant 0 : i32
      %dma_start3A_91 = arith.constant 0 : i32
      %dma_start3A_92 = tpu.memref_slice %arg2[%dma_start3A_90, %dma_start3A_91] : memref<10000x256xf32, #tpu.memory_space<hbm>> -> memref<10000x256xf32, #tpu.memory_space<hbm>>
      tpu.enqueue_indirect_dma source(%dma_start3A_92 : memref<10000x256xf32, #tpu.memory_space<hbm>>) target(%arg10 : memref<40x256xf32, #tpu.memory_space<vmem>>) offsets(%dma_start3A_89 : memref<40xi32, #tpu.memory_space<vmem>>) semaphore(%arg15 : memref<!tpu.dma_semaphore, #tpu.memory_space<semaphore_mem>>)
      %dma_start3A_93 = arith.constant 0 : i32
      %dma_start3A_94 = arith.constant 0 : i32
      %dma_start3A_95 = tpu.memref_slice %arg9[%dma_start3A_93, %dma_start3A_94] : memref<50x40xi32, #tpu.memory_space<vmem>> -> memref<1x40xi32, #tpu.memory_space<vmem>>
      %dma_start3A_96 = tpu.memref_squeeze %dma_start3A_95 : memref<1x40xi32, #tpu.memory_space<vmem>> -> memref<40xi32, #tpu.memory_space<vmem>>
      %dma_start3A_97 = arith.constant 0 : i32
      %dma_start3A_98 = arith.constant 0 : i32
      %dma_start3A_99 = tpu.memref_slice %arg3[%dma_start3A_97, %dma_start3A_98] : memref<10000x128xf32, #tpu.memory_space<hbm>> -> memref<10000x128xf32, #tpu.memory_space<hbm>>
      tpu.enqueue_indirect_dma source(%dma_start3A_99 : memref<10000x128xf32, #tpu.memory_space<hbm>>) target(%arg11 : memref<40x128xf32, #tpu.memory_space<vmem>>) offsets(%dma_start3A_96 : memref<40xi32, #tpu.memory_space<vmem>>) semaphore(%arg16 : memref<!tpu.dma_semaphore, #tpu.memory_space<semaphore_mem>>)
      %scan3A_100 = arith.constant 0 : i32
      %scan3A_101 = arith.constant 0 : i32
      %scan3A_102 = arith.constant 25 : i32
      %scan3A_103 = arith.addi %scan3A_101, %scan3A_102 : i32
      %scan3A_104 = arith.constant 1 : i32
      scf.for %scan3A_106 = %scan3A_101 to %scan3A_103 step %scan3A_104  : i32 {
        %mul3A_107 = arith.constant 2 : i32
        %mul3A_108 = arith.muli %mul3A_107, %scan3A_106 : i32
        %add3A_109 = arith.constant 1 : i32
        %add3A_110 = arith.addi %mul3A_108, %add3A_109 : i32
        %dma_start3A_111 = arith.constant 0 : i32
        %dma_start3A_112 = tpu.memref_slice %arg8[%add3A_110, %dma_start3A_111] : memref<50x40xi32, #tpu.memory_space<vmem>> -> memref<1x40xi32, #tpu.memory_space<vmem>>
        %dma_start3A_113 = tpu.memref_squeeze %dma_start3A_112 : memref<1x40xi32, #tpu.memory_space<vmem>> -> memref<40xi32, #tpu.memory_space<vmem>>
        %dma_start3A_114 = arith.constant 0 : i32
        %dma_start3A_115 = arith.constant 0 : i32
        %dma_start3A_116 = tpu.memref_slice %arg2[%dma_start3A_114, %dma_start3A_115] : memref<10000x256xf32, #tpu.memory_space<hbm>> -> memref<10000x256xf32, #tpu.memory_space<hbm>>
        tpu.enqueue_indirect_dma source(%dma_start3A_116 : memref<10000x256xf32, #tpu.memory_space<hbm>>) target(%arg12 : memref<40x256xf32, #tpu.memory_space<vmem>>) offsets(%dma_start3A_113 : memref<40xi32, #tpu.memory_space<vmem>>) semaphore(%arg17 : memref<!tpu.dma_semaphore, #tpu.memory_space<semaphore_mem>>)
        %dma_start3A_117 = arith.constant 0 : i32
        %dma_start3A_118 = tpu.memref_slice %arg9[%add3A_110, %dma_start3A_117] : memref<50x40xi32, #tpu.memory_space<vmem>> -> memref<1x40xi32, #tpu.memory_space<vmem>>
        %dma_start3A_119 = tpu.memref_squeeze %dma_start3A_118 : memref<1x40xi32, #tpu.memory_space<vmem>> -> memref<40xi32, #tpu.memory_space<vmem>>
        %dma_start3A_120 = arith.constant 0 : i32
        %dma_start3A_121 = arith.constant 0 : i32
        %dma_start3A_122 = tpu.memref_slice %arg3[%dma_start3A_120, %dma_start3A_121] : memref<10000x128xf32, #tpu.memory_space<hbm>> -> memref<10000x128xf32, #tpu.memory_space<hbm>>
        tpu.enqueue_indirect_dma source(%dma_start3A_122 : memref<10000x128xf32, #tpu.memory_space<hbm>>) target(%arg13 : memref<40x128xf32, #tpu.memory_space<vmem>>) offsets(%dma_start3A_119 : memref<40xi32, #tpu.memory_space<vmem>>) semaphore(%arg18 : memref<!tpu.dma_semaphore, #tpu.memory_space<semaphore_mem>>)
        %mul3A_123 = arith.constant 2 : i32
        %mul3A_124 = arith.muli %mul3A_123, %scan3A_106 : i32
        %dma_wait3A = arith.constant 0 : i32
        %dma_wait3A_125 = tpu.memref_slice %arg8[%mul3A_124, %dma_wait3A] : memref<50x40xi32, #tpu.memory_space<vmem>> -> memref<1x40xi32, #tpu.memory_space<vmem>>
        %dma_wait3A_126 = tpu.memref_squeeze %dma_wait3A_125 : memref<1x40xi32, #tpu.memory_space<vmem>> -> memref<40xi32, #tpu.memory_space<vmem>>
        %dma_wait3A_127 = arith.constant 0 : i32
        %dma_wait3A_128 = arith.constant 0 : i32
        %dma_wait3A_129 = tpu.memref_slice %arg2[%dma_wait3A_127, %dma_wait3A_128] : memref<10000x256xf32, #tpu.memory_space<hbm>> -> memref<10000x256xf32, #tpu.memory_space<hbm>>
        tpu.wait_indirect_dma semaphore(%arg15 : memref<!tpu.dma_semaphore, #tpu.memory_space<semaphore_mem>>) src(%dma_wait3A_129 : memref<10000x256xf32, #tpu.memory_space<hbm>>) dst(%arg10 : memref<40x256xf32, #tpu.memory_space<vmem>>)
        %dma_wait3A_130 = arith.constant 0 : i32
        %dma_wait3A_131 = tpu.memref_slice %arg9[%mul3A_124, %dma_wait3A_130] : memref<50x40xi32, #tpu.memory_space<vmem>> -> memref<1x40xi32, #tpu.memory_space<vmem>>
        %dma_wait3A_132 = tpu.memref_squeeze %dma_wait3A_131 : memref<1x40xi32, #tpu.memory_space<vmem>> -> memref<40xi32, #tpu.memory_space<vmem>>
        %dma_wait3A_133 = arith.constant 0 : i32
        %dma_wait3A_134 = arith.constant 0 : i32
        %dma_wait3A_135 = tpu.memref_slice %arg3[%dma_wait3A_133, %dma_wait3A_134] : memref<10000x128xf32, #tpu.memory_space<hbm>> -> memref<10000x128xf32, #tpu.memory_space<hbm>>
        tpu.wait_indirect_dma semaphore(%arg16 : memref<!tpu.dma_semaphore, #tpu.memory_space<semaphore_mem>>) src(%dma_wait3A_135 : memref<10000x128xf32, #tpu.memory_space<hbm>>) dst(%arg11 : memref<40x128xf32, #tpu.memory_space<vmem>>)
        %parallel_loop3A = arith.constant 0 : i32
        %parallel_loop3A_136 = arith.constant 40 : i32
        %parallel_loop3A_137 = arith.constant 1 : i32
        scf.for %parallel_loop3A_161 = %parallel_loop3A to %parallel_loop3A_136 step %parallel_loop3A_137  : i32 {
          %parallel_loop3A_162 = arith.index_cast %parallel_loop3A_161 : i32 to index
          %parallel_loop3A_163 = arith.constant 0 : index
          %parallel_loop3A_164 = tpu.vector_load %arg10[%parallel_loop3A_162, %parallel_loop3A_163] {strides = array<i32>} : memref<40x256xf32, #tpu.memory_space<vmem>>, vector<16xf32>,
          %parallel_loop3A_165 = arith.index_cast %parallel_loop3A_161 : i32 to index
          %parallel_loop3A_166 = arith.constant 0 : index
          %parallel_loop3A_167 = tpu.vector_load %arg11[%parallel_loop3A_165, %parallel_loop3A_166] {strides = array<i32>} : memref<40x128xf32, #tpu.memory_space<vmem>>, vector<16xf32>,
          %parallel_loop3A_168 = arith.mulf %parallel_loop3A_164, %parallel_loop3A_167 : vector<16xf32>
          %parallel_loop3A_169 = arith.constant true
          %parallel_loop3A_170 = vector.broadcast %parallel_loop3A_169 : i1 to vector<16xi1>
          %parallel_loop3A_171 = tpu.scan <sum>, %parallel_loop3A_168 masked %parallel_loop3A_170 : vector<16xf32>, vector<16xi1> -> vector<16xf32>
          %parallel_loop3A_172 = vector.extract %parallel_loop3A_171[15] : f32 from vector<16xf32>
          %parallel_loop3A_173 = vector.broadcast %parallel_loop3A_172 : f32 to vector<16xf32>
          %parallel_loop3A_174 = math.exp %parallel_loop3A_173 : vector<16xf32>
          %parallel_loop3A_175 = arith.index_cast %parallel_loop3A_161 : i32 to index
          %parallel_loop3A_176 = arith.constant 128 : index
          %parallel_loop3A_177 = tpu.vector_load %arg10[%parallel_loop3A_175, %parallel_loop3A_176] {strides = array<i32>} : memref<40x256xf32, #tpu.memory_space<vmem>>, vector<16xf32>,
          %parallel_loop3A_178 = arith.mulf %parallel_loop3A_174, %parallel_loop3A_177 : vector<16xf32>
          %parallel_loop3A_179 = arith.index_cast %parallel_loop3A_161 : i32 to index
          %parallel_loop3A_180 = arith.constant 0 : index
          %parallel_loop3A_181 = tpu.vector_load %arg14[%parallel_loop3A_179, %parallel_loop3A_180] {strides = array<i32>} : memref<40x144xf32, #tpu.memory_space<vmem>>, vector<16xf32>,
          tpu.vector_store %arg14[%parallel_loop3A_179, %parallel_loop3A_180], %parallel_loop3A_178 {strides = array<i32>} : memref<40x144xf32, #tpu.memory_space<vmem>>, vector<16xf32>,
          %parallel_loop3A_182 = arith.constant 0 : i32
          %parallel_loop3A_183 = vector.broadcast %parallel_loop3A_182 : i32 to vector<16xi32>
          %parallel_loop3A_184 = arith.cmpi eq, %iota3A, %parallel_loop3A_183 : vector<16xi32>
          %parallel_loop3A_185 = arith.select %parallel_loop3A_184, %parallel_loop3A_174, %broadcast_in_dim3A_1 : vector<16xi1>, vector<16xf32>
          %parallel_loop3A_186 = arith.index_cast %parallel_loop3A_161 : i32 to index
          %parallel_loop3A_187 = arith.constant 16 : index
          %parallel_loop3A_188 = tpu.vector_load %arg10[%parallel_loop3A_186, %parallel_loop3A_187] {strides = array<i32>} : memref<40x256xf32, #tpu.memory_space<vmem>>, vector<16xf32>,
          %parallel_loop3A_189 = arith.index_cast %parallel_loop3A_161 : i32 to index
          %parallel_loop3A_190 = arith.constant 16 : index
          %parallel_loop3A_191 = tpu.vector_load %arg11[%parallel_loop3A_189, %parallel_loop3A_190] {strides = array<i32>} : memref<40x128xf32, #tpu.memory_space<vmem>>, vector<16xf32>,
          %parallel_loop3A_192 = arith.mulf %parallel_loop3A_188, %parallel_loop3A_191 : vector<16xf32>
          %parallel_loop3A_193 = arith.constant true
          %parallel_loop3A_194 = vector.broadcast %parallel_loop3A_193 : i1 to vector<16xi1>
          %parallel_loop3A_195 = tpu.scan <sum>, %parallel_loop3A_192 masked %parallel_loop3A_194 : vector<16xf32>, vector<16xi1> -> vector<16xf32>
          %parallel_loop3A_196 = vector.extract %parallel_loop3A_195[15] : f32 from vector<16xf32>
          %parallel_loop3A_197 = vector.broadcast %parallel_loop3A_196 : f32 to vector<16xf32>
          %parallel_loop3A_198 = math.exp %parallel_loop3A_197 : vector<16xf32>
          %parallel_loop3A_199 = arith.index_cast %parallel_loop3A_161 : i32 to index
          %parallel_loop3A_200 = arith.constant 144 : index
          %parallel_loop3A_201 = tpu.vector_load %arg10[%parallel_loop3A_199, %parallel_loop3A_200] {strides = array<i32>} : memref<40x256xf32, #tpu.memory_space<vmem>>, vector<16xf32>,
          %parallel_loop3A_202 = arith.mulf %parallel_loop3A_198, %parallel_loop3A_201 : vector<16xf32>
          %parallel_loop3A_203 = arith.index_cast %parallel_loop3A_161 : i32 to index
          %parallel_loop3A_204 = arith.constant 16 : index
          %parallel_loop3A_205 = tpu.vector_load %arg14[%parallel_loop3A_203, %parallel_loop3A_204] {strides = array<i32>} : memref<40x144xf32, #tpu.memory_space<vmem>>, vector<16xf32>,
          tpu.vector_store %arg14[%parallel_loop3A_203, %parallel_loop3A_204], %parallel_loop3A_202 {strides = array<i32>} : memref<40x144xf32, #tpu.memory_space<vmem>>, vector<16xf32>,
          %parallel_loop3A_206 = arith.constant 1 : i32
          %parallel_loop3A_207 = vector.broadcast %parallel_loop3A_206 : i32 to vector<16xi32>
          %parallel_loop3A_208 = arith.cmpi eq, %iota3A, %parallel_loop3A_207 : vector<16xi32>
          %parallel_loop3A_209 = arith.select %parallel_loop3A_208, %parallel_loop3A_198, %parallel_loop3A_185 : vector<16xi1>, vector<16xf32>
          %parallel_loop3A_210 = arith.index_cast %parallel_loop3A_161 : i32 to index
          %parallel_loop3A_211 = arith.constant 32 : index
          %parallel_loop3A_212 = tpu.vector_load %arg10[%parallel_loop3A_210, %parallel_loop3A_211] {strides = array<i32>} : memref<40x256xf32, #tpu.memory_space<vmem>>, vector<16xf32>,
          %parallel_loop3A_213 = arith.index_cast %parallel_loop3A_161 : i32 to index
          %parallel_loop3A_214 = arith.constant 32 : index
          %parallel_loop3A_215 = tpu.vector_load %arg11[%parallel_loop3A_213, %parallel_loop3A_214] {strides = array<i32>} : memref<40x128xf32, #tpu.memory_space<vmem>>, vector<16xf32>,
          %parallel_loop3A_216 = arith.mulf %parallel_loop3A_212, %parallel_loop3A_215 : vector<16xf32>
          %parallel_loop3A_217 = arith.constant true
          %parallel_loop3A_218 = vector.broadcast %parallel_loop3A_217 : i1 to vector<16xi1>
          %parallel_loop3A_219 = tpu.scan <sum>, %parallel_loop3A_216 masked %parallel_loop3A_218 : vector<16xf32>, vector<16xi1> -> vector<16xf32>
          %parallel_loop3A_220 = vector.extract %parallel_loop3A_219[15] : f32 from vector<16xf32>
          %parallel_loop3A_221 = vector.broadcast %parallel_loop3A_220 : f32 to vector<16xf32>
          %parallel_loop3A_222 = math.exp %parallel_loop3A_221 : vector<16xf32>
          %parallel_loop3A_223 = arith.index_cast %parallel_loop3A_161 : i32 to index
          %parallel_loop3A_224 = arith.constant 160 : index
          %parallel_loop3A_225 = tpu.vector_load %arg10[%parallel_loop3A_223, %parallel_loop3A_224] {strides = array<i32>} : memref<40x256xf32, #tpu.memory_space<vmem>>, vector<16xf32>,
          %parallel_loop3A_226 = arith.mulf %parallel_loop3A_222, %parallel_loop3A_225 : vector<16xf32>
          %parallel_loop3A_227 = arith.index_cast %parallel_loop3A_161 : i32 to index
          %parallel_loop3A_228 = arith.constant 32 : index
          %parallel_loop3A_229 = tpu.vector_load %arg14[%parallel_loop3A_227, %parallel_loop3A_228] {strides = array<i32>} : memref<40x144xf32, #tpu.memory_space<vmem>>, vector<16xf32>,
          tpu.vector_store %arg14[%parallel_loop3A_227, %parallel_loop3A_228], %parallel_loop3A_226 {strides = array<i32>} : memref<40x144xf32, #tpu.memory_space<vmem>>, vector<16xf32>,
          %parallel_loop3A_230 = arith.constant 2 : i32
          %parallel_loop3A_231 = vector.broadcast %parallel_loop3A_230 : i32 to vector<16xi32>
          %parallel_loop3A_232 = arith.cmpi eq, %iota3A, %parallel_loop3A_231 : vector<16xi32>
          %parallel_loop3A_233 = arith.select %parallel_loop3A_232, %parallel_loop3A_222, %parallel_loop3A_209 : vector<16xi1>, vector<16xf32>
          %parallel_loop3A_234 = arith.index_cast %parallel_loop3A_161 : i32 to index
          %parallel_loop3A_235 = arith.constant 48 : index
          %parallel_loop3A_236 = tpu.vector_load %arg10[%parallel_loop3A_234, %parallel_loop3A_235] {strides = array<i32>} : memref<40x256xf32, #tpu.memory_space<vmem>>, vector<16xf32>,
          %parallel_loop3A_237 = arith.index_cast %parallel_loop3A_161 : i32 to index
          %parallel_loop3A_238 = arith.constant 48 : index
          %parallel_loop3A_239 = tpu.vector_load %arg11[%parallel_loop3A_237, %parallel_loop3A_238] {strides = array<i32>} : memref<40x128xf32, #tpu.memory_space<vmem>>, vector<16xf32>,
          %parallel_loop3A_240 = arith.mulf %parallel_loop3A_236, %parallel_loop3A_239 : vector<16xf32>
          %parallel_loop3A_241 = arith.constant true
          %parallel_loop3A_242 = vector.broadcast %parallel_loop3A_241 : i1 to vector<16xi1>
          %parallel_loop3A_243 = tpu.scan <sum>, %parallel_loop3A_240 masked %parallel_loop3A_242 : vector<16xf32>, vector<16xi1> -> vector<16xf32>
          %parallel_loop3A_244 = vector.extract %parallel_loop3A_243[15] : f32 from vector<16xf32>
          %parallel_loop3A_245 = vector.broadcast %parallel_loop3A_244 : f32 to vector<16xf32>
          %parallel_loop3A_246 = math.exp %parallel_loop3A_245 : vector<16xf32>
          %parallel_loop3A_247 = arith.index_cast %parallel_loop3A_161 : i32 to index
          %parallel_loop3A_248 = arith.constant 176 : index
          %parallel_loop3A_249 = tpu.vector_load %arg10[%parallel_loop3A_247, %parallel_loop3A_248] {strides = array<i32>} : memref<40x256xf32, #tpu.memory_space<vmem>>, vector<16xf32>,
          %parallel_loop3A_250 = arith.mulf %parallel_loop3A_246, %parallel_loop3A_249 : vector<16xf32>
          %parallel_loop3A_251 = arith.index_cast %parallel_loop3A_161 : i32 to index
          %parallel_loop3A_252 = arith.constant 48 : index
          %parallel_loop3A_253 = tpu.vector_load %arg14[%parallel_loop3A_251, %parallel_loop3A_252] {strides = array<i32>} : memref<40x144xf32, #tpu.memory_space<vmem>>, vector<16xf32>,
          tpu.vector_store %arg14[%parallel_loop3A_251, %parallel_loop3A_252], %parallel_loop3A_250 {strides = array<i32>} : memref<40x144xf32, #tpu.memory_space<vmem>>, vector<16xf32>,
          %parallel_loop3A_254 = arith.constant 3 : i32
          %parallel_loop3A_255 = vector.broadcast %parallel_loop3A_254 : i32 to vector<16xi32>
          %parallel_loop3A_256 = arith.cmpi eq, %iota3A, %parallel_loop3A_255 : vector<16xi32>
          %parallel_loop3A_257 = arith.select %parallel_loop3A_256, %parallel_loop3A_246, %parallel_loop3A_233 : vector<16xi1>, vector<16xf32>
          %parallel_loop3A_258 = arith.index_cast %parallel_loop3A_161 : i32 to index
          %parallel_loop3A_259 = arith.constant 64 : index
          %parallel_loop3A_260 = tpu.vector_load %arg10[%parallel_loop3A_258, %parallel_loop3A_259] {strides = array<i32>} : memref<40x256xf32, #tpu.memory_space<vmem>>, vector<16xf32>,
          %parallel_loop3A_261 = arith.index_cast %parallel_loop3A_161 : i32 to index
          %parallel_loop3A_262 = arith.constant 64 : index
          %parallel_loop3A_263 = tpu.vector_load %arg11[%parallel_loop3A_261, %parallel_loop3A_262] {strides = array<i32>} : memref<40x128xf32, #tpu.memory_space<vmem>>, vector<16xf32>,
          %parallel_loop3A_264 = arith.mulf %parallel_loop3A_260, %parallel_loop3A_263 : vector<16xf32>
          %parallel_loop3A_265 = arith.constant true
          %parallel_loop3A_266 = vector.broadcast %parallel_loop3A_265 : i1 to vector<16xi1>
          %parallel_loop3A_267 = tpu.scan <sum>, %parallel_loop3A_264 masked %parallel_loop3A_266 : vector<16xf32>, vector<16xi1> -> vector<16xf32>
          %parallel_loop3A_268 = vector.extract %parallel_loop3A_267[15] : f32 from vector<16xf32>
          %parallel_loop3A_269 = vector.broadcast %parallel_loop3A_268 : f32 to vector<16xf32>
          %parallel_loop3A_270 = math.exp %parallel_loop3A_269 : vector<16xf32>
          %parallel_loop3A_271 = arith.index_cast %parallel_loop3A_161 : i32 to index
          %parallel_loop3A_272 = arith.constant 192 : index
          %parallel_loop3A_273 = tpu.vector_load %arg10[%parallel_loop3A_271, %parallel_loop3A_272] {strides = array<i32>} : memref<40x256xf32, #tpu.memory_space<vmem>>, vector<16xf32>,
          %parallel_loop3A_274 = arith.mulf %parallel_loop3A_270, %parallel_loop3A_273 : vector<16xf32>
          %parallel_loop3A_275 = arith.index_cast %parallel_loop3A_161 : i32 to index
          %parallel_loop3A_276 = arith.constant 64 : index
          %parallel_loop3A_277 = tpu.vector_load %arg14[%parallel_loop3A_275, %parallel_loop3A_276] {strides = array<i32>} : memref<40x144xf32, #tpu.memory_space<vmem>>, vector<16xf32>,
          tpu.vector_store %arg14[%parallel_loop3A_275, %parallel_loop3A_276], %parallel_loop3A_274 {strides = array<i32>} : memref<40x144xf32, #tpu.memory_space<vmem>>, vector<16xf32>,
          %parallel_loop3A_278 = arith.constant 4 : i32
          %parallel_loop3A_279 = vector.broadcast %parallel_loop3A_278 : i32 to vector<16xi32>
          %parallel_loop3A_280 = arith.cmpi eq, %iota3A, %parallel_loop3A_279 : vector<16xi32>
          %parallel_loop3A_281 = arith.select %parallel_loop3A_280, %parallel_loop3A_270, %parallel_loop3A_257 : vector<16xi1>, vector<16xf32>
          %parallel_loop3A_282 = arith.index_cast %parallel_loop3A_161 : i32 to index
          %parallel_loop3A_283 = arith.constant 80 : index
          %parallel_loop3A_284 = tpu.vector_load %arg10[%parallel_loop3A_282, %parallel_loop3A_283] {strides = array<i32>} : memref<40x256xf32, #tpu.memory_space<vmem>>, vector<16xf32>,
          %parallel_loop3A_285 = arith.index_cast %parallel_loop3A_161 : i32 to index
          %parallel_loop3A_286 = arith.constant 80 : index
          %parallel_loop3A_287 = tpu.vector_load %arg11[%parallel_loop3A_285, %parallel_loop3A_286] {strides = array<i32>} : memref<40x128xf32, #tpu.memory_space<vmem>>, vector<16xf32>,
          %parallel_loop3A_288 = arith.mulf %parallel_loop3A_284, %parallel_loop3A_287 : vector<16xf32>
          %parallel_loop3A_289 = arith.constant true
          %parallel_loop3A_290 = vector.broadcast %parallel_loop3A_289 : i1 to vector<16xi1>
          %parallel_loop3A_291 = tpu.scan <sum>, %parallel_loop3A_288 masked %parallel_loop3A_290 : vector<16xf32>, vector<16xi1> -> vector<16xf32>
          %parallel_loop3A_292 = vector.extract %parallel_loop3A_291[15] : f32 from vector<16xf32>
          %parallel_loop3A_293 = vector.broadcast %parallel_loop3A_292 : f32 to vector<16xf32>
          %parallel_loop3A_294 = math.exp %parallel_loop3A_293 : vector<16xf32>
          %parallel_loop3A_295 = arith.index_cast %parallel_loop3A_161 : i32 to index
          %parallel_loop3A_296 = arith.constant 208 : index
          %parallel_loop3A_297 = tpu.vector_load %arg10[%parallel_loop3A_295, %parallel_loop3A_296] {strides = array<i32>} : memref<40x256xf32, #tpu.memory_space<vmem>>, vector<16xf32>,
          %parallel_loop3A_298 = arith.mulf %parallel_loop3A_294, %parallel_loop3A_297 : vector<16xf32>
          %parallel_loop3A_299 = arith.index_cast %parallel_loop3A_161 : i32 to index
          %parallel_loop3A_300 = arith.constant 80 : index
          %parallel_loop3A_301 = tpu.vector_load %arg14[%parallel_loop3A_299, %parallel_loop3A_300] {strides = array<i32>} : memref<40x144xf32, #tpu.memory_space<vmem>>, vector<16xf32>,
          tpu.vector_store %arg14[%parallel_loop3A_299, %parallel_loop3A_300], %parallel_loop3A_298 {strides = array<i32>} : memref<40x144xf32, #tpu.memory_space<vmem>>, vector<16xf32>,
          %parallel_loop3A_302 = arith.constant 5 : i32
          %parallel_loop3A_303 = vector.broadcast %parallel_loop3A_302 : i32 to vector<16xi32>
          %parallel_loop3A_304 = arith.cmpi eq, %iota3A, %parallel_loop3A_303 : vector<16xi32>
          %parallel_loop3A_305 = arith.select %parallel_loop3A_304, %parallel_loop3A_294, %parallel_loop3A_281 : vector<16xi1>, vector<16xf32>
          %parallel_loop3A_306 = arith.index_cast %parallel_loop3A_161 : i32 to index
          %parallel_loop3A_307 = arith.constant 96 : index
          %parallel_loop3A_308 = tpu.vector_load %arg10[%parallel_loop3A_306, %parallel_loop3A_307] {strides = array<i32>} : memref<40x256xf32, #tpu.memory_space<vmem>>, vector<16xf32>,
          %parallel_loop3A_309 = arith.index_cast %parallel_loop3A_161 : i32 to index
          %parallel_loop3A_310 = arith.constant 96 : index
          %parallel_loop3A_311 = tpu.vector_load %arg11[%parallel_loop3A_309, %parallel_loop3A_310] {strides = array<i32>} : memref<40x128xf32, #tpu.memory_space<vmem>>, vector<16xf32>,
          %parallel_loop3A_312 = arith.mulf %parallel_loop3A_308, %parallel_loop3A_311 : vector<16xf32>
          %parallel_loop3A_313 = arith.constant true
          %parallel_loop3A_314 = vector.broadcast %parallel_loop3A_313 : i1 to vector<16xi1>
          %parallel_loop3A_315 = tpu.scan <sum>, %parallel_loop3A_312 masked %parallel_loop3A_314 : vector<16xf32>, vector<16xi1> -> vector<16xf32>
          %parallel_loop3A_316 = vector.extract %parallel_loop3A_315[15] : f32 from vector<16xf32>
          %parallel_loop3A_317 = vector.broadcast %parallel_loop3A_316 : f32 to vector<16xf32>
          %parallel_loop3A_318 = math.exp %parallel_loop3A_317 : vector<16xf32>
          %parallel_loop3A_319 = arith.index_cast %parallel_loop3A_161 : i32 to index
          %parallel_loop3A_320 = arith.constant 224 : index
          %parallel_loop3A_321 = tpu.vector_load %arg10[%parallel_loop3A_319, %parallel_loop3A_320] {strides = array<i32>} : memref<40x256xf32, #tpu.memory_space<vmem>>, vector<16xf32>,
          %parallel_loop3A_322 = arith.mulf %parallel_loop3A_318, %parallel_loop3A_321 : vector<16xf32>
          %parallel_loop3A_323 = arith.index_cast %parallel_loop3A_161 : i32 to index
          %parallel_loop3A_324 = arith.constant 96 : index
          %parallel_loop3A_325 = tpu.vector_load %arg14[%parallel_loop3A_323, %parallel_loop3A_324] {strides = array<i32>} : memref<40x144xf32, #tpu.memory_space<vmem>>, vector<16xf32>,
          tpu.vector_store %arg14[%parallel_loop3A_323, %parallel_loop3A_324], %parallel_loop3A_322 {strides = array<i32>} : memref<40x144xf32, #tpu.memory_space<vmem>>, vector<16xf32>,
          %parallel_loop3A_326 = arith.constant 6 : i32
          %parallel_loop3A_327 = vector.broadcast %parallel_loop3A_326 : i32 to vector<16xi32>
          %parallel_loop3A_328 = arith.cmpi eq, %iota3A, %parallel_loop3A_327 : vector<16xi32>
          %parallel_loop3A_329 = arith.select %parallel_loop3A_328, %parallel_loop3A_318, %parallel_loop3A_305 : vector<16xi1>, vector<16xf32>
          %parallel_loop3A_330 = arith.index_cast %parallel_loop3A_161 : i32 to index
          %parallel_loop3A_331 = arith.constant 112 : index
          %parallel_loop3A_332 = tpu.vector_load %arg10[%parallel_loop3A_330, %parallel_loop3A_331] {strides = array<i32>} : memref<40x256xf32, #tpu.memory_space<vmem>>, vector<16xf32>,
          %parallel_loop3A_333 = arith.index_cast %parallel_loop3A_161 : i32 to index
          %parallel_loop3A_334 = arith.constant 112 : index
          %parallel_loop3A_335 = tpu.vector_load %arg11[%parallel_loop3A_333, %parallel_loop3A_334] {strides = array<i32>} : memref<40x128xf32, #tpu.memory_space<vmem>>, vector<16xf32>,
          %parallel_loop3A_336 = arith.mulf %parallel_loop3A_332, %parallel_loop3A_335 : vector<16xf32>
          %parallel_loop3A_337 = arith.constant true
          %parallel_loop3A_338 = vector.broadcast %parallel_loop3A_337 : i1 to vector<16xi1>
          %parallel_loop3A_339 = tpu.scan <sum>, %parallel_loop3A_336 masked %parallel_loop3A_338 : vector<16xf32>, vector<16xi1> -> vector<16xf32>
          %parallel_loop3A_340 = vector.extract %parallel_loop3A_339[15] : f32 from vector<16xf32>
          %parallel_loop3A_341 = vector.broadcast %parallel_loop3A_340 : f32 to vector<16xf32>
          %parallel_loop3A_342 = math.exp %parallel_loop3A_341 : vector<16xf32>
          %parallel_loop3A_343 = arith.index_cast %parallel_loop3A_161 : i32 to index
          %parallel_loop3A_344 = arith.constant 240 : index
          %parallel_loop3A_345 = tpu.vector_load %arg10[%parallel_loop3A_343, %parallel_loop3A_344] {strides = array<i32>} : memref<40x256xf32, #tpu.memory_space<vmem>>, vector<16xf32>,
          %parallel_loop3A_346 = arith.mulf %parallel_loop3A_342, %parallel_loop3A_345 : vector<16xf32>
          %parallel_loop3A_347 = arith.index_cast %parallel_loop3A_161 : i32 to index
          %parallel_loop3A_348 = arith.constant 112 : index
          %parallel_loop3A_349 = tpu.vector_load %arg14[%parallel_loop3A_347, %parallel_loop3A_348] {strides = array<i32>} : memref<40x144xf32, #tpu.memory_space<vmem>>, vector<16xf32>,
          tpu.vector_store %arg14[%parallel_loop3A_347, %parallel_loop3A_348], %parallel_loop3A_346 {strides = array<i32>} : memref<40x144xf32, #tpu.memory_space<vmem>>, vector<16xf32>,
          %parallel_loop3A_350 = arith.constant 7 : i32
          %parallel_loop3A_351 = vector.broadcast %parallel_loop3A_350 : i32 to vector<16xi32>
          %parallel_loop3A_352 = arith.cmpi eq, %iota3A, %parallel_loop3A_351 : vector<16xi32>
          %parallel_loop3A_353 = arith.select %parallel_loop3A_352, %parallel_loop3A_342, %parallel_loop3A_329 : vector<16xi1>, vector<16xf32>
          %parallel_loop3A_354 = arith.index_cast %parallel_loop3A_161 : i32 to index
          %parallel_loop3A_355 = arith.constant 128 : index
          %parallel_loop3A_356 = tpu.vector_load %arg14[%parallel_loop3A_354, %parallel_loop3A_355] {strides = array<i32>} : memref<40x144xf32, #tpu.memory_space<vmem>>, vector<16xf32>,
          tpu.vector_store %arg14[%parallel_loop3A_354, %parallel_loop3A_355], %parallel_loop3A_353 {strides = array<i32>} : memref<40x144xf32, #tpu.memory_space<vmem>>, vector<16xf32>,
        } {sc.loop_unroll_factor = 2 : i64, sc.parallel_access}
        "tpu.region"() ({
          %run_scoped3A = tpu.sem_alloc : memref<!tpu.dma_semaphore, #tpu.memory_space<semaphore_mem>>
          %dma_start3A_161 = arith.constant 0 : i32
          %dma_start3A_162 = tpu.memref_slice %arg9[%mul3A_124, %dma_start3A_161] : memref<50x40xi32, #tpu.memory_space<vmem>> -> memref<1x40xi32, #tpu.memory_space<vmem>>
          %dma_start3A_163 = tpu.memref_squeeze %dma_start3A_162 : memref<1x40xi32, #tpu.memory_space<vmem>> -> memref<40xi32, #tpu.memory_space<vmem>>
          %dma_start3A_164 = arith.constant 0 : i32
          %dma_start3A_165 = arith.constant 0 : i32
          %dma_start3A_166 = tpu.memref_slice %arg7[%dma_start3A_164, %dma_start3A_165] : memref<10000x144xf32, #tpu.memory_space<vmem_shared>> -> memref<10000x144xf32, #tpu.memory_space<vmem_shared>>
          tpu.enqueue_indirect_dma source(%arg14 : memref<40x144xf32, #tpu.memory_space<vmem>>) target(%dma_start3A_166 : memref<10000x144xf32, #tpu.memory_space<vmem_shared>>) offsets(%dma_start3A_163 : memref<40xi32, #tpu.memory_space<vmem>>) semaphore(%run_scoped3A : memref<!tpu.dma_semaphore, #tpu.memory_space<semaphore_mem>>) {add = true}
          %dma_wait3A_167 = arith.constant 0 : i32
          %dma_wait3A_168 = tpu.memref_slice %arg9[%mul3A_124, %dma_wait3A_167] : memref<50x40xi32, #tpu.memory_space<vmem>> -> memref<1x40xi32, #tpu.memory_space<vmem>>
          %dma_wait3A_169 = tpu.memref_squeeze %dma_wait3A_168 : memref<1x40xi32, #tpu.memory_space<vmem>> -> memref<40xi32, #tpu.memory_space<vmem>>
          %dma_wait3A_170 = arith.constant 0 : i32
          %dma_wait3A_171 = arith.constant 0 : i32
          %dma_wait3A_172 = tpu.memref_slice %arg7[%dma_wait3A_170, %dma_wait3A_171] : memref<10000x144xf32, #tpu.memory_space<vmem_shared>> -> memref<10000x144xf32, #tpu.memory_space<vmem_shared>>
          tpu.wait_indirect_dma semaphore(%run_scoped3A : memref<!tpu.dma_semaphore, #tpu.memory_space<semaphore_mem>>) src(%arg14 : memref<40x144xf32, #tpu.memory_space<vmem>>) dst(%dma_wait3A_172 : memref<10000x144xf32, #tpu.memory_space<vmem_shared>>)
          tpu.yield
        }) : () -> ()
        %lt3A = arith.constant 24 : i32
        %lt3A_138 = arith.cmpi slt, %scan3A_106, %lt3A : i32
        %convert_element_type3A_139 = arith.extui %lt3A_138 : i1 to i32
        %cond3A_140 = arith.constant 0 : i32
        %cond3A_141 = arith.cmpi ne, %convert_element_type3A_139, %cond3A_140 : i32
        scf.if %cond3A_141 {
          %mul3A_161 = arith.constant 2 : i32
          %mul3A_162 = arith.muli %mul3A_161, %scan3A_106 : i32
          %add3A_163 = arith.constant 2 : i32
          %add3A_164 = arith.addi %mul3A_162, %add3A_163 : i32
          %dma_start3A_165 = arith.constant 0 : i32
          %dma_start3A_166 = tpu.memref_slice %arg8[%add3A_164, %dma_start3A_165] : memref<50x40xi32, #tpu.memory_space<vmem>> -> memref<1x40xi32, #tpu.memory_space<vmem>>
          %dma_start3A_167 = tpu.memref_squeeze %dma_start3A_166 : memref<1x40xi32, #tpu.memory_space<vmem>> -> memref<40xi32, #tpu.memory_space<vmem>>
          %dma_start3A_168 = arith.constant 0 : i32
          %dma_start3A_169 = arith.constant 0 : i32
          %dma_start3A_170 = tpu.memref_slice %arg2[%dma_start3A_168, %dma_start3A_169] : memref<10000x256xf32, #tpu.memory_space<hbm>> -> memref<10000x256xf32, #tpu.memory_space<hbm>>
          tpu.enqueue_indirect_dma source(%dma_start3A_170 : memref<10000x256xf32, #tpu.memory_space<hbm>>) target(%arg10 : memref<40x256xf32, #tpu.memory_space<vmem>>) offsets(%dma_start3A_167 : memref<40xi32, #tpu.memory_space<vmem>>) semaphore(%arg15 : memref<!tpu.dma_semaphore, #tpu.memory_space<semaphore_mem>>)
          %dma_start3A_171 = arith.constant 0 : i32
          %dma_start3A_172 = tpu.memref_slice %arg9[%add3A_164, %dma_start3A_171] : memref<50x40xi32, #tpu.memory_space<vmem>> -> memref<1x40xi32, #tpu.memory_space<vmem>>
          %dma_start3A_173 = tpu.memref_squeeze %dma_start3A_172 : memref<1x40xi32, #tpu.memory_space<vmem>> -> memref<40xi32, #tpu.memory_space<vmem>>
          %dma_start3A_174 = arith.constant 0 : i32
          %dma_start3A_175 = arith.constant 0 : i32
          %dma_start3A_176 = tpu.memref_slice %arg3[%dma_start3A_174, %dma_start3A_175] : memref<10000x128xf32, #tpu.memory_space<hbm>> -> memref<10000x128xf32, #tpu.memory_space<hbm>>
          tpu.enqueue_indirect_dma source(%dma_start3A_176 : memref<10000x128xf32, #tpu.memory_space<hbm>>) target(%arg11 : memref<40x128xf32, #tpu.memory_space<vmem>>) offsets(%dma_start3A_173 : memref<40xi32, #tpu.memory_space<vmem>>) semaphore(%arg16 : memref<!tpu.dma_semaphore, #tpu.memory_space<semaphore_mem>>)
        } else {
        }
        %mul3A_142 = arith.constant 2 : i32
        %mul3A_143 = arith.muli %mul3A_142, %scan3A_106 : i32
        %add3A_144 = arith.constant 1 : i32
        %add3A_145 = arith.addi %mul3A_143, %add3A_144 : i32
        %dma_wait3A_146 = arith.constant 0 : i32
        %dma_wait3A_147 = tpu.memref_slice %arg8[%add3A_145, %dma_wait3A_146] : memref<50x40xi32, #tpu.memory_space<vmem>> -> memref<1x40xi32, #tpu.memory_space<vmem>>
        %dma_wait3A_148 = tpu.memref_squeeze %dma_wait3A_147 : memref<1x40xi32, #tpu.memory_space<vmem>> -> memref<40xi32, #tpu.memory_space<vmem>>
        %dma_wait3A_149 = arith.constant 0 : i32
        %dma_wait3A_150 = arith.constant 0 : i32
        %dma_wait3A_151 = tpu.memref_slice %arg2[%dma_wait3A_149, %dma_wait3A_150] : memref<10000x256xf32, #tpu.memory_space<hbm>> -> memref<10000x256xf32, #tpu.memory_space<hbm>>
        tpu.wait_indirect_dma semaphore(%arg17 : memref<!tpu.dma_semaphore, #tpu.memory_space<semaphore_mem>>) src(%dma_wait3A_151 : memref<10000x256xf32, #tpu.memory_space<hbm>>) dst(%arg12 : memref<40x256xf32, #tpu.memory_space<vmem>>)
        %dma_wait3A_152 = arith.constant 0 : i32
        %dma_wait3A_153 = tpu.memref_slice %arg9[%add3A_145, %dma_wait3A_152] : memref<50x40xi32, #tpu.memory_space<vmem>> -> memref<1x40xi32, #tpu.memory_space<vmem>>
        %dma_wait3A_154 = tpu.memref_squeeze %dma_wait3A_153 : memref<1x40xi32, #tpu.memory_space<vmem>> -> memref<40xi32, #tpu.memory_space<vmem>>
        %dma_wait3A_155 = arith.constant 0 : i32
        %dma_wait3A_156 = arith.constant 0 : i32
        %dma_wait3A_157 = tpu.memref_slice %arg3[%dma_wait3A_155, %dma_wait3A_156] : memref<10000x128xf32, #tpu.memory_space<hbm>> -> memref<10000x128xf32, #tpu.memory_space<hbm>>
        tpu.wait_indirect_dma semaphore(%arg18 : memref<!tpu.dma_semaphore, #tpu.memory_space<semaphore_mem>>) src(%dma_wait3A_157 : memref<10000x128xf32, #tpu.memory_space<hbm>>) dst(%arg13 : memref<40x128xf32, #tpu.memory_space<vmem>>)
        %parallel_loop3A_158 = arith.constant 0 : i32
        %parallel_loop3A_159 = arith.constant 40 : i32
        %parallel_loop3A_160 = arith.constant 1 : i32
        scf.for %parallel_loop3A_161 = %parallel_loop3A_158 to %parallel_loop3A_159 step %parallel_loop3A_160  : i32 {
          %parallel_loop3A_162 = arith.index_cast %parallel_loop3A_161 : i32 to index
          %parallel_loop3A_163 = arith.constant 0 : index
          %parallel_loop3A_164 = tpu.vector_load %arg12[%parallel_loop3A_162, %parallel_loop3A_163] {strides = array<i32>} : memref<40x256xf32, #tpu.memory_space<vmem>>, vector<16xf32>,
          %parallel_loop3A_165 = arith.index_cast %parallel_loop3A_161 : i32 to index
          %parallel_loop3A_166 = arith.constant 0 : index
          %parallel_loop3A_167 = tpu.vector_load %arg13[%parallel_loop3A_165, %parallel_loop3A_166] {strides = array<i32>} : memref<40x128xf32, #tpu.memory_space<vmem>>, vector<16xf32>,
          %parallel_loop3A_168 = arith.mulf %parallel_loop3A_164, %parallel_loop3A_167 : vector<16xf32>
          %parallel_loop3A_169 = arith.constant true
          %parallel_loop3A_170 = vector.broadcast %parallel_loop3A_169 : i1 to vector<16xi1>
          %parallel_loop3A_171 = tpu.scan <sum>, %parallel_loop3A_168 masked %parallel_loop3A_170 : vector<16xf32>, vector<16xi1> -> vector<16xf32>
          %parallel_loop3A_172 = vector.extract %parallel_loop3A_171[15] : f32 from vector<16xf32>
          %parallel_loop3A_173 = vector.broadcast %parallel_loop3A_172 : f32 to vector<16xf32>
          %parallel_loop3A_174 = math.exp %parallel_loop3A_173 : vector<16xf32>
          %parallel_loop3A_175 = arith.index_cast %parallel_loop3A_161 : i32 to index
          %parallel_loop3A_176 = arith.constant 128 : index
          %parallel_loop3A_177 = tpu.vector_load %arg12[%parallel_loop3A_175, %parallel_loop3A_176] {strides = array<i32>} : memref<40x256xf32, #tpu.memory_space<vmem>>, vector<16xf32>,
          %parallel_loop3A_178 = arith.mulf %parallel_loop3A_174, %parallel_loop3A_177 : vector<16xf32>
          %parallel_loop3A_179 = arith.index_cast %parallel_loop3A_161 : i32 to index
          %parallel_loop3A_180 = arith.constant 0 : index
          %parallel_loop3A_181 = tpu.vector_load %arg14[%parallel_loop3A_179, %parallel_loop3A_180] {strides = array<i32>} : memref<40x144xf32, #tpu.memory_space<vmem>>, vector<16xf32>,
          tpu.vector_store %arg14[%parallel_loop3A_179, %parallel_loop3A_180], %parallel_loop3A_178 {strides = array<i32>} : memref<40x144xf32, #tpu.memory_space<vmem>>, vector<16xf32>,
          %parallel_loop3A_182 = arith.constant 0 : i32
          %parallel_loop3A_183 = vector.broadcast %parallel_loop3A_182 : i32 to vector<16xi32>
          %parallel_loop3A_184 = arith.cmpi eq, %iota3A, %parallel_loop3A_183 : vector<16xi32>
          %parallel_loop3A_185 = arith.select %parallel_loop3A_184, %parallel_loop3A_174, %broadcast_in_dim3A_1 : vector<16xi1>, vector<16xf32>
          %parallel_loop3A_186 = arith.index_cast %parallel_loop3A_161 : i32 to index
          %parallel_loop3A_187 = arith.constant 16 : index
          %parallel_loop3A_188 = tpu.vector_load %arg12[%parallel_loop3A_186, %parallel_loop3A_187] {strides = array<i32>} : memref<40x256xf32, #tpu.memory_space<vmem>>, vector<16xf32>,
          %parallel_loop3A_189 = arith.index_cast %parallel_loop3A_161 : i32 to index
          %parallel_loop3A_190 = arith.constant 16 : index
          %parallel_loop3A_191 = tpu.vector_load %arg13[%parallel_loop3A_189, %parallel_loop3A_190] {strides = array<i32>} : memref<40x128xf32, #tpu.memory_space<vmem>>, vector<16xf32>,
          %parallel_loop3A_192 = arith.mulf %parallel_loop3A_188, %parallel_loop3A_191 : vector<16xf32>
          %parallel_loop3A_193 = arith.constant true
          %parallel_loop3A_194 = vector.broadcast %parallel_loop3A_193 : i1 to vector<16xi1>
          %parallel_loop3A_195 = tpu.scan <sum>, %parallel_loop3A_192 masked %parallel_loop3A_194 : vector<16xf32>, vector<16xi1> -> vector<16xf32>
          %parallel_loop3A_196 = vector.extract %parallel_loop3A_195[15] : f32 from vector<16xf32>
          %parallel_loop3A_197 = vector.broadcast %parallel_loop3A_196 : f32 to vector<16xf32>
          %parallel_loop3A_198 = math.exp %parallel_loop3A_197 : vector<16xf32>
          %parallel_loop3A_199 = arith.index_cast %parallel_loop3A_161 : i32 to index
          %parallel_loop3A_200 = arith.constant 144 : index
          %parallel_loop3A_201 = tpu.vector_load %arg12[%parallel_loop3A_199, %parallel_loop3A_200] {strides = array<i32>} : memref<40x256xf32, #tpu.memory_space<vmem>>, vector<16xf32>,
          %parallel_loop3A_202 = arith.mulf %parallel_loop3A_198, %parallel_loop3A_201 : vector<16xf32>
          %parallel_loop3A_203 = arith.index_cast %parallel_loop3A_161 : i32 to index
          %parallel_loop3A_204 = arith.constant 16 : index
          %parallel_loop3A_205 = tpu.vector_load %arg14[%parallel_loop3A_203, %parallel_loop3A_204] {strides = array<i32>} : memref<40x144xf32, #tpu.memory_space<vmem>>, vector<16xf32>,
          tpu.vector_store %arg14[%parallel_loop3A_203, %parallel_loop3A_204], %parallel_loop3A_202 {strides = array<i32>} : memref<40x144xf32, #tpu.memory_space<vmem>>, vector<16xf32>,
          %parallel_loop3A_206 = arith.constant 1 : i32
          %parallel_loop3A_207 = vector.broadcast %parallel_loop3A_206 : i32 to vector<16xi32>
          %parallel_loop3A_208 = arith.cmpi eq, %iota3A, %parallel_loop3A_207 : vector<16xi32>
          %parallel_loop3A_209 = arith.select %parallel_loop3A_208, %parallel_loop3A_198, %parallel_loop3A_185 : vector<16xi1>, vector<16xf32>
          %parallel_loop3A_210 = arith.index_cast %parallel_loop3A_161 : i32 to index
          %parallel_loop3A_211 = arith.constant 32 : index
          %parallel_loop3A_212 = tpu.vector_load %arg12[%parallel_loop3A_210, %parallel_loop3A_211] {strides = array<i32>} : memref<40x256xf32, #tpu.memory_space<vmem>>, vector<16xf32>,
          %parallel_loop3A_213 = arith.index_cast %parallel_loop3A_161 : i32 to index
          %parallel_loop3A_214 = arith.constant 32 : index
          %parallel_loop3A_215 = tpu.vector_load %arg13[%parallel_loop3A_213, %parallel_loop3A_214] {strides = array<i32>} : memref<40x128xf32, #tpu.memory_space<vmem>>, vector<16xf32>,
          %parallel_loop3A_216 = arith.mulf %parallel_loop3A_212, %parallel_loop3A_215 : vector<16xf32>
          %parallel_loop3A_217 = arith.constant true
          %parallel_loop3A_218 = vector.broadcast %parallel_loop3A_217 : i1 to vector<16xi1>
          %parallel_loop3A_219 = tpu.scan <sum>, %parallel_loop3A_216 masked %parallel_loop3A_218 : vector<16xf32>, vector<16xi1> -> vector<16xf32>
          %parallel_loop3A_220 = vector.extract %parallel_loop3A_219[15] : f32 from vector<16xf32>
          %parallel_loop3A_221 = vector.broadcast %parallel_loop3A_220 : f32 to vector<16xf32>
          %parallel_loop3A_222 = math.exp %parallel_loop3A_221 : vector<16xf32>
          %parallel_loop3A_223 = arith.index_cast %parallel_loop3A_161 : i32 to index
          %parallel_loop3A_224 = arith.constant 160 : index
          %parallel_loop3A_225 = tpu.vector_load %arg12[%parallel_loop3A_223, %parallel_loop3A_224] {strides = array<i32>} : memref<40x256xf32, #tpu.memory_space<vmem>>, vector<16xf32>,
          %parallel_loop3A_226 = arith.mulf %parallel_loop3A_222, %parallel_loop3A_225 : vector<16xf32>
          %parallel_loop3A_227 = arith.index_cast %parallel_loop3A_161 : i32 to index
          %parallel_loop3A_228 = arith.constant 32 : index
          %parallel_loop3A_229 = tpu.vector_load %arg14[%parallel_loop3A_227, %parallel_loop3A_228] {strides = array<i32>} : memref<40x144xf32, #tpu.memory_space<vmem>>, vector<16xf32>,
          tpu.vector_store %arg14[%parallel_loop3A_227, %parallel_loop3A_228], %parallel_loop3A_226 {strides = array<i32>} : memref<40x144xf32, #tpu.memory_space<vmem>>, vector<16xf32>,
          %parallel_loop3A_230 = arith.constant 2 : i32
          %parallel_loop3A_231 = vector.broadcast %parallel_loop3A_230 : i32 to vector<16xi32>
          %parallel_loop3A_232 = arith.cmpi eq, %iota3A, %parallel_loop3A_231 : vector<16xi32>
          %parallel_loop3A_233 = arith.select %parallel_loop3A_232, %parallel_loop3A_222, %parallel_loop3A_209 : vector<16xi1>, vector<16xf32>
          %parallel_loop3A_234 = arith.index_cast %parallel_loop3A_161 : i32 to index
          %parallel_loop3A_235 = arith.constant 48 : index
          %parallel_loop3A_236 = tpu.vector_load %arg12[%parallel_loop3A_234, %parallel_loop3A_235] {strides = array<i32>} : memref<40x256xf32, #tpu.memory_space<vmem>>, vector<16xf32>,
          %parallel_loop3A_237 = arith.index_cast %parallel_loop3A_161 : i32 to index
          %parallel_loop3A_238 = arith.constant 48 : index
          %parallel_loop3A_239 = tpu.vector_load %arg13[%parallel_loop3A_237, %parallel_loop3A_238] {strides = array<i32>} : memref<40x128xf32, #tpu.memory_space<vmem>>, vector<16xf32>,
          %parallel_loop3A_240 = arith.mulf %parallel_loop3A_236, %parallel_loop3A_239 : vector<16xf32>
          %parallel_loop3A_241 = arith.constant true
          %parallel_loop3A_242 = vector.broadcast %parallel_loop3A_241 : i1 to vector<16xi1>
          %parallel_loop3A_243 = tpu.scan <sum>, %parallel_loop3A_240 masked %parallel_loop3A_242 : vector<16xf32>, vector<16xi1> -> vector<16xf32>
          %parallel_loop3A_244 = vector.extract %parallel_loop3A_243[15] : f32 from vector<16xf32>
          %parallel_loop3A_245 = vector.broadcast %parallel_loop3A_244 : f32 to vector<16xf32>
          %parallel_loop3A_246 = math.exp %parallel_loop3A_245 : vector<16xf32>
          %parallel_loop3A_247 = arith.index_cast %parallel_loop3A_161 : i32 to index
          %parallel_loop3A_248 = arith.constant 176 : index
          %parallel_loop3A_249 = tpu.vector_load %arg12[%parallel_loop3A_247, %parallel_loop3A_248] {strides = array<i32>} : memref<40x256xf32, #tpu.memory_space<vmem>>, vector<16xf32>,
          %parallel_loop3A_250 = arith.mulf %parallel_loop3A_246, %parallel_loop3A_249 : vector<16xf32>
          %parallel_loop3A_251 = arith.index_cast %parallel_loop3A_161 : i32 to index
          %parallel_loop3A_252 = arith.constant 48 : index
          %parallel_loop3A_253 = tpu.vector_load %arg14[%parallel_loop3A_251, %parallel_loop3A_252] {strides = array<i32>} : memref<40x144xf32, #tpu.memory_space<vmem>>, vector<16xf32>,
          tpu.vector_store %arg14[%parallel_loop3A_251, %parallel_loop3A_252], %parallel_loop3A_250 {strides = array<i32>} : memref<40x144xf32, #tpu.memory_space<vmem>>, vector<16xf32>,
          %parallel_loop3A_254 = arith.constant 3 : i32
          %parallel_loop3A_255 = vector.broadcast %parallel_loop3A_254 : i32 to vector<16xi32>
          %parallel_loop3A_256 = arith.cmpi eq, %iota3A, %parallel_loop3A_255 : vector<16xi32>
          %parallel_loop3A_257 = arith.select %parallel_loop3A_256, %parallel_loop3A_246, %parallel_loop3A_233 : vector<16xi1>, vector<16xf32>
          %parallel_loop3A_258 = arith.index_cast %parallel_loop3A_161 : i32 to index
          %parallel_loop3A_259 = arith.constant 64 : index
          %parallel_loop3A_260 = tpu.vector_load %arg12[%parallel_loop3A_258, %parallel_loop3A_259] {strides = array<i32>} : memref<40x256xf32, #tpu.memory_space<vmem>>, vector<16xf32>,
          %parallel_loop3A_261 = arith.index_cast %parallel_loop3A_161 : i32 to index
          %parallel_loop3A_262 = arith.constant 64 : index
          %parallel_loop3A_263 = tpu.vector_load %arg13[%parallel_loop3A_261, %parallel_loop3A_262] {strides = array<i32>} : memref<40x128xf32, #tpu.memory_space<vmem>>, vector<16xf32>,
          %parallel_loop3A_264 = arith.mulf %parallel_loop3A_260, %parallel_loop3A_263 : vector<16xf32>
          %parallel_loop3A_265 = arith.constant true
          %parallel_loop3A_266 = vector.broadcast %parallel_loop3A_265 : i1 to vector<16xi1>
          %parallel_loop3A_267 = tpu.scan <sum>, %parallel_loop3A_264 masked %parallel_loop3A_266 : vector<16xf32>, vector<16xi1> -> vector<16xf32>
          %parallel_loop3A_268 = vector.extract %parallel_loop3A_267[15] : f32 from vector<16xf32>
          %parallel_loop3A_269 = vector.broadcast %parallel_loop3A_268 : f32 to vector<16xf32>
          %parallel_loop3A_270 = math.exp %parallel_loop3A_269 : vector<16xf32>
          %parallel_loop3A_271 = arith.index_cast %parallel_loop3A_161 : i32 to index
          %parallel_loop3A_272 = arith.constant 192 : index
          %parallel_loop3A_273 = tpu.vector_load %arg12[%parallel_loop3A_271, %parallel_loop3A_272] {strides = array<i32>} : memref<40x256xf32, #tpu.memory_space<vmem>>, vector<16xf32>,
          %parallel_loop3A_274 = arith.mulf %parallel_loop3A_270, %parallel_loop3A_273 : vector<16xf32>
          %parallel_loop3A_275 = arith.index_cast %parallel_loop3A_161 : i32 to index
          %parallel_loop3A_276 = arith.constant 64 : index
          %parallel_loop3A_277 = tpu.vector_load %arg14[%parallel_loop3A_275, %parallel_loop3A_276] {strides = array<i32>} : memref<40x144xf32, #tpu.memory_space<vmem>>, vector<16xf32>,
          tpu.vector_store %arg14[%parallel_loop3A_275, %parallel_loop3A_276], %parallel_loop3A_274 {strides = array<i32>} : memref<40x144xf32, #tpu.memory_space<vmem>>, vector<16xf32>,
          %parallel_loop3A_278 = arith.constant 4 : i32
          %parallel_loop3A_279 = vector.broadcast %parallel_loop3A_278 : i32 to vector<16xi32>
          %parallel_loop3A_280 = arith.cmpi eq, %iota3A, %parallel_loop3A_279 : vector<16xi32>
          %parallel_loop3A_281 = arith.select %parallel_loop3A_280, %parallel_loop3A_270, %parallel_loop3A_257 : vector<16xi1>, vector<16xf32>
          %parallel_loop3A_282 = arith.index_cast %parallel_loop3A_161 : i32 to index
          %parallel_loop3A_283 = arith.constant 80 : index
          %parallel_loop3A_284 = tpu.vector_load %arg12[%parallel_loop3A_282, %parallel_loop3A_283] {strides = array<i32>} : memref<40x256xf32, #tpu.memory_space<vmem>>, vector<16xf32>,
          %parallel_loop3A_285 = arith.index_cast %parallel_loop3A_161 : i32 to index
          %parallel_loop3A_286 = arith.constant 80 : index
          %parallel_loop3A_287 = tpu.vector_load %arg13[%parallel_loop3A_285, %parallel_loop3A_286] {strides = array<i32>} : memref<40x128xf32, #tpu.memory_space<vmem>>, vector<16xf32>,
          %parallel_loop3A_288 = arith.mulf %parallel_loop3A_284, %parallel_loop3A_287 : vector<16xf32>
          %parallel_loop3A_289 = arith.constant true
          %parallel_loop3A_290 = vector.broadcast %parallel_loop3A_289 : i1 to vector<16xi1>
          %parallel_loop3A_291 = tpu.scan <sum>, %parallel_loop3A_288 masked %parallel_loop3A_290 : vector<16xf32>, vector<16xi1> -> vector<16xf32>
          %parallel_loop3A_292 = vector.extract %parallel_loop3A_291[15] : f32 from vector<16xf32>
          %parallel_loop3A_293 = vector.broadcast %parallel_loop3A_292 : f32 to vector<16xf32>
          %parallel_loop3A_294 = math.exp %parallel_loop3A_293 : vector<16xf32>
          %parallel_loop3A_295 = arith.index_cast %parallel_loop3A_161 : i32 to index
          %parallel_loop3A_296 = arith.constant 208 : index
          %parallel_loop3A_297 = tpu.vector_load %arg12[%parallel_loop3A_295, %parallel_loop3A_296] {strides = array<i32>} : memref<40x256xf32, #tpu.memory_space<vmem>>, vector<16xf32>,
          %parallel_loop3A_298 = arith.mulf %parallel_loop3A_294, %parallel_loop3A_297 : vector<16xf32>
          %parallel_loop3A_299 = arith.index_cast %parallel_loop3A_161 : i32 to index
          %parallel_loop3A_300 = arith.constant 80 : index
          %parallel_loop3A_301 = tpu.vector_load %arg14[%parallel_loop3A_299, %parallel_loop3A_300] {strides = array<i32>} : memref<40x144xf32, #tpu.memory_space<vmem>>, vector<16xf32>,
          tpu.vector_store %arg14[%parallel_loop3A_299, %parallel_loop3A_300], %parallel_loop3A_298 {strides = array<i32>} : memref<40x144xf32, #tpu.memory_space<vmem>>, vector<16xf32>,
          %parallel_loop3A_302 = arith.constant 5 : i32
          %parallel_loop3A_303 = vector.broadcast %parallel_loop3A_302 : i32 to vector<16xi32>
          %parallel_loop3A_304 = arith.cmpi eq, %iota3A, %parallel_loop3A_303 : vector<16xi32>
          %parallel_loop3A_305 = arith.select %parallel_loop3A_304, %parallel_loop3A_294, %parallel_loop3A_281 : vector<16xi1>, vector<16xf32>
          %parallel_loop3A_306 = arith.index_cast %parallel_loop3A_161 : i32 to index
          %parallel_loop3A_307 = arith.constant 96 : index
          %parallel_loop3A_308 = tpu.vector_load %arg12[%parallel_loop3A_306, %parallel_loop3A_307] {strides = array<i32>} : memref<40x256xf32, #tpu.memory_space<vmem>>, vector<16xf32>,
          %parallel_loop3A_309 = arith.index_cast %parallel_loop3A_161 : i32 to index
          %parallel_loop3A_310 = arith.constant 96 : index
          %parallel_loop3A_311 = tpu.vector_load %arg13[%parallel_loop3A_309, %parallel_loop3A_310] {strides = array<i32>} : memref<40x128xf32, #tpu.memory_space<vmem>>, vector<16xf32>,
          %parallel_loop3A_312 = arith.mulf %parallel_loop3A_308, %parallel_loop3A_311 : vector<16xf32>
          %parallel_loop3A_313 = arith.constant true
          %parallel_loop3A_314 = vector.broadcast %parallel_loop3A_313 : i1 to vector<16xi1>
          %parallel_loop3A_315 = tpu.scan <sum>, %parallel_loop3A_312 masked %parallel_loop3A_314 : vector<16xf32>, vector<16xi1> -> vector<16xf32>
          %parallel_loop3A_316 = vector.extract %parallel_loop3A_315[15] : f32 from vector<16xf32>
          %parallel_loop3A_317 = vector.broadcast %parallel_loop3A_316 : f32 to vector<16xf32>
          %parallel_loop3A_318 = math.exp %parallel_loop3A_317 : vector<16xf32>
          %parallel_loop3A_319 = arith.index_cast %parallel_loop3A_161 : i32 to index
          %parallel_loop3A_320 = arith.constant 224 : index
          %parallel_loop3A_321 = tpu.vector_load %arg12[%parallel_loop3A_319, %parallel_loop3A_320] {strides = array<i32>} : memref<40x256xf32, #tpu.memory_space<vmem>>, vector<16xf32>,
          %parallel_loop3A_322 = arith.mulf %parallel_loop3A_318, %parallel_loop3A_321 : vector<16xf32>
          %parallel_loop3A_323 = arith.index_cast %parallel_loop3A_161 : i32 to index
          %parallel_loop3A_324 = arith.constant 96 : index
          %parallel_loop3A_325 = tpu.vector_load %arg14[%parallel_loop3A_323, %parallel_loop3A_324] {strides = array<i32>} : memref<40x144xf32, #tpu.memory_space<vmem>>, vector<16xf32>,
          tpu.vector_store %arg14[%parallel_loop3A_323, %parallel_loop3A_324], %parallel_loop3A_322 {strides = array<i32>} : memref<40x144xf32, #tpu.memory_space<vmem>>, vector<16xf32>,
          %parallel_loop3A_326 = arith.constant 6 : i32
          %parallel_loop3A_327 = vector.broadcast %parallel_loop3A_326 : i32 to vector<16xi32>
          %parallel_loop3A_328 = arith.cmpi eq, %iota3A, %parallel_loop3A_327 : vector<16xi32>
          %parallel_loop3A_329 = arith.select %parallel_loop3A_328, %parallel_loop3A_318, %parallel_loop3A_305 : vector<16xi1>, vector<16xf32>
          %parallel_loop3A_330 = arith.index_cast %parallel_loop3A_161 : i32 to index
          %parallel_loop3A_331 = arith.constant 112 : index
          %parallel_loop3A_332 = tpu.vector_load %arg12[%parallel_loop3A_330, %parallel_loop3A_331] {strides = array<i32>} : memref<40x256xf32, #tpu.memory_space<vmem>>, vector<16xf32>,
          %parallel_loop3A_333 = arith.index_cast %parallel_loop3A_161 : i32 to index
          %parallel_loop3A_334 = arith.constant 112 : index
          %parallel_loop3A_335 = tpu.vector_load %arg13[%parallel_loop3A_333, %parallel_loop3A_334] {strides = array<i32>} : memref<40x128xf32, #tpu.memory_space<vmem>>, vector<16xf32>,
          %parallel_loop3A_336 = arith.mulf %parallel_loop3A_332, %parallel_loop3A_335 : vector<16xf32>
          %parallel_loop3A_337 = arith.constant true
          %parallel_loop3A_338 = vector.broadcast %parallel_loop3A_337 : i1 to vector<16xi1>
          %parallel_loop3A_339 = tpu.scan <sum>, %parallel_loop3A_336 masked %parallel_loop3A_338 : vector<16xf32>, vector<16xi1> -> vector<16xf32>
          %parallel_loop3A_340 = vector.extract %parallel_loop3A_339[15] : f32 from vector<16xf32>
          %parallel_loop3A_341 = vector.broadcast %parallel_loop3A_340 : f32 to vector<16xf32>
          %parallel_loop3A_342 = math.exp %parallel_loop3A_341 : vector<16xf32>
          %parallel_loop3A_343 = arith.index_cast %parallel_loop3A_161 : i32 to index
          %parallel_loop3A_344 = arith.constant 240 : index
          %parallel_loop3A_345 = tpu.vector_load %arg12[%parallel_loop3A_343, %parallel_loop3A_344] {strides = array<i32>} : memref<40x256xf32, #tpu.memory_space<vmem>>, vector<16xf32>,
          %parallel_loop3A_346 = arith.mulf %parallel_loop3A_342, %parallel_loop3A_345 : vector<16xf32>
          %parallel_loop3A_347 = arith.index_cast %parallel_loop3A_161 : i32 to index
          %parallel_loop3A_348 = arith.constant 112 : index
          %parallel_loop3A_349 = tpu.vector_load %arg14[%parallel_loop3A_347, %parallel_loop3A_348] {strides = array<i32>} : memref<40x144xf32, #tpu.memory_space<vmem>>, vector<16xf32>,
          tpu.vector_store %arg14[%parallel_loop3A_347, %parallel_loop3A_348], %parallel_loop3A_346 {strides = array<i32>} : memref<40x144xf32, #tpu.memory_space<vmem>>, vector<16xf32>,
          %parallel_loop3A_350 = arith.constant 7 : i32
          %parallel_loop3A_351 = vector.broadcast %parallel_loop3A_350 : i32 to vector<16xi32>
          %parallel_loop3A_352 = arith.cmpi eq, %iota3A, %parallel_loop3A_351 : vector<16xi32>
          %parallel_loop3A_353 = arith.select %parallel_loop3A_352, %parallel_loop3A_342, %parallel_loop3A_329 : vector<16xi1>, vector<16xf32>
          %parallel_loop3A_354 = arith.index_cast %parallel_loop3A_161 : i32 to index
          %parallel_loop3A_355 = arith.constant 128 : index
          %parallel_loop3A_356 = tpu.vector_load %arg14[%parallel_loop3A_354, %parallel_loop3A_355] {strides = array<i32>} : memref<40x144xf32, #tpu.memory_space<vmem>>, vector<16xf32>,
          tpu.vector_store %arg14[%parallel_loop3A_354, %parallel_loop3A_355], %parallel_loop3A_353 {strides = array<i32>} : memref<40x144xf32, #tpu.memory_space<vmem>>, vector<16xf32>,
        } {sc.loop_unroll_factor = 2 : i64, sc.parallel_access}
        "tpu.region"() ({
          %run_scoped3A = tpu.sem_alloc : memref<!tpu.dma_semaphore, #tpu.memory_space<semaphore_mem>>
          %dma_start3A_161 = arith.constant 0 : i32
          %dma_start3A_162 = tpu.memref_slice %arg9[%add3A_145, %dma_start3A_161] : memref<50x40xi32, #tpu.memory_space<vmem>> -> memref<1x40xi32, #tpu.memory_space<vmem>>
          %dma_start3A_163 = tpu.memref_squeeze %dma_start3A_162 : memref<1x40xi32, #tpu.memory_space<vmem>> -> memref<40xi32, #tpu.memory_space<vmem>>
          %dma_start3A_164 = arith.constant 0 : i32
          %dma_start3A_165 = arith.constant 0 : i32
          %dma_start3A_166 = tpu.memref_slice %arg7[%dma_start3A_164, %dma_start3A_165] : memref<10000x144xf32, #tpu.memory_space<vmem_shared>> -> memref<10000x144xf32, #tpu.memory_space<vmem_shared>>
          tpu.enqueue_indirect_dma source(%arg14 : memref<40x144xf32, #tpu.memory_space<vmem>>) target(%dma_start3A_166 : memref<10000x144xf32, #tpu.memory_space<vmem_shared>>) offsets(%dma_start3A_163 : memref<40xi32, #tpu.memory_space<vmem>>) semaphore(%run_scoped3A : memref<!tpu.dma_semaphore, #tpu.memory_space<semaphore_mem>>) {add = true}
          %dma_wait3A_167 = arith.constant 0 : i32
          %dma_wait3A_168 = tpu.memref_slice %arg9[%add3A_145, %dma_wait3A_167] : memref<50x40xi32, #tpu.memory_space<vmem>> -> memref<1x40xi32, #tpu.memory_space<vmem>>
          %dma_wait3A_169 = tpu.memref_squeeze %dma_wait3A_168 : memref<1x40xi32, #tpu.memory_space<vmem>> -> memref<40xi32, #tpu.memory_space<vmem>>
          %dma_wait3A_170 = arith.constant 0 : i32
          %dma_wait3A_171 = arith.constant 0 : i32
          %dma_wait3A_172 = tpu.memref_slice %arg7[%dma_wait3A_170, %dma_wait3A_171] : memref<10000x144xf32, #tpu.memory_space<vmem_shared>> -> memref<10000x144xf32, #tpu.memory_space<vmem_shared>>
          tpu.wait_indirect_dma semaphore(%run_scoped3A : memref<!tpu.dma_semaphore, #tpu.memory_space<semaphore_mem>>) src(%arg14 : memref<40x144xf32, #tpu.memory_space<vmem>>) dst(%dma_wait3A_172 : memref<10000x144xf32, #tpu.memory_space<vmem_shared>>)
          tpu.yield
        }) : () -> ()
      }
      %scan3A_105 = arith.constant 25 : i32
    }
    %scan3A_70 = arith.constant 5 : i32
    %barrier3A_71 = arith.constant 0 : index
    tpu.barrier barrier_id(%barrier3A_71)
    %mul3A_72 = arith.constant 10000 : i32
    %mul3A_73 = arith.muli %arg0, %mul3A_72 : i32
    %add3A_74 = arith.addi %mul3A_73, %mul3A_8 : i32
    "tpu.region"() ({
      %run_scoped3A = tpu.sem_alloc : memref<!tpu.dma_semaphore, #tpu.memory_space<semaphore_mem>>
      %dma_start3A = arith.constant 0 : i32
      %dma_start3A_80 = tpu.memref_slice %arg6[%add3A_74, %dma_start3A] : memref<20000x144xf32, #tpu.memory_space<hbm>> -> memref<624x144xf32, #tpu.memory_space<hbm>>
      %dma_start3A_81 = arith.constant 0 : i32
      %dma_start3A_82 = tpu.memref_slice %arg7[%mul3A_8, %dma_start3A_81] : memref<10000x144xf32, #tpu.memory_space<vmem_shared>> -> memref<624x144xf32, #tpu.memory_space<vmem_shared>>
      tpu.enqueue_dma source(%dma_start3A_82 : memref<624x144xf32, #tpu.memory_space<vmem_shared>>) target(%dma_start3A_80 : memref<624x144xf32, #tpu.memory_space<hbm>>) target_semaphore(%run_scoped3A : memref<!tpu.dma_semaphore, #tpu.memory_space<semaphore_mem>>)
      %dma_wait3A = arith.constant 0 : i32
      %dma_wait3A_83 = tpu.memref_slice %arg6[%add3A_74, %dma_wait3A] : memref<20000x144xf32, #tpu.memory_space<hbm>> -> memref<624x144xf32, #tpu.memory_space<hbm>>
      %dma_wait3A_84 = arith.constant 0 : i32
      %dma_wait3A_85 = tpu.memref_slice %arg7[%mul3A_8, %dma_wait3A_84] : memref<10000x144xf32, #tpu.memory_space<vmem_shared>> -> memref<624x144xf32, #tpu.memory_space<vmem_shared>>
      tpu.wait_dma2 semaphore(%run_scoped3A : memref<!tpu.dma_semaphore, #tpu.memory_space<semaphore_mem>>) src(%dma_wait3A_85 : memref<624x144xf32, #tpu.memory_space<vmem_shared>>) dst(%dma_wait3A_83 : memref<624x144xf32, #tpu.memory_space<hbm>>)
      tpu.yield
    }) : () -> ()
    %eq3A_75 = arith.constant 0 : i32
    %eq3A_76 = arith.cmpi eq, %arg1, %eq3A_75 : i32
    %convert_element_type3A_77 = arith.extui %eq3A_76 : i1 to i32
    %cond3A_78 = arith.constant 0 : i32
    %cond3A_79 = arith.cmpi ne, %convert_element_type3A_77, %cond3A_78 : i32
    scf.if %cond3A_79 {
      %mul3A_80 = arith.constant 10000 : i32
      %mul3A_81 = arith.muli %arg0, %mul3A_80 : i32
      %add3A_82 = arith.constant 9984 : i32
      %add3A_83 = arith.addi %mul3A_81, %add3A_82 : i32
      "tpu.region"() ({
        %run_scoped3A = tpu.sem_alloc : memref<!tpu.dma_semaphore, #tpu.memory_space<semaphore_mem>>
        %dma_start3A = arith.constant 0 : i32
        %dma_start3A_84 = tpu.memref_slice %arg6[%add3A_83, %dma_start3A] : memref<20000x144xf32, #tpu.memory_space<hbm>> -> memref<16x144xf32, #tpu.memory_space<hbm>>
        %dma_start3A_85 = arith.constant 9984 : i32
        %dma_start3A_86 = arith.constant 0 : i32
        %dma_start3A_87 = tpu.memref_slice %arg7[%dma_start3A_85, %dma_start3A_86] : memref<10000x144xf32, #tpu.memory_space<vmem_shared>> -> memref<16x144xf32, #tpu.memory_space<vmem_shared>>
        tpu.enqueue_dma source(%dma_start3A_87 : memref<16x144xf32, #tpu.memory_space<vmem_shared>>) target(%dma_start3A_84 : memref<16x144xf32, #tpu.memory_space<hbm>>) target_semaphore(%run_scoped3A : memref<!tpu.dma_semaphore, #tpu.memory_space<semaphore_mem>>)
        %dma_wait3A = arith.constant 0 : i32
        %dma_wait3A_88 = tpu.memref_slice %arg6[%add3A_83, %dma_wait3A] : memref<20000x144xf32, #tpu.memory_space<hbm>> -> memref<16x144xf32, #tpu.memory_space<hbm>>
        %dma_wait3A_89 = arith.constant 9984 : i32
        %dma_wait3A_90 = arith.constant 0 : i32
        %dma_wait3A_91 = tpu.memref_slice %arg7[%dma_wait3A_89, %dma_wait3A_90] : memref<10000x144xf32, #tpu.memory_space<vmem_shared>> -> memref<16x144xf32, #tpu.memory_space<vmem_shared>>
        tpu.wait_dma2 semaphore(%run_scoped3A : memref<!tpu.dma_semaphore, #tpu.memory_space<semaphore_mem>>) src(%dma_wait3A_91 : memref<16x144xf32, #tpu.memory_space<vmem_shared>>) dst(%dma_wait3A_88 : memref<16x144xf32, #tpu.memory_space<hbm>>)
        tpu.yield
      }) : () -> ()
    } else {
    }
    return
  }
}

module attributes {stable_mosaic.version = 14 : i64} {
  func.func @_proj_body(%arg0: i32, %arg1: memref<400x128xf32, #tpu.memory_space<vmem>>, %arg2: memref<128x128xf32, #tpu.memory_space<vmem>>, %arg3: memref<128x256xf32, #tpu.memory_space<vmem>>, %arg4: memref<1x128xf32, #tpu.memory_space<vmem>>, %arg5: memref<1x256xf32, #tpu.memory_space<vmem>>, %arg6: memref<400x128xf32, #tpu.memory_space<vmem>>, %arg7: memref<400x256xf32, #tpu.memory_space<vmem>>) attributes {dimension_semantics = [#tpu.dimension_semantics<arbitrary>], iteration_bounds = array<i64: 25>, scalar_prefetch = 0 : i64, scratch_operands = 0 : i64, tpu.core_type = #tpu.core_type<tc>, window_params = [{transform_indices = @transform_0, window_bounds = array<i64: 400, 128>}, {pipeline_mode = #tpu.pipeline_mode<synchronous>, transform_indices = @transform_1, window_bounds = array<i64: 128, 128>}, {pipeline_mode = #tpu.pipeline_mode<synchronous>, transform_indices = @transform_2, window_bounds = array<i64: 128, 256>}, {pipeline_mode = #tpu.pipeline_mode<synchronous>, transform_indices = @transform_3, window_bounds = array<i64: 1, 128>}, {pipeline_mode = #tpu.pipeline_mode<synchronous>, transform_indices = @transform_4, window_bounds = array<i64: 1, 256>}, {transform_indices = @transform_5, window_bounds = array<i64: 400, 128>}, {transform_indices = @transform_6, window_bounds = array<i64: 400, 256>}]} {
    %get3A = arith.constant 0 : index
    %get3A_0 = arith.constant 0 : index
    %get3A_1 = vector.load %arg1[%get3A, %get3A_0] : memref<400x128xf32, #tpu.memory_space<vmem>>, vector<400x128xf32>
    %get3A_2 = arith.constant 0 : index
    %get3A_3 = arith.constant 0 : index
    %get3A_4 = vector.load %arg2[%get3A_2, %get3A_3] : memref<128x128xf32, #tpu.memory_space<vmem>>, vector<128x128xf32>
    %dot_general3A = arith.constant dense<0.000000e+00> : vector<400x128xf32>
    %dot_general3A_5 = tpu.matmul %get3A_1, %get3A_4, %dot_general3A {dimension_numbers = #tpu.dot_dimension_numbers<[1], [0], [0], [1], [0, 0, 1, 1], [], []>, transpose_lhs_hint = false} : vector<400x128xf32>, vector<128x128xf32>, vector<400x128xf32> -> vector<400x128xf32>
    %get3A_6 = arith.constant 0 : index
    %get3A_7 = arith.constant 0 : index
    %get3A_8 = vector.load %arg4[%get3A_6, %get3A_7] : memref<1x128xf32, #tpu.memory_space<vmem>>, vector<1x128xf32>
    %add3A = vector.broadcast %get3A_8 : vector<1x128xf32> to vector<400x128xf32>
    %add3A_9 = arith.addf %dot_general3A_5, %add3A : vector<400x128xf32>
    %swap3A = arith.constant 0 : index
    %swap3A_10 = arith.constant 0 : index
    %swap3A_11 = vector.load %arg6[%swap3A, %swap3A_10] : memref<400x128xf32, #tpu.memory_space<vmem>>, vector<400x128xf32>
    tpu.vector_store %arg6[%swap3A, %swap3A_10], %add3A_9 {strides = array<i32>} : memref<400x128xf32, #tpu.memory_space<vmem>>, vector<400x128xf32>,
    %get3A_12 = arith.constant 0 : index
    %get3A_13 = arith.constant 0 : index
    %get3A_14 = vector.load %arg3[%get3A_12, %get3A_13] : memref<128x256xf32, #tpu.memory_space<vmem>>, vector<128x256xf32>
    %dot_general3A_15 = arith.constant dense<0.000000e+00> : vector<400x256xf32>
    %dot_general3A_16 = tpu.matmul %get3A_1, %get3A_14, %dot_general3A_15 {dimension_numbers = #tpu.dot_dimension_numbers<[1], [0], [0], [1], [0, 0, 1, 1], [], []>, transpose_lhs_hint = false} : vector<400x128xf32>, vector<128x256xf32>, vector<400x256xf32> -> vector<400x256xf32>
    %get3A_17 = arith.constant 0 : index
    %get3A_18 = arith.constant 0 : index
    %get3A_19 = vector.load %arg5[%get3A_17, %get3A_18] : memref<1x256xf32, #tpu.memory_space<vmem>>, vector<1x256xf32>
    %add3A_20 = vector.broadcast %get3A_19 : vector<1x256xf32> to vector<400x256xf32>
    %add3A_21 = arith.addf %dot_general3A_16, %add3A_20 : vector<400x256xf32>
    %swap3A_22 = arith.constant 0 : index
    %swap3A_23 = arith.constant 0 : index
    %swap3A_24 = vector.load %arg7[%swap3A_22, %swap3A_23] : memref<400x256xf32, #tpu.memory_space<vmem>>, vector<400x256xf32>
    tpu.vector_store %arg7[%swap3A_22, %swap3A_23], %add3A_21 {strides = array<i32>} : memref<400x256xf32, #tpu.memory_space<vmem>>, vector<400x256xf32>,
    return
  }
  func.func @transform_0(%arg0: i32) -> (i32, i32) {
    %c0_i32 = arith.constant 0 : i32
    %c0_i32_0 = arith.constant 0 : i32
    return %arg0, %c0_i32 : i32, i32
  }
  func.func @transform_1(%arg0: i32) -> (i32, i32) {
    %c0_i32 = arith.constant 0 : i32
    %c0_i32_0 = arith.constant 0 : i32
    %c0_i32_1 = arith.constant 0 : i32
    return %c0_i32, %c0_i32_0 : i32, i32
  }
  func.func @transform_2(%arg0: i32) -> (i32, i32) {
    %c0_i32 = arith.constant 0 : i32
    %c0_i32_0 = arith.constant 0 : i32
    %c0_i32_1 = arith.constant 0 : i32
    return %c0_i32, %c0_i32_0 : i32, i32
  }
  func.func @transform_3(%arg0: i32) -> (i32, i32) {
    %c0_i32 = arith.constant 0 : i32
    %c0_i32_0 = arith.constant 0 : i32
    %c0_i32_1 = arith.constant 0 : i32
    return %c0_i32, %c0_i32_0 : i32, i32
  }
  func.func @transform_4(%arg0: i32) -> (i32, i32) {
    %c0_i32 = arith.constant 0 : i32
    %c0_i32_0 = arith.constant 0 : i32
    %c0_i32_1 = arith.constant 0 : i32
    return %c0_i32, %c0_i32_0 : i32, i32
  }
  func.func @transform_5(%arg0: i32) -> (i32, i32) {
    %c0_i32 = arith.constant 0 : i32
    %c0_i32_0 = arith.constant 0 : i32
    return %arg0, %c0_i32 : i32, i32
  }
  func.func @transform_6(%arg0: i32) -> (i32, i32) {
    %c0_i32 = arith.constant 0 : i32
    %c0_i32_0 = arith.constant 0 : i32
    return %arg0, %c0_i32 : i32, i32
  }
}

module attributes {stable_mosaic.version = 14 : i64} {
  func.func @_final_body(%arg0: i32, %arg1: memref<2x400x144xf32, #tpu.memory_space<vmem>>, %arg2: memref<400x128xf32, #tpu.memory_space<vmem>>, %arg3: memref<128x128xf32, #tpu.memory_space<vmem>>, %arg4: memref<1x128xf32, #tpu.memory_space<vmem>>, %arg5: memref<1x1xf32, #tpu.memory_space<smem>>, %arg6: memref<1x128xf32, #tpu.memory_space<vmem>>, %arg7: memref<1x128xf32, #tpu.memory_space<vmem>>, %arg8: memref<400x128xf32, #tpu.memory_space<vmem>>) attributes {dimension_semantics = [#tpu.dimension_semantics<arbitrary>], iteration_bounds = array<i64: 25>, scalar_prefetch = 0 : i64, scratch_operands = 0 : i64, tpu.core_type = #tpu.core_type<tc>, window_params = [{transform_indices = @transform_0, window_bounds = array<i64: 2, 400, 144>}, {transform_indices = @transform_1, window_bounds = array<i64: 400, 128>}, {pipeline_mode = #tpu.pipeline_mode<synchronous>, transform_indices = @transform_2, window_bounds = array<i64: 128, 128>}, {pipeline_mode = #tpu.pipeline_mode<synchronous>, transform_indices = @transform_3, window_bounds = array<i64: 1, 128>}, {transform_indices = @transform_4, window_bounds = array<i64: 1, 1>}, {pipeline_mode = #tpu.pipeline_mode<synchronous>, transform_indices = @transform_5, window_bounds = array<i64: 1, 128>}, {pipeline_mode = #tpu.pipeline_mode<synchronous>, transform_indices = @transform_6, window_bounds = array<i64: 1, 128>}, {transform_indices = @transform_7, window_bounds = array<i64: 400, 128>}]} {
    %get3A = arith.constant 0 : index
    %get3A_0 = arith.constant 0 : index
    %get3A_1 = arith.constant 0 : index
    %get3A_2 = vector.load %arg1[%get3A, %get3A_0, %get3A_1] : memref<2x400x144xf32, #tpu.memory_space<vmem>>, vector<1x400x144xf32>
    %get3A_3 = vector.shape_cast %get3A_2 : vector<1x400x144xf32> to vector<400x144xf32>
    %get3A_4 = arith.constant 1 : index
    %get3A_5 = arith.constant 0 : index
    %get3A_6 = arith.constant 0 : index
    %get3A_7 = vector.load %arg1[%get3A_4, %get3A_5, %get3A_6] : memref<2x400x144xf32, #tpu.memory_space<vmem>>, vector<1x400x144xf32>
    %get3A_8 = vector.shape_cast %get3A_7 : vector<1x400x144xf32> to vector<400x144xf32>
    %add3A = arith.addf %get3A_3, %get3A_8 : vector<400x144xf32>
    %slice3A = vector.extract_strided_slice %add3A {offsets = [0, 0], sizes = [400, 128], strides = [1, 1]} : vector<400x144xf32> to vector<400x128xf32>
    %slice3A_9 = vector.extract_strided_slice %add3A {offsets = [0, 128], sizes = [400, 16], strides = [1, 1]} : vector<400x144xf32> to vector<400x16xf32>
    %add3A_10 = arith.constant 9.99999996E-13 : f32
    %add3A_11 = vector.broadcast %add3A_10 : f32 to vector<400x16xf32>
    %add3A_12 = arith.addf %slice3A_9, %add3A_11 : vector<400x16xf32>
    %div3A = arith.constant 1.000000e+00 : f32
    %div3A_13 = vector.broadcast %div3A : f32 to vector<400x16xf32>
    %div3A_14 = arith.divf %div3A_13, %add3A_12 : vector<400x16xf32>
    %iota3A = tpu.iota {dimensions = array<i32: 0>} : vector<16x128xi32>
    %iota3A_15 = tpu.iota {dimensions = array<i32: 1>} : vector<16x128xi32>
    %jit3A = arith.constant 16 : i32
    %div3A_16 = vector.broadcast %jit3A : i32 to vector<16x128xi32>
    %div3A_17 = arith.divsi %iota3A_15, %div3A_16 : vector<16x128xi32>
    %sign3A = arith.constant 0 : i32
    %sign3A_18 = vector.broadcast %sign3A : i32 to vector<16x128xi32>
    %sign3A_19 = arith.cmpi sgt, %iota3A_15, %sign3A_18 : vector<16x128xi32>
    %sign3A_20 = arith.extui %sign3A_19 : vector<16x128xi1> to vector<16x128xi32>
    %sign3A_21 = arith.constant 0 : i32
    %sign3A_22 = vector.broadcast %sign3A_21 : i32 to vector<16x128xi32>
    %sign3A_23 = arith.cmpi slt, %iota3A_15, %sign3A_22 : vector<16x128xi32>
    %sign3A_24 = arith.extui %sign3A_23 : vector<16x128xi1> to vector<16x128xi32>
    %sign3A_25 = arith.subi %sign3A_20, %sign3A_24 : vector<16x128xi32>
    %sign3A_26 = arith.constant 0 : i32
    %sign3A_27 = arith.cmpi sgt, %jit3A, %sign3A_26 : i32
    %sign3A_28 = arith.extui %sign3A_27 : i1 to i32
    %sign3A_29 = arith.constant 0 : i32
    %sign3A_30 = arith.cmpi slt, %jit3A, %sign3A_29 : i32
    %sign3A_31 = arith.extui %sign3A_30 : i1 to i32
    %sign3A_32 = arith.subi %sign3A_28, %sign3A_31 : i32
    %ne3A = vector.broadcast %sign3A_32 : i32 to vector<16x128xi32>
    %ne3A_33 = arith.cmpi ne, %sign3A_25, %ne3A : vector<16x128xi32>
    %rem3A = vector.broadcast %jit3A : i32 to vector<16x128xi32>
    %rem3A_34 = arith.remsi %iota3A_15, %rem3A : vector<16x128xi32>
    %ne3A_35 = arith.constant 0 : i32
    %ne3A_36 = vector.broadcast %ne3A_35 : i32 to vector<16x128xi32>
    %ne3A_37 = arith.cmpi ne, %rem3A_34, %ne3A_36 : vector<16x128xi32>
    %and3A = arith.andi %ne3A_33, %ne3A_37 : vector<16x128xi1>
    %sub3A = arith.constant 1 : i32
    %sub3A_38 = vector.broadcast %sub3A : i32 to vector<16x128xi32>
    %sub3A_39 = arith.subi %div3A_17, %sub3A_38 : vector<16x128xi32>
    %select_n3A = arith.select %and3A, %sub3A_39, %div3A_17 : vector<16x128xi1>, vector<16x128xi32>
    %eq3A = arith.cmpi eq, %select_n3A, %iota3A : vector<16x128xi32>
    %convert_element_type3A = arith.extui %eq3A : vector<16x128xi1> to vector<16x128xi32>
    %convert_element_type3A_40 = arith.sitofp %convert_element_type3A : vector<16x128xi32> to vector<16x128xf32>
    %dot_general3A = arith.constant dense<0.000000e+00> : vector<400x128xf32>
    %dot_general3A_41 = tpu.matmul %div3A_14, %convert_element_type3A_40, %dot_general3A {dimension_numbers = #tpu.dot_dimension_numbers<[1], [0], [0], [1], [0, 0, 1, 1], [], []>, transpose_lhs_hint = false} : vector<400x16xf32>, vector<16x128xf32>, vector<400x128xf32> -> vector<400x128xf32>
    %mul3A = arith.mulf %slice3A, %dot_general3A_41 : vector<400x128xf32>
    %integer_pow3A = arith.mulf %mul3A, %mul3A : vector<400x128xf32>
    %integer_pow3A_42 = arith.mulf %mul3A, %integer_pow3A : vector<400x128xf32>
    %mul3A_43 = arith.constant 4.471500e-02 : f32
    %mul3A_44 = vector.broadcast %mul3A_43 : f32 to vector<400x128xf32>
    %mul3A_45 = arith.mulf %mul3A_44, %integer_pow3A_42 : vector<400x128xf32>
    %add3A_46 = arith.addf %mul3A, %mul3A_45 : vector<400x128xf32>
    %mul3A_47 = arith.constant 0.797884583 : f32
    %mul3A_48 = vector.broadcast %mul3A_47 : f32 to vector<400x128xf32>
    %mul3A_49 = arith.mulf %mul3A_48, %add3A_46 : vector<400x128xf32>
    %tanh3A = math.tanh %mul3A_49 : vector<400x128xf32>
    %add3A_50 = arith.constant 1.000000e+00 : f32
    %add3A_51 = vector.broadcast %add3A_50 : f32 to vector<400x128xf32>
    %add3A_52 = arith.addf %add3A_51, %tanh3A : vector<400x128xf32>
    %mul3A_53 = arith.constant 5.000000e-01 : f32
    %mul3A_54 = vector.broadcast %mul3A_53 : f32 to vector<400x128xf32>
    %mul3A_55 = arith.mulf %mul3A_54, %add3A_52 : vector<400x128xf32>
    %mul3A_56 = arith.mulf %mul3A, %mul3A_55 : vector<400x128xf32>
    %get3A_57 = arith.constant 0 : index
    %get3A_58 = arith.constant 0 : index
    %get3A_59 = vector.load %arg3[%get3A_57, %get3A_58] : memref<128x128xf32, #tpu.memory_space<vmem>>, vector<128x128xf32>
    %dot_general3A_60 = arith.constant dense<0.000000e+00> : vector<400x128xf32>
    %dot_general3A_61 = tpu.matmul %mul3A_56, %get3A_59, %dot_general3A_60 {dimension_numbers = #tpu.dot_dimension_numbers<[1], [0], [0], [1], [0, 0, 1, 1], [], []>, transpose_lhs_hint = false} : vector<400x128xf32>, vector<128x128xf32>, vector<400x128xf32> -> vector<400x128xf32>
    %get3A_62 = arith.constant 0 : index
    %get3A_63 = arith.constant 0 : index
    %get3A_64 = vector.load %arg4[%get3A_62, %get3A_63] : memref<1x128xf32, #tpu.memory_space<vmem>>, vector<1x128xf32>
    %add3A_65 = vector.broadcast %get3A_64 : vector<1x128xf32> to vector<400x128xf32>
    %add3A_66 = arith.addf %dot_general3A_61, %add3A_65 : vector<400x128xf32>
    %get3A_67 = arith.constant 0 : index
    %get3A_68 = arith.constant 0 : index
    %get3A_69 = memref.load %arg5[%get3A_67, %get3A_68] : memref<1x1xf32, #tpu.memory_space<smem>>
    %logistic3A = arith.negf %get3A_69 : f32
    %logistic3A_70 = math.exp %logistic3A : f32
    %logistic3A_71 = arith.constant 1.000000e+00 : f32
    %logistic3A_72 = arith.addf %logistic3A_71, %logistic3A_70 : f32
    %logistic3A_73 = arith.divf %logistic3A_71, %logistic3A_72 : f32
    %mul3A_74 = vector.broadcast %logistic3A_73 : f32 to vector<400x128xf32>
    %mul3A_75 = arith.mulf %mul3A_74, %add3A_66 : vector<400x128xf32>
    %sub3A_76 = arith.constant 1.000000e+00 : f32
    %sub3A_77 = arith.subf %sub3A_76, %logistic3A_73 : f32
    %get3A_78 = arith.constant 0 : index
    %get3A_79 = arith.constant 0 : index
    %get3A_80 = vector.load %arg2[%get3A_78, %get3A_79] : memref<400x128xf32, #tpu.memory_space<vmem>>, vector<400x128xf32>
    %mul3A_81 = vector.broadcast %sub3A_77 : f32 to vector<400x128xf32>
    %mul3A_82 = arith.mulf %mul3A_81, %get3A_80 : vector<400x128xf32>
    %add3A_83 = arith.addf %mul3A_75, %mul3A_82 : vector<400x128xf32>
    %reduce_sum3A = arith.constant dense<0.000000e+00> : vector<400xf32>
    %reduce_sum3A_84 = vector.multi_reduction <add>, %add3A_83, %reduce_sum3A [1] : vector<400x128xf32> to vector<400xf32>
    %broadcast_in_dim3A = vector.shape_cast %reduce_sum3A_84 : vector<400xf32> to vector<400x1xf32>
    %div3A_85 = arith.constant 1.280000e+02 : f32
    %div3A_86 = vector.broadcast %div3A_85 : f32 to vector<400x1xf32>
    %div3A_87 = arith.divf %broadcast_in_dim3A, %div3A_86 : vector<400x1xf32>
    %sub3A_88 = vector.broadcast %div3A_87 : vector<400x1xf32> to vector<400x128xf32>
    %sub3A_89 = arith.subf %add3A_83, %sub3A_88 : vector<400x128xf32>
    %integer_pow3A_90 = arith.mulf %sub3A_89, %sub3A_89 : vector<400x128xf32>
    %reduce_sum3A_91 = arith.constant dense<0.000000e+00> : vector<400xf32>
    %reduce_sum3A_92 = vector.multi_reduction <add>, %integer_pow3A_90, %reduce_sum3A_91 [1] : vector<400x128xf32> to vector<400xf32>
    %broadcast_in_dim3A_93 = vector.shape_cast %reduce_sum3A_92 : vector<400xf32> to vector<400x1xf32>
    %div3A_94 = arith.constant 1.280000e+02 : f32
    %div3A_95 = vector.broadcast %div3A_94 : f32 to vector<400x1xf32>
    %div3A_96 = arith.divf %broadcast_in_dim3A_93, %div3A_95 : vector<400x1xf32>
    %sub3A_97 = vector.broadcast %div3A_87 : vector<400x1xf32> to vector<400x128xf32>
    %sub3A_98 = arith.subf %add3A_83, %sub3A_97 : vector<400x128xf32>
    %add3A_99 = arith.constant 1.000000e-03 : f32
    %add3A_100 = vector.broadcast %add3A_99 : f32 to vector<400x1xf32>
    %add3A_101 = arith.addf %div3A_96, %add3A_100 : vector<400x1xf32>
    %rsqrt3A = math.rsqrt %add3A_101 : vector<400x1xf32>
    %mul3A_102 = vector.broadcast %rsqrt3A : vector<400x1xf32> to vector<400x128xf32>
    %mul3A_103 = arith.mulf %sub3A_98, %mul3A_102 : vector<400x128xf32>
    %get3A_104 = arith.constant 0 : index
    %get3A_105 = arith.constant 0 : index
    %get3A_106 = vector.load %arg6[%get3A_104, %get3A_105] : memref<1x128xf32, #tpu.memory_space<vmem>>, vector<1x128xf32>
    %mul3A_107 = vector.broadcast %get3A_106 : vector<1x128xf32> to vector<400x128xf32>
    %mul3A_108 = arith.mulf %mul3A_103, %mul3A_107 : vector<400x128xf32>
    %get3A_109 = arith.constant 0 : index
    %get3A_110 = arith.constant 0 : index
    %get3A_111 = vector.load %arg7[%get3A_109, %get3A_110] : memref<1x128xf32, #tpu.memory_space<vmem>>, vector<1x128xf32>
    %add3A_112 = vector.broadcast %get3A_111 : vector<1x128xf32> to vector<400x128xf32>
    %add3A_113 = arith.addf %mul3A_108, %add3A_112 : vector<400x128xf32>
    %swap3A = arith.constant 0 : index
    %swap3A_114 = arith.constant 0 : index
    %swap3A_115 = vector.load %arg8[%swap3A, %swap3A_114] : memref<400x128xf32, #tpu.memory_space<vmem>>, vector<400x128xf32>
    tpu.vector_store %arg8[%swap3A, %swap3A_114], %add3A_113 {strides = array<i32>} : memref<400x128xf32, #tpu.memory_space<vmem>>, vector<400x128xf32>,
    return
  }
  func.func @transform_0(%arg0: i32) -> (i32, i32, i32) {
    %c0_i32 = arith.constant 0 : i32
    %c0_i32_0 = arith.constant 0 : i32
    %c0_i32_1 = arith.constant 0 : i32
    return %c0_i32, %arg0, %c0_i32_0 : i32, i32, i32
  }
  func.func @transform_1(%arg0: i32) -> (i32, i32) {
    %c0_i32 = arith.constant 0 : i32
    %c0_i32_0 = arith.constant 0 : i32
    return %arg0, %c0_i32 : i32, i32
  }
  func.func @transform_2(%arg0: i32) -> (i32, i32) {
    %c0_i32 = arith.constant 0 : i32
    %c0_i32_0 = arith.constant 0 : i32
    %c0_i32_1 = arith.constant 0 : i32
    return %c0_i32, %c0_i32_0 : i32, i32
  }
  func.func @transform_3(%arg0: i32) -> (i32, i32) {
    %c0_i32 = arith.constant 0 : i32
    %c0_i32_0 = arith.constant 0 : i32
    %c0_i32_1 = arith.constant 0 : i32
    return %c0_i32, %c0_i32_0 : i32, i32
  }
  func.func @transform_4(%arg0: i32) -> (i32, i32) {
    %c0_i32 = arith.constant 0 : i32
    %c0_i32_0 = arith.constant 0 : i32
    %c0_i32_1 = arith.constant 0 : i32
    return %c0_i32, %c0_i32_0 : i32, i32
  }
  func.func @transform_5(%arg0: i32) -> (i32, i32) {
    %c0_i32 = arith.constant 0 : i32
    %c0_i32_0 = arith.constant 0 : i32
    %c0_i32_1 = arith.constant 0 : i32
    return %c0_i32, %c0_i32_0 : i32, i32
  }
  func.func @transform_6(%arg0: i32) -> (i32, i32) {
    %c0_i32 = arith.constant 0 : i32
    %c0_i32_0 = arith.constant 0 : i32
    %c0_i32_1 = arith.constant 0 : i32
    return %c0_i32, %c0_i32_0 : i32, i32
  }
  func.func @transform_7(%arg0: i32) -> (i32, i32) {
    %c0_i32 = arith.constant 0 : i32
    %c0_i32_0 = arith.constant 0 : i32
    return %arg0, %c0_i32 : i32, i32
  }
}

</mosaic_0001>

<sc_bundles>
// kernel: kernel.5.cloned.1.call-start
scs
__scs_entry_jumppad:
0x0: {  	(pc) =	sbr.rel $0x88, $3  }
0x1: {  	(tag) =	ssettag $0x0;
	lr =	simm.s32 $0x1  }
0x2: {  	[smem:$0x3F91] =	sst lr;
	_ =	strace $0xD0000000  }
0x3: {  	_ = 	snop  }
0x4: {  	_ = 	snop  }
0x5: {  	_ = 	snop  }
0x6: {  	_ = 	snop  }
0x7: {  	_ = 	snop  }
__scs_overlays_trampoline_lowered:
0x8: {  	[smem:$0x3FA0] =	sst s0  }
0x9: {  	[smem:$0x3FA1] =	sst s1  }
0xa: {  	[smem:$0x3FA2] =	sst s2  }
0xb: {  	[smem:$0x3FA3] =	sst s3  }
0xc: {  	[smem:$0x3FA4] =	sst s4  }
0xd: {  	[smem:$0x3FA5] =	sst s5  }
0xe: {  	[smem:$0x3FA6] =	sst s6  }
0xf: {  	[smem:$0x3FA7] =	sst s7  }
0x10: {  	[smem:$0x3FA8] =	sst s8  }
0x11: {  	[smem:$0x3FA9] =	sst s9;
	s0 =	simm.s32 @!p0 $0x0  }
0x12: {  	s1 =	sld [smem:$0x3F8F];
	s0 =	simm.s32 @p0 $0x1  }
0x13: {  	[smem:$0x3FAA] =	sst s0;
	s0 =	simm.s32 @!p1 $0x0  }
0x14: {  	s2 =	sld [smem:$0x3F8E];
	s0 =	simm.s32 @p1 $0x1  }
0x15: {  	[smem:$0x3FAB] =	sst s0;
	s0 =	simm.s32 @!p2 $0x0  }
0x16: {  	s3 =	sld [smem:$0x3FDB];
	s0 =	simm.s32 @p2 $0x1  }
0x17: {  	s4 =	simm.s32 $0x1BF5;
	[smem:$0x3FAD] =	sst s0  }
0x18: {  	s0 =	sld [smem:$0x3F90];
	_ =	swait.ge [sflag:s4], $0x0  }
0x19: {  	s7 =	sld [smem:$0x3F91]  }
0x1a: {  	s8 =	sadd.s32 $0xFFFFE003, lr  }
0x1b: {  	s9 =	sadd.s32 $0xFFFFFEF7, lr;
	s5 =	simm.s32 $0xFFFFFFFF;
	p2 =	slt.u32 s8, $0xFFFFF086  }
0x1c: {  	p1 =	slt.u32 s9, $0xF7A;
	s5 =	simm.s32 @!p2 $0x0  }
0x1d: {  	s5 =	simm.s32 @p1 $0x1;
	p0 =	seq.s32 s7, s2  }
0x1e: {  	s7 =	smul.u32 @!p0 $0xF7A, s2;
	p2 =	seq.s32 @!p0 s5, $0x0  }
0x1f: {  	s9 =	smul.u32 $0xF7A, s1;
	s8 =	simm.s32 @!p0 $0x1BF5;
	p2 =	por !p2, p0  }
0x20: {  	[sflag:s8] =	ssyncset.s32 @!p0 $0xFFFFF086;
	s6 =	sadd.s32 @!p0 s3, s7;
	s7 =	simm.s32 @!p0 $0x108  }
0x21: {  	s3 =	sadd.s32 s3, s9;
	s6 =	sadd.s32 @!p0 $0x88, s6;
	s7 =	simm.s32 @p2 $0x1082  }
0x22: {  	[simem:s7], [sflag:s8] =	dma.local @!p0 [hbm:s6], $0xF7A  }
0x23: {  	s9 =	sor.u32 $0xD0000000, s2;
	s6 =	simm.s32 $0x108;
	_ =	swait.ge @!p0 [sflag:s8], $0x0  }
0x24: {  	s3 =	sadd.s32 $0x88, s3;
	s6 =	simm.s32 @!p1 $0x1082;
	[sflag:s4] =	ssyncset.s32 $0xFFFFF086  }
0x25: {  	[simem:s6], [sflag:s4] =	dma.local [hbm:s3], $0xF7A  }
0x26: {  	[smem:$0x3F91] =	sst s1;
	(tag) =	ssettag s2;
	_ =	strace s9  }
0x27: {  	s1 =	sld [smem:$0x3FA1]  }
0x28: {  	s2 =	sld [smem:$0x3FA2]  }
0x29: {  	s4 =	sld [smem:$0x3FA4]  }
0x2a: {  	p0 =	seq.s32 s5, $0x0;
	s5 =	sld [smem:$0x3FA5]  }
0x2b: {  	s6 =	sld [smem:$0x3FA6]  }
0x2c: {  	s7 =	sld [smem:$0x3FA7]  }
0x2d: {  	s3 =	simm.s32 $0x108;
	s8 =	sld [smem:$0x3FA8]  }
0x2e: {  	s3 =	simm.s32 @!p0 $0x1082;
	s9 =	sld [smem:$0x3FA9]  }
0x2f: {  	lr =	sadd.s32 s0, s3;
	s0 =	sld [smem:$0x3FA0]  }
0x30: {  	s3 =	sld [smem:$0x3FA3]  }
0x31: {  	[smem:$0x3FAC] =	sst s10  }
0x32: {  	s10 =	sld [smem:$0x3FAA];
	_ =	sdelay $0x3  }
0x33: {  	p0 =	seq.s32 s10, $0x1;
	s10 =	sld [smem:$0x3FAC];
	_ =	sdelay $0x3  }
0x34: {  	[smem:$0x3FAC] =	sst s10  }
0x35: {  	s10 =	sld [smem:$0x3FAB];
	_ =	sdelay $0x3  }
0x36: {  	p1 =	seq.s32 s10, $0x1;
	s10 =	sld [smem:$0x3FAC];
	_ =	sdelay $0x3  }
0x37: {  	[smem:$0x3FAC] =	sst s10  }
0x38: {  	s10 =	sld [smem:$0x3FAD]  }
0x39: {  	_ = 	snop;
	(pc) =	sbr.ind lr, $3  }
0x3a: {  	_ = 	snop  }
0x3b: {  	_ = 	snop  }
0x3c: {  	p2 =	seq.s32 s10, $0x1;
	s10 =	sld [smem:$0x3FAC]  }
0x3d: {  	_ =	shalt  }
0x3e: {  	_ =	shalt  }
0x3f: {  	_ =	shalt  }
0x40: {  	_ =	shalt  }
0x41: {  	_ =	shalt  }
0x42: {  	_ =	shalt  }
0x43: {  	_ =	shalt  }
0x44: {  	_ =	shalt  }
0x45: {  	_ =	shalt  }
0x46: {  	_ =	shalt  }
0x47: {  	_ =	shalt  }
0x48: {  	_ =	shalt  }
0x49: {  	_ =	shalt  }
0x4a: {  	_ =	shalt  }
0x4b: {  	_ =	shalt  }
0x4c: {  	_ =	shalt  }
0x4d: {  	_ =	shalt  }
0x4e: {  	_ =	shalt  }
0x4f: {  	_ =	shalt  }
0x50: {  	_ =	shalt  }
0x51: {  	_ =	shalt  }
0x52: {  	_ =	shalt  }
0x53: {  	_ =	shalt  }
0x54: {  	_ =	shalt  }
0x55: {  	_ =	shalt  }
0x56: {  	_ =	shalt  }
0x57: {  	_ =	shalt  }
0x58: {  	_ =	shalt  }
0x59: {  	_ =	shalt  }
0x5a: {  	_ =	shalt  }
0x5b: {  	_ =	shalt  }
0x5c: {  	_ =	shalt  }
0x5d: {  	_ =	shalt  }
0x5e: {  	_ =	shalt  }
0x5f: {  	_ =	shalt  }
0x60: {  	_ =	shalt  }
0x61: {  	_ =	shalt  }
0x62: {  	_ =	shalt  }
0x63: {  	_ =	shalt  }
0x64: {  	_ =	shalt  }
0x65: {  	_ =	shalt  }
0x66: {  	_ =	shalt  }
0x67: {  	_ =	shalt  }
0x68: {  	_ =	shalt  }
0x69: {  	_ =	shalt  }
0x6a: {  	_ =	shalt  }
0x6b: {  	_ =	shalt  }
0x6c: {  	_ =	shalt  }
0x6d: {  	_ =	shalt  }
0x6e: {  	_ =	shalt  }
0x6f: {  	_ =	shalt  }
0x70: {  	_ =	shalt  }
0x71: {  	_ =	shalt  }
0x72: {  	_ =	shalt  }
0x73: {  	_ =	shalt  }
0x74: {  	_ =	shalt  }
0x75: {  	_ =	shalt  }
0x76: {  	_ =	shalt  }
0x77: {  	_ =	shalt  }
0x78: {  	_ =	shalt  }
0x79: {  	_ =	shalt  }
0x7a: {  	_ =	shalt  }
0x7b: {  	_ =	shalt  }
0x7c: {  	_ =	shalt  }
0x7d: {  	_ =	shalt  }
0x7e: {  	_ =	shalt  }
0x7f: {  	_ =	shalt  }
0x80: {  	_ =	shalt  }
0x81: {  	_ =	shalt  }
0x82: {  	_ =	shalt  }
0x83: {  	_ =	shalt  }
0x84: {  	_ =	shalt  }
0x85: {  	_ =	shalt  }
0x86: {  	_ =	shalt  }
0x87: {  	_ =	shalt  }
.Lfunc_end0:
.L_simem_size_0:
called_computation_lowered:
.L_overlay_start_0:
0x88: {  	s2 =	sld [smem:$0x3FD9]  }
0x89: {  	s3 =	sld [smem:$0x3FFE];
	_ =	sdelay $0x1  }
0x8a: {  	s1 =	srdreg.scid  }
0x8b: {  	s0 =	sand.u32 $0x1, s1  }
0x8c: {  	s17 =	sshll.u32 s0, $0xA;
	s2 =	sadd.s32 s3, s2  }
0x8d: {  	s2 =	sadd.s32 s2, s17  }
0x8e: {  	[smem:$0x3FB8] =	sst s2  }
0x8f: {  	_ = 	snop  }
0x90: {  	s2 =	sld [smem:$0x3FD0];
	(tm) =	ssettm $0x1  }
0x91: {  	s18 =	sld [smem:$0x3FFB];
	_ =	sdelay $0x3  }
0x92: {  	_ =	strace s18  }
0x93: {  	s3 =	sld [smem:$0x3FFC];
	_ =	sdelay $0x3  }
0x94: {  	_ =	strace s3  }
0x95: {  	s3 =	sld [smem:$0x3FFD];
	_ =	sdelay $0x3  }
0x96: {  	_ =	strace s3  }
0x97: {  	_ =	strace $0x8FFFFFFF  }
0x98: {  	s19 =	sld [smem:$0x3FDB];
	_ =	sdelay $0x1  }
0x99: {  	s4 =	simm.s32 $_scs_section_size  }
0x9a: {  	s5 =	simm.s32 $_size__tile_overlayer_lowered;
	s6 =	simm.s32 $_tile_overlayer_lowered  }
0x9b: {  	s22 =	simm.s32 $0x1BFF;
	s21 =	sshll.u32 s6, $0x1;
	s3 =	sadd.s32 s4, s19  }
0x9c: {  	s7 =	simm.s32 $0x0;
	s20 =	sshll.u32 s5, $0x1;
	s5 =	sadd.s32 s21, s3  }
0x9d: {  	[timem:s7], [sflag:s22] =	dma.local [hbm:s5], s20  }
0x9e: {  	_ =	swait.ge [sflag:s22], s20  }
0x9f: {  	s4 =	ssub.s32 $0x0, s20;
	[sflag:s22] =	ssyncset.done $0x0  }
0xa0: {  	[sflag:s22] =	ssyncadd.s32 s4;
	_ =	sdelay $0x1  }
0xa1: {  	s23 =	simm.s32 $0x1B8B  }
0xa2: {  	_ =	swait.ge [sflag:s23], $0x1  }
0xa3: {  	[sflag:s23] =	ssyncset.done $0x0  }
0xa4: {  	s25 =	simm.s32 $0x1B8E;
	s24 =	sld [smem:$0x3FFE];
	[sflag:s23] =	ssyncadd.s32 $0xFFFFFFFF  }
0xa5: {  	s26 =	simm.s32 $execute0_lowered;
	[smem:$0x3FD2] =	sst s25  }
0xa6: {  	s5 =	sshll.u32 s26, $0x1;
	_ =	strace $0x80000046;
	[dreg:$0x1] =	wrdreg $0xFFFFFFFF  }
0xa7: {  	s28 =	simm.s32 $_size_execute0_lowered;
	s3 =	sadd.s32 s3, s5;
	[dreg:$0x0] =	wrdreg $0x0  }
0xa8: {  	s5 =	sshll.u32 s28, $0x1;
	[dreg:$0x2] =	wrdreg s3  }
0xa9: {  	[dreg:$0x3] =	wrdreg s5  }
0xaa: {  	[dreg:$0x4] =	wrdreg $0xC0  }
0xab: {  	_ =	task [dreg:s7], $0x5FFFF  }
0xac: {  	[dreg:$0x1] =	wrdreg $0xFFFFFFFF  }
0xad: {  	[dreg:$0x0] =	wrdreg $0x60  }
0xae: {  	[dreg:$0x2] =	wrdreg s24  }
0xaf: {  	[dreg:$0x3] =	wrdreg s2  }
0xb0: {  	[dreg:$0x4] =	wrdreg $0x0  }
0xb1: {  	[dreg:$0x5] =	wrdreg $0x9  }
0xb2: {  	_ =	task.clear_ibuf [dreg:s7], $0x6FFFF;
	_ =	strace $0x90000046  }
0xb3: {  	s29 =	simm.s32 $0x9;
	_ =	strace $0x80000048  }
0xb4: {  	_ =	swait.ge [sflag:s29], $0x1  }
0xb5: {  	[sflag:s29] =	ssyncadd.s32 $0xFFFFFFFF  }
0xb6: {  	_ =	strace $0x90000048  }
0xb7: {  	_ =	sfence  }
0xb8: {  	s30 =	sld [smem:$0x0];
	_ =	sdelay $0x2  }
0xb9: {  	s31 =	sshll.u32 s1, $0xD;
	s1 =	sshrl.u32 s1, $0x2  }
0xba: {  	s3 =	sand.u32 $0x4000, s31;
	s1 =	sadd.s32 s1, s30  }
0xbb: {  	s0 =	sor.u32 s3, s0;
	s1 =	sshll.u32 s1, $0x11  }
0xbc: {  	s0 =	sor.u32 s1, s0  }
0xbd: {  	s0 =	sadd.s32 $0x8F2B, s0  }
0xbe: {  	[sflag:s0] =	ssyncadd.remote.s32 $0x1  }
0xbf: {  	_ =	sfence.sel $0xFFFF  }
0xc0: {  	[dreg:$0x0] =	wrdreg $0xFFFFFFFF;
	(pc) =	sbr.abs _section_cstart, $3  }
0xc1: {  	[dreg:$0x1] =	wrdreg $0xFFFFFFFF  }
0xc2: {  	_ =	task.clear_ibuf [dreg:s7], $0x2FFFF;
	_ =	strace $0x9FFFFFFF  }
0xc3: {  	(tm) =	ssettm $0x7FFFFFFF  }
tec
execute0_lowered:
.L_overlay_start_1:
0x0: {  	(tag) =	ssettag $0x1  }
0x1: {  	s0 =	rddreg [dreg:$0x0]  }
0x2: {  	s31 =	rddreg [dreg:$0x2];
	s1 =	simm.s32 $0x0;
	s2 =	srdreg.scid  }
0x3: {  	s8 =	stileid.u32;
	[smem:$0x7FF] =	sst s1  }
0x4: {  	s2 =	sand.u32 $0x1, s2;
	s3 =	smul.u32 $0x57C00, s8;
	s16 =	sshll.u32 s8, $0x1  }
0x5: {  	s4 =	sadd.s32 $0x5A000, s0;
	s14 =	sadd.s32 $0x50200, s0;
	s17 =	sor.u32 s2, s16  }
0x6: {  	_ =	strace $0x80000047;
	[dreg:$0x6] =	wrdreg s14;
	s14 =	smul.u32 $0xFA, s17  }
0x7: {  	[dreg:$0x5] =	wrdreg s4;
	s3 =	sshrl.u32 s3, $0x2  }
0x8: {  	s9 =	sadd.s32 s3, s31;
	[dreg:$0x16] =	wrdreg s14  }
0x9: {  	s3 =	sadd.s32 $0x15F000, s31;
	[dreg:$0x7] =	wrdreg s9  }
0xa: {  	s7 =	sadd.s32 $0xD80, s9;
	[smem:$0x7FD] =	sst s3  }
0xb: {  	s19 =	sadd.s32 $0x1B00, s9;
	[dreg:$0x8] =	wrdreg s7  }
0xc: {  	s20 =	sadd.s32 $0x2880, s9;
	[dreg:$0x9] =	wrdreg s19  }
0xd: {  	s21 =	sadd.s32 $0x3600, s9;
	[dreg:$0xa] =	wrdreg s20  }
0xe: {  	s5 =	sadd.s32 $0x2000, s0;
	s22 =	sadd.s32 $0x4380, s9;
	[dreg:$0xb] =	wrdreg s21  }
0xf: {  	s0 =	sadd.s32 $0x63E00, s0;
	s23 =	sadd.s32 $0x5100, s9;
	[dreg:$0xc] =	wrdreg s22  }
0x10: {  	s18 =	smul.u32 $0x2BE0, s8;
	s10 =	sadd.s32 $0x5E80, s9;
	[dreg:$0xd] =	wrdreg s23  }
0x11: {  	s15 =	ssub.s32 $0x2, s2;
	s25 =	sadd.s32 $0x6C00, s9;
	[dreg:$0xe] =	wrdreg s10  }
0x12: {  	s24 =	smul.u32 $0x2BF20, s2;
	s26 =	sadd.s32 $0x7980, s9;
	[dreg:$0xf] =	wrdreg s25  }
0x13: {  	s6 =	sshrl.u32 s15, $0x1;
	s30 =	sadd.s32 $0x8700, s9;
	[dreg:$0x10] =	wrdreg s26  }
0x14: {  	s4 =	ssub.s32 s15, s6;
	s11 =	sadd.s32 $0x9480, s9;
	[dreg:$0x11] =	wrdreg s30  }
0x15: {  	s6 =	sadd.s32 s18, s24;
	s12 =	sadd.s32 $0xA200, s9;
	[dreg:$0x12] =	wrdreg s11  }
0x16: {  	s6 =	sadd.s32 s0, s6;
	[dreg:$0x13] =	wrdreg s12  }
0x17: {  	s13 =	sadd.s32 $0xAF80, s9;
	[dreg:$0x14] =	wrdreg s6  }
0x18: {  	s15 =	smax.u32 s4, $0x1;
	[dreg:$0x15] =	wrdreg s13  }
0x19: {  	s2 =	smul.u32 $0x15F900, s2;
	s16 =	sadd.s32 $0xBD00, s9;
	[dreg:$0x18] =	wrdreg s15  }
0x1a: {  	s17 =	sadd.s32 $0xCA80, s9;
	[dreg:$0x19] =	wrdreg s16  }
0x1b: {  	s2 =	sshrl.u32 s2, $0x3;
	s18 =	sadd.s32 $0xD800, s9;
	[dreg:$0x1a] =	wrdreg s17  }
0x1c: {  	s0 =	sadd.s32 s0, s2;
	s24 =	sadd.s32 $0x12900, s9;
	[dreg:$0x1b] =	wrdreg s18  }
0x1d: {  	s0 =	sadd.s32 $0x2BE00, s0;
	[smem:$0x7F9] =	sst s24  }
0x1e: {  	s19 =	sadd.s32 $0xE580, s9;
	[dreg:$0x17] =	wrdreg s0  }
0x1f: {  	s20 =	sadd.s32 $0xF300, s9;
	[dreg:$0x1c] =	wrdreg s19  }
0x20: {  	s21 =	sadd.s32 $0x10080, s9;
	[dreg:$0x1d] =	wrdreg s20  }
0x21: {  	s22 =	sadd.s32 $0x10E00, s9;
	[dreg:$0x1e] =	wrdreg s21  }
0x22: {  	s23 =	sadd.s32 $0x11B80, s9;
	[dreg:$0x1f] =	wrdreg s22  }
0x23: {  	s28 =	simm.s32 $0x3;
	s25 =	sadd.s32 $0x13680, s9;
	[smem:$0x7F8] =	sst s23  }
0x24: {  	s29 =	simm.s32 $0x4;
	s26 =	sadd.s32 $0x14400, s9;
	[smem:$0x7FA] =	sst s25  }
0x25: {  	v0 =	vimm.f32 $0.0e+00;
	vm0 =	vmmov $0x1;
	vm1 =	vcmask $0x320;
	p0 =	sne.s32 s8, $0x0;
	s30 =	sadd.s32 $0x15180, s9;
	[smem:$0x7FB] =	sst s26  }
0x26: {  	vm2 =	vcmask $0x720;
	vm3 =	vcmask $0xB20;
	vm4 =	vcmask $0xF20;
	s15 =	simm.s32 $0x1E730;
	s16 =	simm.s32 $0x5;
	[smem:$0x7FC] =	sst s30  }
0x27: {  	vm5 =	vcmask $0x1320;
	vm6 =	vcmask $0x1720;
	vm7 =	vcmask $0x1B20;
	s19 =	simm.s32 $0x28;
	s25 =	simm.s32 $0x1;
	s26 =	simm.s32 $0x2  }
.LBB2_1:
0x28: {  	[dreg:$0x4] =	wrdreg s1;
	s0 =	simm.s32 $0x0;
	s2 =	simm.s32 $0x240  }
.LBB2_2:
0x29: {  	p1 =	sne.s32 s2, $0x57C0;
	[tilespmem:s0+$0x1E7B0] =	vst v0  }
0x2a: {  	[tilespmem:s0+$0x1E730] =	vst v0  }
0x2b: {  	[tilespmem:s0+$0x1E740] =	vst v0  }
0x2c: {  	[tilespmem:s0+$0x1E750] =	vst v0  }
.Ltmp0:
0x2d: {  	[tilespmem:s0+$0x1E760] =	vst v0;
	(pc) =	sbr.rel @p1 .LBB2_2-.Ltmp0, $4  }
0x2e: {  	[tilespmem:s0+$0x1E770] =	vst v0  }
0x2f: {  	[tilespmem:s0+$0x1E780] =	vst v0  }
0x30: {  	[tilespmem:s0+$0x1E790] =	vst v0  }
0x31: {  	[tilespmem:s0+$0x1E7A0] =	vst v0;
	s0 =	sshra.s32 s2, $0x2;
	s2 =	sadd.s32 $0x240, s2  }
0x32: {  	[tilespmem:s0+$0x1E7B0] =	vst v0  }
0x33: {  	[tilespmem:s0+$0x1E730] =	vst v0  }
0x34: {  	[tilespmem:s0+$0x1E740] =	vst v0  }
0x35: {  	[tilespmem:s0+$0x1E750] =	vst v0  }
0x36: {  	[tilespmem:s0+$0x1E760] =	vst v0  }
0x37: {  	[tilespmem:s0+$0x1E770] =	vst v0  }
0x38: {  	[tilespmem:s0+$0x1E780] =	vst v0  }
0x39: {  	[tilespmem:s0+$0x1E790] =	vst v0  }
0x3a: {  	[tilespmem:s0+$0x1E7A0] =	vst v0  }
0x3b: {  	[spmem:s9] =	stream.linear.scatter [tilespmem:s15], [sflag:$0x5], $0xD80, $0x38;
	[tilespmem:$0x1FDB0] =	vst v63  }
0x3c: {  	_ =	swait.ge [sflag:s16], $0xD80  }
0x3d: {  	[sflag:s16] =	ssyncset.done $0x0  }
0x3e: {  	s21 =	rddreg [dreg:$0x8];
	[sflag:s16] =	ssyncadd.s32 $0xFFFFF280  }
0x3f: {  	[spmem:s21] =	stream.linear.scatter [tilespmem:s15], [sflag:$0x5], $0xD80, $0x38;
	[tilespmem:$0x1FDB0] =	vst v63  }
0x40: {  	_ =	swait.ge [sflag:s16], $0xD80  }
0x41: {  	[sflag:s16] =	ssyncset.done $0x0  }
0x42: {  	s22 =	rddreg [dreg:$0x9];
	[sflag:s16] =	ssyncadd.s32 $0xFFFFF280  }
0x43: {  	[spmem:s22] =	stream.linear.scatter [tilespmem:s15], [sflag:$0x5], $0xD80, $0x38;
	[tilespmem:$0x1FDB0] =	vst v63  }
0x44: {  	_ =	swait.ge [sflag:s16], $0xD80  }
0x45: {  	[sflag:s16] =	ssyncset.done $0x0  }
0x46: {  	s23 =	rddreg [dreg:$0xa];
	[sflag:s16] =	ssyncadd.s32 $0xFFFFF280  }
0x47: {  	[spmem:s23] =	stream.linear.scatter [tilespmem:s15], [sflag:$0x5], $0xD80, $0x38;
	[tilespmem:$0x1FDB0] =	vst v63  }
0x48: {  	_ =	swait.ge [sflag:s16], $0xD80  }
0x49: {  	[sflag:s16] =	ssyncset.done $0x0  }
0x4a: {  	s24 =	rddreg [dreg:$0xb];
	[sflag:s16] =	ssyncadd.s32 $0xFFFFF280  }
0x4b: {  	[spmem:s24] =	stream.linear.scatter [tilespmem:s15], [sflag:$0x5], $0xD80, $0x38;
	[tilespmem:$0x1FDB0] =	vst v63  }
0x4c: {  	_ =	swait.ge [sflag:s16], $0xD80  }
0x4d: {  	[sflag:s16] =	ssyncset.done $0x0  }
0x4e: {  	s30 =	rddreg [dreg:$0xc];
	[sflag:s16] =	ssyncadd.s32 $0xFFFFF280  }
0x4f: {  	[spmem:s30] =	stream.linear.scatter [tilespmem:s15], [sflag:$0x5], $0xD80, $0x38;
	[tilespmem:$0x1FDB0] =	vst v63  }
0x50: {  	_ =	swait.ge [sflag:s16], $0xD80  }
0x51: {  	[sflag:s16] =	ssyncset.done $0x0  }
0x52: {  	s1 =	rddreg [dreg:$0xd];
	[sflag:s16] =	ssyncadd.s32 $0xFFFFF280  }
0x53: {  	[spmem:s1] =	stream.linear.scatter [tilespmem:s15], [sflag:$0x5], $0xD80, $0x38;
	[tilespmem:$0x1FDB0] =	vst v63  }
0x54: {  	_ =	swait.ge [sflag:s16], $0xD80  }
0x55: {  	[sflag:s16] =	ssyncset.done $0x0  }
0x56: {  	s2 =	rddreg [dreg:$0xe];
	[sflag:s16] =	ssyncadd.s32 $0xFFFFF280  }
0x57: {  	[spmem:s2] =	stream.linear.scatter [tilespmem:s15], [sflag:$0x5], $0xD80, $0x38;
	[tilespmem:$0x1FDB0] =	vst v63  }
0x58: {  	_ =	swait.ge [sflag:s16], $0xD80  }
0x59: {  	[sflag:s16] =	ssyncset.done $0x0  }
0x5a: {  	s4 =	rddreg [dreg:$0xf];
	[sflag:s16] =	ssyncadd.s32 $0xFFFFF280  }
0x5b: {  	[spmem:s4] =	stream.linear.scatter [tilespmem:s15], [sflag:$0x5], $0xD80, $0x38;
	[tilespmem:$0x1FDB0] =	vst v63  }
0x5c: {  	_ =	swait.ge [sflag:s16], $0xD80  }
0x5d: {  	[sflag:s16] =	ssyncset.done $0x0  }
0x5e: {  	s6 =	rddreg [dreg:$0x10];
	[sflag:s16] =	ssyncadd.s32 $0xFFFFF280  }
0x5f: {  	[spmem:s6] =	stream.linear.scatter [tilespmem:s15], [sflag:$0x5], $0xD80, $0x38;
	[tilespmem:$0x1FDB0] =	vst v63  }
0x60: {  	_ =	swait.ge [sflag:s16], $0xD80  }
0x61: {  	[sflag:s16] =	ssyncset.done $0x0  }
0x62: {  	s7 =	rddreg [dreg:$0x11];
	[sflag:s16] =	ssyncadd.s32 $0xFFFFF280  }
0x63: {  	[spmem:s7] =	stream.linear.scatter [tilespmem:s15], [sflag:$0x5], $0xD80, $0x38;
	[tilespmem:$0x1FDB0] =	vst v63  }
0x64: {  	_ =	swait.ge [sflag:s16], $0xD80  }
0x65: {  	[sflag:s16] =	ssyncset.done $0x0  }
0x66: {  	s8 =	rddreg [dreg:$0x12];
	[sflag:s16] =	ssyncadd.s32 $0xFFFFF280  }
0x67: {  	[spmem:s8] =	stream.linear.scatter [tilespmem:s15], [sflag:$0x5], $0xD80, $0x38;
	[tilespmem:$0x1FDB0] =	vst v63  }
0x68: {  	_ =	swait.ge [sflag:s16], $0xD80  }
0x69: {  	[sflag:s16] =	ssyncset.done $0x0  }
0x6a: {  	s9 =	rddreg [dreg:$0x13];
	[sflag:s16] =	ssyncadd.s32 $0xFFFFF280  }
0x6b: {  	[spmem:s9] =	stream.linear.scatter [tilespmem:s15], [sflag:$0x5], $0xD80, $0x38;
	[tilespmem:$0x1FDB0] =	vst v63  }
0x6c: {  	_ =	swait.ge [sflag:s16], $0xD80  }
0x6d: {  	[sflag:s16] =	ssyncset.done $0x0  }
0x6e: {  	s10 =	rddreg [dreg:$0x15];
	[sflag:s16] =	ssyncadd.s32 $0xFFFFF280  }
0x6f: {  	[spmem:s10] =	stream.linear.scatter [tilespmem:s15], [sflag:$0x5], $0xD80, $0x38;
	[tilespmem:$0x1FDB0] =	vst v63  }
0x70: {  	_ =	swait.ge [sflag:s16], $0xD80  }
0x71: {  	[sflag:s16] =	ssyncset.done $0x0  }
0x72: {  	s11 =	rddreg [dreg:$0x19];
	[sflag:s16] =	ssyncadd.s32 $0xFFFFF280  }
0x73: {  	[spmem:s11] =	stream.linear.scatter [tilespmem:s15], [sflag:$0x5], $0xD80, $0x38;
	[tilespmem:$0x1FDB0] =	vst v63  }
0x74: {  	_ =	swait.ge [sflag:s16], $0xD80  }
0x75: {  	[sflag:s16] =	ssyncset.done $0x0  }
0x76: {  	s12 =	rddreg [dreg:$0x1a];
	[sflag:s16] =	ssyncadd.s32 $0xFFFFF280  }
0x77: {  	[spmem:s12] =	stream.linear.scatter [tilespmem:s15], [sflag:$0x5], $0xD80, $0x38;
	[tilespmem:$0x1FDB0] =	vst v63  }
0x78: {  	_ =	swait.ge [sflag:s16], $0xD80  }
0x79: {  	[sflag:s16] =	ssyncset.done $0x0  }
0x7a: {  	s13 =	rddreg [dreg:$0x1b];
	[sflag:s16] =	ssyncadd.s32 $0xFFFFF280  }
0x7b: {  	[spmem:s13] =	stream.linear.scatter [tilespmem:s15], [sflag:$0x5], $0xD80, $0x38;
	[tilespmem:$0x1FDB0] =	vst v63  }
0x7c: {  	_ =	swait.ge [sflag:s16], $0xD80  }
0x7d: {  	[sflag:s16] =	ssyncset.done $0x0  }
0x7e: {  	s14 =	rddreg [dreg:$0x1c];
	[sflag:s16] =	ssyncadd.s32 $0xFFFFF280  }
0x7f: {  	[spmem:s14] =	stream.linear.scatter [tilespmem:s15], [sflag:$0x5], $0xD80, $0x38;
	[tilespmem:$0x1FDB0] =	vst v63  }
0x80: {  	_ =	swait.ge [sflag:s16], $0xD80  }
0x81: {  	[sflag:s16] =	ssyncset.done $0x0  }
0x82: {  	s17 =	rddreg [dreg:$0x1d];
	[sflag:s16] =	ssyncadd.s32 $0xFFFFF280  }
0x83: {  	[spmem:s17] =	stream.linear.scatter [tilespmem:s15], [sflag:$0x5], $0xD80, $0x38;
	[tilespmem:$0x1FDB0] =	vst v63  }
0x84: {  	_ =	swait.ge [sflag:s16], $0xD80  }
0x85: {  	[sflag:s16] =	ssyncset.done $0x0  }
0x86: {  	s18 =	rddreg [dreg:$0x1e];
	[sflag:s16] =	ssyncadd.s32 $0xFFFFF280  }
0x87: {  	[spmem:s18] =	stream.linear.scatter [tilespmem:s15], [sflag:$0x5], $0xD80, $0x38;
	[tilespmem:$0x1FDB0] =	vst v63  }
0x88: {  	_ =	swait.ge [sflag:s16], $0xD80  }
0x89: {  	[sflag:s16] =	ssyncset.done $0x0  }
0x8a: {  	s20 =	rddreg [dreg:$0x1f];
	[sflag:s16] =	ssyncadd.s32 $0xFFFFF280  }
0x8b: {  	[spmem:s20] =	stream.linear.scatter [tilespmem:s15], [sflag:$0x5], $0xD80, $0x38;
	[tilespmem:$0x1FDB0] =	vst v63  }
0x8c: {  	_ =	swait.ge [sflag:s16], $0xD80  }
0x8d: {  	s21 =	sld [smem:$0x7F8]  }
0x8e: {  	[sflag:s16] =	ssyncset.done $0x0  }
0x8f: {  	[sflag:s16] =	ssyncadd.s32 $0xFFFFF280  }
0x90: {  	[spmem:s21] =	stream.linear.scatter [tilespmem:s15], [sflag:$0x5], $0xD80, $0x38;
	[tilespmem:$0x1FDB0] =	vst v63  }
0x91: {  	_ =	swait.ge [sflag:s16], $0xD80  }
0x92: {  	s22 =	sld [smem:$0x7F9]  }
0x93: {  	[sflag:s16] =	ssyncset.done $0x0  }
0x94: {  	[sflag:s16] =	ssyncadd.s32 $0xFFFFF280  }
0x95: {  	[spmem:s22] =	stream.linear.scatter [tilespmem:s15], [sflag:$0x5], $0xD80, $0x38;
	[tilespmem:$0x1FDB0] =	vst v63  }
0x96: {  	_ =	swait.ge [sflag:s16], $0xD80  }
0x97: {  	s23 =	sld [smem:$0x7FA]  }
0x98: {  	[sflag:s16] =	ssyncset.done $0x0  }
0x99: {  	[sflag:s16] =	ssyncadd.s32 $0xFFFFF280  }
0x9a: {  	[spmem:s23] =	stream.linear.scatter [tilespmem:s15], [sflag:$0x5], $0xD80, $0x38;
	[tilespmem:$0x1FDB0] =	vst v63  }
0x9b: {  	_ =	swait.ge [sflag:s16], $0xD80  }
0x9c: {  	s24 =	sld [smem:$0x7FB]  }
0x9d: {  	[sflag:s16] =	ssyncset.done $0x0  }
0x9e: {  	[sflag:s16] =	ssyncadd.s32 $0xFFFFF280  }
0x9f: {  	[spmem:s24] =	stream.linear.scatter [tilespmem:s15], [sflag:$0x5], $0xD80, $0x38;
	[tilespmem:$0x1FDB0] =	vst v63  }
0xa0: {  	_ =	swait.ge [sflag:s16], $0xD80  }
0xa1: {  	s30 =	sld [smem:$0x7FC]  }
0xa2: {  	[sflag:s16] =	ssyncset.done $0x0  }
0xa3: {  	[sflag:s16] =	ssyncadd.s32 $0xFFFFF280  }
0xa4: {  	[spmem:s30] =	stream.linear.scatter [tilespmem:s15], [sflag:$0x5], $0xD80, $0x38;
	[tilespmem:$0x1FDB0] =	vst v63  }
0xa5: {  	_ =	swait.ge [sflag:s16], $0xD80  }
0xa6: {  	[sflag:s16] =	ssyncset.done $0x0  }
0xa7: {  	s0 =	simm.s32 @!p0 $0x1E730;
	[sflag:s16] =	ssyncadd.s32 $0xFFFFF280  }
0xa8: {  	[spmem:s3] =	stream.linear.scatter @!p0 [tilespmem:s0], [sflag:$0x5], $0x900, $0x38;
	[tilespmem:$0x1FDB0] =	vst v63  }
0xa9: {  	s0 =	simm.s32 @!p0 $0x5  }
0xaa: {  	_ =	swait.ge @!p0 [sflag:s0], $0x900  }
0xab: {  	[sflag:s0] =	ssyncset.done @!p0 $0x0  }
0xac: {  	[sflag:s0] =	ssyncadd.s32 @!p0 $0xFFFFF700  }
0xad: {  	s0 =	simm.s32 $0x0;
	[bflag:$0x0] =	sbarrier.arrive $0xFFFF  }
.LBB2_4:
0xae: {  	s18 =	smul.u32 $0x32, s0  }
0xaf: {  	s1 =	rddreg [dreg:$0x16]  }
0xb0: {  	[smem:$0x7F7] =	sst s0;
	s0 =	sadd.s32 s1, s18  }
0xb1: {  	s0 =	smul.u32 $0x5, s0  }
0xb2: {  	s20 =	rddreg [dreg:$0x5]  }
0xb3: {  	s3 =	simm.s32 $0x15F90;
	s4 =	simm.s32 $0x0;
	s2 =	sadd.s32 s20, s0  }
0xb4: {  	[tilespmem:s3], [sflag:$0x5] =	stream.linear.gather [hbm4b:s2+s4], $0x7D0, $0x38;
	[tilespmem:$0x1FDB0] =	vst v63  }
0xb5: {  	_ =	swait.ge [sflag:s16], $0x7D0  }
0xb6: {  	[sflag:s16] =	ssyncset.done $0x0;
	s21 =	rddreg [dreg:$0x6]  }
0xb7: {  	s22 =	simm.s32 $0x16760;
	[sflag:s16] =	ssyncadd.s32 $0xFFFFF830;
	s0 =	sadd.s32 s21, s0  }
0xb8: {  	[tilespmem:s22], [sflag:$0x5] =	stream.linear.gather [hbm4b:s0+s4], $0x7D0, $0x38;
	[tilespmem:$0x1FDB0] =	vst v63  }
0xb9: {  	_ =	swait.ge [sflag:s16], $0x7D0  }
0xba: {  	[sflag:s16] =	ssyncset.done $0x0  }
0xbb: {  	s23 =	simm.s32 $0x16F30;
	[sflag:s16] =	ssyncadd.s32 $0xFFFFF830  }
0xbc: {  	[tilespmem:s23], [sflag:$0x1] =	stream.indirect.gather [hbm4b:s5+s19], $0x100, s3, s19, $0xb8;
	[tilespmem:$0x1FDB0] =	vst v63  }
0xbd: {  	s30 =	simm.s32 $0x19730;
	s0 =	simm.s32 $0x0;
	s24 =	rddreg [dreg:$0x1]  }
0xbe: {  	[tilespmem:s30], [sflag:$0x2] =	stream.indirect.gather [hbm4b:s24+s19], $0x80, s22, s19, $0xb8;
	[tilespmem:$0x1FDB0] =	vst v63  }
.LBB2_5:
0xbf: {  	s9 =	smul.u32 $0x50, s0;
	_ =	sdelay $0x1  }
0xc0: {  	s3 =	simm.s32 $0x1AB30;
	s2 =	sadd.s32 $0x15FB8, s9  }
0xc1: {  	[tilespmem:s3], [sflag:$0x3] =	stream.indirect.gather [hbm4b:s5+s19], $0x100, s2, s19, $0xb8;
	[tilespmem:$0x1FDB0] =	vst v63  }
0xc2: {  	s23 =	rddreg [dreg:$0x1];
	s24 =	simm.s32 $0x1D330;
	s4 =	sadd.s32 $0x16788, s9  }
0xc3: {  	[tilespmem:s24], [sflag:$0x4] =	stream.indirect.gather [hbm4b:s23+s19], $0x80, s4, s19, $0xb8;
	[tilespmem:$0x1FDB0] =	vst v63  }
0xc4: {  	_ =	swait.ge [sflag:s25], $0x2800  }
0xc5: {  	[sflag:s25] =	ssyncset.done $0x0  }
0xc6: {  	[sflag:s25] =	ssyncadd.s32 $0xFFFFD800  }
0xc7: {  	_ =	swait.ge [sflag:s26], $0x1400  }
0xc8: {  	[sflag:s26] =	ssyncset.done $0x0  }
0xc9: {  	s1 =	smov.u32 s31;
	s31 =	simm.s32 $0x17030;
	[sflag:s26] =	ssyncadd.s32 $0xFFFFEC00  }
0xca: {  	s30 =	simm.s32 $0x197B0;
	v1 =	vld [tilespmem:s31+$0x0]  }
0xcb: {  	v2 =	vld [tilespmem:s30+$0x0];
	_ =	sdelay $0x4  }
0xcc: {  	v1 =	vmul.f32 v2, v1;
	_ =	sdelay $0x1  }
0xcd: {  	v2 =	vld [tilespmem:s31+$0xFFFFFF00];
	(xrf2) =	vadd.scan.msk.f32 $0xffff, v1  }
0xce: {  	v1 =	vld [tilespmem:s30+$0xFFFFFF80];
	_ =	sdelay $0x4  }
0xcf: {  	v1 =	vmul.f32 v1, v2;
	_ =	sdelay $0x2  }
0xd0: {  	(xrf2) =	vadd.scan.msk.f32 $0xffff, v1  }
0xd1: {  	v1, _, _ =	vpop (xrf2)  }
0xd2: {  	v1 =	vmul.f32 $1.442695020e+00, v1;
	_ =	sdelay $0x1  }
0xd3: {  	v1 =	vbroadcast v1, $0xF;
	_ =	sdelay $0x1  }
0xd4: {  	(erf) = vpow2.f32 v1;
	_ =	sdelay $0x3  }
0xd5: {  	v1, _, _ =	vpop (xrf2)  }
0xd6: {  	v2 =	vld [tilespmem:s31+$0x80];
	v1 =	vmul.f32 $1.442695020e+00, v1;
	_ =	sdelay $0x1  }
0xd7: {  	v3 =	vbroadcast v1, $0xF;
	_ =	sdelay $0x1  }
0xd8: {  	(erf) = vpow2.f32 v3;
	v1 =	vpop (erf)  }
0xd9: {  	v2 =	vmul.f32 v1, v2  }
0xda: {  	s10 =	simm.s32 $0x1E7C0  }
0xdb: {  	v3 =	vld [tilespmem:s31+$0xFFFFFF80];
	[tilespmem:s10+$0x0] =	vst v2  }
0xdc: {  	v4 =	vld [tilespmem:s31+$0x10]  }
0xdd: {  	v5 =	vld [tilespmem:s30+$0x10];
	_ =	sdelay $0x3  }
0xde: {  	v2 =	vpop (erf)  }
0xdf: {  	v3 =	vmul.f32 v2, v3;
	v4 =	vmul.f32 v5, v4;
	_ =	sdelay $0x1  }
0xe0: {  	[tilespmem:s10+$0xFFFFFF70] =	vst v3;
	(xrf2) =	vadd.scan.msk.f32 $0xffff, v4  }
0xe1: {  	v3 =	vld [tilespmem:s31+$0xFFFFFF10]  }
0xe2: {  	v4 =	vld [tilespmem:s30+$0xFFFFFF90];
	_ =	sdelay $0x4  }
0xe3: {  	s17 =	simm.s32 $0x198B0;
	v3 =	vmul.f32 v4, v3  }
0xe4: {  	s11 =	simm.s32 $0x17230;
	v5 =	vld [tilespmem:s17+$0x0]  }
0xe5: {  	(xrf2) =	vadd.scan.msk.f32 $0xffff, v3;
	v3 =	vld [tilespmem:s11+$0x0]  }
0xe6: {  	v4, _, _ =	vpop (xrf2)  }
0xe7: {  	v4 =	vmul.f32 $1.442695020e+00, v4;
	_ =	sdelay $0x1  }
0xe8: {  	v4 =	vbroadcast v4, $0xF  }
0xe9: {  	v3 =	vmul.f32 v5, v3  }
0xea: {  	(erf) = vpow2.f32 v4  }
0xeb: {  	(xrf2) =	vadd.scan.msk.f32 $0xffff, v3  }
0xec: {  	v3 =	vld [tilespmem:s11+$0xFFFFFF00]  }
0xed: {  	v4 =	vld [tilespmem:s17+$0xFFFFFF80]  }
0xee: {  	v5, _, _ =	vpop (xrf2)  }
0xef: {  	v6 =	vld [tilespmem:s31+$0x90];
	v5 =	vmul.f32 $1.442695020e+00, v5;
	_ =	sdelay $0x1  }
0xf0: {  	v5 =	vbroadcast v5, $0xF  }
0xf1: {  	v4 =	vmul.f32 v4, v3  }
0xf2: {  	(erf) = vpow2.f32 v5;
	v3 =	vpop (erf)  }
0xf3: {  	(xrf2) =	vadd.scan.msk.f32 $0xffff, v4;
	v5 =	vmul.f32 v3, v6  }
0xf4: {  	v6, _, _ =	vpop (xrf2)  }
0xf5: {  	[tilespmem:s10+$0x10] =	vst v5;
	v5 =	vmul.f32 $1.442695020e+00, v6  }
0xf6: {  	v4 =	vld [tilespmem:s31+$0xFFFFFF90]  }
0xf7: {  	v6 =	vld [tilespmem:s31+$0x20];
	v5 =	vbroadcast v5, $0xF  }
0xf8: {  	v7 =	vld [tilespmem:s30+$0x20];
	_ =	sdelay $0x2  }
0xf9: {  	(erf) = vpow2.f32 v5;
	v5 =	vpop (erf)  }
0xfa: {  	v4 =	vmul.f32 v5, v4  }
0xfb: {  	v6 =	vmul.f32 v7, v6;
	v7, _, _ =	vpop (xrf2)  }
0xfc: {  	[tilespmem:s10+$0xFFFFFF80] =	vst v4;
	v4 =	vmul.f32 $1.442695020e+00, v7  }
0xfd: {  	v8 =	vld [tilespmem:s11+$0x80]  }
0xfe: {  	(xrf2) =	vadd.scan.msk.f32 $0xffff, v6;
	v6 =	vld [tilespmem:s31+$0xFFFFFF20];
	v4 =	vbroadcast v4, $0xF  }
0xff: {  	v7 =	vld [tilespmem:s30+$0xFFFFFFA0];
	_ =	sdelay $0x2  }
0x100: {  	(erf) = vpow2.f32 v4;
	v4 =	vpop (erf)  }
0x101: {  	v8 =	vmul.f32 v4, v8  }
0x102: {  	s12 =	simm.s32 $0x1E8E0;
	v6 =	vmul.f32 v7, v6  }
0x103: {  	v7 =	vld [tilespmem:s11+$0xFFFFFF80];
	[tilespmem:s12+$0x0] =	vst v8  }
0x104: {  	v8 =	vld [tilespmem:s11+$0x10]  }
0x105: {  	(xrf2) =	vadd.scan.msk.f32 $0xffff, v6;
	v9 =	vld [tilespmem:s17+$0x10]  }
0x106: {  	v6, _, _ =	vpop (xrf2)  }
0x107: {  	v10 =	vmul.f32 $1.442695020e+00, v6;
	_ =	sdelay $0x1  }
0x108: {  	v6 =	vpop (erf);
	v10 =	vbroadcast v10, $0xF  }
0x109: {  	v7 =	vmul.f32 v6, v7;
	v8 =	vmul.f32 v9, v8  }
0x10a: {  	(erf) = vpow2.f32 v10  }
0x10b: {  	[tilespmem:s12+$0xFFFFFF70] =	vst v7;
	(xrf2) =	vadd.scan.msk.f32 $0xffff, v8  }
0x10c: {  	v7 =	vld [tilespmem:s11+$0xFFFFFF10]  }
0x10d: {  	v8 =	vld [tilespmem:s17+$0xFFFFFF90]  }
0x10e: {  	v9, _, _ =	vpop (xrf2)  }
0x10f: {  	v10 =	vld [tilespmem:s31+$0xA0];
	v9 =	vmul.f32 $1.442695020e+00, v9;
	_ =	sdelay $0x1  }
0x110: {  	v9 =	vbroadcast v9, $0xF  }
0x111: {  	v8 =	vmul.f32 v8, v7  }
0x112: {  	s13 =	simm.s32 $0x17430;
	(erf) = vpow2.f32 v9;
	v7 =	vpop (erf)  }
0x113: {  	s21 =	simm.s32 $0x199B0;
	v9 =	vld [tilespmem:s13+$0x0];
	(xrf2) =	vadd.scan.msk.f32 $0xffff, v8;
	v8 =	vmul.f32 v7, v10  }
0x114: {  	v10 =	vld [tilespmem:s21+$0x0];
	v12, _, _ =	vpop (xrf2)  }
0x115: {  	v11 =	vld [tilespmem:s31+$0xFFFFFFA0];
	[tilespmem:s10+$0x20] =	vst v8;
	v8 =	vmul.f32 $1.442695020e+00, v12  }
0x116: {  	v12 =	vld [tilespmem:s31+$0x30]  }
0x117: {  	v13 =	vld [tilespmem:s30+$0x30];
	v8 =	vbroadcast v8, $0xF;
	_ =	sdelay $0x1  }
0x118: {  	v9 =	vmul.f32 v10, v9;
	_ =	sdelay $0x1  }
0x119: {  	(erf) = vpow2.f32 v8;
	(xrf2) =	vadd.scan.msk.f32 $0xffff, v9;
	v9 =	vld [tilespmem:s21+$0xFFFFFF80];
	v8 =	vpop (erf)  }
0x11a: {  	v10 =	vmul.f32 v8, v11;
	v11 =	vmul.f32 v13, v12;
	v12 =	vld [tilespmem:s13+$0xFFFFFF00];
	_ =	sdelay $0x1  }
0x11b: {  	v13, _, _ =	vpop (xrf2)  }
0x11c: {  	v13 =	vmul.f32 $1.442695020e+00, v13;
	_ =	sdelay $0x1  }
0x11d: {  	[tilespmem:s10+$0xFFFFFF90] =	vst v10;
	v10 =	vld [tilespmem:s11+$0x90];
	(xrf2) =	vadd.scan.msk.f32 $0xffff, v11;
	v13 =	vbroadcast v13, $0xF;
	v12 =	vmul.f32 v9, v12  }
0x11e: {  	v11 =	vld [tilespmem:s31+$0xFFFFFF30]  }
0x11f: {  	v14 =	vld [tilespmem:s30+$0xFFFFFFB0];
	(erf) = vpow2.f32 v13  }
0x120: {  	v9 =	vpop (erf)  }
0x121: {  	(xrf2) =	vadd.scan.msk.f32 $0xffff, v12;
	v12, _, _ =	vpop (xrf2)  }
0x122: {  	v10 =	vmul.f32 v9, v10;
	v12 =	vmul.f32 $1.442695020e+00, v12;
	_ =	sdelay $0x1  }
0x123: {  	v13 =	vld [tilespmem:s11+$0xFFFFFF90];
	v11 =	vmul.f32 v14, v11;
	[tilespmem:s12+$0x10] =	vst v10;
	v10 =	vbroadcast v12, $0xF;
	_ =	sdelay $0x1  }
0x124: {  	(xrf2) =	vadd.scan.msk.f32 $0xffff, v11  }
0x125: {  	v11 =	vld [tilespmem:s11+$0x20];
	v12, _, _ =	vpop (xrf2)  }
0x126: {  	v14 =	vld [tilespmem:s17+$0x20];
	(erf) = vpow2.f32 v10;
	v10 =	vpop (erf)  }
0x127: {  	v12 =	vmul.f32 $1.442695020e+00, v12;
	v13 =	vmul.f32 v10, v13;
	_ =	sdelay $0x1  }
0x128: {  	v12 =	vbroadcast v12, $0xF;
	_ =	sdelay $0x1  }
0x129: {  	v11 =	vmul.f32 v14, v11;
	(erf) = vpow2.f32 v12;
	[tilespmem:s12+$0xFFFFFF80] =	vst v13;
	v12 =	vld [tilespmem:s13+$0x80];
	v13, _, _ =	vpop (xrf2)  }
0x12a: {  	v13 =	vmul.f32 $1.442695020e+00, v13  }
0x12b: {  	v14 =	vld [tilespmem:s11+$0xFFFFFF20]  }
0x12c: {  	(xrf2) =	vadd.scan.msk.f32 $0xffff, v11;
	v15 =	vld [tilespmem:s17+$0xFFFFFFA0];
	v16, _, _ =	vpop (xrf2);
	v13 =	vbroadcast v13, $0xF  }
0x12d: {  	v11 =	vpop (erf);
	v16 =	vmul.f32 $1.442695020e+00, v16  }
0x12e: {  	v17 =	vld [tilespmem:s31+$0xB0];
	v12 =	vmul.f32 v11, v12;
	(erf) = vpow2.f32 v13  }
0x12f: {  	s14 =	simm.s32 $0x1EA00  }
0x130: {  	v16 =	vbroadcast v16, $0xF;
	[tilespmem:s14+$0x0] =	vst v12  }
0x131: {  	v12 =	vmul.f32 v15, v14;
	v14 =	vld [tilespmem:s13+$0x10]  }
0x132: {  	(erf) = vpow2.f32 v16;
	v16 =	vld [tilespmem:s21+$0x10];
	v13 =	vpop (erf)  }
0x133: {  	(xrf2) =	vadd.scan.msk.f32 $0xffff, v12;
	v15 =	vmul.f32 v13, v17;
	v17 =	vld [tilespmem:s13+$0xFFFFFF80];
	_ =	sdelay $0x1  }
0x134: {  	[tilespmem:s10+$0x30] =	vst v15  }
0x135: {  	v12, _, _ =	vpop (xrf2);
	v15 =	vld [tilespmem:s31+$0x40]  }
0x136: {  	v18 =	vmul.f32 $1.442695020e+00, v12;
	v19 =	vld [tilespmem:s30+$0x40];
	v12 =	vpop (erf)  }
0x137: {  	v14 =	vmul.f32 v16, v14;
	v17 =	vmul.f32 v12, v17  }
0x138: {  	v20 =	vld [tilespmem:s31+$0xFFFFFFB0];
	v16 =	vbroadcast v18, $0xF  }
0x139: {  	[tilespmem:s14+$0xFFFFFF70] =	vst v17  }
0x13a: {  	(erf) = vpow2.f32 v16;
	v16 =	vld [tilespmem:s13+$0xFFFFFF10]  }
0x13b: {  	(xrf2) =	vadd.scan.msk.f32 $0xffff, v14;
	v14 =	vpop (erf);
	v15 =	vmul.f32 v19, v15;
	v18 =	vld [tilespmem:s21+$0xFFFFFF90]  }
0x13c: {  	v19, _, _ =	vpop (xrf2)  }
0x13d: {  	v17 =	vmul.f32 v14, v20;
	(xrf2) =	vadd.scan.msk.f32 $0xffff, v15;
	v15 =	vmul.f32 $1.442695020e+00, v19;
	_ =	sdelay $0x1  }
0x13e: {  	[tilespmem:s10+$0xFFFFFFA0] =	vst v17;
	v17 =	vld [tilespmem:s11+$0xA0];
	v15 =	vbroadcast v15, $0xF  }
0x13f: {  	v19 =	vld [tilespmem:s31+$0xFFFFFF40];
	v16 =	vmul.f32 v18, v16  }
0x140: {  	s6 =	simm.s32 $0x19AB0;
	v20 =	vld [tilespmem:s30+$0xFFFFFFC0]  }
0x141: {  	s8 =	simm.s32 $0x17630;
	v21 =	vld [tilespmem:s6+$0x0];
	(xrf2) =	vadd.scan.msk.f32 $0xffff, v16  }
0x142: {  	(erf) = vpow2.f32 v15;
	v18 =	vld [tilespmem:s8+$0x0];
	v15 =	vpop (erf)  }
0x143: {  	v17 =	vmul.f32 v15, v17  }
0x144: {  	v16, _, _ =	vpop (xrf2)  }
0x145: {  	v19 =	vmul.f32 v20, v19;
	[tilespmem:s12+$0x20] =	vst v17;
	v16 =	vmul.f32 $1.442695020e+00, v16  }
0x146: {  	v17 =	vld [tilespmem:s11+$0x30]  }
0x147: {  	(xrf2) =	vadd.scan.msk.f32 $0xffff, v19;
	v19 =	vld [tilespmem:s17+$0x30];
	v18 =	vmul.f32 v21, v18;
	v16 =	vbroadcast v16, $0xF  }
0x148: {  	v20 =	vld [tilespmem:s11+$0xFFFFFFA0];
	v22, _, _ =	vpop (xrf2)  }
0x149: {  	v22 =	vmul.f32 $1.442695020e+00, v22;
	(erf) = vpow2.f32 v16;
	_ =	sdelay $0x1  }
0x14a: {  	(xrf2) =	vadd.scan.msk.f32 $0xffff, v18;
	v21 =	vbroadcast v22, $0xF;
	v18, _, _ =	vpop (xrf2)  }
0x14b: {  	v23 =	vld [tilespmem:s6+$0xFFFFFF80];
	v17 =	vmul.f32 v19, v17;
	v16 =	vpop (erf);
	v18 =	vmul.f32 $1.442695020e+00, v18  }
0x14c: {  	v22 =	vld [tilespmem:s8+$0xFFFFFF00];
	v20 =	vmul.f32 v16, v20  }
0x14d: {  	(erf) = vpow2.f32 v21;
	v19 =	vld [tilespmem:s13+$0x90];
	(xrf2) =	vadd.scan.msk.f32 $0xffff, v17;
	v17 =	vbroadcast v18, $0xF  }
0x14e: {  	[tilespmem:s12+$0xFFFFFF90] =	vst v20  }
0x14f: {  	v20 =	vld [tilespmem:s11+$0xFFFFFF30]  }
0x150: {  	v21 =	vld [tilespmem:s17+$0xFFFFFFB0]  }
0x151: {  	(erf) = vpow2.f32 v17;
	v17 =	vpop (erf)  }
0x152: {  	v22 =	vmul.f32 v23, v22;
	v23 =	vld [tilespmem:s31+$0xC0];
	v18, _, _ =	vpop (xrf2);
	v19 =	vmul.f32 v17, v19  }
0x153: {  	v18 =	vmul.f32 $1.442695020e+00, v18  }
0x154: {  	(xrf2) =	vadd.scan.msk.f32 $0xffff, v22  }
0x155: {  	v18 =	vbroadcast v18, $0xF;
	v20 =	vmul.f32 v21, v20;
	v21, _, _ =	vpop (xrf2)  }
0x156: {  	v21 =	vmul.f32 $1.442695020e+00, v21;
	[tilespmem:s14+$0x10] =	vst v19;
	v19 =	vpop (erf)  }
0x157: {  	(erf) = vpow2.f32 v18;
	(xrf2) =	vadd.scan.msk.f32 $0xffff, v20;
	v18 =	vld [tilespmem:s13+$0x20];
	v20 =	vmul.f32 v19, v23  }
0x158: {  	v22 =	vld [tilespmem:s21+$0x20]  }
0x159: {  	v23 =	vld [tilespmem:s13+$0xFFFFFF90];
	[tilespmem:s10+$0x40] =	vst v20  }
0x15a: {  	v20 =	vbroadcast v21, $0xF;
	v21, _, _ =	vpop (xrf2);
	v24 =	vld [tilespmem:s31+$0x50]  }
0x15b: {  	v25 =	vmul.f32 $1.442695020e+00, v21;
	v26 =	vld [tilespmem:s30+$0x50]  }
0x15c: {  	(erf) = vpow2.f32 v20  }
0x15d: {  	v27 =	vld [tilespmem:s31+$0xFFFFFFC0];
	v21 =	vpop (erf);
	v20 =	vbroadcast v25, $0xF  }
0x15e: {  	v18 =	vmul.f32 v22, v18;
	v22, _, _ =	vpop (xrf2);
	v23 =	vmul.f32 v21, v23  }
0x15f: {  	v61 =	vmul.f32 $1.442695020e+00, v22;
	(erf) = vpow2.f32 v20  }
0x160: {  	(xrf2) =	vadd.scan.msk.f32 $0xffff, v18;
	v22 =	vpop (erf);
	[tilespmem:s14+$0xFFFFFF80] =	vst v23;
	v20 =	vld [tilespmem:s8+$0x80];
	v23 =	vmul.f32 v26, v24  }
0x161: {  	v18 =	vbroadcast v61, $0xF;
	v32, _, _ =	vpop (xrf2);
	v63 =	vld [tilespmem:s13+$0xFFFFFF20]  }
0x162: {  	v62 =	vmul.f32 v22, v27;
	v33 =	vld [tilespmem:s21+$0xFFFFFFA0];
	v26 =	vmul.f32 $1.442695020e+00, v32;
	(xrf2) =	vadd.scan.msk.f32 $0xffff, v23;
	_ =	sdelay $0x1  }
0x163: {  	v34 =	vld [tilespmem:s11+$0xB0];
	(erf) = vpow2.f32 v18;
	[tilespmem:s10+$0xFFFFFFB0] =	vst v62;
	v23 =	vbroadcast v26, $0xF  }
0x164: {  	v35 =	vld [tilespmem:s31+$0xFFFFFF50];
	v18 =	vpop (erf)  }
0x165: {  	v28 =	vld [tilespmem:s30+$0xFFFFFFD0];
	v20 =	vmul.f32 v18, v20  }
0x166: {  	(erf) = vpow2.f32 v23;
	v25 =	vmul.f32 v33, v63  }
0x167: {  	s3 =	simm.s32 $0x1EB20;
	v36 =	vld [tilespmem:s8+$0xFFFFFF80];
	v23 =	vpop (erf)  }
0x168: {  	v29 =	vld [tilespmem:s11+$0xFFFFFFB0];
	(xrf2) =	vadd.scan.msk.f32 $0xffff, v25;
	[tilespmem:s3+$0x0] =	vst v20;
	v24 =	vmul.f32 v23, v34  }
0x169: {  	v37 =	vld [tilespmem:s8+$0x10];
	v20, _, _ =	vpop (xrf2)  }
0x16a: {  	v26 =	vmul.f32 v28, v35;
	v31 =	vld [tilespmem:s6+$0x10];
	v30 =	vmul.f32 $1.442695020e+00, v20;
	[tilespmem:s12+$0x30] =	vst v24  }
0x16b: {  	v39, _, _ =	vpop (xrf2);
	v40 =	vld [tilespmem:s11+$0x40]  }
0x16c: {  	(xrf2) =	vadd.scan.msk.f32 $0xffff, v26;
	v20 =	vpop (erf);
	v43 =	vld [tilespmem:s17+$0x40];
	v38 =	vbroadcast v30, $0xF;
	v42 =	vmul.f32 $1.442695020e+00, v39  }
0x16d: {  	v41 =	vmul.f32 v20, v36  }
0x16e: {  	(erf) = vpow2.f32 v38;
	v44 =	vbroadcast v42, $0xF  }
0x16f: {  	[tilespmem:s3+$0xFFFFFF70] =	vst v41;
	v24 =	vpop (erf);
	v25 =	vmul.f32 v31, v37  }
0x170: {  	v45 =	vld [tilespmem:s8+$0xFFFFFF10];
	v29 =	vmul.f32 v24, v29;
	(erf) = vpow2.f32 v44  }
0x171: {  	v46 =	vld [tilespmem:s6+$0xFFFFFF90];
	(xrf2) =	vadd.scan.msk.f32 $0xffff, v25;
	v48 =	vmul.f32 v43, v40  }
0x172: {  	v47 =	vld [tilespmem:s13+$0xA0];
	[tilespmem:s12+$0xFFFFFFA0] =	vst v29;
	v49, _, _ =	vpop (xrf2)  }
0x173: {  	v29 =	vld [tilespmem:s11+$0xFFFFFF40];
	v28 =	vmul.f32 $1.442695020e+00, v49;
	(xrf2) =	vadd.scan.msk.f32 $0xffff, v48  }
0x174: {  	v50 =	vld [tilespmem:s17+$0xFFFFFFC0]  }
0x175: {  	v52 =	vld [tilespmem:s31+$0xD0];
	v51 =	vbroadcast v28, $0xF  }
0x176: {  	s23 =	simm.s32 $0x19BB0;
	v27 =	vmul.f32 v46, v45;
	v53, _, _ =	vpop (xrf2)  }
0x177: {  	s20 =	simm.s32 $0x17830;
	v55 =	vld [tilespmem:s23+$0x0];
	(erf) = vpow2.f32 v51;
	v25 =	vpop (erf)  }
0x178: {  	v32 =	vld [tilespmem:s20+$0x0];
	v31 =	vmul.f32 $1.442695020e+00, v53;
	(xrf2) =	vadd.scan.msk.f32 $0xffff, v27;
	v54 =	vmul.f32 v25, v47  }
0x179: {  	v29 =	vmul.f32 v50, v29;
	v26 =	vpop (erf)  }
0x17a: {  	v33 =	vld [tilespmem:s13+$0xFFFFFFA0];
	v31 =	vbroadcast v31, $0xF;
	[tilespmem:s14+$0x20] =	vst v54;
	v56 =	vmul.f32 v26, v52  }
0x17b: {  	v57, _, _ =	vpop (xrf2);
	v58 =	vld [tilespmem:s13+$0x30]  }
0x17c: {  	(xrf2) =	vadd.scan.msk.f32 $0xffff, v29;
	(erf) = vpow2.f32 v31;
	v28 =	vmul.f32 $1.442695020e+00, v57;
	v59 =	vld [tilespmem:s21+$0x30];
	[tilespmem:s10+$0x50] =	vst v56  }
0x17d: {  	v30 =	vmul.f32 v55, v32;
	v60, _, _ =	vpop (xrf2);
	v34 =	vld [tilespmem:s31+$0x60]  }
0x17e: {  	v28 =	vbroadcast v28, $0xF;
	v61 =	vld [tilespmem:s30+$0x60];
	v36 =	vmul.f32 $1.442695020e+00, v60  }
0x17f: {  	v62 =	vld [tilespmem:s20+$0xFFFFFF00]  }
0x180: {  	v35 =	vld [tilespmem:s31+$0xFFFFFFD0];
	(xrf2) =	vadd.scan.msk.f32 $0xffff, v30;
	(erf) = vpow2.f32 v28;
	v27 =	vpop (erf);
	v39 =	vbroadcast v36, $0xF  }
0x181: {  	v37 =	vld [tilespmem:s23+$0xFFFFFF80];
	v33 =	vmul.f32 v27, v33;
	v63 =	vmul.f32 v59, v58  }
0x182: {  	v38, _, _ =	vpop (xrf2);
	(erf) = vpow2.f32 v39  }
0x183: {  	v41 =	vld [tilespmem:s8+$0x90];
	v29 =	vmul.f32 $1.442695020e+00, v38;
	[tilespmem:s14+$0xFFFFFF90] =	vst v33;
	(xrf2) =	vadd.scan.msk.f32 $0xffff, v63;
	v40 =	vmul.f32 v61, v34  }
0x184: {  	v43 =	vld [tilespmem:s13+$0xFFFFFF30]  }
0x185: {  	v28 =	vpop (erf);
	v29 =	vbroadcast v29, $0xF;
	v45 =	vld [tilespmem:s21+$0xFFFFFFB0];
	(xrf2) =	vadd.scan.msk.f32 $0xffff, v40  }
0x186: {  	v30 =	vmul.f32 v37, v62;
	v42, _, _ =	vpop (xrf2);
	v44 =	vmul.f32 v28, v35  }
0x187: {  	v46 =	vld [tilespmem:s11+$0xC0];
	v33 =	vmul.f32 $1.442695020e+00, v42;
	(erf) = vpow2.f32 v29  }
0x188: {  	[tilespmem:s10+$0xFFFFFFC0] =	vst v44  }
0x189: {  	v33 =	vbroadcast v33, $0xF;
	v47 =	vld [tilespmem:s31+$0xFFFFFF60];
	(xrf2) =	vadd.scan.msk.f32 $0xffff, v30;
	v29 =	vpop (erf)  }
0x18a: {  	v50, _, _ =	vpop (xrf2);
	v49 =	vld [tilespmem:s30+$0xFFFFFFE0];
	v34 =	vmul.f32 v45, v43;
	v48 =	vmul.f32 v29, v41  }
0x18b: {  	(erf) = vpow2.f32 v33;
	v33 =	vmul.f32 $1.442695020e+00, v50;
	v30 =	vpop (erf)  }
0x18c: {  	v51 =	vld [tilespmem:s8+$0xFFFFFF90];
	(xrf2) =	vadd.scan.msk.f32 $0xffff, v34;
	[tilespmem:s3+$0x10] =	vst v48;
	v31 =	vmul.f32 v30, v46  }
0x18d: {  	v33 =	vbroadcast v33, $0xF;
	v38 =	vld [tilespmem:s8+$0x20];
	v53, _, _ =	vpop (xrf2)  }
0x18e: {  	v39 =	vld [tilespmem:s6+$0x20];
	v34 =	vmul.f32 $1.442695020e+00, v53  }
0x18f: {  	v32 =	vmul.f32 v49, v47;
	(erf) = vpow2.f32 v33;
	[tilespmem:s12+$0x40] =	vst v31;
	v54, _, _ =	vpop (xrf2)  }
0x190: {  	v55 =	vld [tilespmem:s11+$0x50];
	v31 =	vpop (erf);
	v34 =	vbroadcast v34, $0xF;
	v40 =	vmul.f32 $1.442695020e+00, v54  }
0x191: {  	v41 =	vld [tilespmem:s17+$0x50];
	v37 =	vmul.f32 v31, v51  }
0x192: {  	v52 =	vld [tilespmem:s11+$0xFFFFFFC0];
	(xrf2) =	vadd.scan.msk.f32 $0xffff, v32;
	(erf) = vpow2.f32 v34;
	v56 =	vbroadcast v40, $0xF  }
0x193: {  	v58 =	vld [tilespmem:s20+$0x80];
	v59, _, _ =	vpop (xrf2);
	v57 =	vmul.f32 v39, v38;
	[tilespmem:s3+$0xFFFFFF80] =	vst v37  }
0x194: {  	v38 =	vmul.f32 $1.442695020e+00, v59;
	v60 =	vld [tilespmem:s8+$0xFFFFFF20];
	(erf) = vpow2.f32 v56  }
0x195: {  	v33 =	vpop (erf);
	v61 =	vld [tilespmem:s6+$0xFFFFFFA0]  }
0x196: {  	(xrf2) =	vadd.scan.msk.f32 $0xffff, v57;
	v62 =	vbroadcast v38, $0xF;
	v48 =	vmul.f32 v41, v55;
	v49, _, _ =	vpop (xrf2)  }
0x197: {  	v63 =	vld [tilespmem:s13+$0xB0];
	v35 =	vmul.f32 v33, v52;
	v36 =	vmul.f32 $1.442695020e+00, v49  }
0x198: {  	v42 =	vld [tilespmem:s31+$0xE0];
	(erf) = vpow2.f32 v62;
	v32 =	vpop (erf);
	(xrf2) =	vadd.scan.msk.f32 $0xffff, v48  }
0x199: {  	v43 =	vld [tilespmem:s20+$0xFFFFFF80];
	[tilespmem:s12+$0xFFFFFFB0] =	vst v35;
	v37 =	vmul.f32 v32, v58;
	v36 =	vbroadcast v36, $0xF  }
0x19a: {  	s7 =	simm.s32 $0x1EC40;
	v50 =	vld [tilespmem:s11+$0xFFFFFF50];
	v34 =	vmul.f32 v61, v60  }
0x19b: {  	v51 =	vld [tilespmem:s17+$0xFFFFFFD0];
	[tilespmem:s7+$0x0] =	vst v37;
	v35 =	vpop (erf)  }
0x19c: {  	v44, _, _ =	vpop (xrf2);
	v55 =	vld [tilespmem:s20+$0x10];
	(erf) = vpow2.f32 v36;
	(xrf2) =	vadd.scan.msk.f32 $0xffff, v34;
	v53 =	vmul.f32 v35, v63  }
0x19d: {  	v45 =	vld [tilespmem:s23+$0x10];
	v36 =	vpop (erf)  }
0x19e: {  	v52 =	vld [tilespmem:s13+$0xFFFFFFB0];
	[tilespmem:s14+$0x30] =	vst v53;
	v57 =	vmul.f32 v36, v42  }
0x19f: {  	v54 =	vmul.f32 $1.442695020e+00, v44;
	v59 =	vld [tilespmem:s13+$0x40]  }
0x1a0: {  	v56 =	vmul.f32 v51, v50;
	v58, _, _ =	vpop (xrf2);
	v60 =	vld [tilespmem:s21+$0x40];
	[tilespmem:s10+$0x60] =	vst v57  }
0x1a1: {  	v38 =	vbroadcast v54, $0xF;
	v40 =	vmul.f32 $1.442695020e+00, v58;
	v34 =	vpop (erf);
	v61 =	vld [tilespmem:s31+$0x70]  }
0x1a2: {  	(xrf2) =	vadd.scan.msk.f32 $0xffff, v56;
	v44 =	vmul.f32 v45, v55;
	v63 =	vmul.f32 v34, v43;
	v48, _, _ =	vpop (xrf2);
	v46 =	vld [tilespmem:s30+$0x70]  }
0x1a3: {  	v62 =	vbroadcast v40, $0xF;
	v43 =	vmul.f32 $1.442695020e+00, v48  }
0x1a4: {  	(erf) = vpow2.f32 v38  }
0x1a5: {  	(xrf2) =	vadd.scan.msk.f32 $0xffff, v44;
	[tilespmem:s7+$0xFFFFFF70] =	vst v63;
	(erf) = vpow2.f32 v62;
	v43 =	vbroadcast v43, $0xF;
	v37 =	vpop (erf)  }
0x1a6: {  	v40 =	vld [tilespmem:s20+$0xFFFFFF10];
	v41 =	vmul.f32 v60, v59;
	v39 =	vmul.f32 v37, v52;
	v50, _, _ =	vpop (xrf2)  }
0x1a7: {  	v49 =	vld [tilespmem:s23+$0xFFFFFF90];
	v38 =	vmul.f32 v46, v61;
	v51 =	vmul.f32 $1.442695020e+00, v50  }
0x1a8: {  	(erf) = vpow2.f32 v43;
	(xrf2) =	vadd.scan.msk.f32 $0xffff, v41  }
0x1a9: {  	v52 =	vld [tilespmem:s8+$0xA0];
	[tilespmem:s14+$0xFFFFFFA0] =	vst v39;
	(xrf2) =	vadd.scan.msk.f32 $0xffff, v38;
	v54 =	vbroadcast v51, $0xF  }
0x1aa: {  	v53 =	vld [tilespmem:s13+$0xFFFFFF40]  }
0x1ab: {  	v55 =	vld [tilespmem:s21+$0xFFFFFFC0];
	(erf) = vpow2.f32 v54  }
0x1ac: {  	s18 =	simm.s32 $0x17A30;
	v58 =	vld [tilespmem:s11+$0xD0];
	v56, _, _ =	vpop (xrf2);
	v40 =	vmul.f32 v49, v40  }
0x1ad: {  	s22 =	simm.s32 $0x19CB0;
	v59 =	vld [tilespmem:s18+$0x0];
	v39 =	vpop (erf)  }
0x1ae: {  	v61 =	vld [tilespmem:s22+$0x0];
	(xrf2) =	vadd.scan.msk.f32 $0xffff, v40;
	v38 =	vpop (erf)  }
0x1af: {  	v57 =	vmul.f32 $1.442695020e+00, v56;
	v48, _, _ =	vpop (xrf2);
	v43 =	vmul.f32 v38, v52  }
0x1b0: {  	v47 =	vld [tilespmem:s8+$0xFFFFFFA0];
	v62 =	vmul.f32 $1.442695020e+00, v48;
	v41 =	vmul.f32 v55, v53  }
0x1b1: {  	v44 =	vld [tilespmem:s11+$0xFFFFFFD0];
	v60 =	vbroadcast v57, $0xF;
	[tilespmem:s3+$0x20] =	vst v43;
	v40 =	vpop (erf)  }
0x1b2: {  	v43 =	vbroadcast v62, $0xF;
	v63 =	vld [tilespmem:s8+$0x30];
	v54 =	vmul.f32 v40, v58;
	v55, _, _ =	vpop (xrf2)  }
0x1b3: {  	v42 =	vmul.f32 v61, v59;
	(erf) = vpow2.f32 v60;
	(xrf2) =	vadd.scan.msk.f32 $0xffff, v41;
	v49 =	vld [tilespmem:s6+$0x30];
	v56, _, _ =	vpop (xrf2)  }
0x1b4: {  	v46 =	vld [tilespmem:s22+$0xFFFFFF80];
	(erf) = vpow2.f32 v43;
	[tilespmem:s12+$0x50] =	vst v54;
	v41 =	vpop (erf)  }
0x1b5: {  	v57 =	vld [tilespmem:s11+$0x60];
	(xrf2) =	vadd.scan.msk.f32 $0xffff, v42;
	v50 =	vmul.f32 $1.442695020e+00, v56;
	v47 =	vmul.f32 v41, v47  }
0x1b6: {  	v58 =	vmul.f32 $1.442695020e+00, v55;
	v51 =	vld [tilespmem:s17+$0x60]  }
0x1b7: {  	v59 =	vld [tilespmem:s18+$0xFFFFFF00];
	v50 =	vbroadcast v50, $0xF;
	[tilespmem:s3+$0xFFFFFF90] =	vst v47  }
0x1b8: {  	v60, _, _ =	vpop (xrf2);
	v53 =	vbroadcast v58, $0xF;
	v48 =	vmul.f32 v49, v63;
	v62 =	vld [tilespmem:s8+$0xFFFFFF30]  }
0x1b9: {  	v49 =	vmul.f32 $1.442695020e+00, v60;
	(erf) = vpow2.f32 v50;
	v63 =	vld [tilespmem:s6+$0xFFFFFFB0]  }
0x1ba: {  	v61 =	vld [tilespmem:s20+$0x90];
	(xrf2) =	vadd.scan.msk.f32 $0xffff, v48;
	(erf) = vpow2.f32 v53  }
0x1bb: {  	v49 =	vbroadcast v49, $0xF;
	v43 =	vmul.f32 v51, v57  }
0x1bc: {  	v1 =	vnsel vm0, $0x0, v1;
	v2 =	vnsel vm0, $0x0, v2;
	v45 =	vmul.f32 v46, v59;
	v42 =	vpop (erf)  }
0x1bd: {  	v1 =	vsel vm1, v1, v3;
	v52 =	vld [tilespmem:s31+$0xFFFFFFE0];
	v44 =	vmul.f32 v42, v44;
	v54, _, _ =	vpop (xrf2);
	(erf) = vpow2.f32 v49;
	(xrf2) =	vadd.scan.msk.f32 $0xffff, v43  }
0x1be: {  	v2 =	vsel vm1, v2, v5;
	v1 =	vsel vm2, v1, v7;
	v46 =	vld [tilespmem:s20+$0xFFFFFF90];
	v3 =	vpop (erf);
	v7 =	vmul.f32 v63, v62  }
0x1bf: {  	v59 =	vld [tilespmem:s13+$0xC0];
	[tilespmem:s12+$0xFFFFFFC0] =	vst v44;
	v44 =	vmul.f32 $1.442695020e+00, v54;
	v5 =	vmul.f32 v3, v61;
	(xrf2) =	vadd.scan.msk.f32 $0xffff, v45;
	v58, _, _ =	vpop (xrf2)  }
0x1c0: {  	v4 =	vnsel vm0, $0x0, v4;
	v55 =	vld [tilespmem:s11+$0xFFFFFF60];
	v45 =	vmul.f32 $1.442695020e+00, v58  }
0x1c1: {  	v6 =	vnsel vm0, $0x0, v6;
	v2 =	vsel vm2, v2, v8;
	v57 =	vld [tilespmem:s17+$0xFFFFFFE0];
	v44 =	vbroadcast v44, $0xF;
	[tilespmem:s7+$0x10] =	vst v5  }
0x1c2: {  	v4 =	vsel vm1, v4, v9;
	v56 =	vmul.f32 v39, v52;
	v8 =	vld [tilespmem:s20+$0x20];
	(xrf2) =	vadd.scan.msk.f32 $0xffff, v7;
	v9 =	vbroadcast v45, $0xF;
	v7 =	vpop (erf)  }
0x1c3: {  	v6 =	vsel vm1, v6, v10;
	v10 =	vsel vm3, v1, v13;
	v13 =	vld [tilespmem:s23+$0x20];
	(erf) = vpow2.f32 v44;
	v62 =	vpop (erf)  }
0x1c4: {  	v11 =	vnsel vm0, $0x0, v11;
	v60 =	vld [tilespmem:s13+$0xFFFFFFC0];
	[tilespmem:s10+$0xFFFFFFD0] =	vst v56;
	v1, _, _ =	vpop (xrf2);
	(erf) = vpow2.f32 v9;
	v9 =	vmul.f32 v62, v59  }
0x1c5: {  	v2 =	vsel vm3, v2, v14;
	v4 =	vsel vm2, v4, v15;
	v14 =	vld [tilespmem:s30+$0xFFFFFFF0];
	v15 =	vmul.f32 $1.442695020e+00, v1  }
0x1c6: {  	v6 =	vsel vm2, v6, v16;
	v11 =	vsel vm1, v11, v17;
	v5 =	vld [tilespmem:s31+$0xFFFFFF70];
	v61 =	vmul.f32 v57, v55;
	v16 =	vpop (erf);
	[tilespmem:s14+$0x40] =	vst v9  }
0x1c7: {  	v15 =	vbroadcast v15, $0xF;
	v17, _, _ =	vpop (xrf2);
	v9 =	vsel vm4, v10, v19;
	v10 =	vmul.f32 v16, v46;
	v19 =	vld [tilespmem:s13+$0x50]  }
0x1c8: {  	v12 =	vnsel vm0, $0x0, v12;
	v8 =	vmul.f32 v13, v8;
	v13 =	vmul.f32 $1.442695020e+00, v17;
	v17 =	vld [tilespmem:s21+$0x50]  }
0x1c9: {  	v12 =	vsel vm1, v12, v21;
	(xrf2) =	vadd.scan.msk.f32 $0xffff, v61;
	v21, _, _ =	vpop (xrf2);
	(erf) = vpow2.f32 v15;
	v15 =	vld [tilespmem:s18+$0x80];
	[tilespmem:s7+$0xFFFFFF80] =	vst v10  }
0x1ca: {  	v10 =	vbroadcast v13, $0xF;
	v13 =	vmul.f32 $1.442695020e+00, v21;
	v21 =	vld [tilespmem:s20+$0xFFFFFF20]  }
0x1cb: {  	v4 =	vsel vm3, v4, v23;
	v23 =	vld [tilespmem:s23+$0xFFFFFFA0];
	_ =	sdelay $0x1  }
0x1cc: {  	v5 =	vmul.f32 v14, v5;
	(xrf2) =	vadd.scan.msk.f32 $0xffff, v8;
	v8 =	vpop (erf)  }
0x1cd: {  	v2 =	vsel vm4, v2, v22;
	v22 =	vld [tilespmem:s8+$0xFFFFFFB0];
	v14 =	vmul.f32 v8, v60;
	(erf) = vpow2.f32 v10  }
0x1ce: {  	v50 =	vld [tilespmem:s31+$0xF0];
	(xrf2) =	vadd.scan.msk.f32 $0xffff, v5;
	v10 =	vbroadcast v13, $0xF;
	v17 =	vmul.f32 v17, v19;
	v19 =	vpop (erf)  }
0x1cf: {  	v13, _, _ =	vpop (xrf2);
	[tilespmem:s14+$0xFFFFFFB0] =	vst v14;
	v14 =	vld [tilespmem:s8+$0xB0];
	v5 =	vmul.f32 v19, v15;
	v15 =	vnsel vm0, $0x0, v18;
	v21 =	vmul.f32 v23, v21  }
0x1d0: {  	(erf) = vpow2.f32 v10;
	v13 =	vmul.f32 $1.442695020e+00, v13;
	v10 =	vld [tilespmem:s13+$0xFFFFFF50]  }
0x1d1: {  	s30 =	simm.s32 $0x1ED60;
	(xrf2) =	vadd.scan.msk.f32 $0xffff, v17;
	v17 =	vld [tilespmem:s21+$0xFFFFFFD0]  }
0x1d2: {  	v20 =	vnsel vm0, $0x0, v20;
	v18 =	vsel vm1, v15, v29;
	v13 =	vbroadcast v13, $0xF;
	[tilespmem:s30+$0x0] =	vst v5;
	v5 =	vld [tilespmem:s11+$0xE0];
	v15, _, _ =	vpop (xrf2)  }
0x1d3: {  	v6 =	vsel vm3, v6, v24;
	v11 =	vsel vm2, v11, v25;
	v23 =	vld [tilespmem:s18+$0x10];
	(xrf2) =	vadd.scan.msk.f32 $0xffff, v21;
	v15 =	vmul.f32 $1.442695020e+00, v15;
	v21 =	vpop (erf)  }
0x1d4: {  	v12 =	vsel vm2, v12, v27;
	(erf) = vpow2.f32 v13;
	v13 =	vld [tilespmem:s22+$0x10];
	v14 =	vmul.f32 v21, v14  }
0x1d5: {  	v2 =	vsel vm5, v2, v28;
	v4 =	vsel vm4, v4, v30;
	v20 =	vsel vm1, v20, v31;
	v63 =	vld [tilespmem:s18+$0xFFFFFF80]  }
0x1d6: {  	v6 =	vsel vm4, v6, v33;
	v11 =	vsel vm3, v11, v35;
	v52 =	vld [tilespmem:s11+$0xFFFFFFE0];
	v51 =	vbroadcast v15, $0xF;
	v53 =	vpop (erf);
	[tilespmem:s3+$0x30] =	vst v14  }
0x1d7: {  	v12 =	vsel vm3, v12, v37;
	v10 =	vmul.f32 v17, v10;
	v17, _, _ =	vpop (xrf2);
	v5 =	vmul.f32 v53, v5;
	v54 =	vld [tilespmem:s8+$0x40]  }
0x1d8: {  	v55 =	vsel vm2, v20, v41;
	v17 =	vmul.f32 $1.442695020e+00, v17;
	(erf) = vpow2.f32 v51;
	v20 =	vld [tilespmem:s6+$0x40]  }
0x1d9: {  	v57 =	vsel vm5, v6, v42;
	v1 =	vld [tilespmem:s31+$0xFFFFFFF0];
	v9 =	vsel vm5, v9, v26;
	(xrf2) =	vadd.scan.msk.f32 $0xffff, v10;
	v10 =	vmul.f32 v13, v23;
	v23 =	vpop (erf)  }
0x1da: {  	v15 =	vld [tilespmem:s20+$0xFFFFFFA0];
	v13 =	vbroadcast v17, $0xF;
	v17 =	vnsel vm0, $0x0, v32;
	[tilespmem:s12+$0x60] =	vst v5;
	v56 =	vmul.f32 v23, v63  }
0x1db: {  	v6 =	vnsel vm0, $0x0, v34;
	v9 =	vsel vm6, v9, v36;
	v58 =	vsel vm1, v17, v3;
	v17 =	vld [tilespmem:s11+$0x70];
	v5, _, _ =	vpop (xrf2);
	(xrf2) =	vadd.scan.msk.f32 $0xffff, v10  }
0x1dc: {  	v59 =	vld [tilespmem:s17+$0x70];
	(erf) = vpow2.f32 v13;
	v13 =	vmul.f32 v7, v50;
	v7 =	vsel vm7, v9, v7;
	v3, _, _ =	vpop (xrf2);
	[tilespmem:s30+$0xFFFFFF70] =	vst v56  }
0x1dd: {  	v14 =	vld [tilespmem:s13+$0xFFFFFFD0];
	[tilespmem:s10+$0x80] =	vst v7;
	v7 =	vsel vm4, v12, v8;
	v60 =	vmul.f32 $1.442695020e+00, v3;
	v8 =	vmul.f32 v20, v54  }
0x1de: {  	v18 =	vsel vm2, v18, v38;
	v10 =	vsel vm4, v11, v62;
	v5 =	vmul.f32 $1.442695020e+00, v5;
	v9 =	vpop (erf);
	v61 =	vld [tilespmem:s18+$0xFFFFFF10]  }
0x1df: {  	v3 =	vsel vm1, v6, v16;
	v16 =	vld [tilespmem:s22+$0xFFFFFF90];
	v12, _, _ =	vpop (xrf2);
	v11 =	vmul.f32 v9, v22;
	v29 =	vbroadcast v60, $0xF;
	(xrf2) =	vadd.scan.msk.f32 $0xffff, v8  }
0x1e0: {  	v6 =	vsel vm3, v18, v21;
	v21 =	vld [tilespmem:s20+$0xA0];
	v5 =	vbroadcast v5, $0xF;
	v12 =	vmul.f32 $1.442695020e+00, v12  }
0x1e1: {  	v4 =	vsel vm5, v4, v40;
	v22 =	vld [tilespmem:s18+$0xFFFFFF90];
	v24 =	vmul.f32 v59, v17;
	[tilespmem:s3+$0xFFFFFFA0] =	vst v11;
	v18 =	vpop (erf);
	(erf) = vpow2.f32 v29  }
0x1e2: {  	[tilespmem:s10+$0x70] =	vst v13;
	v11 =	vsel vm6, v4, v53;
	v4 =	vnsel vm0, $0x0, v19;
	v19 =	vbroadcast v12, $0xF;
	v13 =	vld [tilespmem:s8+$0xFFFFFF40]  }
0x1e3: {  	v2 =	vsel vm6, v2, v39;
	v17 =	vld [tilespmem:s6+$0xFFFFFFC0];
	(xrf2) =	vadd.scan.msk.f32 $0xffff, v24;
	v62 =	vmul.f32 v18, v52;
	(erf) = vpow2.f32 v5;
	v8, _, _ =	vpop (xrf2)  }
0x1e4: {  	v20 =	vld [tilespmem:s8+$0xFFFFFFC0];
	v5 =	vnsel vm0, $0x0, v23;
	v16 =	vmul.f32 v16, v61;
	v63 =	vmul.f32 $1.442695020e+00, v8  }
0x1e5: {  	v12 =	vsel vm6, v57, v18;
	v18 =	vld [tilespmem:s13+$0xD0];
	v8 =	vsel vm3, v55, v9;
	(erf) = vpow2.f32 v19;
	[tilespmem:s12+$0xFFFFFFD0] =	vst v62;
	v9 =	vpop (erf)  }
0x1e6: {  	s2 =	simm.s32 $0x17C30;
	s24 =	simm.s32 $0xA;
	s31 =	simm.s32 $0x19CB0;
	(xrf2) =	vadd.scan.msk.f32 $0xffff, v16;
	v23 =	vld [tilespmem:s11+$0xFFFFFF70];
	v19, _, _ =	vpop (xrf2);
	v16 =	vmul.f32 v9, v21;
	v9 =	vsel vm2, v58, v9;
	v21 =	vbroadcast v63, $0xF  }
.LBB2_6:
0x1e7: {  	v24 =	vld [tilespmem:s2+$0x0];
	s22 =	sadd.s32 $0x100, s22  }
0x1e8: {  	v25 =	vld [tilespmem:s22+$0x0];
	[tilespmem:s7+$0x20] =	vst v16;
	v26 =	vmul.f32 v17, v13;
	(erf) = vpow2.f32 v21  }
0x1e9: {  	v16 =	vmul.f32 $1.442695020e+00, v19;
	v17 =	vld [tilespmem:s20+$0x30];
	v19, _, _ =	vpop (xrf2)  }
0x1ea: {  	v21 =	vld [tilespmem:s23+$0x30];
	(xrf2) =	vadd.scan.msk.f32 $0xffff, v26;
	v13 =	vpop (erf)  }
0x1eb: {  	v27 =	vbroadcast v16, $0xF;
	v26 =	vld [tilespmem:s22+$0xFFFFFF80];
	v29 =	vmul.f32 v13, v18;
	v16 =	vsel vm5, v10, v13  }
0x1ec: {  	v10 =	vld [tilespmem:s2+$0xFFFFFF00];
	v28 =	vpop (erf)  }
0x1ed: {  	v13 =	vld [tilespmem:s2+$0xFFFFFF80];
	v24 =	vmul.f32 v25, v24;
	(erf) = vpow2.f32 v27;
	[tilespmem:s14+$0x50] =	vst v29;
	v18, _, _ =	vpop (xrf2);
	v29 =	vsel vm7, v2, v28  }
0x1ee: {  	v1 =	vmul.f32 v28, v1;
	v2 =	vmov v12;
	v25 =	vpop (erf);
	v27 =	vld [tilespmem:s13+$0x60];
	v18 =	vmul.f32 $1.442695020e+00, v18;
	[tilespmem:s10+$0xFFFFFFF0] =	vst v29  }
0x1ef: {  	(xrf2) =	vadd.scan.msk.f32 $0xffff, v24;
	v28 =	vmul.f32 v25, v15;
	v12 =	vsel vm2, v3, v25;
	v3 =	vmul.f32 v21, v17;
	v21 =	vld [tilespmem:s21+$0x60]  }
0x1f0: {  	v19 =	vmul.f32 $1.442695020e+00, v19;
	v17, _, _ =	vpop (xrf2);
	v24 =	vld [tilespmem:s17+$0xFFFFFFF0];
	v18 =	vbroadcast v18, $0xF;
	[tilespmem:s10+$0xFFFFFFE0] =	vst v1;
	s17 =	smov.u32 s21;
	s21 =	smov.u32 s6;
	s6 =	smov.u32 s23  }
0x1f1: {  	s23 =	smov.u32 s31;
	s31 =	smov.u32 s22;
	s10 =	smov.u32 s12;
	v10 =	vmul.f32 v26, v10;
	v25 =	vmul.f32 $1.442695020e+00, v17;
	[tilespmem:s7+$0xFFFFFF90] =	vst v28;
	v15 =	vpop (erf);
	v1 =	vld [tilespmem:s11+$0xFFFFFFF0]  }
0x1f2: {  	s12 =	smov.u32 s14;
	s14 =	smov.u32 s3;
	s3 =	smov.u32 s7;
	v26 =	vld [tilespmem:s18+$0x90];
	(xrf2) =	vadd.scan.msk.f32 $0xffff, v3;
	v3 =	vbroadcast v19, $0xF;
	v17 =	vsel vm5, v7, v15;
	(erf) = vpow2.f32 v18  }
0x1f3: {  	s7 =	smov.u32 s30;
	v28 =	vmul.f32 v15, v14;
	v7 =	vbroadcast v25, $0xF;
	v25 =	vld [tilespmem:s20+$0xFFFFFF30]  }
0x1f4: {  	v15 =	vld [tilespmem:s6+$0xFFFFFFB0];
	v18, _, _ =	vpop (xrf2);
	(erf) = vpow2.f32 v3;
	v3 =	vmul.f32 v21, v27  }
0x1f5: {  	(erf) = vpow2.f32 v7;
	v19 =	vld [tilespmem:s20+$0xFFFFFFB0];
	v7 =	vmul.f32 $1.442695020e+00, v18;
	[tilespmem:s12+$0xFFFFFFC0] =	vst v28  }
0x1f6: {  	v23 =	vmul.f32 v24, v23;
	v14 =	vpop (erf);
	v27 =	vld [tilespmem:s13+$0xFFFFFF60];
	(xrf2) =	vadd.scan.msk.f32 $0xffff, v3  }
0x1f7: {  	v3 =	vmul.f32 v14, v26;
	v18 =	vsel vm1, v4, v14;
	v4 =	vbroadcast v7, $0xF;
	v7 =	vld [tilespmem:s11+$0xF0];
	s11 =	smov.u32 s13;
	s13 =	smov.u32 s8;
	s8 =	smov.u32 s20  }
0x1f8: {  	s20 =	smov.u32 s18;
	s18 =	smov.u32 s2;
	v14 =	vld [tilespmem:s17+$0xFFFFFFE0]  }
0x1f9: {  	(xrf2) =	vadd.scan.msk.f32 $0xffff, v10;
	v10, _, _ =	vpop (xrf2);
	[tilespmem:s30+$0x10] =	vst v3;
	v21 =	vmul.f32 v15, v25;
	v15 =	vld [tilespmem:s13+$0xC0];
	(erf) = vpow2.f32 v4  }
0x1fa: {  	s24 =	sadd.s32 $0x2, s24;
	v4 =	vmul.f32 $1.442695020e+00, v10;
	v24 =	vld [tilespmem:s20+$0x20]  }
0x1fb: {  	p1 =	slt.u32 s24, $0x26;
	v25 =	vld [tilespmem:s23+$0x20];
	v10 =	vpop (erf)  }
0x1fc: {  	v26 =	vbroadcast v4, $0xF;
	(xrf2) =	vadd.scan.msk.f32 $0xffff, v21;
	v3, _, _ =	vpop (xrf2);
	v21 =	vld [tilespmem:s11+$0xFFFFFFE0];
	v7 =	vmul.f32 v10, v7;
	v10 =	vsel vm7, v11, v10  }
0x1fd: {  	v11 =	vmul.f32 $1.442695020e+00, v3;
	v3 =	vpop (erf);
	v14 =	vmul.f32 v14, v27;
	[tilespmem:s10+$0x80] =	vst v10  }
0x1fe: {  	(erf) = vpow2.f32 v26;
	v4 =	vpop (erf);
	v15 =	vmul.f32 v3, v15;
	v10 =	vsel vm4, v6, v3;
	[tilespmem:s10+$0x70] =	vst v7  }
0x1ff: {  	v6 =	vmul.f32 v4, v22;
	v3 =	vsel vm1, v5, v4;
	v4 =	vbroadcast v11, $0xF;
	(xrf2) =	vadd.scan.msk.f32 $0xffff, v14  }
0x200: {  	v5 =	vmul.f32 v25, v24;
	[tilespmem:s14+$0x40] =	vst v15;
	v7, _, _ =	vpop (xrf2)  }
0x201: {  	[tilespmem:s30+$0xFFFFFF80] =	vst v6;
	(erf) = vpow2.f32 v4;
	v4 =	vld [tilespmem:s13+$0x50];
	v6 =	vmul.f32 $1.442695020e+00, v7  }
0x202: {  	v11 =	vld [tilespmem:s21+$0x50];
	v7 =	vpop (erf)  }
0x203: {  	v14 =	vld [tilespmem:s2+$0x80];
	v15, _, _ =	vpop (xrf2);
	(xrf2) =	vadd.scan.msk.f32 $0xffff, v5;
	v5 =	vmul.f32 v7, v20;
	v7 =	vsel vm4, v8, v7;
	v6 =	vbroadcast v6, $0xF  }
0x204: {  	v15 =	vmul.f32 $1.442695020e+00, v15;
	v20 =	vld [tilespmem:s20+$0xFFFFFF20]  }
0x205: {  	v22 =	vld [tilespmem:s23+$0xFFFFFFA0];
	[tilespmem:s14+$0xFFFFFFB0] =	vst v5;
	(erf) = vpow2.f32 v6  }
0x206: {  	v5 =	vbroadcast v15, $0xF;
	v6 =	vld [tilespmem:s8+$0xB0];
	v8, _, _ =	vpop (xrf2);
	(xrf2) =	vadd.scan.msk.f32 $0xffff, v23  }
0x207: {  	v23 =	vpop (erf);
	v15 =	vld [tilespmem:s20+$0xFFFFFFA0];
	v8 =	vmul.f32 $1.442695020e+00, v8;
	v24 =	vmul.f32 v11, v4  }
0x208: {  	v14 =	vmul.f32 v23, v14;
	v4 =	vnsel vm0, $0x0, v23;
	(erf) = vpow2.f32 v5;
	v5 =	vld [tilespmem:s13+$0xFFFFFF50]  }
0x209: {  	s30 =	sadd.s32 $0x120, s30;
	v8 =	vbroadcast v8, $0xF;
	v23 =	vld [tilespmem:s21+$0xFFFFFFD0];
	(xrf2) =	vadd.scan.msk.f32 $0xffff, v24;
	v11, _, _ =	vpop (xrf2)  }
0x20a: {  	[tilespmem:s30+$0x0] =	vst v14;
	v14 =	vmul.f32 v22, v20;
	v20 =	vpop (erf);
	v26 =	vmul.f32 $1.442695020e+00, v11;
	v22 =	vld [tilespmem:s11+$0xE0]  }
0x20b: {  	v24 =	vld [tilespmem:s2+$0x10];
	v25 =	vmul.f32 v20, v6;
	v6 =	vsel vm3, v9, v20;
	(erf) = vpow2.f32 v8  }
0x20c: {  	v8 =	vld [tilespmem:s22+$0x10];
	(xrf2) =	vadd.scan.msk.f32 $0xffff, v14;
	v26 =	vbroadcast v26, $0xF  }
0x20d: {  	v11, _, _ =	vpop (xrf2);
	[tilespmem:s3+$0x30] =	vst v25;
	v14 =	vld [tilespmem:s13+$0xFFFFFFD0]  }
0x20e: {  	v20 =	vld [tilespmem:s8+$0x40];
	v27 =	vmul.f32 v23, v5;
	(erf) = vpow2.f32 v26;
	v9 =	vpop (erf)  }
0x20f: {  	v23 =	vmul.f32 $1.442695020e+00, v11;
	v25 =	vld [tilespmem:s6+$0x40];
	v22 =	vmul.f32 v9, v22;
	v11 =	vsel vm6, v16, v9  }
0x210: {  	(xrf2) =	vadd.scan.msk.f32 $0xffff, v27;
	v9, _, _ =	vpop (xrf2)  }
0x211: {  	v16 =	vbroadcast v23, $0xF;
	v24 =	vmul.f32 v8, v24;
	v5 =	vpop (erf);
	[tilespmem:s12+$0x60] =	vst v22  }
0x212: {  	v9 =	vmul.f32 $1.442695020e+00, v9;
	v13 =	vmul.f32 v5, v13;
	v5 =	vnsel vm0, $0x0, v5;
	v23 =	vld [tilespmem:s11+$0x70]  }
0x213: {  	(xrf2) =	vadd.scan.msk.f32 $0xffff, v24;
	(erf) = vpow2.f32 v16;
	v8, _, _ =	vpop (xrf2);
	v16 =	vld [tilespmem:s17+$0x70]  }
0x214: {  	[tilespmem:s30+$0xFFFFFF70] =	vst v13;
	v13 =	vmul.f32 v25, v20;
	v20 =	vpop (erf);
	v22 =	vmul.f32 $1.442695020e+00, v8  }
0x215: {  	v9 =	vbroadcast v9, $0xF;
	v24 =	vld [tilespmem:s2+$0xFFFFFF10];
	v26 =	vmul.f32 v20, v19;
	v8 =	vsel vm3, v12, v20  }
0x216: {  	v20 =	vld [tilespmem:s22+$0xFFFFFF90];
	v12, _, _ =	vpop (xrf2);
	(xrf2) =	vadd.scan.msk.f32 $0xffff, v13;
	v13 =	vbroadcast v22, $0xF  }
0x217: {  	v22 =	vld [tilespmem:s2+$0xFFFFFF90];
	v25 =	vmul.f32 $1.442695020e+00, v12;
	[tilespmem:s3+$0xFFFFFFA0] =	vst v26;
	v19 =	vpop (erf)  }
0x218: {  	v26 =	vld [tilespmem:s20+$0xA0];
	(erf) = vpow2.f32 v13;
	v12 =	vsel vm6, v17, v19;
	v16 =	vmul.f32 v16, v23  }
.Ltmp1:
0x219: {  	v19 =	vmul.f32 v19, v21;
	v23 =	vbroadcast v25, $0xF;
	v13 =	vld [tilespmem:s8+$0xFFFFFF40];
	(pc) =	sbr.rel @p1 .LBB2_6-.Ltmp1, $4  }
0x21a: {  	v17 =	vld [tilespmem:s6+$0xFFFFFFC0];
	v21, _, _ =	vpop (xrf2);
	(xrf2) =	vadd.scan.msk.f32 $0xffff, v16;
	(erf) = vpow2.f32 v9  }
0x21b: {  	v9 =	vmul.f32 v20, v24;
	v20 =	vld [tilespmem:s8+$0xFFFFFFC0];
	v21 =	vmul.f32 $1.442695020e+00, v21;
	[tilespmem:s12+$0xFFFFFFD0] =	vst v19  }
0x21c: {  	(erf) = vpow2.f32 v23;
	v24 =	vpop (erf);
	v23 =	vld [tilespmem:s11+$0xFFFFFF70]  }
0x21d: {  	s2 =	sadd.s32 $0x200, s2;
	(xrf2) =	vadd.scan.msk.f32 $0xffff, v9;
	v19, _, _ =	vpop (xrf2);
	v16 =	vmul.f32 v24, v26;
	v9 =	vsel vm2, v18, v24;
	v21 =	vbroadcast v21, $0xF;
	v18 =	vld [tilespmem:s13+$0xD0]  }
0x21e: {  	_ =	sdelay $0x4  }
0x21f: {  	v24, _, _ =	vpop (xrf2)  }
0x220: {  	v19 =	vmul.f32 $1.442695020e+00, v19;
	v25, _, _ =	vpop (xrf2)  }
0x221: {  	(erf) = vpow2.f32 v21;
	v21 =	vmul.f32 $1.442695020e+00, v25  }
0x222: {  	v19 =	vbroadcast v19, $0xF;
	v24 =	vmul.f32 $1.442695020e+00, v24  }
0x223: {  	[tilespmem:s7+$0x20] =	vst v16;
	v21 =	vbroadcast v21, $0xF  }
0x224: {  	v55 =	vld [tilespmem:s20+$0x30];
	v16 =	vpop (erf);
	(erf) = vpow2.f32 v19;
	v19 =	vbroadcast v24, $0xF  }
0x225: {  	v13 =	vmul.f32 v17, v13;
	(erf) = vpow2.f32 v21;
	v21 =	vld [tilespmem:s23+$0x30]  }
0x226: {  	v18 =	vmul.f32 v16, v18;
	(erf) = vpow2.f32 v19;
	_ =	sdelay $0x1  }
0x227: {  	v56 =	vld [tilespmem:s18+$0x90];
	[tilespmem:s14+$0x50] =	vst v18;
	v19 =	vpop (erf)  }
0x228: {  	(xrf2) =	vadd.scan.msk.f32 $0xffff, v13;
	v18 =	vld [tilespmem:s13+$0x60];
	v13 =	vpop (erf)  }
0x229: {  	v26 =	vld [tilespmem:s21+$0x60];
	v15 =	vmul.f32 v13, v15;
	v21 =	vmul.f32 v21, v55  }
0x22a: {  	v57 =	vld [tilespmem:s8+$0xC0];
	v17 =	vpop (erf)  }
0x22b: {  	v27, _, _ =	vpop (xrf2);
	[tilespmem:s7+$0xFFFFFF90] =	vst v15;
	v15 =	vmul.f32 v17, v14  }
0x22c: {  	v14 =	vpop (erf)  }
0x22d: {  	(xrf2) =	vadd.scan.msk.f32 $0xffff, v21;
	[tilespmem:s14+$0xFFFFFFC0] =	vst v15;
	v15 =	vmul.f32 v14, v56;
	v21 =	vpop (erf)  }
0x22e: {  	v27 =	vmul.f32 $1.442695020e+00, v27;
	v58 =	vmul.f32 v26, v18;
	v18 =	vpop (erf)  }
0x22f: {  	v28 =	vld [tilespmem:s17+$0xFFFFFFF0];
	[tilespmem:s30+$0x10] =	vst v15;
	v15 =	vmul.f32 v18, v57  }
0x230: {  	v27 =	vbroadcast v27, $0xF;
	v29 =	vld [tilespmem:s20+$0xFFFFFF30]  }
0x231: {  	v30 =	vld [tilespmem:s23+$0xFFFFFFB0]  }
0x232: {  	(erf) = vpow2.f32 v27;
	v59 =	vld [tilespmem:s13+$0xFFFFFF60]  }
0x233: {  	v60 =	vld [tilespmem:s21+$0xFFFFFFE0];
	[tilespmem:s3+$0x40] =	vst v15;
	v15, _, _ =	vpop (xrf2)  }
0x234: {  	v61 =	vld [tilespmem:s18+$0x20];
	v15 =	vmul.f32 $1.442695020e+00, v15  }
0x235: {  	(xrf2) =	vadd.scan.msk.f32 $0xffff, v58;
	v62 =	vld [tilespmem:s31+$0x20]  }
0x236: {  	v63 =	vld [tilespmem:s8+$0x50];
	v15 =	vbroadcast v15, $0xF  }
0x237: {  	v31 =	vld [tilespmem:s6+$0x50]  }
0x238: {  	v29 =	vmul.f32 v30, v29  }
0x239: {  	v26 =	vmul.f32 v60, v59  }
0x23a: {  	(xrf2) =	vadd.scan.msk.f32 $0xffff, v29;
	v24 =	vmul.f32 v62, v61;
	(erf) = vpow2.f32 v15;
	v15, _, _ =	vpop (xrf2)  }
0x23b: {  	v23 =	vmul.f32 v28, v23;
	(xrf2) =	vadd.scan.msk.f32 $0xffff, v26;
	v33 =	vmul.f32 $1.442695020e+00, v15;
	v15 =	vpop (erf)  }
0x23c: {  	v34 =	vmul.f32 v31, v63;
	(xrf2) =	vadd.scan.msk.f32 $0xffff, v24;
	v22 =	vmul.f32 v15, v22  }
0x23d: {  	(xrf2) =	vadd.scan.msk.f32 $0xffff, v23  }
0x23e: {  	(xrf2) =	vadd.scan.msk.f32 $0xffff, v34;
	[tilespmem:s30+$0xFFFFFF80] =	vst v22  }
0x23f: {  	v35, _, _ =	vpop (xrf2);
	v36 =	vld [tilespmem:s18+$0xFFFFFF20]  }
0x240: {  	v23 =	vbroadcast v33, $0xF;
	v22 =	vmul.f32 $1.442695020e+00, v35;
	v37 =	vld [tilespmem:s31+$0xFFFFFFA0];
	_ =	sdelay $0x1  }
0x241: {  	v22 =	vbroadcast v22, $0xF  }
0x242: {  	(erf) = vpow2.f32 v23  }
0x243: {  	v23, _, _ =	vpop (xrf2);
	(erf) = vpow2.f32 v22  }
0x244: {  	v38 =	vmul.f32 $1.442695020e+00, v23;
	v39, _, _ =	vpop (xrf2);
	v24 =	vmul.f32 v37, v36  }
0x245: {  	v40 =	vmul.f32 $1.442695020e+00, v39;
	v41, _, _ =	vpop (xrf2)  }
0x246: {  	v26 =	vbroadcast v38, $0xF;
	v42, _, _ =	vpop (xrf2);
	(xrf2) =	vadd.scan.msk.f32 $0xffff, v24  }
0x247: {  	v22 =	vld [tilespmem:s20+$0xB0];
	v27 =	vmul.f32 $1.442695020e+00, v41;
	v25 =	vbroadcast v40, $0xF;
	v43, _, _ =	vpop (xrf2)  }
0x248: {  	v44 =	vld [tilespmem:s13+$0xE0];
	v23 =	vpop (erf);
	(erf) = vpow2.f32 v26;
	v26 =	vmul.f32 $1.442695020e+00, v43  }
0x249: {  	v20 =	vmul.f32 v23, v20;
	v27 =	vbroadcast v27, $0xF  }
0x24a: {  	(erf) = vpow2.f32 v25  }
0x24b: {  	v45 =	vld [tilespmem:s20+$0xFFFFFFB0];
	[tilespmem:s3+$0xFFFFFFB0] =	vst v20;
	v24 =	vpop (erf);
	(erf) = vpow2.f32 v27;
	v20 =	vbroadcast v26, $0xF  }
0x24c: {  	v33 =	vld [tilespmem:s18+$0xA0];
	v22 =	vmul.f32 v24, v22;
	v26 =	vpop (erf)  }
0x24d: {  	v35 =	vld [tilespmem:s8+$0xD0];
	(erf) = vpow2.f32 v20;
	v20 =	vmul.f32 v26, v44  }
0x24e: {  	v46 =	vld [tilespmem:s8+$0xFFFFFF50]  }
0x24f: {  	v47 =	vld [tilespmem:s6+$0xFFFFFFD0];
	[tilespmem:s7+$0x30] =	vst v22  }
0x250: {  	v22 =	vmul.f32 $1.442695020e+00, v42;
	v32 =	vld [tilespmem:s20+$0x40];
	v49, _, _ =	vpop (xrf2)  }
0x251: {  	v48 =	vld [tilespmem:s23+$0x40];
	[tilespmem:s14+$0x60] =	vst v20;
	v20 =	vpop (erf);
	v50 =	vmul.f32 $1.442695020e+00, v49  }
0x252: {  	v51 =	vbroadcast v22, $0xF;
	v34 =	vld [tilespmem:s13+$0x70];
	v25 =	vmul.f32 v20, v45  }
0x253: {  	v36 =	vld [tilespmem:s21+$0x70];
	v27 =	vpop (erf);
	v52 =	vbroadcast v50, $0xF  }
0x254: {  	v30 =	vmul.f32 v47, v46;
	(erf) = vpow2.f32 v51;
	v22 =	vpop (erf);
	[tilespmem:s7+$0xFFFFFFA0] =	vst v25  }
0x255: {  	v33 =	vmul.f32 v22, v33;
	v37 =	vld [tilespmem:s20+$0xFFFFFF40];
	(erf) = vpow2.f32 v52  }
0x256: {  	v53 =	vld [tilespmem:s23+$0xFFFFFFC0];
	v28 =	vpop (erf)  }
0x257: {  	v61 =	vld [tilespmem:s18+$0xFFFFFFA0];
	(xrf2) =	vadd.scan.msk.f32 $0xffff, v30;
	v29 =	vmul.f32 v48, v32;
	[tilespmem:s30+$0x20] =	vst v33;
	v54 =	vmul.f32 v28, v35  }
0x258: {  	v55 =	vmul.f32 v36, v34;
	v56 =	vld [tilespmem:s18+$0x30]  }
0x259: {  	(xrf2) =	vadd.scan.msk.f32 $0xffff, v29;
	v57 =	vld [tilespmem:s31+$0x30];
	[tilespmem:s3+$0x50] =	vst v54  }
0x25a: {  	(xrf2) =	vadd.scan.msk.f32 $0xffff, v55;
	v58 =	vld [tilespmem:s8+$0x60]  }
0x25b: {  	v60 =	vld [tilespmem:s6+$0x60];
	v59 =	vmul.f32 v53, v37;
	_ =	sdelay $0x1  }
0x25c: {  	v31 =	vpop (erf);
	(xrf2) =	vadd.scan.msk.f32 $0xffff, v59  }
0x25d: {  	v29 =	vmul.f32 v57, v56;
	v25 =	vpop (erf)  }
0x25e: {  	v63 =	vmul.f32 v25, v61  }
0x25f: {  	(xrf2) =	vadd.scan.msk.f32 $0xffff, v29;
	v62 =	vmul.f32 v60, v58  }
0x260: {  	v36, _, _ =	vpop (xrf2);
	[tilespmem:s30+$0xFFFFFF90] =	vst v63  }
0x261: {  	v38 =	vmul.f32 $1.442695020e+00, v36;
	(xrf2) =	vadd.scan.msk.f32 $0xffff, v62;
	v40 =	vld [tilespmem:s18+$0xFFFFFF30]  }
0x262: {  	v37, _, _ =	vpop (xrf2);
	v41 =	vld [tilespmem:s31+$0xFFFFFFB0]  }
0x263: {  	v30 =	vbroadcast v38, $0xF;
	v39, _, _ =	vpop (xrf2)  }
0x264: {  	v29 =	vmul.f32 $1.442695020e+00, v37;
	v32 =	vmul.f32 $1.442695020e+00, v39  }
0x265: {  	(erf) = vpow2.f32 v30  }
0x266: {  	v44 =	vld [tilespmem:s13+$0xFFFFFFE0];
	v29 =	vbroadcast v29, $0xF;
	v32 =	vbroadcast v32, $0xF;
	v42, _, _ =	vpop (xrf2)  }
0x267: {  	v43 =	vmul.f32 $1.442695020e+00, v42;
	v45 =	vmul.f32 v41, v40  }
0x268: {  	(erf) = vpow2.f32 v32  }
0x269: {  	(erf) = vpow2.f32 v29;
	v46, _, _ =	vpop (xrf2);
	v30 =	vbroadcast v43, $0xF;
	(xrf2) =	vadd.scan.msk.f32 $0xffff, v45  }
0x26a: {  	v47 =	vmul.f32 $1.442695020e+00, v46  }
0x26b: {  	v50 =	vmul.f32 v27, v44;
	v48, _, _ =	vpop (xrf2);
	(erf) = vpow2.f32 v30  }
0x26c: {  	v49 =	vld [tilespmem:s8+$0xFFFFFFD0];
	v29 =	vbroadcast v47, $0xF;
	v30 =	vmul.f32 $1.442695020e+00, v48;
	_ =	sdelay $0x1  }
0x26d: {  	v52 =	vld [tilespmem:s20+$0xC0];
	[tilespmem:s14+$0xFFFFFFD0] =	vst v50;
	(erf) = vpow2.f32 v29;
	v51 =	vbroadcast v30, $0xF  }
0x26e: {  	v54 =	vld [tilespmem:s13+$0xFFFFFF70]  }
0x26f: {  	v53 =	vld [tilespmem:s20+$0xFFFFFFC0];
	v33 =	vpop (erf);
	(erf) = vpow2.f32 v51  }
0x270: {  	v38 =	vld [tilespmem:s18+$0xB0];
	v55 =	vmul.f32 v33, v49;
	v35 =	vpop (erf)  }
0x271: {  	v56 =	vld [tilespmem:s21+$0xFFFFFFF0];
	v34 =	vpop (erf)  }
0x272: {  	v41 =	vld [tilespmem:s8+$0xE0];
	[tilespmem:s3+$0xFFFFFFC0] =	vst v55;
	v30 =	vmul.f32 v34, v52;
	v40, _, _ =	vpop (xrf2)  }
0x273: {  	v39 =	vld [tilespmem:s8+$0xFFFFFF60];
	v29 =	vpop (erf);
	v40 =	vmul.f32 $1.442695020e+00, v40  }
0x274: {  	v42 =	vld [tilespmem:s6+$0xFFFFFFE0];
	[tilespmem:s7+$0x40] =	vst v30;
	v36 =	vmul.f32 v29, v53  }
0x275: {  	v43 =	vld [tilespmem:s20+$0x50];
	v40 =	vbroadcast v40, $0xF  }
0x276: {  	v44 =	vld [tilespmem:s23+$0x50];
	v30 =	vpop (erf)  }
0x277: {  	v63 =	vld [tilespmem:s18+$0xFFFFFFB0];
	[tilespmem:s7+$0xFFFFFFB0] =	vst v36;
	v38 =	vmul.f32 v30, v38;
	(erf) = vpow2.f32 v40  }
0x278: {  	v45 =	vld [tilespmem:s20+$0xFFFFFF50];
	v36 =	vpop (erf)  }
0x279: {  	v39 =	vmul.f32 v42, v39;
	v46 =	vld [tilespmem:s23+$0xFFFFFFD0];
	[tilespmem:s30+$0x30] =	vst v38;
	v57 =	vmul.f32 v36, v41  }
0x27a: {  	v32 =	vmul.f32 v56, v54;
	v58 =	vld [tilespmem:s18+$0x40]  }
0x27b: {  	(xrf2) =	vadd.scan.msk.f32 $0xffff, v39;
	v61 =	vmul.f32 v44, v43;
	v59 =	vld [tilespmem:s31+$0x40];
	[tilespmem:s3+$0x60] =	vst v57  }
0x27c: {  	(xrf2) =	vadd.scan.msk.f32 $0xffff, v32;
	v60 =	vld [tilespmem:s8+$0x70]  }
0x27d: {  	(xrf2) =	vadd.scan.msk.f32 $0xffff, v61;
	v62 =	vld [tilespmem:s6+$0x70];
	_ =	sdelay $0x2  }
0x27e: {  	v43 =	vmul.f32 v46, v45;
	v32 =	vpop (erf)  }
0x27f: {  	v44 =	vmul.f32 v59, v58;
	v45 =	vmul.f32 v32, v63  }
0x280: {  	(xrf2) =	vadd.scan.msk.f32 $0xffff, v43;
	v37 =	vmul.f32 v62, v60  }
0x281: {  	(xrf2) =	vadd.scan.msk.f32 $0xffff, v44;
	[tilespmem:s30+$0xFFFFFFA0] =	vst v45  }
0x282: {  	(xrf2) =	vadd.scan.msk.f32 $0xffff, v37;
	v46 =	vld [tilespmem:s18+$0xFFFFFF40]  }
0x283: {  	v47, _, _ =	vpop (xrf2);
	v39 =	vld [tilespmem:s31+$0xFFFFFFC0]  }
0x284: {  	v48, _, _ =	vpop (xrf2)  }
0x285: {  	v38 =	vmul.f32 $1.442695020e+00, v47;
	v49, _, _ =	vpop (xrf2)  }
0x286: {  	v41 =	vmul.f32 $1.442695020e+00, v49  }
0x287: {  	v38 =	vbroadcast v38, $0xF  }
0x288: {  	v41 =	vbroadcast v41, $0xF;
	v37 =	vmul.f32 v39, v46  }
0x289: {  	(erf) = vpow2.f32 v38  }
0x28a: {  	v50, _, _ =	vpop (xrf2);
	(erf) = vpow2.f32 v41;
	(xrf2) =	vadd.scan.msk.f32 $0xffff, v37  }
0x28b: {  	v51 =	vmul.f32 $1.442695020e+00, v48;
	v52, _, _ =	vpop (xrf2)  }
0x28c: {  	v53 =	vmul.f32 $1.442695020e+00, v50;
	v54, _, _ =	vpop (xrf2)  }
0x28d: {  	v38 =	vbroadcast v51, $0xF;
	v37 =	vmul.f32 $1.442695020e+00, v54  }
0x28e: {  	v40 =	vbroadcast v53, $0xF;
	v39 =	vmul.f32 $1.442695020e+00, v52  }
0x28f: {  	(erf) = vpow2.f32 v38;
	v37 =	vbroadcast v37, $0xF  }
0x290: {  	v57 =	vld [tilespmem:s20+$0xD0];
	(erf) = vpow2.f32 v40;
	v55 =	vbroadcast v39, $0xF  }
0x291: {  	v56 =	vld [tilespmem:s8+$0xFFFFFFE0];
	(erf) = vpow2.f32 v37  }
0x292: {  	v41 =	vpop (erf);
	(erf) = vpow2.f32 v55  }
0x293: {  	v40 =	vpop (erf)  }
0x294: {  	v59, _, _ =	vpop (xrf2)  }
0x295: {  	v58 =	vld [tilespmem:s20+$0xFFFFFFD0];
	v37 =	vmul.f32 v40, v57;
	v42 =	vmul.f32 $1.442695020e+00, v59  }
0x296: {  	v39 =	vmul.f32 v41, v56  }
0x297: {  	v60 =	vld [tilespmem:s18+$0xC0];
	v42 =	vbroadcast v42, $0xF  }
0x298: {  	v61 =	vld [tilespmem:s18+$0xFFFFFFC0];
	[tilespmem:s3+$0xFFFFFFD0] =	vst v39;
	v46 =	vpop (erf)  }
0x299: {  	v39 =	vld [tilespmem:s8+$0xFFFFFF70];
	[tilespmem:s7+$0x50] =	vst v37;
	v37 =	vpop (erf);
	(erf) = vpow2.f32 v42  }
0x29a: {  	v62 =	vld [tilespmem:s6+$0xFFFFFFF0];
	v48 =	vmul.f32 v37, v58;
	v43 =	vpop (erf)  }
0x29b: {  	v47 =	vld [tilespmem:s20+$0x60];
	v38 =	vpop (erf)  }
0x29c: {  	v49 =	vld [tilespmem:s23+$0x60];
	[tilespmem:s7+$0xFFFFFFC0] =	vst v48;
	v44 =	vmul.f32 v38, v60  }
0x29d: {  	v48 =	vld [tilespmem:s20+$0xFFFFFF60]  }
0x29e: {  	v50 =	vld [tilespmem:s23+$0xFFFFFFE0];
	[tilespmem:s30+$0x40] =	vst v44  }
0x29f: {  	v44 =	vld [tilespmem:s18+$0x50]  }
0x2a0: {  	v51 =	vld [tilespmem:s31+$0x50];
	_ =	sdelay $0x1  }
0x2a1: {  	v47 =	vmul.f32 v49, v47;
	v42 =	vmul.f32 v62, v39;
	v39 =	vpop (erf)  }
0x2a2: {  	v48 =	vmul.f32 v50, v48;
	v45 =	vmul.f32 v39, v61  }
0x2a3: {  	(xrf2) =	vadd.scan.msk.f32 $0xffff, v47  }
0x2a4: {  	(xrf2) =	vadd.scan.msk.f32 $0xffff, v48;
	v44 =	vmul.f32 v51, v44;
	[tilespmem:s30+$0xFFFFFFB0] =	vst v45  }
0x2a5: {  	(xrf2) =	vadd.scan.msk.f32 $0xffff, v42;
	v63 =	vld [tilespmem:s18+$0xFFFFFF50]  }
0x2a6: {  	(xrf2) =	vadd.scan.msk.f32 $0xffff, v44;
	v48 =	vld [tilespmem:s31+$0xFFFFFFD0];
	_ =	sdelay $0x4  }
0x2a7: {  	v42 =	vmul.f32 v48, v63;
	_ =	sdelay $0x1  }
0x2a8: {  	v49, _, _ =	vpop (xrf2);
	(xrf2) =	vadd.scan.msk.f32 $0xffff, v42  }
0x2a9: {  	v45 =	vmul.f32 $1.442695020e+00, v49;
	v50, _, _ =	vpop (xrf2)  }
0x2aa: {  	v51, _, _ =	vpop (xrf2);
	v44 =	vmul.f32 $1.442695020e+00, v50  }
0x2ab: {  	v45 =	vbroadcast v45, $0xF;
	v52, _, _ =	vpop (xrf2)  }
0x2ac: {  	v44 =	vbroadcast v44, $0xF;
	v47 =	vmul.f32 $1.442695020e+00, v52  }
0x2ad: {  	(erf) = vpow2.f32 v45  }
0x2ae: {  	(erf) = vpow2.f32 v44;
	v53 =	vbroadcast v47, $0xF;
	_ =	sdelay $0x1  }
0x2af: {  	(erf) = vpow2.f32 v53;
	_ =	sdelay $0x1  }
0x2b0: {  	v42 =	vmul.f32 $1.442695020e+00, v51;
	v55, _, _ =	vpop (xrf2)  }
0x2b1: {  	v54 =	vld [tilespmem:s20+$0xE0];
	v45 =	vmul.f32 $1.442695020e+00, v55  }
0x2b2: {  	v42 =	vbroadcast v42, $0xF  }
0x2b3: {  	v56 =	vld [tilespmem:s18+$0xD0];
	v45 =	vbroadcast v45, $0xF  }
0x2b4: {  	v48 =	vpop (erf);
	(erf) = vpow2.f32 v42  }
0x2b5: {  	v44 =	vpop (erf);
	(erf) = vpow2.f32 v45  }
0x2b6: {  	v57 =	vmul.f32 v48, v54  }
0x2b7: {  	v42 =	vpop (erf)  }
0x2b8: {  	v58 =	vld [tilespmem:s18+$0xFFFFFFD0];
	[tilespmem:s7+$0x60] =	vst v57;
	v59 =	vmul.f32 v42, v56  }
0x2b9: {  	v60 =	vld [tilespmem:s20+$0x70]  }
0x2ba: {  	v49 =	vld [tilespmem:s23+$0x70];
	[tilespmem:s30+$0x50] =	vst v59  }
0x2bb: {  	v61 =	vld [tilespmem:s18+$0x60]  }
0x2bc: {  	v52 =	vld [tilespmem:s31+$0x60]  }
0x2bd: {  	v53 =	vpop (erf)  }
0x2be: {  	v45 =	vpop (erf)  }
0x2bf: {  	v62 =	vmul.f32 v45, v58  }
0x2c0: {  	v47 =	vmul.f32 v49, v60  }
0x2c1: {  	v63 =	vmul.f32 v52, v61;
	[tilespmem:s30+$0xFFFFFFC0] =	vst v62  }
0x2c2: {  	(xrf2) =	vadd.scan.msk.f32 $0xffff, v47;
	v52 =	vld [tilespmem:s18+$0xFFFFFF60]  }
0x2c3: {  	(xrf2) =	vadd.scan.msk.f32 $0xffff, v63;
	v49 =	vld [tilespmem:s31+$0xFFFFFFE0];
	_ =	sdelay $0x1  }
0x2c4: {  	v54 =	vld [tilespmem:s20+$0xFFFFFFE0];
	_ =	sdelay $0x2  }
0x2c5: {  	v47 =	vmul.f32 v49, v52;
	_ =	sdelay $0x1  }
0x2c6: {  	v55 =	vmul.f32 v44, v54;
	(xrf2) =	vadd.scan.msk.f32 $0xffff, v47;
	_ =	sdelay $0x1  }
0x2c7: {  	[tilespmem:s7+$0xFFFFFFD0] =	vst v55;
	v56, _, _ =	vpop (xrf2)  }
0x2c8: {  	v60 =	vld [tilespmem:s20+$0xFFFFFF70];
	v57 =	vmul.f32 $1.442695020e+00, v56;
	v58, _, _ =	vpop (xrf2)  }
0x2c9: {  	v61 =	vld [tilespmem:s23+$0xFFFFFFF0];
	v59 =	vmul.f32 $1.442695020e+00, v58  }
0x2ca: {  	v47 =	vbroadcast v57, $0xF  }
0x2cb: {  	v49 =	vbroadcast v59, $0xF  }
0x2cc: {  	(erf) = vpow2.f32 v47  }
0x2cd: {  	v2 =	vsel vm7, v2, v19;
	v1 =	vmul.f32 v19, v1;
	v62 =	vld [tilespmem:s11+$0xF0];
	(erf) = vpow2.f32 v49  }
0x2ce: {  	[tilespmem:s10+$0xFFFFFFF0] =	vst v2;
	v2 =	vmul.f32 v61, v60  }
0x2cf: {  	[tilespmem:s10+$0xFFFFFFE0] =	vst v1;
	v1 =	vld [tilespmem:s13+$0xF0];
	v63, _, _ =	vpop (xrf2)  }
0x2d0: {  	v10 =	vsel vm5, v10, v16;
	v19 =	vld [tilespmem:s11+$0xFFFFFFF0];
	(xrf2) =	vadd.scan.msk.f32 $0xffff, v2;
	v2 =	vmul.f32 $1.442695020e+00, v63  }
0x2d1: {  	v11 =	vsel vm7, v11, v21;
	v10 =	vsel vm6, v10, v26  }
0x2d2: {  	[tilespmem:s12+$0x80] =	vst v11;
	v11 =	vsel vm7, v12, v31;
	v47 =	vmul.f32 v21, v62;
	v21 =	vld [tilespmem:s18+$0xE0];
	v2 =	vbroadcast v2, $0xF  }
0x2d3: {  	v16 =	vld [tilespmem:s13+$0xFFFFFFF0];
	v10 =	vsel vm7, v10, v35  }
0x2d4: {  	v7 =	vsel vm5, v7, v17;
	v1 =	vmul.f32 v35, v1;
	[tilespmem:s14+$0x80] =	vst v10  }
0x2d5: {  	v6 =	vsel vm4, v6, v18;
	v10 =	vld [tilespmem:s8+$0xFFFFFFF0];
	v12 =	vmul.f32 v31, v19;
	[tilespmem:s12+$0xFFFFFFF0] =	vst v11;
	v11 =	vpop (erf);
	(erf) = vpow2.f32 v2  }
0x2d6: {  	v8 =	vsel vm4, v8, v23;
	v9 =	vsel vm3, v9, v24;
	v7 =	vsel vm6, v7, v27;
	[tilespmem:s14+$0x70] =	vst v1;
	v2 =	vpop (erf)  }
0x2d7: {  	v6 =	vsel vm5, v6, v28;
	v7 =	vsel vm7, v7, v46;
	[tilespmem:s12+$0xFFFFFFE0] =	vst v12;
	v12 =	vld [tilespmem:s8+$0xF0];
	v17 =	vmul.f32 v2, v21  }
0x2d8: {  	v8 =	vsel vm5, v8, v33;
	v9 =	vsel vm4, v9, v34;
	v16 =	vmul.f32 v46, v16;
	[tilespmem:s14+$0xFFFFFFF0] =	vst v7;
	v1 =	vld [tilespmem:s20+$0xF0]  }
0x2d9: {  	v6 =	vsel vm6, v6, v36;
	v8 =	vsel vm6, v8, v41;
	v9 =	vsel vm5, v9, v40;
	v18 =	vld [tilespmem:s18+$0xFFFFFFE0];
	[tilespmem:s30+$0x60] =	vst v17  }
0x2da: {  	[tilespmem:s14+$0xFFFFFFE0] =	vst v16;
	v6 =	vsel vm7, v6, v43;
	v8 =	vsel vm7, v8, v53;
	v10 =	vmul.f32 v53, v10;
	v7 =	vld [tilespmem:s18+$0x70]  }
0x2db: {  	v9 =	vsel vm6, v9, v48;
	[tilespmem:s3+$0xFFFFFFF0] =	vst v8;
	v16 =	vld [tilespmem:s31+$0x70]  }
0x2dc: {  	[tilespmem:s3+$0xFFFFFFE0] =	vst v10;
	v12 =	vmul.f32 v43, v12  }
0x2dd: {  	[tilespmem:s3+$0x80] =	vst v6;
	v6, _, _ =	vpop (xrf2)  }
0x2de: {  	[tilespmem:s3+$0x70] =	vst v12;
	v6 =	vmul.f32 $1.442695020e+00, v6;
	v1 =	vmul.f32 v11, v1;
	v8 =	vsel vm7, v9, v11;
	v9 =	vpop (erf)  }
0x2df: {  	[tilespmem:s7+$0x80] =	vst v8;
	v8 =	vmul.f32 v9, v18  }
0x2e0: {  	v6 =	vbroadcast v6, $0xF;
	[tilespmem:s7+$0x70] =	vst v1;
	v7 =	vmul.f32 v16, v7  }
0x2e1: {  	v1 =	vld [tilespmem:s20+$0xFFFFFFF0];
	[tilespmem:s30+$0xFFFFFFD0] =	vst v8  }
0x2e2: {  	[tilespmem:s12+$0x70] =	vst v47;
	(erf) = vpow2.f32 v6;
	(xrf2) =	vadd.scan.msk.f32 $0xffff, v7;
	v6 =	vld [tilespmem:s18+$0xFFFFFF70]  }
0x2e3: {  	v7 =	vld [tilespmem:s31+$0xFFFFFFF0];
	_ =	sdelay $0x4  }
0x2e4: {  	v6 =	vmul.f32 v7, v6;
	_ =	sdelay $0x1  }
0x2e5: {  	(xrf2) =	vadd.scan.msk.f32 $0xffff, v6;
	_ =	sdelay $0x5  }
0x2e6: {  	v6, _, _ =	vpop (xrf2)  }
0x2e7: {  	v6 =	vmul.f32 $1.442695020e+00, v6;
	_ =	sdelay $0x1  }
0x2e8: {  	v6 =	vbroadcast v6, $0xF  }
0x2e9: {  	v7, _, _ =	vpop (xrf2)  }
0x2ea: {  	(erf) = vpow2.f32 v6;
	v7 =	vmul.f32 $1.442695020e+00, v7  }
0x2eb: {  	v3 =	vsel vm2, v3, v13  }
0x2ec: {  	v3 =	vsel vm3, v3, v20;
	v6 =	vbroadcast v7, $0xF  }
0x2ed: {  	v3 =	vsel vm4, v3, v29  }
0x2ee: {  	v4 =	vsel vm1, v4, v14;
	v3 =	vsel vm5, v3, v37;
	(erf) = vpow2.f32 v6  }
0x2ef: {  	v4 =	vsel vm2, v4, v22;
	v3 =	vsel vm6, v3, v44;
	v7 =	vpop (erf)  }
0x2f0: {  	v4 =	vsel vm3, v4, v30;
	v3 =	vsel vm7, v3, v7  }
0x2f1: {  	v4 =	vsel vm4, v4, v38;
	v6 =	vld [tilespmem:s18+$0xF0]  }
0x2f2: {  	v5 =	vsel vm1, v5, v15;
	v4 =	vsel vm5, v4, v42  }
0x2f3: {  	v5 =	vsel vm2, v5, v25;
	v2 =	vsel vm6, v4, v2;
	v8 =	vld [tilespmem:s18+$0xFFFFFFF0];
	[tilespmem:s7+$0xFFFFFFF0] =	vst v3;
	v3 =	vpop (erf)  }
0x2f4: {  	v5 =	vsel vm3, v5, v32;
	v1 =	vmul.f32 v7, v1;
	v2 =	vsel vm7, v2, v3  }
0x2f5: {  	v5 =	vsel vm4, v5, v39  }
0x2f6: {  	v4 =	vsel vm5, v5, v45;
	[tilespmem:s7+$0xFFFFFFE0] =	vst v1;
	v1 =	vmul.f32 v3, v6  }
0x2f7: {  	s2 =	smul.u32 $0x140, s0;
	v3 =	vsel vm6, v4, v9;
	[tilespmem:s30+$0x80] =	vst v2;
	v2 =	vpop (erf)  }
0x2f8: {  	[tilespmem:s30+$0x70] =	vst v1;
	v1 =	vsel vm7, v3, v2;
	v2 =	vmul.f32 v2, v8  }
0x2f9: {  	s2 =	sshra.s32 s2, $0x2;
	[tilespmem:s30+$0xFFFFFFF0] =	vst v1  }
0x2fa: {  	s2 =	sadd.s32 $0x16760, s2;
	[tilespmem:s30+$0xFFFFFFE0] =	vst v2  }
0x2fb: {  	[spmem:s1] =	stream.indirect.scatter.add.f32 [tilespmem:s15], [sflag:$0x5], $0x90, s2, s19, $0xb8;
	[tilespmem:$0x1FDB0] =	vst v63  }
0x2fc: {  	p1 =	seq.s32 s0, $0x18;
	_ =	swait.ge [sflag:s16], $0x1680  }
0x2fd: {  	s6 =	simm.s32 @!p1 $0x16F30;
	s3 =	simm.s32 @!p1 $0x28;
	[sflag:s16] =	ssyncset.done $0x0  }
0x2fe: {  	s31 =	smov.u32 s1;
	s2 =	sadd.s32 @!p1 $0x15FE0, s9;
	[sflag:s16] =	ssyncadd.s32 $0xFFFFE980  }
0x2ff: {  	[tilespmem:s6], [sflag:$0x1] =	stream.indirect.gather @!p1 [hbm4b:s5+s3], $0x100, s2, s3, $0xb8;
	[tilespmem:$0x1FDB0] =	vst v63  }
0x300: {  	s2 =	sadd.s32 @!p1 $0x167B0, s9;
	s6 =	simm.s32 @!p1 $0x19730;
	s1 =	rddreg [dreg:$0x1]  }
0x301: {  	[tilespmem:s6], [sflag:$0x2] =	stream.indirect.gather @!p1 [hbm4b:s1+s3], $0x80, s2, s3, $0xb8;
	[tilespmem:$0x1FDB0] =	vst v63  }
0x302: {  	_ =	swait.ge [sflag:s28], $0x2800  }
0x303: {  	[sflag:s28] =	ssyncset.done $0x0  }
0x304: {  	[sflag:s28] =	ssyncadd.s32 $0xFFFFD800  }
0x305: {  	_ =	swait.ge [sflag:s29], $0x1400  }
0x306: {  	[sflag:s29] =	ssyncset.done $0x0  }
0x307: {  	s30 =	simm.s32 $0x1AC30;
	[sflag:s29] =	ssyncadd.s32 $0xFFFFEC00  }
0x308: {  	s24 =	simm.s32 $0x1D3B0;
	v1 =	vld [tilespmem:s30+$0x0]  }
0x309: {  	v2 =	vld [tilespmem:s24+$0x0];
	_ =	sdelay $0x4  }
0x30a: {  	v1 =	vmul.f32 v2, v1;
	_ =	sdelay $0x1  }
0x30b: {  	v2 =	vld [tilespmem:s30+$0xFFFFFF00];
	(xrf2) =	vadd.scan.msk.f32 $0xffff, v1  }
0x30c: {  	v1 =	vld [tilespmem:s24+$0xFFFFFF80];
	_ =	sdelay $0x4  }
0x30d: {  	v1 =	vmul.f32 v1, v2;
	_ =	sdelay $0x2  }
0x30e: {  	(xrf2) =	vadd.scan.msk.f32 $0xffff, v1  }
0x30f: {  	v1, _, _ =	vpop (xrf2)  }
0x310: {  	v1 =	vmul.f32 $1.442695020e+00, v1;
	_ =	sdelay $0x1  }
0x311: {  	v1 =	vbroadcast v1, $0xF;
	_ =	sdelay $0x1  }
0x312: {  	(erf) = vpow2.f32 v1;
	_ =	sdelay $0x3  }
0x313: {  	v1, _, _ =	vpop (xrf2)  }
0x314: {  	v2 =	vld [tilespmem:s30+$0x80];
	v1 =	vmul.f32 $1.442695020e+00, v1;
	_ =	sdelay $0x1  }
0x315: {  	v3 =	vbroadcast v1, $0xF;
	_ =	sdelay $0x1  }
0x316: {  	(erf) = vpow2.f32 v3;
	v1 =	vpop (erf)  }
0x317: {  	v2 =	vmul.f32 v1, v2  }
0x318: {  	s9 =	simm.s32 $0x1E7C0  }
0x319: {  	v3 =	vld [tilespmem:s30+$0xFFFFFF80];
	[tilespmem:s9+$0x0] =	vst v2  }
0x31a: {  	v4 =	vld [tilespmem:s30+$0x10]  }
0x31b: {  	v5 =	vld [tilespmem:s24+$0x10];
	_ =	sdelay $0x3  }
0x31c: {  	v2 =	vpop (erf)  }
0x31d: {  	v3 =	vmul.f32 v2, v3;
	v4 =	vmul.f32 v5, v4;
	_ =	sdelay $0x1  }
0x31e: {  	[tilespmem:s9+$0xFFFFFF70] =	vst v3;
	(xrf2) =	vadd.scan.msk.f32 $0xffff, v4  }
0x31f: {  	v3 =	vld [tilespmem:s30+$0xFFFFFF10]  }
0x320: {  	v4 =	vld [tilespmem:s24+$0xFFFFFF90];
	_ =	sdelay $0x4  }
0x321: {  	s23 =	simm.s32 $0x1D4B0;
	v3 =	vmul.f32 v4, v3  }
0x322: {  	s10 =	simm.s32 $0x1AE30;
	v5 =	vld [tilespmem:s23+$0x0]  }
0x323: {  	(xrf2) =	vadd.scan.msk.f32 $0xffff, v3;
	v3 =	vld [tilespmem:s10+$0x0]  }
0x324: {  	v4, _, _ =	vpop (xrf2)  }
0x325: {  	v4 =	vmul.f32 $1.442695020e+00, v4;
	_ =	sdelay $0x1  }
0x326: {  	v4 =	vbroadcast v4, $0xF  }
0x327: {  	v3 =	vmul.f32 v5, v3  }
0x328: {  	(erf) = vpow2.f32 v4  }
0x329: {  	(xrf2) =	vadd.scan.msk.f32 $0xffff, v3  }
0x32a: {  	v3 =	vld [tilespmem:s10+$0xFFFFFF00]  }
0x32b: {  	v4 =	vld [tilespmem:s23+$0xFFFFFF80]  }
0x32c: {  	v5, _, _ =	vpop (xrf2)  }
0x32d: {  	v6 =	vld [tilespmem:s30+$0x90];
	v5 =	vmul.f32 $1.442695020e+00, v5;
	_ =	sdelay $0x1  }
0x32e: {  	v5 =	vbroadcast v5, $0xF  }
0x32f: {  	v4 =	vmul.f32 v4, v3  }
0x330: {  	(erf) = vpow2.f32 v5;
	v3 =	vpop (erf)  }
0x331: {  	(xrf2) =	vadd.scan.msk.f32 $0xffff, v4;
	v5 =	vmul.f32 v3, v6  }
0x332: {  	v6, _, _ =	vpop (xrf2)  }
0x333: {  	[tilespmem:s9+$0x10] =	vst v5;
	v5 =	vmul.f32 $1.442695020e+00, v6  }
0x334: {  	v4 =	vld [tilespmem:s30+$0xFFFFFF90]  }
0x335: {  	v6 =	vld [tilespmem:s30+$0x20];
	v5 =	vbroadcast v5, $0xF  }
0x336: {  	v7 =	vld [tilespmem:s24+$0x20];
	_ =	sdelay $0x2  }
0x337: {  	(erf) = vpow2.f32 v5;
	v5 =	vpop (erf)  }
0x338: {  	v4 =	vmul.f32 v5, v4  }
0x339: {  	v6 =	vmul.f32 v7, v6;
	v7, _, _ =	vpop (xrf2)  }
0x33a: {  	[tilespmem:s9+$0xFFFFFF80] =	vst v4;
	v4 =	vmul.f32 $1.442695020e+00, v7  }
0x33b: {  	v8 =	vld [tilespmem:s10+$0x80]  }
0x33c: {  	(xrf2) =	vadd.scan.msk.f32 $0xffff, v6;
	v6 =	vld [tilespmem:s30+$0xFFFFFF20];
	v4 =	vbroadcast v4, $0xF  }
0x33d: {  	v7 =	vld [tilespmem:s24+$0xFFFFFFA0];
	_ =	sdelay $0x2  }
0x33e: {  	(erf) = vpow2.f32 v4;
	v4 =	vpop (erf)  }
0x33f: {  	v8 =	vmul.f32 v4, v8  }
0x340: {  	s11 =	simm.s32 $0x1E8E0;
	v6 =	vmul.f32 v7, v6  }
0x341: {  	v7 =	vld [tilespmem:s10+$0xFFFFFF80];
	[tilespmem:s11+$0x0] =	vst v8  }
0x342: {  	v8 =	vld [tilespmem:s10+$0x10]  }
0x343: {  	(xrf2) =	vadd.scan.msk.f32 $0xffff, v6;
	v9 =	vld [tilespmem:s23+$0x10]  }
0x344: {  	v6, _, _ =	vpop (xrf2)  }
0x345: {  	v10 =	vmul.f32 $1.442695020e+00, v6;
	_ =	sdelay $0x1  }
0x346: {  	v6 =	vpop (erf);
	v10 =	vbroadcast v10, $0xF  }
0x347: {  	v7 =	vmul.f32 v6, v7;
	v8 =	vmul.f32 v9, v8  }
0x348: {  	(erf) = vpow2.f32 v10  }
0x349: {  	[tilespmem:s11+$0xFFFFFF70] =	vst v7;
	(xrf2) =	vadd.scan.msk.f32 $0xffff, v8  }
0x34a: {  	v7 =	vld [tilespmem:s10+$0xFFFFFF10]  }
0x34b: {  	v8 =	vld [tilespmem:s23+$0xFFFFFF90]  }
0x34c: {  	v9, _, _ =	vpop (xrf2)  }
0x34d: {  	v10 =	vld [tilespmem:s30+$0xA0];
	v9 =	vmul.f32 $1.442695020e+00, v9;
	_ =	sdelay $0x1  }
0x34e: {  	v9 =	vbroadcast v9, $0xF  }
0x34f: {  	v8 =	vmul.f32 v8, v7  }
0x350: {  	s12 =	simm.s32 $0x1B030;
	(erf) = vpow2.f32 v9;
	v7 =	vpop (erf)  }
0x351: {  	s20 =	simm.s32 $0x1D5B0;
	v9 =	vld [tilespmem:s12+$0x0];
	(xrf2) =	vadd.scan.msk.f32 $0xffff, v8;
	v8 =	vmul.f32 v7, v10  }
0x352: {  	v10 =	vld [tilespmem:s20+$0x0];
	v12, _, _ =	vpop (xrf2)  }
0x353: {  	v11 =	vld [tilespmem:s30+$0xFFFFFFA0];
	[tilespmem:s9+$0x20] =	vst v8;
	v8 =	vmul.f32 $1.442695020e+00, v12  }
0x354: {  	v12 =	vld [tilespmem:s30+$0x30]  }
0x355: {  	v13 =	vld [tilespmem:s24+$0x30];
	v8 =	vbroadcast v8, $0xF;
	_ =	sdelay $0x1  }
0x356: {  	v9 =	vmul.f32 v10, v9;
	_ =	sdelay $0x1  }
0x357: {  	(erf) = vpow2.f32 v8;
	(xrf2) =	vadd.scan.msk.f32 $0xffff, v9;
	v9 =	vld [tilespmem:s20+$0xFFFFFF80];
	v8 =	vpop (erf)  }
0x358: {  	v10 =	vmul.f32 v8, v11;
	v11 =	vmul.f32 v13, v12;
	v12 =	vld [tilespmem:s12+$0xFFFFFF00];
	_ =	sdelay $0x1  }
0x359: {  	v13, _, _ =	vpop (xrf2)  }
0x35a: {  	v13 =	vmul.f32 $1.442695020e+00, v13;
	_ =	sdelay $0x1  }
0x35b: {  	[tilespmem:s9+$0xFFFFFF90] =	vst v10;
	v10 =	vld [tilespmem:s10+$0x90];
	(xrf2) =	vadd.scan.msk.f32 $0xffff, v11;
	v13 =	vbroadcast v13, $0xF;
	v12 =	vmul.f32 v9, v12  }
0x35c: {  	v11 =	vld [tilespmem:s30+$0xFFFFFF30]  }
0x35d: {  	v14 =	vld [tilespmem:s24+$0xFFFFFFB0];
	(erf) = vpow2.f32 v13  }
0x35e: {  	v9 =	vpop (erf)  }
0x35f: {  	(xrf2) =	vadd.scan.msk.f32 $0xffff, v12;
	v12, _, _ =	vpop (xrf2)  }
0x360: {  	v10 =	vmul.f32 v9, v10;
	v12 =	vmul.f32 $1.442695020e+00, v12;
	_ =	sdelay $0x1  }
0x361: {  	v13 =	vld [tilespmem:s10+$0xFFFFFF90];
	v11 =	vmul.f32 v14, v11;
	[tilespmem:s11+$0x10] =	vst v10;
	v10 =	vbroadcast v12, $0xF;
	_ =	sdelay $0x1  }
0x362: {  	(xrf2) =	vadd.scan.msk.f32 $0xffff, v11  }
0x363: {  	v11 =	vld [tilespmem:s10+$0x20];
	v12, _, _ =	vpop (xrf2)  }
0x364: {  	v14 =	vld [tilespmem:s23+$0x20];
	(erf) = vpow2.f32 v10;
	v10 =	vpop (erf)  }
0x365: {  	v12 =	vmul.f32 $1.442695020e+00, v12;
	v13 =	vmul.f32 v10, v13;
	_ =	sdelay $0x1  }
0x366: {  	v12 =	vbroadcast v12, $0xF;
	_ =	sdelay $0x1  }
0x367: {  	v11 =	vmul.f32 v14, v11;
	(erf) = vpow2.f32 v12;
	[tilespmem:s11+$0xFFFFFF80] =	vst v13;
	v12 =	vld [tilespmem:s12+$0x80];
	v13, _, _ =	vpop (xrf2)  }
0x368: {  	v13 =	vmul.f32 $1.442695020e+00, v13  }
0x369: {  	v14 =	vld [tilespmem:s10+$0xFFFFFF20]  }
0x36a: {  	(xrf2) =	vadd.scan.msk.f32 $0xffff, v11;
	v15 =	vld [tilespmem:s23+$0xFFFFFFA0];
	v16, _, _ =	vpop (xrf2);
	v13 =	vbroadcast v13, $0xF  }
0x36b: {  	v11 =	vpop (erf);
	v16 =	vmul.f32 $1.442695020e+00, v16  }
0x36c: {  	v17 =	vld [tilespmem:s30+$0xB0];
	v12 =	vmul.f32 v11, v12;
	(erf) = vpow2.f32 v13  }
0x36d: {  	s13 =	simm.s32 $0x1EA00  }
0x36e: {  	v16 =	vbroadcast v16, $0xF;
	[tilespmem:s13+$0x0] =	vst v12  }
0x36f: {  	v12 =	vmul.f32 v15, v14;
	v14 =	vld [tilespmem:s12+$0x10]  }
0x370: {  	(erf) = vpow2.f32 v16;
	v16 =	vld [tilespmem:s20+$0x10];
	v13 =	vpop (erf)  }
0x371: {  	(xrf2) =	vadd.scan.msk.f32 $0xffff, v12;
	v15 =	vmul.f32 v13, v17;
	v17 =	vld [tilespmem:s12+$0xFFFFFF80];
	_ =	sdelay $0x1  }
0x372: {  	[tilespmem:s9+$0x30] =	vst v15  }
0x373: {  	v12, _, _ =	vpop (xrf2);
	v15 =	vld [tilespmem:s30+$0x40]  }
0x374: {  	v18 =	vmul.f32 $1.442695020e+00, v12;
	v19 =	vld [tilespmem:s24+$0x40];
	v12 =	vpop (erf)  }
0x375: {  	v14 =	vmul.f32 v16, v14;
	v17 =	vmul.f32 v12, v17  }
0x376: {  	v20 =	vld [tilespmem:s30+$0xFFFFFFB0];
	v16 =	vbroadcast v18, $0xF  }
0x377: {  	[tilespmem:s13+$0xFFFFFF70] =	vst v17  }
0x378: {  	(erf) = vpow2.f32 v16;
	v16 =	vld [tilespmem:s12+$0xFFFFFF10]  }
0x379: {  	(xrf2) =	vadd.scan.msk.f32 $0xffff, v14;
	v14 =	vpop (erf);
	v15 =	vmul.f32 v19, v15;
	v18 =	vld [tilespmem:s20+$0xFFFFFF90]  }
0x37a: {  	v19, _, _ =	vpop (xrf2)  }
0x37b: {  	v17 =	vmul.f32 v14, v20;
	(xrf2) =	vadd.scan.msk.f32 $0xffff, v15;
	v15 =	vmul.f32 $1.442695020e+00, v19;
	_ =	sdelay $0x1  }
0x37c: {  	[tilespmem:s9+$0xFFFFFFA0] =	vst v17;
	v17 =	vld [tilespmem:s10+$0xA0];
	v15 =	vbroadcast v15, $0xF  }
0x37d: {  	v19 =	vld [tilespmem:s30+$0xFFFFFF40];
	v16 =	vmul.f32 v18, v16  }
0x37e: {  	s6 =	simm.s32 $0x1D6B0;
	v20 =	vld [tilespmem:s24+$0xFFFFFFC0]  }
0x37f: {  	s14 =	simm.s32 $0x1B230;
	v21 =	vld [tilespmem:s6+$0x0];
	(xrf2) =	vadd.scan.msk.f32 $0xffff, v16  }
0x380: {  	(erf) = vpow2.f32 v15;
	v18 =	vld [tilespmem:s14+$0x0];
	v15 =	vpop (erf)  }
0x381: {  	v17 =	vmul.f32 v15, v17  }
0x382: {  	v16, _, _ =	vpop (xrf2)  }
0x383: {  	v19 =	vmul.f32 v20, v19;
	[tilespmem:s11+$0x20] =	vst v17;
	v16 =	vmul.f32 $1.442695020e+00, v16  }
0x384: {  	v17 =	vld [tilespmem:s10+$0x30]  }
0x385: {  	(xrf2) =	vadd.scan.msk.f32 $0xffff, v19;
	v19 =	vld [tilespmem:s23+$0x30];
	v18 =	vmul.f32 v21, v18;
	v16 =	vbroadcast v16, $0xF  }
0x386: {  	v20 =	vld [tilespmem:s10+$0xFFFFFFA0];
	v22, _, _ =	vpop (xrf2)  }
0x387: {  	v22 =	vmul.f32 $1.442695020e+00, v22;
	(erf) = vpow2.f32 v16;
	_ =	sdelay $0x1  }
0x388: {  	(xrf2) =	vadd.scan.msk.f32 $0xffff, v18;
	v21 =	vbroadcast v22, $0xF;
	v18, _, _ =	vpop (xrf2)  }
0x389: {  	v23 =	vld [tilespmem:s6+$0xFFFFFF80];
	v17 =	vmul.f32 v19, v17;
	v16 =	vpop (erf);
	v18 =	vmul.f32 $1.442695020e+00, v18  }
0x38a: {  	v22 =	vld [tilespmem:s14+$0xFFFFFF00];
	v20 =	vmul.f32 v16, v20  }
0x38b: {  	(erf) = vpow2.f32 v21;
	v19 =	vld [tilespmem:s12+$0x90];
	(xrf2) =	vadd.scan.msk.f32 $0xffff, v17;
	v17 =	vbroadcast v18, $0xF  }
0x38c: {  	[tilespmem:s11+$0xFFFFFF90] =	vst v20  }
0x38d: {  	v20 =	vld [tilespmem:s10+$0xFFFFFF30]  }
0x38e: {  	v21 =	vld [tilespmem:s23+$0xFFFFFFB0];
	v18, _, _ =	vpop (xrf2)  }
0x38f: {  	v22 =	vmul.f32 v23, v22;
	(erf) = vpow2.f32 v17;
	v17 =	vpop (erf)  }
0x390: {  	v23 =	vld [tilespmem:s30+$0xC0];
	v18 =	vmul.f32 $1.442695020e+00, v18;
	v19 =	vmul.f32 v17, v19  }
0x391: {  	(xrf2) =	vadd.scan.msk.f32 $0xffff, v22  }
0x392: {  	v18 =	vbroadcast v18, $0xF  }
0x393: {  	v20 =	vmul.f32 v21, v20;
	v21, _, _ =	vpop (xrf2);
	[tilespmem:s13+$0x10] =	vst v19  }
0x394: {  	v21 =	vmul.f32 $1.442695020e+00, v21;
	(erf) = vpow2.f32 v18;
	v18 =	vld [tilespmem:s12+$0x20];
	v19 =	vpop (erf)  }
0x395: {  	(xrf2) =	vadd.scan.msk.f32 $0xffff, v20;
	v22 =	vld [tilespmem:s20+$0x20];
	v20 =	vmul.f32 v19, v23  }
0x396: {  	v23 =	vld [tilespmem:s12+$0xFFFFFF90]  }
0x397: {  	[tilespmem:s9+$0x40] =	vst v20;
	v20 =	vbroadcast v21, $0xF  }
0x398: {  	v21, _, _ =	vpop (xrf2);
	v48 =	vld [tilespmem:s30+$0x50]  }
0x399: {  	v49 =	vmul.f32 $1.442695020e+00, v21;
	v50 =	vld [tilespmem:s24+$0x50];
	(erf) = vpow2.f32 v20  }
0x39a: {  	v21 =	vpop (erf);
	v18 =	vmul.f32 v22, v18  }
0x39b: {  	v51 =	vld [tilespmem:s30+$0xFFFFFFC0];
	v22, _, _ =	vpop (xrf2);
	v20 =	vbroadcast v49, $0xF;
	v23 =	vmul.f32 v21, v23  }
0x39c: {  	v52 =	vmul.f32 $1.442695020e+00, v22  }
0x39d: {  	(erf) = vpow2.f32 v20;
	[tilespmem:s13+$0xFFFFFF80] =	vst v23;
	v20 =	vld [tilespmem:s14+$0x80]  }
0x39e: {  	(xrf2) =	vadd.scan.msk.f32 $0xffff, v18;
	v22 =	vpop (erf);
	v18 =	vbroadcast v52, $0xF;
	v23 =	vmul.f32 v50, v48;
	v54 =	vld [tilespmem:s12+$0xFFFFFF20]  }
0x39f: {  	v55, _, _ =	vpop (xrf2);
	v56 =	vld [tilespmem:s20+$0xFFFFFFA0]  }
0x3a0: {  	v53 =	vmul.f32 v22, v51;
	v26 =	vmul.f32 $1.442695020e+00, v55;
	(xrf2) =	vadd.scan.msk.f32 $0xffff, v23;
	_ =	sdelay $0x1  }
0x3a1: {  	v57 =	vld [tilespmem:s10+$0xB0];
	(erf) = vpow2.f32 v18;
	[tilespmem:s9+$0xFFFFFFB0] =	vst v53;
	v23 =	vbroadcast v26, $0xF;
	v18 =	vpop (erf)  }
0x3a2: {  	v58 =	vld [tilespmem:s30+$0xFFFFFF50];
	v20 =	vmul.f32 v18, v20  }
0x3a3: {  	s8 =	simm.s32 $0x1EB20;
	v59 =	vld [tilespmem:s24+$0xFFFFFFD0];
	(erf) = vpow2.f32 v23;
	v25 =	vmul.f32 v56, v54  }
0x3a4: {  	v60 =	vld [tilespmem:s14+$0xFFFFFF80];
	[tilespmem:s8+$0x0] =	vst v20  }
0x3a5: {  	(xrf2) =	vadd.scan.msk.f32 $0xffff, v25;
	v23 =	vpop (erf);
	v62 =	vld [tilespmem:s14+$0x10]  }
0x3a6: {  	v24 =	vmul.f32 v23, v57;
	v33 =	vld [tilespmem:s6+$0x10]  }
0x3a7: {  	v20, _, _ =	vpop (xrf2)  }
0x3a8: {  	v61 =	vld [tilespmem:s10+$0xFFFFFFB0];
	v26 =	vmul.f32 v59, v58;
	v63 =	vmul.f32 $1.442695020e+00, v20;
	[tilespmem:s11+$0x30] =	vst v24  }
0x3a9: {  	v35, _, _ =	vpop (xrf2);
	v36 =	vld [tilespmem:s10+$0x40]  }
0x3aa: {  	(xrf2) =	vadd.scan.msk.f32 $0xffff, v26;
	v20 =	vpop (erf);
	v39 =	vld [tilespmem:s23+$0x40];
	v34 =	vbroadcast v63, $0xF;
	v38 =	vmul.f32 $1.442695020e+00, v35  }
0x3ab: {  	v37 =	vmul.f32 v20, v60;
	v25 =	vmul.f32 v33, v62  }
0x3ac: {  	v24 =	vpop (erf);
	(erf) = vpow2.f32 v34;
	v40 =	vbroadcast v38, $0xF  }
0x3ad: {  	v43 =	vld [tilespmem:s12+$0xA0];
	[tilespmem:s8+$0xFFFFFF70] =	vst v37;
	v29 =	vmul.f32 v24, v61  }
0x3ae: {  	v41 =	vld [tilespmem:s14+$0xFFFFFF10];
	(xrf2) =	vadd.scan.msk.f32 $0xffff, v25;
	(erf) = vpow2.f32 v40  }
0x3af: {  	v42 =	vld [tilespmem:s6+$0xFFFFFF90];
	[tilespmem:s11+$0xFFFFFFA0] =	vst v29;
	v44 =	vmul.f32 v39, v36;
	v45, _, _ =	vpop (xrf2)  }
0x3b0: {  	v29 =	vld [tilespmem:s10+$0xFFFFFF40];
	v28 =	vmul.f32 $1.442695020e+00, v45  }
0x3b1: {  	v46 =	vld [tilespmem:s23+$0xFFFFFFC0];
	(xrf2) =	vadd.scan.msk.f32 $0xffff, v44  }
0x3b2: {  	v47 =	vbroadcast v28, $0xF  }
0x3b3: {  	s21 =	simm.s32 $0x1D7B0;
	v48 =	vld [tilespmem:s30+$0xD0]  }
0x3b4: {  	s3 =	simm.s32 $0x1B430;
	v52 =	vld [tilespmem:s21+$0x0];
	v49, _, _ =	vpop (xrf2);
	v27 =	vmul.f32 v42, v41;
	(erf) = vpow2.f32 v47  }
0x3b5: {  	v51 =	vld [tilespmem:s3+$0x0];
	v31 =	vmul.f32 $1.442695020e+00, v49;
	v25 =	vpop (erf)  }
0x3b6: {  	(xrf2) =	vadd.scan.msk.f32 $0xffff, v27;
	v29 =	vmul.f32 v46, v29;
	v50 =	vmul.f32 v25, v43  }
0x3b7: {  	v26 =	vpop (erf)  }
0x3b8: {  	v53 =	vld [tilespmem:s12+$0xFFFFFFA0];
	v31 =	vbroadcast v31, $0xF;
	(xrf2) =	vadd.scan.msk.f32 $0xffff, v29;
	v55, _, _ =	vpop (xrf2);
	[tilespmem:s13+$0x20] =	vst v50;
	v54 =	vmul.f32 v26, v48  }
0x3b9: {  	v28 =	vmul.f32 $1.442695020e+00, v55;
	v56 =	vld [tilespmem:s12+$0x30]  }
0x3ba: {  	v30 =	vmul.f32 v52, v51;
	(erf) = vpow2.f32 v31;
	v57 =	vld [tilespmem:s20+$0x30];
	[tilespmem:s9+$0x50] =	vst v54  }
0x3bb: {  	v59, _, _ =	vpop (xrf2);
	v28 =	vbroadcast v28, $0xF;
	v58 =	vld [tilespmem:s30+$0x60]  }
0x3bc: {  	(xrf2) =	vadd.scan.msk.f32 $0xffff, v30;
	v60 =	vld [tilespmem:s24+$0x60];
	v62 =	vmul.f32 $1.442695020e+00, v59  }
0x3bd: {  	v63 =	vld [tilespmem:s21+$0xFFFFFF80];
	(erf) = vpow2.f32 v28;
	v27 =	vpop (erf)  }
0x3be: {  	v61 =	vld [tilespmem:s30+$0xFFFFFFD0];
	v43 =	vbroadcast v62, $0xF;
	v33 =	vmul.f32 v27, v53  }
0x3bf: {  	v40 =	vld [tilespmem:s3+$0xFFFFFF00];
	v41 =	vmul.f32 v57, v56  }
0x3c0: {  	v42, _, _ =	vpop (xrf2);
	(erf) = vpow2.f32 v43;
	[tilespmem:s13+$0xFFFFFF90] =	vst v33  }
0x3c1: {  	v29 =	vmul.f32 $1.442695020e+00, v42;
	(xrf2) =	vadd.scan.msk.f32 $0xffff, v41;
	v44 =	vmul.f32 v60, v58;
	v47 =	vld [tilespmem:s12+$0xFFFFFF30]  }
0x3c2: {  	v46, _, _ =	vpop (xrf2);
	v49 =	vld [tilespmem:s20+$0xFFFFFFB0]  }
0x3c3: {  	v45 =	vld [tilespmem:s14+$0x90];
	v28 =	vpop (erf);
	v29 =	vbroadcast v29, $0xF;
	v33 =	vmul.f32 $1.442695020e+00, v46;
	(xrf2) =	vadd.scan.msk.f32 $0xffff, v44  }
0x3c4: {  	v30 =	vmul.f32 v63, v40;
	v48 =	vmul.f32 v28, v61  }
0x3c5: {  	v50 =	vld [tilespmem:s10+$0xC0];
	(erf) = vpow2.f32 v29;
	v33 =	vbroadcast v33, $0xF  }
0x3c6: {  	[tilespmem:s9+$0xFFFFFFC0] =	vst v48;
	(xrf2) =	vadd.scan.msk.f32 $0xffff, v30;
	v54, _, _ =	vpop (xrf2)  }
0x3c7: {  	v51 =	vld [tilespmem:s30+$0xFFFFFF60];
	v29 =	vpop (erf);
	(erf) = vpow2.f32 v33;
	v34 =	vmul.f32 v49, v47  }
0x3c8: {  	v53 =	vld [tilespmem:s24+$0xFFFFFFE0];
	v33 =	vmul.f32 $1.442695020e+00, v54;
	v52 =	vmul.f32 v29, v45  }
0x3c9: {  	v55 =	vld [tilespmem:s14+$0xFFFFFF90];
	v30 =	vpop (erf)  }
0x3ca: {  	v56 =	vld [tilespmem:s10+$0xFFFFFFC0];
	v33 =	vbroadcast v33, $0xF;
	(xrf2) =	vadd.scan.msk.f32 $0xffff, v34;
	[tilespmem:s8+$0x10] =	vst v52;
	v31 =	vmul.f32 v30, v50  }
0x3cb: {  	v57 =	vld [tilespmem:s14+$0x20];
	v58, _, _ =	vpop (xrf2)  }
0x3cc: {  	v59 =	vld [tilespmem:s6+$0x20];
	(erf) = vpow2.f32 v33;
	v34 =	vmul.f32 $1.442695020e+00, v58;
	[tilespmem:s11+$0x40] =	vst v31  }
0x3cd: {  	v32 =	vmul.f32 v53, v51;
	v60, _, _ =	vpop (xrf2);
	v61 =	vld [tilespmem:s10+$0x50]  }
0x3ce: {  	v63 =	vld [tilespmem:s23+$0x50];
	v31 =	vpop (erf);
	v34 =	vbroadcast v34, $0xF;
	v62 =	vmul.f32 $1.442695020e+00, v60  }
0x3cf: {  	v37 =	vmul.f32 v31, v55  }
0x3d0: {  	(xrf2) =	vadd.scan.msk.f32 $0xffff, v32;
	v47, _, _ =	vpop (xrf2);
	(erf) = vpow2.f32 v34;
	v44 =	vbroadcast v62, $0xF  }
0x3d1: {  	v46 =	vld [tilespmem:s3+$0x80];
	v33 =	vpop (erf);
	v45 =	vmul.f32 v59, v57;
	v38 =	vmul.f32 $1.442695020e+00, v47;
	[tilespmem:s8+$0xFFFFFF80] =	vst v37  }
0x3d2: {  	v35 =	vmul.f32 v33, v56;
	v48 =	vld [tilespmem:s14+$0xFFFFFF20];
	(erf) = vpow2.f32 v44  }
0x3d3: {  	(xrf2) =	vadd.scan.msk.f32 $0xffff, v45;
	v50 =	vbroadcast v38, $0xF;
	v49 =	vld [tilespmem:s6+$0xFFFFFFA0];
	v52 =	vmul.f32 v63, v61  }
0x3d4: {  	v51 =	vld [tilespmem:s12+$0xB0];
	[tilespmem:s11+$0xFFFFFFB0] =	vst v35;
	v53, _, _ =	vpop (xrf2)  }
0x3d5: {  	v54 =	vld [tilespmem:s10+$0xFFFFFF50];
	v36 =	vmul.f32 $1.442695020e+00, v53;
	(erf) = vpow2.f32 v50;
	v32 =	vpop (erf);
	(xrf2) =	vadd.scan.msk.f32 $0xffff, v52  }
0x3d6: {  	v55 =	vld [tilespmem:s23+$0xFFFFFFD0];
	v37 =	vmul.f32 v32, v46  }
0x3d7: {  	s7 =	simm.s32 $0x1EC40;
	v56 =	vld [tilespmem:s30+$0xE0];
	v36 =	vbroadcast v36, $0xF  }
0x3d8: {  	v57 =	vld [tilespmem:s3+$0xFFFFFF80];
	[tilespmem:s7+$0x0] =	vst v37;
	v34 =	vmul.f32 v49, v48  }
0x3d9: {  	v62 =	vld [tilespmem:s3+$0x10];
	v35 =	vpop (erf)  }
0x3da: {  	v59, _, _ =	vpop (xrf2);
	v63 =	vld [tilespmem:s21+$0x10];
	(erf) = vpow2.f32 v36;
	(xrf2) =	vadd.scan.msk.f32 $0xffff, v34;
	v60 =	vmul.f32 v35, v51  }
0x3db: {  	v47 =	vmul.f32 v55, v54;
	v36 =	vpop (erf)  }
0x3dc: {  	v58 =	vld [tilespmem:s12+$0xFFFFFFB0];
	v61 =	vmul.f32 $1.442695020e+00, v59;
	[tilespmem:s13+$0x30] =	vst v60;
	v48 =	vmul.f32 v36, v56  }
0x3dd: {  	(xrf2) =	vadd.scan.msk.f32 $0xffff, v47;
	v49, _, _ =	vpop (xrf2);
	v50 =	vld [tilespmem:s12+$0x40]  }
0x3de: {  	v38 =	vbroadcast v61, $0xF;
	v40 =	vmul.f32 $1.442695020e+00, v49;
	v34 =	vpop (erf);
	v51 =	vld [tilespmem:s20+$0x40];
	[tilespmem:s9+$0x60] =	vst v48  }
0x3df: {  	v44 =	vmul.f32 v63, v62;
	v54 =	vmul.f32 v34, v57;
	v55, _, _ =	vpop (xrf2);
	v52 =	vld [tilespmem:s30+$0x70]  }
0x3e0: {  	v53 =	vbroadcast v40, $0xF;
	v56 =	vld [tilespmem:s24+$0x70];
	v43 =	vmul.f32 $1.442695020e+00, v55  }
0x3e1: {  	(erf) = vpow2.f32 v38  }
0x3e2: {  	(xrf2) =	vadd.scan.msk.f32 $0xffff, v44;
	[tilespmem:s7+$0xFFFFFF70] =	vst v54;
	(erf) = vpow2.f32 v53;
	v43 =	vbroadcast v43, $0xF  }
0x3e3: {  	v40 =	vld [tilespmem:s3+$0xFFFFFF10];
	v37 =	vpop (erf);
	v41 =	vmul.f32 v51, v50  }
0x3e4: {  	v57 =	vld [tilespmem:s21+$0xFFFFFF90];
	v39 =	vmul.f32 v37, v58;
	v58, _, _ =	vpop (xrf2);
	(erf) = vpow2.f32 v43  }
0x3e5: {  	v38 =	vmul.f32 v56, v52;
	v59 =	vmul.f32 $1.442695020e+00, v58  }
0x3e6: {  	v60 =	vld [tilespmem:s14+$0xA0];
	(xrf2) =	vadd.scan.msk.f32 $0xffff, v41;
	[tilespmem:s13+$0xFFFFFFA0] =	vst v39  }
0x3e7: {  	v52, _, _ =	vpop (xrf2);
	v61 =	vld [tilespmem:s12+$0xFFFFFF40];
	(xrf2) =	vadd.scan.msk.f32 $0xffff, v38;
	v62 =	vbroadcast v59, $0xF  }
0x3e8: {  	s22 =	simm.s32 $0x1D8B0;
	v53 =	vmul.f32 $1.442695020e+00, v52;
	v63 =	vld [tilespmem:s20+$0xFFFFFFC0]  }
0x3e9: {  	v46 =	vld [tilespmem:s22+$0xFFFFFF80];
	v40 =	vmul.f32 v57, v40;
	(erf) = vpow2.f32 v62  }
0x3ea: {  	v54 =	vld [tilespmem:s10+$0xD0];
	v39 =	vpop (erf);
	v56 =	vbroadcast v53, $0xF  }
0x3eb: {  	s17 =	simm.s32 $0x1B630;
	v47 =	vld [tilespmem:s14+$0xFFFFFFA0];
	(xrf2) =	vadd.scan.msk.f32 $0xffff, v40;
	v38 =	vpop (erf)  }
0x3ec: {  	v55 =	vld [tilespmem:s17+$0x0];
	v58, _, _ =	vpop (xrf2);
	(erf) = vpow2.f32 v56;
	v43 =	vmul.f32 v38, v60  }
0x3ed: {  	v57 =	vld [tilespmem:s22+$0x0];
	v59 =	vmul.f32 $1.442695020e+00, v58;
	v41 =	vmul.f32 v63, v61  }
0x3ee: {  	v44 =	vld [tilespmem:s10+$0xFFFFFFD0];
	[tilespmem:s8+$0x20] =	vst v43;
	v40 =	vpop (erf)  }
0x3ef: {  	v43 =	vbroadcast v59, $0xF;
	v60 =	vld [tilespmem:s14+$0x30];
	(xrf2) =	vadd.scan.msk.f32 $0xffff, v41;
	v61 =	vmul.f32 v40, v54  }
0x3f0: {  	v63 =	vld [tilespmem:s6+$0x30];
	v62, _, _ =	vpop (xrf2)  }
0x3f1: {  	v58 =	vld [tilespmem:s17+$0xFFFFFF00];
	(erf) = vpow2.f32 v43;
	[tilespmem:s11+$0x50] =	vst v61;
	v54, _, _ =	vpop (xrf2)  }
0x3f2: {  	v42 =	vmul.f32 v57, v55;
	v43 =	vld [tilespmem:s10+$0x60];
	v41 =	vpop (erf)  }
0x3f3: {  	v56 =	vld [tilespmem:s23+$0x60];
	v55 =	vmul.f32 $1.442695020e+00, v54;
	v47 =	vmul.f32 v41, v47  }
0x3f4: {  	v59 =	vld [tilespmem:s30+$0xFFFFFFE0];
	v57 =	vmul.f32 $1.442695020e+00, v62;
	(xrf2) =	vadd.scan.msk.f32 $0xffff, v42  }
0x3f5: {  	v62 =	vld [tilespmem:s3+$0x90];
	v48 =	vmul.f32 v63, v60;
	v60, _, _ =	vpop (xrf2);
	v50 =	vbroadcast v55, $0xF;
	[tilespmem:s8+$0xFFFFFF90] =	vst v47  }
0x3f6: {  	v61 =	vbroadcast v57, $0xF;
	v42 =	vpop (erf);
	v49 =	vmul.f32 $1.442695020e+00, v60;
	v63 =	vld [tilespmem:s14+$0xFFFFFF30]  }
0x3f7: {  	v44 =	vmul.f32 v42, v44;
	(xrf2) =	vadd.scan.msk.f32 $0xffff, v48;
	(erf) = vpow2.f32 v50;
	v54 =	vld [tilespmem:s6+$0xFFFFFFB0]  }
0x3f8: {  	v1 =	vnsel vm0, $0x0, v1;
	v49 =	vbroadcast v49, $0xF;
	v43 =	vmul.f32 v56, v43  }
0x3f9: {  	v2 =	vnsel vm0, $0x0, v2;
	v1 =	vsel vm1, v1, v3;
	(erf) = vpow2.f32 v61;
	v56, _, _ =	vpop (xrf2)  }
0x3fa: {  	v45 =	vmul.f32 v46, v58;
	[tilespmem:s11+$0xFFFFFFC0] =	vst v44;
	(erf) = vpow2.f32 v49;
	(xrf2) =	vadd.scan.msk.f32 $0xffff, v43;
	v3 =	vpop (erf)  }
0x3fb: {  	v2 =	vsel vm1, v2, v5;
	v57 =	vld [tilespmem:s10+$0xFFFFFF60];
	v44 =	vmul.f32 $1.442695020e+00, v56;
	v5 =	vmul.f32 v3, v62  }
0x3fc: {  	v1 =	vsel vm2, v1, v7;
	v58 =	vmul.f32 v39, v59;
	v59 =	vld [tilespmem:s23+$0xFFFFFFE0];
	(xrf2) =	vadd.scan.msk.f32 $0xffff, v45;
	v7 =	vmul.f32 v54, v63  }
0x3fd: {  	v6 =	vnsel vm0, $0x0, v6;
	v61 =	vld [tilespmem:s12+$0xC0];
	v44 =	vbroadcast v44, $0xF;
	[tilespmem:s7+$0x10] =	vst v5  }
0x3fe: {  	v2 =	vsel vm2, v2, v8;
	v6 =	vsel vm1, v6, v10;
	v60, _, _ =	vpop (xrf2);
	v8 =	vld [tilespmem:s3+$0x20]  }
0x3ff: {  	v10 =	vsel vm3, v1, v13;
	v45 =	vmul.f32 $1.442695020e+00, v60;
	v13 =	vld [tilespmem:s21+$0x20];
	(erf) = vpow2.f32 v44  }
0x400: {  	v4 =	vnsel vm0, $0x0, v4;
	v55 =	vld [tilespmem:s3+$0xFFFFFF90];
	(xrf2) =	vadd.scan.msk.f32 $0xffff, v7;
	v7 =	vpop (erf)  }
0x401: {  	v4 =	vsel vm1, v4, v9;
	[tilespmem:s9+$0xFFFFFFD0] =	vst v58;
	v9 =	vbroadcast v45, $0xF;
	v1, _, _ =	vpop (xrf2)  }
0x402: {  	v11 =	vnsel vm0, $0x0, v11;
	v4 =	vsel vm2, v4, v15;
	v15 =	vld [tilespmem:s24+$0xFFFFFFF0];
	v63 =	vmul.f32 v59, v57;
	v48 =	vpop (erf)  }
0x403: {  	v12 =	vnsel vm0, $0x0, v12;
	v62 =	vld [tilespmem:s12+$0xFFFFFFC0];
	(erf) = vpow2.f32 v9;
	v9 =	vmul.f32 v48, v61;
	v50 =	vpop (erf)  }
0x404: {  	v11 =	vsel vm1, v11, v17;
	v5 =	vld [tilespmem:s30+$0xFFFFFF70];
	v49 =	vmul.f32 $1.442695020e+00, v1;
	v8 =	vmul.f32 v13, v8;
	v17, _, _ =	vpop (xrf2)  }
0x405: {  	[tilespmem:s13+$0x40] =	vst v9;
	v9 =	vsel vm4, v10, v19;
	v10 =	vmul.f32 v50, v55;
	v13 =	vmul.f32 $1.442695020e+00, v17  }
0x406: {  	v6 =	vsel vm2, v6, v16;
	v12 =	vsel vm1, v12, v21;
	(xrf2) =	vadd.scan.msk.f32 $0xffff, v63;
	v16 =	vbroadcast v49, $0xF;
	v21, _, _ =	vpop (xrf2);
	v19 =	vld [tilespmem:s12+$0x50]  }
0x407: {  	v17 =	vld [tilespmem:s20+$0x50];
	[tilespmem:s7+$0xFFFFFF80] =	vst v10;
	v10 =	vbroadcast v13, $0xF;
	v13 =	vmul.f32 $1.442695020e+00, v21  }
0x408: {  	(xrf2) =	vadd.scan.msk.f32 $0xffff, v8;
	(erf) = vpow2.f32 v16;
	v16 =	vld [tilespmem:s17+$0x80];
	v8 =	vpop (erf)  }
0x409: {  	v2 =	vsel vm3, v2, v14;
	v14 =	vld [tilespmem:s17+$0xFFFFFF80];
	v5 =	vmul.f32 v15, v5;
	v15 =	vmul.f32 v8, v62  }
0x40a: {  	v21 =	vld [tilespmem:s3+$0xFFFFFF20];
	(erf) = vpow2.f32 v10;
	v10 =	vbroadcast v13, $0xF  }
0x40b: {  	v4 =	vsel vm3, v4, v23;
	v23 =	vld [tilespmem:s21+$0xFFFFFFA0];
	v13, _, _ =	vpop (xrf2)  }
0x40c: {  	[tilespmem:s13+$0xFFFFFFB0] =	vst v15;
	v15 =	vld [tilespmem:s14+$0xB0];
	v17 =	vmul.f32 v17, v19;
	v19 =	vpop (erf);
	(erf) = vpow2.f32 v10  }
0x40d: {  	(xrf2) =	vadd.scan.msk.f32 $0xffff, v5;
	v13 =	vmul.f32 $1.442695020e+00, v13;
	v5 =	vmul.f32 v19, v16;
	v10 =	vld [tilespmem:s12+$0xFFFFFF50];
	v16 =	vnsel vm0, $0x0, v18  }
0x40e: {  	s18 =	simm.s32 $0x1ED60;
	(xrf2) =	vadd.scan.msk.f32 $0xffff, v17;
	v17 =	vld [tilespmem:s20+$0xFFFFFFD0]  }
0x40f: {  	v2 =	vsel vm4, v2, v22;
	v6 =	vsel vm3, v6, v24;
	v13 =	vbroadcast v13, $0xF;
	[tilespmem:s18+$0x0] =	vst v5;
	v5 =	vld [tilespmem:s10+$0xE0]  }
0x410: {  	v11 =	vsel vm2, v11, v25;
	v18 =	vsel vm1, v16, v29;
	v21 =	vmul.f32 v23, v21;
	v16, _, _ =	vpop (xrf2);
	v23 =	vld [tilespmem:s17+$0x10]  }
0x411: {  	v12 =	vsel vm2, v12, v27;
	v52 =	vpop (erf);
	v16 =	vmul.f32 $1.442695020e+00, v16;
	(erf) = vpow2.f32 v13;
	v13 =	vld [tilespmem:s22+$0x10]  }
0x412: {  	v4 =	vsel vm4, v4, v30;
	v6 =	vsel vm4, v6, v33;
	v51 =	vld [tilespmem:s30+$0xF0];
	v15 =	vmul.f32 v52, v15  }
0x413: {  	v11 =	vsel vm3, v11, v35;
	v12 =	vsel vm3, v12, v37;
	v22 =	vld [tilespmem:s14+$0xFFFFFFB0];
	(xrf2) =	vadd.scan.msk.f32 $0xffff, v21;
	v21 =	vbroadcast v16, $0xF;
	v54 =	vpop (erf)  }
0x414: {  	v53 =	vld [tilespmem:s10+$0xFFFFFFE0];
	v56 =	vsel vm5, v6, v42;
	v10 =	vmul.f32 v17, v10;
	v17, _, _ =	vpop (xrf2);
	[tilespmem:s8+$0x30] =	vst v15;
	v5 =	vmul.f32 v54, v5  }
0x415: {  	v9 =	vsel vm5, v9, v26;
	v55 =	vld [tilespmem:s14+$0x40];
	(erf) = vpow2.f32 v21;
	v21 =	vmul.f32 $1.442695020e+00, v17  }
0x416: {  	v9 =	vsel vm6, v9, v36;
	v15 =	vsel vm5, v4, v40;
	(xrf2) =	vadd.scan.msk.f32 $0xffff, v10;
	v4 =	vmul.f32 v13, v23;
	v13 =	vpop (erf);
	v23 =	vld [tilespmem:s6+$0x40]  }
0x417: {  	v1 =	vld [tilespmem:s30+$0xFFFFFFF0];
	[tilespmem:s11+$0x60] =	vst v5;
	v10 =	vbroadcast v21, $0xF;
	v21 =	vnsel vm0, $0x0, v32;
	v14 =	vmul.f32 v13, v14  }
0x418: {  	v6 =	vmul.f32 v7, v51;
	v7 =	vsel vm7, v9, v7;
	v58 =	vld [tilespmem:s10+$0x70];
	v57 =	vsel vm1, v21, v3  }
0x419: {  	v5, _, _ =	vpop (xrf2);
	(xrf2) =	vadd.scan.msk.f32 $0xffff, v4;
	v4 =	vnsel vm0, $0x0, v34;
	(erf) = vpow2.f32 v10;
	[tilespmem:s18+$0xFFFFFF70] =	vst v14;
	v14 =	vld [tilespmem:s23+$0x70]  }
0x41a: {  	v3, _, _ =	vpop (xrf2);
	v10 =	vsel vm4, v11, v48;
	v9 =	vmul.f32 $1.442695020e+00, v5;
	v5 =	vsel vm1, v4, v50;
	v59 =	vld [tilespmem:s17+$0xFFFFFF10]  }
0x41b: {  	v4 =	vsel vm4, v12, v8;
	v3 =	vmul.f32 $1.442695020e+00, v3;
	v11 =	vpop (erf);
	v60 =	vld [tilespmem:s22+$0xFFFFFF90];
	v8 =	vmul.f32 v23, v55  }
0x41c: {  	v20 =	vnsel vm0, $0x0, v20;
	v2 =	vsel vm5, v2, v28;
	[tilespmem:s9+$0x80] =	vst v7;
	v62 =	vld [tilespmem:s3+$0xA0];
	v22 =	vmul.f32 v11, v22  }
0x41d: {  	v18 =	vsel vm2, v18, v38;
	v16 =	vld [tilespmem:s3+$0xFFFFFFA0];
	v7, _, _ =	vpop (xrf2);
	v9 =	vbroadcast v9, $0xF;
	v61 =	vbroadcast v3, $0xF;
	(xrf2) =	vadd.scan.msk.f32 $0xffff, v8  }
0x41e: {  	v20 =	vsel vm1, v20, v31;
	v17 =	vld [tilespmem:s12+$0xFFFFFFD0];
	v12 =	vmul.f32 $1.442695020e+00, v7;
	v7 =	vnsel vm0, $0x0, v19  }
0x41f: {  	v21 =	vld [tilespmem:s17+$0xFFFFFF90];
	v3 =	vsel vm3, v18, v52;
	[tilespmem:s8+$0xFFFFFFA0] =	vst v22;
	(erf) = vpow2.f32 v61;
	v23 =	vmul.f32 v14, v58  }
0x420: {  	[tilespmem:s9+$0x70] =	vst v6;
	v19 =	vbroadcast v12, $0xF;
	v8 =	vnsel vm0, $0x0, v13;
	v18 =	vpop (erf);
	v14 =	vld [tilespmem:s14+$0xFFFFFF40];
	v13 =	vmul.f32 v60, v59  }
0x421: {  	v6 =	vsel vm6, v15, v54;
	v15 =	vld [tilespmem:s6+$0xFFFFFFC0];
	v26 =	vmul.f32 v18, v53;
	(erf) = vpow2.f32 v9;
	v9, _, _ =	vpop (xrf2);
	(xrf2) =	vadd.scan.msk.f32 $0xffff, v23  }
0x422: {  	v2 =	vsel vm6, v2, v39;
	v20 =	vsel vm2, v20, v41;
	v22 =	vld [tilespmem:s14+$0xFFFFFFC0];
	v63 =	vmul.f32 $1.442695020e+00, v9  }
0x423: {  	v12 =	vsel vm6, v56, v18;
	v18 =	vld [tilespmem:s12+$0xD0];
	v9 =	vsel vm3, v20, v11;
	(erf) = vpow2.f32 v19;
	[tilespmem:s11+$0xFFFFFFD0] =	vst v26;
	v11 =	vpop (erf)  }
0x424: {  	s2 =	simm.s32 $0x1B830;
	s24 =	simm.s32 $0xA;
	s30 =	simm.s32 $0x1D8B0;
	(xrf2) =	vadd.scan.msk.f32 $0xffff, v13;
	v23 =	vld [tilespmem:s10+$0xFFFFFF70];
	v20 =	vbroadcast v63, $0xF;
	v13, _, _ =	vpop (xrf2);
	v19 =	vmul.f32 v11, v62;
	v11 =	vsel vm2, v57, v11  }
.LBB2_8:
0x425: {  	v24 =	vld [tilespmem:s2+$0x0];
	s22 =	sadd.s32 $0x100, s22  }
0x426: {  	v25 =	vld [tilespmem:s22+$0x0];
	[tilespmem:s7+$0x20] =	vst v19;
	v26 =	vmul.f32 v15, v14;
	(erf) = vpow2.f32 v20  }
0x427: {  	v13 =	vmul.f32 $1.442695020e+00, v13;
	v15 =	vld [tilespmem:s3+$0x30];
	v19, _, _ =	vpop (xrf2)  }
0x428: {  	v20 =	vld [tilespmem:s21+$0x30];
	(xrf2) =	vadd.scan.msk.f32 $0xffff, v26;
	v14 =	vpop (erf)  }
0x429: {  	v27 =	vbroadcast v13, $0xF;
	v26 =	vld [tilespmem:s22+$0xFFFFFF80];
	v29 =	vmul.f32 v14, v18;
	v14 =	vsel vm5, v10, v14  }
0x42a: {  	v10 =	vld [tilespmem:s2+$0xFFFFFF00];
	v28 =	vpop (erf)  }
0x42b: {  	v13 =	vld [tilespmem:s2+$0xFFFFFF80];
	v24 =	vmul.f32 v25, v24;
	(erf) = vpow2.f32 v27;
	[tilespmem:s13+$0x50] =	vst v29;
	v18, _, _ =	vpop (xrf2);
	v29 =	vsel vm7, v2, v28  }
0x42c: {  	v1 =	vmul.f32 v28, v1;
	v2 =	vmov v12;
	v25 =	vpop (erf);
	v27 =	vld [tilespmem:s12+$0x60];
	v18 =	vmul.f32 $1.442695020e+00, v18;
	[tilespmem:s9+$0xFFFFFFF0] =	vst v29  }
0x42d: {  	(xrf2) =	vadd.scan.msk.f32 $0xffff, v24;
	v28 =	vmul.f32 v25, v16;
	v12 =	vsel vm2, v5, v25;
	v5 =	vmul.f32 v20, v15;
	v20 =	vld [tilespmem:s20+$0x60]  }
0x42e: {  	v19 =	vmul.f32 $1.442695020e+00, v19;
	v15, _, _ =	vpop (xrf2);
	v24 =	vld [tilespmem:s23+$0xFFFFFFF0];
	v18 =	vbroadcast v18, $0xF;
	[tilespmem:s9+$0xFFFFFFE0] =	vst v1;
	s23 =	smov.u32 s20;
	s20 =	smov.u32 s6;
	s6 =	smov.u32 s21  }
0x42f: {  	s21 =	smov.u32 s30;
	s30 =	smov.u32 s22;
	s9 =	smov.u32 s11;
	v10 =	vmul.f32 v26, v10;
	v25 =	vmul.f32 $1.442695020e+00, v15;
	[tilespmem:s7+$0xFFFFFF90] =	vst v28;
	v16 =	vpop (erf);
	v1 =	vld [tilespmem:s10+$0xFFFFFFF0]  }
0x430: {  	s11 =	smov.u32 s13;
	s13 =	smov.u32 s8;
	s8 =	smov.u32 s7;
	v26 =	vld [tilespmem:s17+$0x90];
	(xrf2) =	vadd.scan.msk.f32 $0xffff, v5;
	v5 =	vbroadcast v19, $0xF;
	v15 =	vsel vm5, v4, v16;
	(erf) = vpow2.f32 v18  }
0x431: {  	s7 =	smov.u32 s18;
	v28 =	vmul.f32 v16, v17;
	v4 =	vbroadcast v25, $0xF;
	v25 =	vld [tilespmem:s3+$0xFFFFFF30]  }
0x432: {  	v17 =	vld [tilespmem:s6+$0xFFFFFFB0];
	v18, _, _ =	vpop (xrf2);
	(erf) = vpow2.f32 v5;
	v5 =	vmul.f32 v20, v27  }
0x433: {  	(erf) = vpow2.f32 v4;
	v19 =	vld [tilespmem:s3+$0xFFFFFFB0];
	v4 =	vmul.f32 $1.442695020e+00, v18;
	[tilespmem:s11+$0xFFFFFFC0] =	vst v28  }
0x434: {  	v23 =	vmul.f32 v24, v23;
	v16 =	vpop (erf);
	v27 =	vld [tilespmem:s12+$0xFFFFFF60];
	(xrf2) =	vadd.scan.msk.f32 $0xffff, v5  }
0x435: {  	v5 =	vmul.f32 v16, v26;
	v18 =	vsel vm1, v7, v16;
	v4 =	vbroadcast v4, $0xF;
	v7 =	vld [tilespmem:s10+$0xF0];
	s10 =	smov.u32 s12;
	s12 =	smov.u32 s14;
	s14 =	smov.u32 s3  }
0x436: {  	s3 =	smov.u32 s17;
	s17 =	smov.u32 s2;
	v16 =	vld [tilespmem:s23+$0xFFFFFFE0]  }
0x437: {  	(xrf2) =	vadd.scan.msk.f32 $0xffff, v10;
	v10, _, _ =	vpop (xrf2);
	[tilespmem:s18+$0x10] =	vst v5;
	v20 =	vmul.f32 v17, v25;
	v17 =	vld [tilespmem:s12+$0xC0];
	(erf) = vpow2.f32 v4  }
0x438: {  	s24 =	sadd.s32 $0x2, s24;
	v4 =	vmul.f32 $1.442695020e+00, v10;
	v24 =	vld [tilespmem:s3+$0x20]  }
0x439: {  	p1 =	slt.u32 s24, $0x26;
	v25 =	vld [tilespmem:s21+$0x20];
	v10 =	vpop (erf)  }
0x43a: {  	v28 =	vbroadcast v4, $0xF;
	(xrf2) =	vadd.scan.msk.f32 $0xffff, v20;
	v5, _, _ =	vpop (xrf2);
	v20 =	vld [tilespmem:s10+$0xFFFFFFE0];
	v7 =	vmul.f32 v10, v7;
	v6 =	vsel vm7, v6, v10  }
0x43b: {  	v26 =	vmul.f32 $1.442695020e+00, v5;
	v5 =	vpop (erf);
	v16 =	vmul.f32 v16, v27;
	[tilespmem:s9+$0x80] =	vst v6  }
0x43c: {  	(erf) = vpow2.f32 v28;
	v4 =	vpop (erf);
	v17 =	vmul.f32 v5, v17;
	v10 =	vsel vm4, v3, v5;
	[tilespmem:s9+$0x70] =	vst v7  }
0x43d: {  	v3 =	vmul.f32 v4, v21;
	v5 =	vsel vm1, v8, v4;
	v21 =	vbroadcast v26, $0xF;
	(xrf2) =	vadd.scan.msk.f32 $0xffff, v16  }
0x43e: {  	v7 =	vmul.f32 v25, v24;
	[tilespmem:s13+$0x40] =	vst v17;
	v6, _, _ =	vpop (xrf2)  }
0x43f: {  	[tilespmem:s18+$0xFFFFFF80] =	vst v3;
	(erf) = vpow2.f32 v21;
	v3 =	vld [tilespmem:s12+$0x50];
	v6 =	vmul.f32 $1.442695020e+00, v6  }
0x440: {  	v8 =	vld [tilespmem:s20+$0x50];
	v4 =	vpop (erf)  }
0x441: {  	v17 =	vld [tilespmem:s2+$0x80];
	v16, _, _ =	vpop (xrf2);
	(xrf2) =	vadd.scan.msk.f32 $0xffff, v7;
	v24 =	vmul.f32 v4, v22;
	v4 =	vsel vm4, v9, v4;
	v6 =	vbroadcast v6, $0xF  }
0x442: {  	v9 =	vmul.f32 $1.442695020e+00, v16;
	v21 =	vld [tilespmem:s3+$0xFFFFFF20]  }
0x443: {  	v22 =	vld [tilespmem:s21+$0xFFFFFFA0];
	[tilespmem:s13+$0xFFFFFFB0] =	vst v24;
	(erf) = vpow2.f32 v6  }
0x444: {  	v6 =	vbroadcast v9, $0xF;
	v9 =	vld [tilespmem:s14+$0xB0];
	v7, _, _ =	vpop (xrf2);
	(xrf2) =	vadd.scan.msk.f32 $0xffff, v23  }
0x445: {  	v23 =	vpop (erf);
	v16 =	vld [tilespmem:s3+$0xFFFFFFA0];
	v24 =	vmul.f32 $1.442695020e+00, v7;
	v25 =	vmul.f32 v8, v3  }
0x446: {  	v8 =	vmul.f32 v23, v17;
	v7 =	vnsel vm0, $0x0, v23;
	(erf) = vpow2.f32 v6;
	v6 =	vld [tilespmem:s12+$0xFFFFFF50]  }
0x447: {  	s18 =	sadd.s32 $0x120, s18;
	v17 =	vbroadcast v24, $0xF;
	v23 =	vld [tilespmem:s20+$0xFFFFFFD0];
	(xrf2) =	vadd.scan.msk.f32 $0xffff, v25;
	v3, _, _ =	vpop (xrf2)  }
0x448: {  	[tilespmem:s18+$0x0] =	vst v8;
	v8 =	vmul.f32 v22, v21;
	v21 =	vpop (erf);
	v22 =	vmul.f32 $1.442695020e+00, v3;
	v24 =	vld [tilespmem:s10+$0xE0]  }
0x449: {  	v25 =	vld [tilespmem:s2+$0x10];
	v9 =	vmul.f32 v21, v9;
	v3 =	vsel vm3, v11, v21;
	(erf) = vpow2.f32 v17  }
0x44a: {  	v11 =	vld [tilespmem:s22+$0x10];
	(xrf2) =	vadd.scan.msk.f32 $0xffff, v8;
	v8 =	vbroadcast v22, $0xF  }
0x44b: {  	v21, _, _ =	vpop (xrf2);
	[tilespmem:s8+$0x30] =	vst v9;
	v17 =	vld [tilespmem:s12+$0xFFFFFFD0]  }
0x44c: {  	v9 =	vld [tilespmem:s14+$0x40];
	v26 =	vmul.f32 v23, v6;
	(erf) = vpow2.f32 v8;
	v6 =	vpop (erf)  }
0x44d: {  	v8 =	vmul.f32 $1.442695020e+00, v21;
	v21 =	vld [tilespmem:s6+$0x40];
	v23 =	vmul.f32 v6, v24;
	v6 =	vsel vm6, v14, v6  }
0x44e: {  	(xrf2) =	vadd.scan.msk.f32 $0xffff, v26;
	v14, _, _ =	vpop (xrf2)  }
0x44f: {  	v24 =	vbroadcast v8, $0xF;
	v25 =	vmul.f32 v11, v25;
	v22 =	vpop (erf);
	[tilespmem:s11+$0x60] =	vst v23  }
0x450: {  	v14 =	vmul.f32 $1.442695020e+00, v14;
	v13 =	vmul.f32 v22, v13;
	v8 =	vnsel vm0, $0x0, v22;
	v22 =	vld [tilespmem:s10+$0x70]  }
0x451: {  	(xrf2) =	vadd.scan.msk.f32 $0xffff, v25;
	(erf) = vpow2.f32 v24;
	v11, _, _ =	vpop (xrf2);
	v23 =	vld [tilespmem:s23+$0x70]  }
0x452: {  	[tilespmem:s18+$0xFFFFFF70] =	vst v13;
	v13 =	vmul.f32 v21, v9;
	v9 =	vpop (erf);
	v11 =	vmul.f32 $1.442695020e+00, v11  }
0x453: {  	v25 =	vbroadcast v14, $0xF;
	v24 =	vld [tilespmem:s2+$0xFFFFFF10];
	v27 =	vmul.f32 v9, v19;
	v9 =	vsel vm3, v12, v9  }
0x454: {  	v26 =	vld [tilespmem:s22+$0xFFFFFF90];
	v12, _, _ =	vpop (xrf2);
	(xrf2) =	vadd.scan.msk.f32 $0xffff, v13;
	v11 =	vbroadcast v11, $0xF  }
0x455: {  	v21 =	vld [tilespmem:s2+$0xFFFFFF90];
	v13 =	vmul.f32 $1.442695020e+00, v12;
	[tilespmem:s8+$0xFFFFFFA0] =	vst v27;
	v19 =	vpop (erf)  }
0x456: {  	v27 =	vld [tilespmem:s3+$0xA0];
	(erf) = vpow2.f32 v11;
	v12 =	vsel vm6, v15, v19;
	v11 =	vmul.f32 v23, v22  }
.Ltmp2:
0x457: {  	v19 =	vmul.f32 v19, v20;
	v13 =	vbroadcast v13, $0xF;
	v14 =	vld [tilespmem:s14+$0xFFFFFF40];
	(pc) =	sbr.rel @p1 .LBB2_8-.Ltmp2, $4  }
0x458: {  	v15 =	vld [tilespmem:s6+$0xFFFFFFC0];
	v20, _, _ =	vpop (xrf2);
	(xrf2) =	vadd.scan.msk.f32 $0xffff, v11;
	(erf) = vpow2.f32 v25  }
0x459: {  	v11 =	vmul.f32 v26, v24;
	v22 =	vld [tilespmem:s14+$0xFFFFFFC0];
	v20 =	vmul.f32 $1.442695020e+00, v20;
	[tilespmem:s11+$0xFFFFFFD0] =	vst v19  }
0x45a: {  	(erf) = vpow2.f32 v13;
	v24 =	vpop (erf);
	v23 =	vld [tilespmem:s10+$0xFFFFFF70]  }
0x45b: {  	s2 =	sadd.s32 $0x200, s2;
	(xrf2) =	vadd.scan.msk.f32 $0xffff, v11;
	v13, _, _ =	vpop (xrf2);
	v19 =	vmul.f32 v24, v27;
	v11 =	vsel vm2, v18, v24;
	v20 =	vbroadcast v20, $0xF;
	v18 =	vld [tilespmem:s12+$0xD0]  }
0x45c: {  	_ =	sdelay $0x4  }
0x45d: {  	v25 =	vmul.f32 $1.442695020e+00, v13;
	v24, _, _ =	vpop (xrf2)  }
0x45e: {  	(erf) = vpow2.f32 v20;
	v40, _, _ =	vpop (xrf2)  }
0x45f: {  	v25 =	vbroadcast v25, $0xF;
	v41 =	vmul.f32 $1.442695020e+00, v40  }
0x460: {  	v24 =	vmul.f32 $1.442695020e+00, v24  }
0x461: {  	(erf) = vpow2.f32 v25;
	v20 =	vbroadcast v41, $0xF  }
0x462: {  	v15 =	vmul.f32 v15, v14;
	v24 =	vbroadcast v24, $0xF;
	v42, _, _ =	vpop (xrf2)  }
0x463: {  	v43 =	vmul.f32 $1.442695020e+00, v42;
	(erf) = vpow2.f32 v20  }
0x464: {  	v26 =	vld [tilespmem:s17+$0x90];
	v13 =	vpop (erf);
	(erf) = vpow2.f32 v24  }
0x465: {  	v28 =	vld [tilespmem:s14+$0xC0];
	[tilespmem:s7+$0x20] =	vst v19;
	v18 =	vmul.f32 v13, v18;
	v14 =	vpop (erf);
	v46 =	vbroadcast v43, $0xF  }
0x466: {  	v44 =	vld [tilespmem:s3+$0x30];
	(xrf2) =	vadd.scan.msk.f32 $0xffff, v15;
	v15 =	vpop (erf)  }
0x467: {  	v45 =	vld [tilespmem:s21+$0x30];
	[tilespmem:s13+$0x50] =	vst v18;
	v48 =	vmul.f32 v15, v16;
	v16 =	vpop (erf);
	(erf) = vpow2.f32 v46  }
0x468: {  	v47 =	vld [tilespmem:s12+$0x60];
	v17 =	vmul.f32 v16, v17  }
0x469: {  	v27 =	vld [tilespmem:s20+$0x60];
	[tilespmem:s7+$0xFFFFFF90] =	vst v48  }
0x46a: {  	v50 =	vld [tilespmem:s3+$0xFFFFFF30];
	v19 =	vpop (erf)  }
0x46b: {  	v30 =	vld [tilespmem:s21+$0xFFFFFFB0];
	[tilespmem:s13+$0xFFFFFFC0] =	vst v17;
	v51 =	vmul.f32 v19, v26  }
0x46c: {  	v52 =	vld [tilespmem:s12+$0xFFFFFF60];
	v17 =	vpop (erf)  }
0x46d: {  	v49 =	vmul.f32 v45, v44;
	v31 =	vld [tilespmem:s20+$0xFFFFFFE0];
	[tilespmem:s18+$0x10] =	vst v51;
	v18 =	vpop (erf)  }
0x46e: {  	v53 =	vld [tilespmem:s17+$0x20];
	v28 =	vmul.f32 v18, v28  }
0x46f: {  	(xrf2) =	vadd.scan.msk.f32 $0xffff, v49;
	v32 =	vld [tilespmem:s30+$0x20]  }
0x470: {  	v29 =	vld [tilespmem:s23+$0xFFFFFFF0];
	v25 =	vmul.f32 v27, v47;
	v20 =	vpop (erf);
	[tilespmem:s8+$0x40] =	vst v28  }
0x471: {  	v24 =	vmul.f32 v30, v50;
	v21 =	vmul.f32 v20, v21;
	v55 =	vld [tilespmem:s14+$0x50]  }
0x472: {  	(xrf2) =	vadd.scan.msk.f32 $0xffff, v25;
	v56 =	vld [tilespmem:s6+$0x50]  }
0x473: {  	(xrf2) =	vadd.scan.msk.f32 $0xffff, v24;
	v58 =	vmul.f32 v31, v52;
	[tilespmem:s18+$0xFFFFFF80] =	vst v21  }
0x474: {  	v27 =	vmul.f32 v32, v53;
	v59 =	vld [tilespmem:s17+$0xFFFFFF20]  }
0x475: {  	(xrf2) =	vadd.scan.msk.f32 $0xffff, v58;
	v60 =	vld [tilespmem:s30+$0xFFFFFFA0]  }
0x476: {  	v23 =	vmul.f32 v29, v23;
	(xrf2) =	vadd.scan.msk.f32 $0xffff, v27  }
0x477: {  	v54, _, _ =	vpop (xrf2);
	v62 =	vmul.f32 v56, v55  }
0x478: {  	v28 =	vmul.f32 $1.442695020e+00, v54;
	(xrf2) =	vadd.scan.msk.f32 $0xffff, v23  }
0x479: {  	v61, _, _ =	vpop (xrf2);
	(xrf2) =	vadd.scan.msk.f32 $0xffff, v62  }
0x47a: {  	v57 =	vbroadcast v28, $0xF;
	v63 =	vmul.f32 v60, v59  }
0x47b: {  	v21 =	vmul.f32 $1.442695020e+00, v61  }
0x47c: {  	(erf) = vpow2.f32 v57;
	v28, _, _ =	vpop (xrf2);
	(xrf2) =	vadd.scan.msk.f32 $0xffff, v63  }
0x47d: {  	v21 =	vbroadcast v21, $0xF;
	v29 =	vmul.f32 $1.442695020e+00, v28;
	v31, _, _ =	vpop (xrf2)  }
0x47e: {  	v24 =	vmul.f32 $1.442695020e+00, v31  }
0x47f: {  	(erf) = vpow2.f32 v21;
	v30 =	vbroadcast v29, $0xF;
	v32, _, _ =	vpop (xrf2)  }
0x480: {  	v24 =	vbroadcast v24, $0xF;
	v23 =	vmul.f32 $1.442695020e+00, v32;
	v33, _, _ =	vpop (xrf2)  }
0x481: {  	(erf) = vpow2.f32 v30;
	v36 =	vmul.f32 $1.442695020e+00, v33  }
0x482: {  	v23 =	vbroadcast v23, $0xF;
	v37, _, _ =	vpop (xrf2)  }
0x483: {  	(erf) = vpow2.f32 v24;
	v39 =	vbroadcast v36, $0xF;
	v38, _, _ =	vpop (xrf2)  }
0x484: {  	v35 =	vld [tilespmem:s3+$0xB0];
	(erf) = vpow2.f32 v23;
	v24 =	vmul.f32 $1.442695020e+00, v38  }
0x485: {  	v42 =	vld [tilespmem:s12+$0xE0];
	v21 =	vpop (erf);
	(erf) = vpow2.f32 v39  }
0x486: {  	v40 =	vld [tilespmem:s3+$0xFFFFFFB0];
	v41 =	vmul.f32 $1.442695020e+00, v37;
	v43, _, _ =	vpop (xrf2);
	v24 =	vbroadcast v24, $0xF  }
0x487: {  	v52 =	vld [tilespmem:s17+$0xA0];
	v34 =	vmul.f32 v21, v22;
	v46 =	vmul.f32 $1.442695020e+00, v43  }
0x488: {  	v54 =	vld [tilespmem:s14+$0xD0];
	v23 =	vbroadcast v41, $0xF;
	v22 =	vpop (erf);
	(erf) = vpow2.f32 v24  }
0x489: {  	v44 =	vld [tilespmem:s17+$0xFFFFFFA0];
	[tilespmem:s8+$0xFFFFFFB0] =	vst v34;
	v45 =	vmul.f32 v22, v35;
	v49 =	vbroadcast v46, $0xF  }
0x48a: {  	v47 =	vld [tilespmem:s14+$0xFFFFFF50];
	v27 =	vpop (erf);
	(erf) = vpow2.f32 v23  }
0x48b: {  	v48 =	vld [tilespmem:s6+$0xFFFFFFD0];
	[tilespmem:s7+$0x30] =	vst v45;
	v51 =	vmul.f32 v27, v42;
	(erf) = vpow2.f32 v49  }
0x48c: {  	v50 =	vld [tilespmem:s3+$0x40];
	v26 =	vpop (erf)  }
0x48d: {  	v33 =	vld [tilespmem:s21+$0x40];
	v53 =	vmul.f32 v26, v40;
	[tilespmem:s13+$0x60] =	vst v51;
	v25 =	vpop (erf)  }
0x48e: {  	v34 =	vld [tilespmem:s12+$0x70];
	v23 =	vpop (erf)  }
0x48f: {  	v35 =	vld [tilespmem:s20+$0x70];
	[tilespmem:s7+$0xFFFFFFA0] =	vst v53;
	v32 =	vmul.f32 v23, v52  }
0x490: {  	v36 =	vld [tilespmem:s3+$0xFFFFFF40];
	v24 =	vmul.f32 v48, v47  }
0x491: {  	v37 =	vld [tilespmem:s21+$0xFFFFFFC0];
	[tilespmem:s18+$0x20] =	vst v32;
	v28 =	vpop (erf)  }
0x492: {  	v56 =	vld [tilespmem:s17+$0x30];
	v55 =	vmul.f32 v28, v54  }
0x493: {  	v31 =	vmul.f32 v33, v50;
	v57 =	vld [tilespmem:s30+$0x30];
	v29 =	vpop (erf)  }
0x494: {  	(xrf2) =	vadd.scan.msk.f32 $0xffff, v24;
	v34 =	vmul.f32 v35, v34;
	v24 =	vpop (erf);
	[tilespmem:s8+$0x50] =	vst v55  }
0x495: {  	(xrf2) =	vadd.scan.msk.f32 $0xffff, v31;
	v30 =	vmul.f32 v24, v44;
	v58 =	vld [tilespmem:s14+$0x60]  }
0x496: {  	v59 =	vmul.f32 v37, v36;
	(xrf2) =	vadd.scan.msk.f32 $0xffff, v34;
	v60 =	vld [tilespmem:s6+$0x60]  }
0x497: {  	[tilespmem:s18+$0xFFFFFF90] =	vst v30  }
0x498: {  	(xrf2) =	vadd.scan.msk.f32 $0xffff, v59;
	v61 =	vmul.f32 v57, v56;
	v30 =	vld [tilespmem:s17+$0xFFFFFF30]  }
0x499: {  	v62 =	vld [tilespmem:s30+$0xFFFFFFB0]  }
0x49a: {  	(xrf2) =	vadd.scan.msk.f32 $0xffff, v61  }
0x49b: {  	v31 =	vmul.f32 v60, v58;
	_ =	sdelay $0x1  }
0x49c: {  	(xrf2) =	vadd.scan.msk.f32 $0xffff, v31  }
0x49d: {  	v63, _, _ =	vpop (xrf2);
	v30 =	vmul.f32 v62, v30  }
0x49e: {  	v37, _, _ =	vpop (xrf2)  }
0x49f: {  	v36 =	vmul.f32 $1.442695020e+00, v63;
	v38, _, _ =	vpop (xrf2);
	(xrf2) =	vadd.scan.msk.f32 $0xffff, v30  }
0x4a0: {  	v39 =	vmul.f32 $1.442695020e+00, v38  }
0x4a1: {  	v40 =	vmul.f32 $1.442695020e+00, v37;
	v41, _, _ =	vpop (xrf2);
	v31 =	vbroadcast v36, $0xF  }
0x4a2: {  	v32 =	vmul.f32 $1.442695020e+00, v41;
	v30 =	vbroadcast v39, $0xF  }
0x4a3: {  	v42 =	vld [tilespmem:s12+$0xFFFFFFE0];
	(erf) = vpow2.f32 v31;
	v31 =	vbroadcast v40, $0xF;
	v44, _, _ =	vpop (xrf2)  }
0x4a4: {  	v45 =	vmul.f32 $1.442695020e+00, v44;
	(erf) = vpow2.f32 v30  }
0x4a5: {  	v43 =	vbroadcast v32, $0xF;
	(erf) = vpow2.f32 v31  }
0x4a6: {  	v31 =	vbroadcast v45, $0xF;
	v46, _, _ =	vpop (xrf2)  }
0x4a7: {  	(erf) = vpow2.f32 v43;
	v30 =	vmul.f32 $1.442695020e+00, v46  }
0x4a8: {  	v47 =	vld [tilespmem:s14+$0xFFFFFFD0];
	v48 =	vmul.f32 v25, v42  }
0x4a9: {  	v51 =	vld [tilespmem:s3+$0xC0];
	(erf) = vpow2.f32 v31;
	v50, _, _ =	vpop (xrf2);
	v30 =	vbroadcast v30, $0xF  }
0x4aa: {  	v49 =	vld [tilespmem:s3+$0xFFFFFFC0];
	[tilespmem:s13+$0xFFFFFFD0] =	vst v48;
	v31 =	vmul.f32 $1.442695020e+00, v50  }
0x4ab: {  	v52 =	vld [tilespmem:s12+$0xFFFFFF70];
	(erf) = vpow2.f32 v30  }
0x4ac: {  	v38 =	vld [tilespmem:s20+$0xFFFFFFF0];
	v32 =	vpop (erf)  }
0x4ad: {  	v41 =	vld [tilespmem:s14+$0xE0];
	v53 =	vmul.f32 v32, v47;
	v35 =	vpop (erf)  }
0x4ae: {  	v40 =	vld [tilespmem:s17+$0xB0];
	v54 =	vbroadcast v31, $0xF;
	v31 =	vpop (erf)  }
0x4af: {  	v39 =	vld [tilespmem:s17+$0xFFFFFFB0];
	[tilespmem:s8+$0xFFFFFFC0] =	vst v53;
	v36 =	vmul.f32 v31, v51  }
0x4b0: {  	v55 =	vld [tilespmem:s14+$0xFFFFFF60];
	(erf) = vpow2.f32 v54;
	v30 =	vpop (erf)  }
0x4b1: {  	v42 =	vld [tilespmem:s6+$0xFFFFFFE0];
	v56 =	vmul.f32 v30, v49;
	[tilespmem:s7+$0x40] =	vst v36  }
0x4b2: {  	v33 =	vpop (erf);
	v43 =	vld [tilespmem:s3+$0x50]  }
0x4b3: {  	v40 =	vmul.f32 v33, v40;
	v44 =	vld [tilespmem:s21+$0x50];
	[tilespmem:s7+$0xFFFFFFB0] =	vst v56  }
0x4b4: {  	v45 =	vld [tilespmem:s3+$0xFFFFFF50];
	v36 =	vpop (erf)  }
0x4b5: {  	v46 =	vld [tilespmem:s21+$0xFFFFFFD0];
	[tilespmem:s18+$0x30] =	vst v40;
	v57 =	vmul.f32 v36, v41  }
0x4b6: {  	v58 =	vld [tilespmem:s17+$0x40]  }
0x4b7: {  	v47 =	vld [tilespmem:s30+$0x40];
	[tilespmem:s8+$0x60] =	vst v57  }
0x4b8: {  	v42 =	vmul.f32 v42, v55;
	v59 =	vld [tilespmem:s14+$0x70]  }
0x4b9: {  	v37 =	vmul.f32 v38, v52;
	v34 =	vpop (erf);
	v61 =	vld [tilespmem:s6+$0x70]  }
0x4ba: {  	(xrf2) =	vadd.scan.msk.f32 $0xffff, v42;
	v60 =	vmul.f32 v44, v43;
	v39 =	vmul.f32 v34, v39  }
0x4bb: {  	(xrf2) =	vadd.scan.msk.f32 $0xffff, v37  }
0x4bc: {  	v63 =	vmul.f32 v46, v45;
	(xrf2) =	vadd.scan.msk.f32 $0xffff, v60;
	[tilespmem:s18+$0xFFFFFFA0] =	vst v39  }
0x4bd: {  	v41 =	vmul.f32 v47, v58;
	v62 =	vld [tilespmem:s17+$0xFFFFFF40]  }
0x4be: {  	(xrf2) =	vadd.scan.msk.f32 $0xffff, v63;
	v44 =	vld [tilespmem:s30+$0xFFFFFFC0];
	v38 =	vmul.f32 v61, v59  }
0x4bf: {  	(xrf2) =	vadd.scan.msk.f32 $0xffff, v41  }
0x4c0: {  	(xrf2) =	vadd.scan.msk.f32 $0xffff, v38;
	_ =	sdelay $0x2  }
0x4c1: {  	v37 =	vmul.f32 v44, v62  }
0x4c2: {  	v45, _, _ =	vpop (xrf2)  }
0x4c3: {  	v46, _, _ =	vpop (xrf2);
	v38 =	vmul.f32 $1.442695020e+00, v45;
	(xrf2) =	vadd.scan.msk.f32 $0xffff, v37  }
0x4c4: {  	v47, _, _ =	vpop (xrf2)  }
0x4c5: {  	v38 =	vbroadcast v38, $0xF;
	v39 =	vmul.f32 $1.442695020e+00, v47  }
0x4c6: {  	v37 =	vmul.f32 $1.442695020e+00, v46;
	v48, _, _ =	vpop (xrf2)  }
0x4c7: {  	(erf) = vpow2.f32 v38;
	v50, _, _ =	vpop (xrf2);
	v39 =	vbroadcast v39, $0xF  }
0x4c8: {  	v37 =	vbroadcast v37, $0xF;
	v49 =	vmul.f32 $1.442695020e+00, v48;
	v51, _, _ =	vpop (xrf2)  }
0x4c9: {  	(erf) = vpow2.f32 v39;
	v39 =	vmul.f32 $1.442695020e+00, v51  }
0x4ca: {  	v52 =	vmul.f32 $1.442695020e+00, v50;
	v38 =	vbroadcast v49, $0xF  }
0x4cb: {  	(erf) = vpow2.f32 v37;
	v53 =	vbroadcast v39, $0xF  }
0x4cc: {  	v37 =	vbroadcast v52, $0xF;
	(erf) = vpow2.f32 v38  }
0x4cd: {  	v55 =	vld [tilespmem:s14+$0xFFFFFFE0];
	v54, _, _ =	vpop (xrf2);
	(erf) = vpow2.f32 v53  }
0x4ce: {  	v39 =	vmul.f32 $1.442695020e+00, v54;
	(erf) = vpow2.f32 v37  }
0x4cf: {  	v56 =	vld [tilespmem:s3+$0xD0]  }
0x4d0: {  	v57 =	vbroadcast v39, $0xF  }
0x4d1: {  	v58 =	vld [tilespmem:s3+$0xFFFFFFD0];
	v41 =	vpop (erf)  }
0x4d2: {  	v59 =	vmul.f32 v41, v55;
	(erf) = vpow2.f32 v57  }
0x4d3: {  	v61 =	vld [tilespmem:s17+$0xC0];
	v38 =	vpop (erf)  }
0x4d4: {  	v62 =	vld [tilespmem:s17+$0xFFFFFFC0];
	[tilespmem:s8+$0xFFFFFFD0] =	vst v59;
	v60 =	vmul.f32 v38, v56;
	v43 =	vpop (erf)  }
0x4d5: {  	v63 =	vld [tilespmem:s14+$0xFFFFFF70];
	v39 =	vpop (erf)  }
0x4d6: {  	v49 =	vld [tilespmem:s6+$0xFFFFFFF0];
	[tilespmem:s7+$0x50] =	vst v60;
	v37 =	vmul.f32 v39, v58;
	v42 =	vpop (erf)  }
0x4d7: {  	v56 =	vld [tilespmem:s3+$0x60];
	v40 =	vpop (erf)  }
0x4d8: {  	v48 =	vld [tilespmem:s21+$0x60];
	[tilespmem:s7+$0xFFFFFFC0] =	vst v37;
	v44 =	vmul.f32 v40, v61  }
0x4d9: {  	v50 =	vld [tilespmem:s3+$0xFFFFFF60]  }
0x4da: {  	v51 =	vld [tilespmem:s21+$0xFFFFFFE0];
	[tilespmem:s18+$0x40] =	vst v44  }
0x4db: {  	v37 =	vpop (erf);
	v58 =	vld [tilespmem:s17+$0x50]  }
0x4dc: {  	v57 =	vmul.f32 v37, v62;
	v52 =	vld [tilespmem:s30+$0x50];
	_ =	sdelay $0x1  }
0x4dd: {  	v59 =	vmul.f32 v48, v56;
	[tilespmem:s18+$0xFFFFFFB0] =	vst v57  }
0x4de: {  	v62 =	vmul.f32 v51, v50;
	v60 =	vld [tilespmem:s17+$0xFFFFFF50]  }
0x4df: {  	v46 =	vmul.f32 v49, v63;
	(xrf2) =	vadd.scan.msk.f32 $0xffff, v59;
	v61 =	vld [tilespmem:s30+$0xFFFFFFD0]  }
0x4e0: {  	(xrf2) =	vadd.scan.msk.f32 $0xffff, v62;
	v63 =	vmul.f32 v52, v58  }
0x4e1: {  	(xrf2) =	vadd.scan.msk.f32 $0xffff, v46  }
0x4e2: {  	(xrf2) =	vadd.scan.msk.f32 $0xffff, v63;
	_ =	sdelay $0x1  }
0x4e3: {  	v49 =	vmul.f32 v61, v60;
	_ =	sdelay $0x1  }
0x4e4: {  	(xrf2) =	vadd.scan.msk.f32 $0xffff, v49;
	_ =	sdelay $0x2  }
0x4e5: {  	v50, _, _ =	vpop (xrf2)  }
0x4e6: {  	v51, _, _ =	vpop (xrf2)  }
0x4e7: {  	v44 =	vmul.f32 $1.442695020e+00, v50;
	v46, _, _ =	vpop (xrf2)  }
0x4e8: {  	v45 =	vmul.f32 $1.442695020e+00, v51;
	v52, _, _ =	vpop (xrf2)  }
0x4e9: {  	v44 =	vbroadcast v44, $0xF;
	v53 =	vmul.f32 $1.442695020e+00, v52  }
0x4ea: {  	v45 =	vbroadcast v45, $0xF  }
0x4eb: {  	(erf) = vpow2.f32 v44;
	v44 =	vbroadcast v53, $0xF  }
0x4ec: {  	v46 =	vmul.f32 $1.442695020e+00, v46;
	(erf) = vpow2.f32 v45;
	v54, _, _ =	vpop (xrf2)  }
0x4ed: {  	v47 =	vmul.f32 $1.442695020e+00, v54;
	(erf) = vpow2.f32 v44  }
0x4ee: {  	v55 =	vbroadcast v46, $0xF  }
0x4ef: {  	v56 =	vbroadcast v47, $0xF  }
0x4f0: {  	v57 =	vld [tilespmem:s3+$0xE0];
	(erf) = vpow2.f32 v55  }
0x4f1: {  	(erf) = vpow2.f32 v56  }
0x4f2: {  	v58 =	vld [tilespmem:s17+$0xD0];
	_ =	sdelay $0x1  }
0x4f3: {  	v48 =	vpop (erf)  }
0x4f4: {  	v44 =	vmul.f32 v48, v57;
	v46 =	vpop (erf)  }
0x4f5: {  	v59 =	vld [tilespmem:s17+$0xFFFFFFD0];
	v45 =	vpop (erf)  }
0x4f6: {  	[tilespmem:s7+$0x60] =	vst v44;
	v47 =	vmul.f32 v45, v58  }
0x4f7: {  	v60 =	vld [tilespmem:s3+$0x70]  }
0x4f8: {  	v61 =	vld [tilespmem:s21+$0x70];
	v50 =	vpop (erf);
	[tilespmem:s18+$0x50] =	vst v47  }
0x4f9: {  	v44 =	vpop (erf);
	v63 =	vld [tilespmem:s17+$0x60]  }
0x4fa: {  	v62 =	vmul.f32 v44, v59;
	v53 =	vld [tilespmem:s30+$0x60];
	_ =	sdelay $0x1  }
0x4fb: {  	[tilespmem:s18+$0xFFFFFFC0] =	vst v62  }
0x4fc: {  	v47 =	vld [tilespmem:s17+$0xFFFFFF60]  }
0x4fd: {  	v51 =	vmul.f32 v61, v60;
	v54 =	vld [tilespmem:s30+$0xFFFFFFE0]  }
0x4fe: {  	v49 =	vmul.f32 v53, v63  }
0x4ff: {  	(xrf2) =	vadd.scan.msk.f32 $0xffff, v51  }
0x500: {  	(xrf2) =	vadd.scan.msk.f32 $0xffff, v49;
	_ =	sdelay $0x1  }
0x501: {  	v47 =	vmul.f32 v54, v47;
	_ =	sdelay $0x1  }
0x502: {  	(xrf2) =	vadd.scan.msk.f32 $0xffff, v47;
	_ =	sdelay $0x4  }
0x503: {  	v54, _, _ =	vpop (xrf2)  }
0x504: {  	v47 =	vmul.f32 $1.442695020e+00, v54;
	v49, _, _ =	vpop (xrf2)  }
0x505: {  	v49 =	vmul.f32 $1.442695020e+00, v49  }
0x506: {  	v47 =	vbroadcast v47, $0xF  }
0x507: {  	v49 =	vbroadcast v49, $0xF  }
0x508: {  	(erf) = vpow2.f32 v47;
	v55, _, _ =	vpop (xrf2)  }
0x509: {  	v57 =	vld [tilespmem:s3+$0xFFFFFFE0];
	v51 =	vmul.f32 $1.442695020e+00, v55;
	(erf) = vpow2.f32 v49;
	_ =	sdelay $0x1  }
0x50a: {  	v56 =	vbroadcast v51, $0xF;
	_ =	sdelay $0x1  }
0x50b: {  	(erf) = vpow2.f32 v56  }
0x50c: {  	v58 =	vld [tilespmem:s17+$0xE0];
	v49 =	vmul.f32 v46, v57;
	_ =	sdelay $0x2  }
0x50d: {  	v59 =	vld [tilespmem:s17+$0xFFFFFFE0];
	v52 =	vpop (erf);
	[tilespmem:s7+$0xFFFFFFD0] =	vst v49  }
0x50e: {  	v60 =	vld [tilespmem:s3+$0xFFFFFF70];
	v49 =	vpop (erf)  }
0x50f: {  	v61 =	vld [tilespmem:s21+$0xFFFFFFF0];
	v47 =	vmul.f32 v49, v58;
	_ =	sdelay $0x1  }
0x510: {  	[tilespmem:s18+$0x60] =	vst v47  }
0x511: {  	v55 =	vpop (erf);
	v63 =	vld [tilespmem:s17+$0x70]  }
0x512: {  	v62 =	vmul.f32 v55, v59;
	v56 =	vld [tilespmem:s30+$0x70]  }
0x513: {  	v53 =	vmul.f32 v61, v60  }
0x514: {  	[tilespmem:s18+$0xFFFFFFD0] =	vst v62  }
0x515: {  	(xrf2) =	vadd.scan.msk.f32 $0xffff, v53;
	v47 =	vld [tilespmem:s17+$0xFFFFFF70]  }
0x516: {  	v58 =	vld [tilespmem:s30+$0xFFFFFFF0]  }
0x517: {  	v51 =	vmul.f32 v56, v63;
	_ =	sdelay $0x1  }
0x518: {  	(xrf2) =	vadd.scan.msk.f32 $0xffff, v51;
	_ =	sdelay $0x1  }
0x519: {  	v59 =	vld [tilespmem:s10+$0xF0];
	v47 =	vmul.f32 v58, v47;
	_ =	sdelay $0x1  }
0x51a: {  	(xrf2) =	vadd.scan.msk.f32 $0xffff, v47  }
0x51b: {  	v61 =	vld [tilespmem:s12+$0xF0]  }
0x51c: {  	v2 =	vsel vm7, v2, v14;
	v1 =	vmul.f32 v14, v1;
	v62, _, _ =	vpop (xrf2)  }
0x51d: {  	[tilespmem:s9+$0xFFFFFFF0] =	vst v2;
	v5 =	vsel vm2, v5, v15;
	v2 =	vmul.f32 v17, v59;
	v15 =	vmul.f32 $1.442695020e+00, v62  }
0x51e: {  	v10 =	vsel vm5, v10, v13;
	[tilespmem:s9+$0xFFFFFFE0] =	vst v1;
	v1 =	vsel vm4, v3, v18  }
0x51f: {  	v3 =	vsel vm1, v8, v20;
	[tilespmem:s11+$0x70] =	vst v2;
	v2 =	vsel vm7, v12, v29;
	v20 =	vbroadcast v15, $0xF  }
0x520: {  	v4 =	vsel vm5, v4, v16;
	v60 =	vld [tilespmem:s10+$0xFFFFFFF0];
	v63 =	vsel vm4, v9, v21;
	[tilespmem:s11+$0xFFFFFFF0] =	vst v2;
	v2 =	vmul.f32 v35, v61;
	v21, _, _ =	vpop (xrf2)  }
0x521: {  	v10 =	vsel vm6, v10, v27;
	(erf) = vpow2.f32 v20;
	v27 =	vmul.f32 $1.442695020e+00, v21  }
0x522: {  	v7 =	vsel vm1, v7, v19;
	v4 =	vsel vm6, v4, v25;
	v18 =	vld [tilespmem:s12+$0xFFFFFFF0]  }
0x523: {  	v6 =	vsel vm7, v6, v17;
	v53 =	vld [tilespmem:s14+$0xFFFFFFF0];
	[tilespmem:s13+$0x70] =	vst v2;
	v2 =	vsel vm7, v4, v43;
	v51 =	vbroadcast v27, $0xF  }
0x524: {  	v19 =	vsel vm3, v11, v22;
	v5 =	vsel vm3, v5, v26;
	v1 =	vsel vm5, v1, v28;
	[tilespmem:s13+$0xFFFFFFF0] =	vst v2;
	v2 =	vld [tilespmem:s3+$0xF0];
	v47, _, _ =	vpop (xrf2)  }
0x525: {  	v10 =	vsel vm7, v10, v35;
	v11 =	vmul.f32 $1.442695020e+00, v47;
	(erf) = vpow2.f32 v51  }
0x526: {  	v7 =	vsel vm2, v7, v23;
	v3 =	vsel vm2, v3, v24;
	v1 =	vsel vm6, v1, v36;
	[tilespmem:s13+$0x80] =	vst v10  }
0x527: {  	v1 =	vsel vm7, v1, v42;
	[tilespmem:s11+$0x80] =	vst v6;
	v22 =	vmul.f32 v29, v60;
	v29 =	vld [tilespmem:s14+$0xF0];
	v54 =	vbroadcast v11, $0xF  }
0x528: {  	v5 =	vsel vm4, v5, v30;
	v7 =	vsel vm3, v7, v33;
	v59 =	vmul.f32 v50, v53;
	[tilespmem:s8+$0x80] =	vst v1;
	v1 =	vld [tilespmem:s3+$0xFFFFFFF0]  }
0x529: {  	v5 =	vsel vm5, v5, v39;
	[tilespmem:s11+$0xFFFFFFE0] =	vst v22;
	v2 =	vmul.f32 v52, v2;
	(erf) = vpow2.f32 v54  }
0x52a: {  	v5 =	vsel vm6, v5, v46;
	v60 =	vld [tilespmem:s17+$0xF0];
	v9 =	vmul.f32 v43, v18;
	v8 =	vsel vm5, v63, v32;
	[tilespmem:s8+$0xFFFFFFE0] =	vst v59;
	v61 =	vpop (erf)  }
0x52b: {  	v3 =	vsel vm3, v3, v34;
	v58 =	vsel vm6, v8, v41;
	[tilespmem:s7+$0x70] =	vst v2;
	v2 =	vsel vm7, v5, v61  }
0x52c: {  	v7 =	vsel vm4, v7, v40;
	v57 =	vsel vm4, v19, v31;
	[tilespmem:s13+$0xFFFFFFE0] =	vst v9;
	v6 =	vsel vm7, v58, v50  }
0x52d: {  	v7 =	vsel vm5, v7, v45;
	v4 =	vsel vm5, v57, v38;
	[tilespmem:s8+$0xFFFFFFF0] =	vst v6;
	v1 =	vmul.f32 v61, v1  }
0x52e: {  	v63 =	vsel vm6, v7, v49;
	v62 =	vld [tilespmem:s17+$0xFFFFFFF0];
	v4 =	vsel vm6, v4, v48;
	v56 =	vmul.f32 v42, v29;
	[tilespmem:s7+$0xFFFFFFF0] =	vst v2;
	v2 =	vpop (erf)  }
0x52f: {  	v4 =	vsel vm7, v4, v52;
	[tilespmem:s7+$0xFFFFFFE0] =	vst v1;
	v1 =	vmul.f32 v2, v60;
	v2 =	vsel vm7, v63, v2  }
0x530: {  	v3 =	vsel vm4, v3, v37;
	[tilespmem:s7+$0x80] =	vst v4  }
0x531: {  	v3 =	vsel vm5, v3, v44;
	[tilespmem:s8+$0x70] =	vst v56  }
0x532: {  	v3 =	vsel vm6, v3, v55;
	[tilespmem:s18+$0x80] =	vst v2;
	v2 =	vpop (erf)  }
0x533: {  	s0 =	sadd.s32 $0x1, s0;
	[tilespmem:s18+$0x70] =	vst v1;
	v1 =	vsel vm7, v3, v2;
	v2 =	vmul.f32 v2, v62  }
0x534: {  	p1 =	sne.s32 s0, $0x19;
	[tilespmem:s18+$0xFFFFFFF0] =	vst v1  }
.Ltmp3:
0x535: {  	[tilespmem:s18+$0xFFFFFFE0] =	vst v2;
	(pc) =	sbr.rel @p1 .LBB2_5-.Ltmp3, $4  }
0x536: {  	[spmem:s31] =	stream.indirect.scatter.add.f32 [tilespmem:s15], [sflag:$0x5], $0x90, s4, s19, $0xb8;
	[tilespmem:$0x1FDB0] =	vst v63  }
0x537: {  	_ =	swait.ge [sflag:s16], $0x1680  }
0x538: {  	[sflag:s16] =	ssyncset.done $0x0  }
0x539: {  	[sflag:s16] =	ssyncadd.s32 $0xFFFFE980  }
0x53a: {  	s0 =	sld [smem:$0x7F7];
	_ =	sdelay $0x2  }
0x53b: {  	s0 =	sadd.s32 $0x1, s0  }
0x53c: {  	p1 =	sne.s32 s0, $0x5  }
.Ltmp4:
0x53d: {  	_ = 	snop;
	(pc) =	sbr.rel @p1 .LBB2_4-.Ltmp4, $1  }
0x53e: {  	_ =	sdelay $0x3  }
0x53f: {  	s0 =	stileid.u32;
	[bflag:$0x0] =	sbarrier.arrive $0xFFFF  }
0x540: {  	s0 =	sshll.u32 s0, $0x6;
	s9 =	rddreg [dreg:$0x7]  }
0x541: {  	s1 =	rddreg [dreg:$0x14];
	s0 =	sor.u32 $0x1C05, s0;
	s2 =	sshrl.u32 s9, $0x3  }
0x542: {  	[hbm:s1], [sflag:s0] =	dma.local [spmem:s2], $0x2BE0  }
0x543: {  	_ =	swait.ge [sflag:s16], $0x2BE0  }
0x544: {  	s3 =	sld [smem:$0x7FD];
	_ =	sdelay $0x1  }
0x545: {  	[sflag:s16] =	ssyncset.done $0x0  }
0x546: {  	s1 =	rddreg [dreg:$0x17];
	[sflag:s16] =	ssyncadd.s32 $0xFFFFD420;
	s2 =	sshrl.u32 @!p0 s3, $0x3  }
0x547: {  	[hbm:s1], [sflag:s0] =	dma.local @!p0 [spmem:s2], $0x120  }
0x548: {  	s0 =	simm.s32 @!p0 $0x5  }
0x549: {  	_ =	swait.ge @!p0 [sflag:s0], $0x120  }
0x54a: {  	s24 =	rddreg [dreg:$0x4]  }
0x54b: {  	s30 =	rddreg [dreg:$0x18];
	s1 =	sadd.s32 $0x1, s24  }
0x54c: {  	p1 =	sne.s32 s1, s30  }
.Ltmp5:
0x54d: {  	_ = 	snop;
	(pc) =	sbr.rel @p1 .LBB2_1-.Ltmp5, $3  }
0x54e: {  	_ =	sdelay $0x1  }
0x54f: {  	[sflag:s0] =	ssyncset.done @!p0 $0x0  }
0x550: {  	[sflag:s0] =	ssyncadd.s32 @!p0 $0xFFFFFEE0  }
0x551: {  	_ =	sfence.sel $0x180000  }
0x552: {  	[bflag:$0x0] =	sbarrier.arrive $0xFFFF  }
0x553: {  	_ =	strace $0x90000047  }
0x554: {  	[bflag:$0x2] =	sbarrier.arrive $0xFFFF  }
0x555: {  	s0 =	rddreg [dreg:$0x3]  }
0x556: {  	s0 =	sadd.s32 @!p0 $0x100000, s0  }
0x557: {  	[sflag:s0] =	ssyncadd.tile.s32 @!p0 $0x1;
	_ =	shalt  }
.Lfunc_end2:
_tile_overlayer_lowered:
.L_overlay_start_2:
0x558: {  	(tag) =	ssettag $0x2  }
0x559: {  	s0 =	rddreg [dreg:$0x0];
	s2 =	stileid.u32  }
0x55a: {  	s1 =	rddreg [dreg:$0x1];
	p0 =	sne.s32 s2, $0x0  }
0x55b: {  	s3 =	rddreg [dreg:$0x2];
	[bflag:$0x3] =	sbarrier.arrive $0xFFFF;
	s2 =	simm.s32 @!p0 $0x1C05  }
0x55c: {  	[timem:s3], [sflag:s2] =	dma.local @!p0 [hbm:s0], s1  }
0x55d: {  	s0 =	simm.s32 @!p0 $0x5  }
0x55e: {  	_ =	swait.ge @!p0 [sflag:s0], s1  }
0x55f: {  	s1 =	ssub.s32 @!p0 $0x0, s1;
	[sflag:s0] =	ssyncset.done @!p0 $0x0  }
0x560: {  	[sflag:s0] =	ssyncadd.s32 @!p0 s1  }
0x561: {  	[bflag:$0x3] =	sbarrier.arrive $0xFFFF  }
0x562: {  	_ =	shalt  }

</sc_bundles>
